<compile_context>
chip_gen: v7x
topology: tpu7x:2x2x1
jax: 0.10.2.dev20260603
libtpu: 0.0.44.dev20260713+nightly
codegen_flags: <defaults>
</compile_context>

<pallas_src>
import jax
import jax.numpy as jnp
from jax import lax
from jax.experimental import pallas as pl
from jax.experimental.pallas import tpu as pltpu
from jax.experimental.pallas import tpu_sc as plsc

N = 10000
E = 320000
Q = 128
DT = 0.1

NC = 2
NS = 16
L = 16

CH = Q // NC
EPT = E // NS
K = 80
NCHUNK = EPT // K
SUP = 5
NSUP = NCHUNK // SUP
NPAIR = NCHUNK // 2
ROWS = N // NS
RB = 25
NRB = ROWS // RB
IB = 25
NIB = ROWS // IB


def _body(f_hbm, coll_hbm, srcterm_hbm, eidx_hbm, w_hbm, xi_hbm, out_hbm,
          ebuf, wbuf, rs0, rs1, rd0, rd1, cb0, cb1,
          deg_blk, deg_blk2,
          blk_f, blk_a, blk_c, xi_v,
          f_sh, acc_sh, deg_out_sh, deg_in_sh,
          sem_g0, sem_g1, sem_s0, sem_s1):
    c = lax.axis_index("c")
    t = lax.axis_index("s")
    zeros16 = jnp.zeros((L,), jnp.float32)
    ones16 = jnp.ones((L,), jnp.float32)
    lane = lax.iota(jnp.int32, L)

    rs = (rs0, rs1)
    rd = (rd0, rd1)
    cb = (cb0, cb1)
    sem_g = (sem_g0, sem_g1)
    sem_s = (sem_s0, sem_s1)

    pltpu.sync_copy(xi_hbm.at[pl.ds(c * CH, CH)], xi_v)

    def _fill_ones(i, _):
        cb0[i, :] = ones16
        return 0
    lax.fori_loop(0, K, _fill_ones, 0)

    def _zero_degblk(i, _):
        deg_blk[i, :] = zeros16
        return 0
    lax.fori_loop(0, IB, _zero_degblk, 0)

    def _zero_deg(kb, _):
        r0 = t * ROWS + kb * IB
        pltpu.sync_copy(deg_blk, deg_out_sh.at[pl.ds(r0, IB)])
        pltpu.sync_copy(deg_blk, deg_in_sh.at[pl.ds(r0, IB)])
        return 0
    lax.fori_loop(0, NIB, _zero_deg, 0)

    def _zero_blk(i, _):
        for v in range(4):
            blk_a[i, pl.ds(v * L, L)] = zeros16
        return 0
    lax.fori_loop(0, RB, _zero_blk, 0)

    plsc.subcore_barrier()

    def _load_sup(s):
        pltpu.sync_copy(eidx_hbm.at[:, pl.ds((t * NSUP + s) * SUP, SUP), :],
                        ebuf)

    def _deg_issue():
        for jj in range(SUP):
            pltpu.async_copy(cb0, deg_out_sh.at[ebuf.at[0, jj]], sem_s0,
                             add=True)
            pltpu.async_copy(cb0, deg_in_sh.at[ebuf.at[1, jj]], sem_s0,
                             add=True)

    def _deg_wait():
        for jj in range(SUP):
            pltpu.make_async_copy(cb0, deg_out_sh.at[ebuf.at[0, jj]],
                                  sem_s0).wait()
            pltpu.make_async_copy(cb0, deg_in_sh.at[ebuf.at[1, jj]],
                                  sem_s0).wait()

    def _deg_sup(m):
        @pl.when(m > 0)
        def _():
            _deg_wait()
        _load_sup(m)
        _deg_issue()

    def _merged(kb, _):
        _deg_sup(2 * kb)
        r0 = t * ROWS + kb * RB
        pltpu.sync_copy(f_hbm.at[pl.ds(r0, RB), pl.ds(c * CH, CH)], blk_f)

        def _clip_row(i, _):
            for v in range(4):
                sl = pl.ds(v * L, L)
                blk_f[i, sl] = jnp.maximum(blk_f[i, sl], 0.0)
            return 0
        lax.fori_loop(0, RB, _clip_row, 0)
        pltpu.sync_copy(blk_f, f_sh.at[pl.ds(r0, RB)])
        _deg_sup(2 * kb + 1)
        pltpu.sync_copy(blk_a, acc_sh.at[pl.ds(r0, RB)])
        return 0
    lax.fori_loop(0, NRB, _merged, 0)
    _deg_wait()
    plsc.subcore_barrier()

    def _inv_blk(kb, _):
        r0 = t * ROWS + kb * IB
        pltpu.sync_copy(deg_in_sh.at[pl.ds(r0, IB)], deg_blk)
        pltpu.sync_copy(deg_out_sh.at[pl.ds(r0, IB)], deg_blk2)

        def _inv_row(i, _):
            inr = 1.0 / jnp.maximum(deg_blk[i, :], 1.0)
            outr = -1.0 / jnp.maximum(deg_blk2[i, :], 1.0)
            deg_blk[i, :] = jnp.where(lane < 8, inr, outr)
            return 0
        lax.fori_loop(0, IB, _inv_row, 0)
        pltpu.sync_copy(deg_blk, deg_in_sh.at[pl.ds(r0, IB)])
        return 0
    lax.fori_loop(0, NIB, _inv_blk, 0)
    plsc.subcore_barrier()

    def _jjof(j):
        return j - (j // SUP) * SUP

    def _issue_g(p, jj):
        pltpu.async_copy(f_sh.at[ebuf.at[0, jj]], rs[p], sem_g[p])
        pltpu.async_copy(f_sh.at[ebuf.at[1, jj]], rd[p], sem_g[p])
        pltpu.async_copy(deg_in_sh.at[ebuf.at[0, jj]], cb[p], sem_g[p])

    def _wait_g(p, jj):
        pltpu.make_async_copy(f_sh.at[ebuf.at[0, jj]], rs[p], sem_g[p]).wait()
        pltpu.make_async_copy(f_sh.at[ebuf.at[1, jj]], rd[p], sem_g[p]).wait()
        pltpu.make_async_copy(deg_in_sh.at[ebuf.at[0, jj]], cb[p],
                              sem_g[p]).wait()

    def _issue_s(p, jj):
        pltpu.async_copy(rs[p], acc_sh.at[ebuf.at[0, jj]], sem_s[p], add=True)
        pltpu.async_copy(rd[p], acc_sh.at[ebuf.at[1, jj]], sem_s[p], add=True)

    def _wait_s(p, jj):
        pltpu.make_async_copy(rs[p], acc_sh.at[ebuf.at[0, jj]],
                              sem_s[p]).wait()
        pltpu.make_async_copy(rd[p], acc_sh.at[ebuf.at[1, jj]],
                              sem_s[p]).wait()

    def _load_sup_w(s):
        base = (t * NSUP + s) * SUP
        pltpu.sync_copy(eidx_hbm.at[:, pl.ds(base, SUP), :], ebuf)
        pltpu.sync_copy(w_hbm.at[pl.ds(base, SUP), :], wbuf)

    def _compute(p, jj):
        rsp, rdp, cbp = rs[p], rd[p], cb[p]

        def _edge_grp(g, _):
            w16 = wbuf[jj, pl.ds(g * L, L)]
            gi = g * L + lane
            b16 = w16 * plsc.load_gather(cbp, [gi, jnp.zeros((L,), jnp.int32)])
            na16 = w16 * plsc.load_gather(
                cbp, [gi, jnp.full((L,), 8, jnp.int32)])
            for j2 in range(L):
                e = g * L + j2
                bb = jnp.full((L,), b16[j2], jnp.float32)
                nab = jnp.full((L,), na16[j2], jnp.float32)
                for v in range(4):
                    sl = pl.ds(v * L, L)
                    dvec = rdp[e, sl] - rsp[e, sl]
                    rsp[e, sl] = bb * dvec
                    rdp[e, sl] = nab * dvec
            return 0
        lax.fori_loop(0, K // L, _edge_grp, 0)

    def _slot(j, p, guard):
        jj = _jjof(j)
        jjp = _jjof(j - 1)
        if guard is None:
            _wait_s(1 - p, jjp)
        else:
            @pl.when(guard)
            def _():
                _wait_s(1 - p, jjp)

        @pl.when(jj == 0)
        def _():
            _load_sup_w(j // SUP)
            _issue_g(p, 0)

        @pl.when(jnp.logical_and(jj < SUP - 1, j + 1 < NCHUNK))
        def _():
            _issue_g(1 - p, jj + 1)
        _wait_g(p, jj)
        _compute(p, jj)
        _issue_s(p, jj)

    def _pair(m, _):
        _slot(2 * m, 0, m > 0)
        _slot(2 * m + 1, 1, None)
        return 0
    lax.fori_loop(0, NPAIR, _pair, 0)
    _wait_s(1, _jjof(NCHUNK - 1))
    plsc.subcore_barrier()

    blk_s = rs0.at[pl.ds(0, RB), :]

    def _final(kb, _):
        r0 = t * ROWS + kb * RB
        ca = pltpu.async_copy(acc_sh.at[pl.ds(r0, RB)], blk_a, sem_g0)
        cf = pltpu.async_copy(f_sh.at[pl.ds(r0, RB)], blk_f, sem_g1)
        cc = pltpu.async_copy(
            coll_hbm.at[pl.ds(r0, RB), pl.ds(c * CH, CH)], blk_c, sem_s0)
        cs = pltpu.async_copy(
            srcterm_hbm.at[pl.ds(r0, RB), pl.ds(c * CH, CH)], blk_s, sem_s1)
        ca.wait()
        cf.wait()
        cc.wait()
        cs.wait()

        def _row1(i, _):
            for v in range(4):
                sl = pl.ds(v * L, L)
                blk_a[i, sl] = jnp.maximum(
                    blk_f[i, sl] - DT * (xi_v[sl] * blk_a[i, sl])
                    + DT * blk_c[i, sl] + DT * blk_s[i, sl], 0.0)
            return 0
        lax.fori_loop(0, RB, _row1, 0)
        pltpu.sync_copy(blk_a, out_hbm.at[pl.ds(r0, RB), pl.ds(c * CH, CH)])
        return 0
    lax.fori_loop(0, NRB, _final, 0)


@jax.jit
def kernel(f_distribution, collision_term, source_term, edge_index,
           edge_weight, xi_velocities):
    mesh = plsc.VectorSubcoreMesh(core_axis_name="c", subcore_axis_name="s",
                                  num_cores=NC, num_subcores=NS)
    eidx_r = edge_index.reshape(2, E // K, K)
    w_r = edge_weight.reshape(E // K, K)
    run = pl.kernel(
        _body,
        out_type=jax.ShapeDtypeStruct((N, Q), jnp.float32),
        mesh=mesh,
        compiler_params=pltpu.CompilerParams(use_tc_tiling_on_sc=False,
                                             needs_layout_passes=False),
        scratch_types=[
            pltpu.VMEM((2, SUP, K), jnp.int32),
            pltpu.VMEM((SUP, K), jnp.float32),
            pltpu.VMEM((K, CH), jnp.float32),
            pltpu.VMEM((K, CH), jnp.float32),
            pltpu.VMEM((K, CH), jnp.float32),
            pltpu.VMEM((K, CH), jnp.float32),
            pltpu.VMEM((K, L), jnp.float32),
            pltpu.VMEM((K, L), jnp.float32),
            pltpu.VMEM((IB, L), jnp.float32),
            pltpu.VMEM((IB, L), jnp.float32),
            pltpu.VMEM((RB, CH), jnp.float32),
            pltpu.VMEM((RB, CH), jnp.float32),
            pltpu.VMEM((RB, CH), jnp.float32),
            pltpu.VMEM((CH,), jnp.float32),
            pltpu.VMEM_SHARED((N, CH), jnp.float32),
            pltpu.VMEM_SHARED((N, CH), jnp.float32),
            pltpu.VMEM_SHARED((N, L), jnp.float32),
            pltpu.VMEM_SHARED((N, L), jnp.float32),
            pltpu.SemaphoreType.DMA,
            pltpu.SemaphoreType.DMA,
            pltpu.SemaphoreType.DMA,
            pltpu.SemaphoreType.DMA,
        ],
    )
    return run(f_distribution, collision_term, source_term, eidx_r,
               w_r, xi_velocities)

# --- scband reference (transcript-rebuilt; emitter-appended) ---
"""Pipeline reference for scband-boltzmann-updater-61005715472412 (READ-ONLY COPY).

The authoritative reference and input builder live on the scoring server;
editing this copy changes nothing except your own understanding.
"""

import jax, jax.numpy as jnp
import numpy as np

N = 10000
E = 320000
Q = 128
DT = 0.1


def setup_inputs(seed: int = 0) -> dict:
    key = jax.random.key(seed)
    k1, k2, k3, k4, k5 = jax.random.split(key, 5)
    f_distribution = jax.random.uniform(k1, (N, Q), dtype=jnp.float32)
    collision_term = jax.random.normal(k2, (N, Q), dtype=jnp.float32)
    source_term = jax.random.normal(k3, (N, Q), dtype=jnp.float32)
    edge_index = jax.random.randint(k4, (2, E), 0, N, dtype=jnp.int32)
    edge_weight = jax.random.uniform(k5, (E,), dtype=jnp.float32)
    # registered buffer: xi_velocities = (arange(128) - 63.5) * 0.05
    xi_velocities = ((jnp.arange(Q, dtype=jnp.float32) - 63.5) * 0.05).astype(jnp.float32)
    return {
        "f_distribution": f_distribution,
        "collision_term": collision_term,
        "source_term": source_term,
        "edge_index": edge_index,
        "edge_weight": edge_weight,
        "xi_velocities": xi_velocities,
    }


def reference(f_distribution, collision_term, source_term, edge_index, edge_weight, xi_velocities):
    src = edge_index[0]
    dst = edge_index[1]
    n = f_distribution.shape[0]
    f = jnp.clip(f_distribution, 0.0, None)
    # node degrees from graph structure (clamped to >=1 to avoid div-by-zero on isolated nodes)
    out_deg = jnp.maximum(jnp.bincount(src, length=n), 1).astype(f.dtype)
    in_deg = jnp.maximum(jnp.bincount(dst, length=n), 1).astype(f.dtype)
    f_diff = f[dst] - f[src]  # [E, Q]
    w = edge_weight[:, None]
    xi = xi_velocities[None, :]
    # inflow: message over original edges, q_ij = 1/out_degree(src), aggregated at dst
    msg_in = (1.0 / out_deg[src])[:, None] * xi * f_diff * w
    inflow = jax.ops.segment_sum(msg_in, dst, num_segments=n)
    # outflow: message over reversed edges, q_ij = 1/in_degree(original src), aggregated at original src
    msg_out = (1.0 / in_deg[src])[:, None] * xi * f_diff * w
    outflow = jax.ops.segment_sum(msg_out, src, num_segments=n)
    transport_term = outflow - inflow
    f_new = f - DT * (transport_term - collision_term - source_term)
    return jnp.clip(f_new, 0.0, None)

if __name__ == "__main__":
    import jax
    _d = setup_inputs()
    print(jax.jit(kernel)(*tuple(_d.values())))

</pallas_src>

<mosaic_0001>
#map = affine_map<(d0, d1) -> (0, 0)>
#map1 = affine_map<(d0, d1) -> (0, 0, 0)>
#map2 = affine_map<(d0, d1) -> (0)>
module attributes {stable_mosaic.version = 14 : i64} {
  func.func @_body(%arg0: i32, %arg1: i32, %arg2: memref<10000x128xf32, #tpu.memory_space<hbm>>, %arg3: memref<10000x128xf32, #tpu.memory_space<hbm>>, %arg4: memref<10000x128xf32, #tpu.memory_space<hbm>>, %arg5: memref<2x4000x80xi32, #tpu.memory_space<hbm>>, %arg6: memref<4000x80xf32, #tpu.memory_space<hbm>>, %arg7: memref<128xf32, #tpu.memory_space<hbm>>, %arg8: memref<10000x128xf32, #tpu.memory_space<hbm>>, %arg9: memref<2x5x80xi32, #tpu.memory_space<vmem>>, %arg10: memref<5x80xf32, #tpu.memory_space<vmem>>, %arg11: memref<80x64xf32, #tpu.memory_space<vmem>>, %arg12: memref<80x64xf32, #tpu.memory_space<vmem>>, %arg13: memref<80x64xf32, #tpu.memory_space<vmem>>, %arg14: memref<80x64xf32, #tpu.memory_space<vmem>>, %arg15: memref<80x16xf32, #tpu.memory_space<vmem>>, %arg16: memref<80x16xf32, #tpu.memory_space<vmem>>, %arg17: memref<25x16xf32, #tpu.memory_space<vmem>>, %arg18: memref<25x16xf32, #tpu.memory_space<vmem>>, %arg19: memref<25x64xf32, #tpu.memory_space<vmem>>, %arg20: memref<25x64xf32, #tpu.memory_space<vmem>>, %arg21: memref<25x64xf32, #tpu.memory_space<vmem>>, %arg22: memref<64xf32, #tpu.memory_space<vmem>>, %arg23: memref<10000x64xf32, #tpu.memory_space<vmem_shared>>, %arg24: memref<10000x64xf32, #tpu.memory_space<vmem_shared>>, %arg25: memref<10000x16xf32, #tpu.memory_space<vmem_shared>>, %arg26: memref<10000x16xf32, #tpu.memory_space<vmem_shared>>, %arg27: memref<!tpu.dma_semaphore, #tpu.memory_space<semaphore_mem>>, %arg28: memref<!tpu.dma_semaphore, #tpu.memory_space<semaphore_mem>>, %arg29: memref<!tpu.dma_semaphore, #tpu.memory_space<semaphore_mem>>, %arg30: memref<!tpu.dma_semaphore, #tpu.memory_space<semaphore_mem>>) attributes {dimension_semantics = [#tpu.dimension_semantics<core_parallel>, #tpu.dimension_semantics<subcore_parallel>], iteration_bounds = array<i64: 2, 16>, scalar_prefetch = 0 : i64, scratch_operands = 22 : i64, tpu.core_type = #tpu.core_type<sc_vector_subcore>, window_params = [{transform_indices = #map}, {transform_indices = #map}, {transform_indices = #map}, {transform_indices = #map1}, {transform_indices = #map}, {transform_indices = #map2}, {transform_indices = #map}]} {
    %broadcast_in_dim3A = arith.constant 0.000000e+00 : f32
    %broadcast_in_dim3A_0 = vector.broadcast %broadcast_in_dim3A : f32 to vector<16xf32>
    %broadcast_in_dim3A_1 = arith.constant 1.000000e+00 : f32
    %broadcast_in_dim3A_2 = vector.broadcast %broadcast_in_dim3A_1 : f32 to vector<16xf32>
    %iota3A = tpu.iota {dimensions = array<i32: 0>} : vector<16xi32>
    %mul3A = arith.constant 64 : i32
    %mul3A_3 = arith.muli %arg0, %mul3A : i32
    "tpu.region"() ({
      %run_scoped3A = tpu.sem_alloc : memref<!tpu.dma_semaphore, #tpu.memory_space<semaphore_mem>>
      %dma_start3A = tpu.memref_slice %arg7[%mul3A_3] : memref<128xf32, #tpu.memory_space<hbm>> -> memref<64xf32, #tpu.memory_space<hbm>>
      %dma_start3A_157 = tpu.memref_slice %arg7[%mul3A_3] : memref<128xf32, #tpu.memory_space<hbm>> -> memref<64xf32, #tpu.memory_space<hbm>>
      tpu.enqueue_dma source(%dma_start3A_157 : memref<64xf32, #tpu.memory_space<hbm>>) target(%arg22 : memref<64xf32, #tpu.memory_space<vmem>>) target_semaphore(%run_scoped3A : memref<!tpu.dma_semaphore, #tpu.memory_space<semaphore_mem>>)
      %dma_wait3A_158 = tpu.memref_slice %arg7[%mul3A_3] : memref<128xf32, #tpu.memory_space<hbm>> -> memref<64xf32, #tpu.memory_space<hbm>>
      %dma_wait3A_159 = tpu.memref_slice %arg7[%mul3A_3] : memref<128xf32, #tpu.memory_space<hbm>> -> memref<64xf32, #tpu.memory_space<hbm>>
      tpu.wait_dma2 semaphore(%run_scoped3A : memref<!tpu.dma_semaphore, #tpu.memory_space<semaphore_mem>>) src(%dma_wait3A_159 : memref<64xf32, #tpu.memory_space<hbm>>) dst(%arg22 : memref<64xf32, #tpu.memory_space<vmem>>)
      tpu.yield
    }) : () -> ()
    %scan3A = arith.constant 0 : i32
    %scan3A_4 = arith.constant 0 : i32
    %scan3A_5 = arith.constant 80 : i32
    %scan3A_6 = arith.addi %scan3A_4, %scan3A_5 : i32
    %scan3A_7 = arith.constant 1 : i32
    %scan3A_8 = scf.for %scan3A_157 = %scan3A_4 to %scan3A_6 step %scan3A_7 iter_args(%scan3A_158 = %scan3A) -> (i32)  : i32 {
      %swap3A = arith.index_cast %scan3A_157 : i32 to index
      %swap3A_159 = arith.constant 0 : index
      %swap3A_160 = tpu.vector_load %arg15[%swap3A, %swap3A_159] {strides = array<i32>} : memref<80x16xf32, #tpu.memory_space<vmem>>, vector<16xf32>,
      tpu.vector_store %arg15[%swap3A, %swap3A_159], %broadcast_in_dim3A_2 {strides = array<i32>} : memref<80x16xf32, #tpu.memory_space<vmem>>, vector<16xf32>,
      %scan3A_161 = arith.constant 0 : i32
      scf.yield %scan3A_161 : i32
    }
    %scan3A_9 = arith.constant 80 : i32
    %scan3A_10 = arith.constant 0 : i32
    %scan3A_11 = arith.constant 0 : i32
    %scan3A_12 = arith.constant 25 : i32
    %scan3A_13 = arith.addi %scan3A_11, %scan3A_12 : i32
    %scan3A_14 = arith.constant 1 : i32
    %scan3A_15 = scf.for %scan3A_157 = %scan3A_11 to %scan3A_13 step %scan3A_14 iter_args(%scan3A_158 = %scan3A_10) -> (i32)  : i32 {
      %swap3A = arith.index_cast %scan3A_157 : i32 to index
      %swap3A_159 = arith.constant 0 : index
      %swap3A_160 = tpu.vector_load %arg17[%swap3A, %swap3A_159] {strides = array<i32>} : memref<25x16xf32, #tpu.memory_space<vmem>>, vector<16xf32>,
      tpu.vector_store %arg17[%swap3A, %swap3A_159], %broadcast_in_dim3A_0 {strides = array<i32>} : memref<25x16xf32, #tpu.memory_space<vmem>>, vector<16xf32>,
      %scan3A_161 = arith.constant 0 : i32
      scf.yield %scan3A_161 : i32
    }
    %scan3A_16 = arith.constant 25 : i32
    %scan3A_17 = arith.constant 0 : i32
    %scan3A_18 = arith.constant 0 : i32
    %scan3A_19 = arith.constant 25 : i32
    %scan3A_20 = arith.addi %scan3A_18, %scan3A_19 : i32
    %scan3A_21 = arith.constant 1 : i32
    %scan3A_22 = scf.for %scan3A_157 = %scan3A_18 to %scan3A_20 step %scan3A_21 iter_args(%scan3A_158 = %scan3A_17) -> (i32)  : i32 {
      %mul3A_159 = arith.constant 625 : i32
      %mul3A_160 = arith.muli %arg1, %mul3A_159 : i32
      %mul3A_161 = arith.constant 25 : i32
      %mul3A_162 = arith.muli %scan3A_157, %mul3A_161 : i32
      %add3A = arith.addi %mul3A_160, %mul3A_162 : i32
      "tpu.region"() ({
        %run_scoped3A = tpu.sem_alloc : memref<!tpu.dma_semaphore, #tpu.memory_space<semaphore_mem>>
        %dma_start3A = arith.constant 0 : i32
        %dma_start3A_164 = tpu.memref_slice %arg25[%add3A, %dma_start3A] : memref<10000x16xf32, #tpu.memory_space<vmem_shared>> -> memref<25x16xf32, #tpu.memory_space<vmem_shared>>
        %dma_start3A_165 = arith.constant 0 : i32
        %dma_start3A_166 = tpu.memref_slice %arg25[%add3A, %dma_start3A_165] : memref<10000x16xf32, #tpu.memory_space<vmem_shared>> -> memref<25x16xf32, #tpu.memory_space<vmem_shared>>
        tpu.enqueue_dma source(%arg17 : memref<25x16xf32, #tpu.memory_space<vmem>>) target(%dma_start3A_166 : memref<25x16xf32, #tpu.memory_space<vmem_shared>>) target_semaphore(%run_scoped3A : memref<!tpu.dma_semaphore, #tpu.memory_space<semaphore_mem>>)
        %dma_wait3A_167 = arith.constant 0 : i32
        %dma_wait3A_168 = tpu.memref_slice %arg25[%add3A, %dma_wait3A_167] : memref<10000x16xf32, #tpu.memory_space<vmem_shared>> -> memref<25x16xf32, #tpu.memory_space<vmem_shared>>
        %dma_wait3A_169 = arith.constant 0 : i32
        %dma_wait3A_170 = tpu.memref_slice %arg25[%add3A, %dma_wait3A_169] : memref<10000x16xf32, #tpu.memory_space<vmem_shared>> -> memref<25x16xf32, #tpu.memory_space<vmem_shared>>
        tpu.wait_dma2 semaphore(%run_scoped3A : memref<!tpu.dma_semaphore, #tpu.memory_space<semaphore_mem>>) src(%arg17 : memref<25x16xf32, #tpu.memory_space<vmem>>) dst(%dma_wait3A_170 : memref<25x16xf32, #tpu.memory_space<vmem_shared>>)
        tpu.yield
      }) : () -> ()
      "tpu.region"() ({
        %run_scoped3A = tpu.sem_alloc : memref<!tpu.dma_semaphore, #tpu.memory_space<semaphore_mem>>
        %dma_start3A = arith.constant 0 : i32
        %dma_start3A_164 = tpu.memref_slice %arg26[%add3A, %dma_start3A] : memref<10000x16xf32, #tpu.memory_space<vmem_shared>> -> memref<25x16xf32, #tpu.memory_space<vmem_shared>>
        %dma_start3A_165 = arith.constant 0 : i32
        %dma_start3A_166 = tpu.memref_slice %arg26[%add3A, %dma_start3A_165] : memref<10000x16xf32, #tpu.memory_space<vmem_shared>> -> memref<25x16xf32, #tpu.memory_space<vmem_shared>>
        tpu.enqueue_dma source(%arg17 : memref<25x16xf32, #tpu.memory_space<vmem>>) target(%dma_start3A_166 : memref<25x16xf32, #tpu.memory_space<vmem_shared>>) target_semaphore(%run_scoped3A : memref<!tpu.dma_semaphore, #tpu.memory_space<semaphore_mem>>)
        %dma_wait3A_167 = arith.constant 0 : i32
        %dma_wait3A_168 = tpu.memref_slice %arg26[%add3A, %dma_wait3A_167] : memref<10000x16xf32, #tpu.memory_space<vmem_shared>> -> memref<25x16xf32, #tpu.memory_space<vmem_shared>>
        %dma_wait3A_169 = arith.constant 0 : i32
        %dma_wait3A_170 = tpu.memref_slice %arg26[%add3A, %dma_wait3A_169] : memref<10000x16xf32, #tpu.memory_space<vmem_shared>> -> memref<25x16xf32, #tpu.memory_space<vmem_shared>>
        tpu.wait_dma2 semaphore(%run_scoped3A : memref<!tpu.dma_semaphore, #tpu.memory_space<semaphore_mem>>) src(%arg17 : memref<25x16xf32, #tpu.memory_space<vmem>>) dst(%dma_wait3A_170 : memref<25x16xf32, #tpu.memory_space<vmem_shared>>)
        tpu.yield
      }) : () -> ()
      %scan3A_163 = arith.constant 0 : i32
      scf.yield %scan3A_163 : i32
    }
    %scan3A_23 = arith.constant 25 : i32
    %scan3A_24 = arith.constant 0 : i32
    %scan3A_25 = arith.constant 0 : i32
    %scan3A_26 = arith.constant 25 : i32
    %scan3A_27 = arith.addi %scan3A_25, %scan3A_26 : i32
    %scan3A_28 = arith.constant 1 : i32
    %scan3A_29 = scf.for %scan3A_157 = %scan3A_25 to %scan3A_27 step %scan3A_28 iter_args(%scan3A_158 = %scan3A_24) -> (i32)  : i32 {
      %swap3A = arith.index_cast %scan3A_157 : i32 to index
      %swap3A_159 = arith.constant 0 : index
      %swap3A_160 = tpu.vector_load %arg20[%swap3A, %swap3A_159] {strides = array<i32>} : memref<25x64xf32, #tpu.memory_space<vmem>>, vector<16xf32>,
      tpu.vector_store %arg20[%swap3A, %swap3A_159], %broadcast_in_dim3A_0 {strides = array<i32>} : memref<25x64xf32, #tpu.memory_space<vmem>>, vector<16xf32>,
      %swap3A_161 = arith.index_cast %scan3A_157 : i32 to index
      %swap3A_162 = arith.constant 16 : index
      %swap3A_163 = tpu.vector_load %arg20[%swap3A_161, %swap3A_162] {strides = array<i32>} : memref<25x64xf32, #tpu.memory_space<vmem>>, vector<16xf32>,
      tpu.vector_store %arg20[%swap3A_161, %swap3A_162], %broadcast_in_dim3A_0 {strides = array<i32>} : memref<25x64xf32, #tpu.memory_space<vmem>>, vector<16xf32>,
      %swap3A_164 = arith.index_cast %scan3A_157 : i32 to index
      %swap3A_165 = arith.constant 32 : index
      %swap3A_166 = tpu.vector_load %arg20[%swap3A_164, %swap3A_165] {strides = array<i32>} : memref<25x64xf32, #tpu.memory_space<vmem>>, vector<16xf32>,
      tpu.vector_store %arg20[%swap3A_164, %swap3A_165], %broadcast_in_dim3A_0 {strides = array<i32>} : memref<25x64xf32, #tpu.memory_space<vmem>>, vector<16xf32>,
      %swap3A_167 = arith.index_cast %scan3A_157 : i32 to index
      %swap3A_168 = arith.constant 48 : index
      %swap3A_169 = tpu.vector_load %arg20[%swap3A_167, %swap3A_168] {strides = array<i32>} : memref<25x64xf32, #tpu.memory_space<vmem>>, vector<16xf32>,
      tpu.vector_store %arg20[%swap3A_167, %swap3A_168], %broadcast_in_dim3A_0 {strides = array<i32>} : memref<25x64xf32, #tpu.memory_space<vmem>>, vector<16xf32>,
      %scan3A_170 = arith.constant 0 : i32
      scf.yield %scan3A_170 : i32
    }
    %scan3A_30 = arith.constant 25 : i32
    %barrier3A = arith.constant 0 : index
    tpu.barrier barrier_id(%barrier3A)
    %scan3A_31 = arith.constant 0 : i32
    %scan3A_32 = arith.constant 0 : i32
    %scan3A_33 = arith.constant 25 : i32
    %scan3A_34 = arith.addi %scan3A_32, %scan3A_33 : i32
    %scan3A_35 = arith.constant 1 : i32
    %scan3A_36 = scf.for %scan3A_157 = %scan3A_32 to %scan3A_34 step %scan3A_35 iter_args(%scan3A_158 = %scan3A_31) -> (i32)  : i32 {
      %mul3A_159 = arith.constant 2 : i32
      %mul3A_160 = arith.muli %mul3A_159, %scan3A_157 : i32
      %gt3A = arith.constant 0 : i32
      %gt3A_161 = arith.cmpi sgt, %mul3A_160, %gt3A : i32
      %convert_element_type3A = arith.extui %gt3A_161 : i1 to i32
      %cond3A = arith.constant 0 : i32
      %cond3A_162 = arith.cmpi ne, %convert_element_type3A, %cond3A : i32
      scf.if %cond3A_162 {
        %dma_wait3A_355 = arith.constant 0 : i32
        %dma_wait3A_356 = arith.constant 0 : i32
        %dma_wait3A_357 = arith.constant 0 : i32
        %dma_wait3A_358 = tpu.memref_slice %arg9[%dma_wait3A_355, %dma_wait3A_356, %dma_wait3A_357] : memref<2x5x80xi32, #tpu.memory_space<vmem>> -> memref<1x1x80xi32, #tpu.memory_space<vmem>>
        %dma_wait3A_359 = tpu.memref_squeeze %dma_wait3A_358 : memref<1x1x80xi32, #tpu.memory_space<vmem>> -> memref<80xi32, #tpu.memory_space<vmem>>
        %dma_wait3A_360 = arith.constant 0 : i32
        %dma_wait3A_361 = arith.constant 0 : i32
        %dma_wait3A_362 = tpu.memref_slice %arg25[%dma_wait3A_360, %dma_wait3A_361] : memref<10000x16xf32, #tpu.memory_space<vmem_shared>> -> memref<10000x16xf32, #tpu.memory_space<vmem_shared>>
        tpu.wait_indirect_dma semaphore(%arg29 : memref<!tpu.dma_semaphore, #tpu.memory_space<semaphore_mem>>) src(%arg15 : memref<80x16xf32, #tpu.memory_space<vmem>>) dst(%dma_wait3A_362 : memref<10000x16xf32, #tpu.memory_space<vmem_shared>>)
        %dma_wait3A_363 = arith.constant 1 : i32
        %dma_wait3A_364 = arith.constant 0 : i32
        %dma_wait3A_365 = arith.constant 0 : i32
        %dma_wait3A_366 = tpu.memref_slice %arg9[%dma_wait3A_363, %dma_wait3A_364, %dma_wait3A_365] : memref<2x5x80xi32, #tpu.memory_space<vmem>> -> memref<1x1x80xi32, #tpu.memory_space<vmem>>
        %dma_wait3A_367 = tpu.memref_squeeze %dma_wait3A_366 : memref<1x1x80xi32, #tpu.memory_space<vmem>> -> memref<80xi32, #tpu.memory_space<vmem>>
        %dma_wait3A_368 = arith.constant 0 : i32
        %dma_wait3A_369 = arith.constant 0 : i32
        %dma_wait3A_370 = tpu.memref_slice %arg26[%dma_wait3A_368, %dma_wait3A_369] : memref<10000x16xf32, #tpu.memory_space<vmem_shared>> -> memref<10000x16xf32, #tpu.memory_space<vmem_shared>>
        tpu.wait_indirect_dma semaphore(%arg29 : memref<!tpu.dma_semaphore, #tpu.memory_space<semaphore_mem>>) src(%arg15 : memref<80x16xf32, #tpu.memory_space<vmem>>) dst(%dma_wait3A_370 : memref<10000x16xf32, #tpu.memory_space<vmem_shared>>)
        %dma_wait3A_371 = arith.constant 0 : i32
        %dma_wait3A_372 = arith.constant 1 : i32
        %dma_wait3A_373 = arith.constant 0 : i32
        %dma_wait3A_374 = tpu.memref_slice %arg9[%dma_wait3A_371, %dma_wait3A_372, %dma_wait3A_373] : memref<2x5x80xi32, #tpu.memory_space<vmem>> -> memref<1x1x80xi32, #tpu.memory_space<vmem>>
        %dma_wait3A_375 = tpu.memref_squeeze %dma_wait3A_374 : memref<1x1x80xi32, #tpu.memory_space<vmem>> -> memref<80xi32, #tpu.memory_space<vmem>>
        %dma_wait3A_376 = arith.constant 0 : i32
        %dma_wait3A_377 = arith.constant 0 : i32
        %dma_wait3A_378 = tpu.memref_slice %arg25[%dma_wait3A_376, %dma_wait3A_377] : memref<10000x16xf32, #tpu.memory_space<vmem_shared>> -> memref<10000x16xf32, #tpu.memory_space<vmem_shared>>
        tpu.wait_indirect_dma semaphore(%arg29 : memref<!tpu.dma_semaphore, #tpu.memory_space<semaphore_mem>>) src(%arg15 : memref<80x16xf32, #tpu.memory_space<vmem>>) dst(%dma_wait3A_378 : memref<10000x16xf32, #tpu.memory_space<vmem_shared>>)
        %dma_wait3A_379 = arith.constant 1 : i32
        %dma_wait3A_380 = arith.constant 1 : i32
        %dma_wait3A_381 = arith.constant 0 : i32
        %dma_wait3A_382 = tpu.memref_slice %arg9[%dma_wait3A_379, %dma_wait3A_380, %dma_wait3A_381] : memref<2x5x80xi32, #tpu.memory_space<vmem>> -> memref<1x1x80xi32, #tpu.memory_space<vmem>>
        %dma_wait3A_383 = tpu.memref_squeeze %dma_wait3A_382 : memref<1x1x80xi32, #tpu.memory_space<vmem>> -> memref<80xi32, #tpu.memory_space<vmem>>
        %dma_wait3A_384 = arith.constant 0 : i32
        %dma_wait3A_385 = arith.constant 0 : i32
        %dma_wait3A_386 = tpu.memref_slice %arg26[%dma_wait3A_384, %dma_wait3A_385] : memref<10000x16xf32, #tpu.memory_space<vmem_shared>> -> memref<10000x16xf32, #tpu.memory_space<vmem_shared>>
        tpu.wait_indirect_dma semaphore(%arg29 : memref<!tpu.dma_semaphore, #tpu.memory_space<semaphore_mem>>) src(%arg15 : memref<80x16xf32, #tpu.memory_space<vmem>>) dst(%dma_wait3A_386 : memref<10000x16xf32, #tpu.memory_space<vmem_shared>>)
        %dma_wait3A_387 = arith.constant 0 : i32
        %dma_wait3A_388 = arith.constant 2 : i32
        %dma_wait3A_389 = arith.constant 0 : i32
        %dma_wait3A_390 = tpu.memref_slice %arg9[%dma_wait3A_387, %dma_wait3A_388, %dma_wait3A_389] : memref<2x5x80xi32, #tpu.memory_space<vmem>> -> memref<1x1x80xi32, #tpu.memory_space<vmem>>
        %dma_wait3A_391 = tpu.memref_squeeze %dma_wait3A_390 : memref<1x1x80xi32, #tpu.memory_space<vmem>> -> memref<80xi32, #tpu.memory_space<vmem>>
        %dma_wait3A_392 = arith.constant 0 : i32
        %dma_wait3A_393 = arith.constant 0 : i32
        %dma_wait3A_394 = tpu.memref_slice %arg25[%dma_wait3A_392, %dma_wait3A_393] : memref<10000x16xf32, #tpu.memory_space<vmem_shared>> -> memref<10000x16xf32, #tpu.memory_space<vmem_shared>>
        tpu.wait_indirect_dma semaphore(%arg29 : memref<!tpu.dma_semaphore, #tpu.memory_space<semaphore_mem>>) src(%arg15 : memref<80x16xf32, #tpu.memory_space<vmem>>) dst(%dma_wait3A_394 : memref<10000x16xf32, #tpu.memory_space<vmem_shared>>)
        %dma_wait3A_395 = arith.constant 1 : i32
        %dma_wait3A_396 = arith.constant 2 : i32
        %dma_wait3A_397 = arith.constant 0 : i32
        %dma_wait3A_398 = tpu.memref_slice %arg9[%dma_wait3A_395, %dma_wait3A_396, %dma_wait3A_397] : memref<2x5x80xi32, #tpu.memory_space<vmem>> -> memref<1x1x80xi32, #tpu.memory_space<vmem>>
        %dma_wait3A_399 = tpu.memref_squeeze %dma_wait3A_398 : memref<1x1x80xi32, #tpu.memory_space<vmem>> -> memref<80xi32, #tpu.memory_space<vmem>>
        %dma_wait3A_400 = arith.constant 0 : i32
        %dma_wait3A_401 = arith.constant 0 : i32
        %dma_wait3A_402 = tpu.memref_slice %arg26[%dma_wait3A_400, %dma_wait3A_401] : memref<10000x16xf32, #tpu.memory_space<vmem_shared>> -> memref<10000x16xf32, #tpu.memory_space<vmem_shared>>
        tpu.wait_indirect_dma semaphore(%arg29 : memref<!tpu.dma_semaphore, #tpu.memory_space<semaphore_mem>>) src(%arg15 : memref<80x16xf32, #tpu.memory_space<vmem>>) dst(%dma_wait3A_402 : memref<10000x16xf32, #tpu.memory_space<vmem_shared>>)
        %dma_wait3A_403 = arith.constant 0 : i32
        %dma_wait3A_404 = arith.constant 3 : i32
        %dma_wait3A_405 = arith.constant 0 : i32
        %dma_wait3A_406 = tpu.memref_slice %arg9[%dma_wait3A_403, %dma_wait3A_404, %dma_wait3A_405] : memref<2x5x80xi32, #tpu.memory_space<vmem>> -> memref<1x1x80xi32, #tpu.memory_space<vmem>>
        %dma_wait3A_407 = tpu.memref_squeeze %dma_wait3A_406 : memref<1x1x80xi32, #tpu.memory_space<vmem>> -> memref<80xi32, #tpu.memory_space<vmem>>
        %dma_wait3A_408 = arith.constant 0 : i32
        %dma_wait3A_409 = arith.constant 0 : i32
        %dma_wait3A_410 = tpu.memref_slice %arg25[%dma_wait3A_408, %dma_wait3A_409] : memref<10000x16xf32, #tpu.memory_space<vmem_shared>> -> memref<10000x16xf32, #tpu.memory_space<vmem_shared>>
        tpu.wait_indirect_dma semaphore(%arg29 : memref<!tpu.dma_semaphore, #tpu.memory_space<semaphore_mem>>) src(%arg15 : memref<80x16xf32, #tpu.memory_space<vmem>>) dst(%dma_wait3A_410 : memref<10000x16xf32, #tpu.memory_space<vmem_shared>>)
        %dma_wait3A_411 = arith.constant 1 : i32
        %dma_wait3A_412 = arith.constant 3 : i32
        %dma_wait3A_413 = arith.constant 0 : i32
        %dma_wait3A_414 = tpu.memref_slice %arg9[%dma_wait3A_411, %dma_wait3A_412, %dma_wait3A_413] : memref<2x5x80xi32, #tpu.memory_space<vmem>> -> memref<1x1x80xi32, #tpu.memory_space<vmem>>
        %dma_wait3A_415 = tpu.memref_squeeze %dma_wait3A_414 : memref<1x1x80xi32, #tpu.memory_space<vmem>> -> memref<80xi32, #tpu.memory_space<vmem>>
        %dma_wait3A_416 = arith.constant 0 : i32
        %dma_wait3A_417 = arith.constant 0 : i32
        %dma_wait3A_418 = tpu.memref_slice %arg26[%dma_wait3A_416, %dma_wait3A_417] : memref<10000x16xf32, #tpu.memory_space<vmem_shared>> -> memref<10000x16xf32, #tpu.memory_space<vmem_shared>>
        tpu.wait_indirect_dma semaphore(%arg29 : memref<!tpu.dma_semaphore, #tpu.memory_space<semaphore_mem>>) src(%arg15 : memref<80x16xf32, #tpu.memory_space<vmem>>) dst(%dma_wait3A_418 : memref<10000x16xf32, #tpu.memory_space<vmem_shared>>)
        %dma_wait3A_419 = arith.constant 0 : i32
        %dma_wait3A_420 = arith.constant 4 : i32
        %dma_wait3A_421 = arith.constant 0 : i32
        %dma_wait3A_422 = tpu.memref_slice %arg9[%dma_wait3A_419, %dma_wait3A_420, %dma_wait3A_421] : memref<2x5x80xi32, #tpu.memory_space<vmem>> -> memref<1x1x80xi32, #tpu.memory_space<vmem>>
        %dma_wait3A_423 = tpu.memref_squeeze %dma_wait3A_422 : memref<1x1x80xi32, #tpu.memory_space<vmem>> -> memref<80xi32, #tpu.memory_space<vmem>>
        %dma_wait3A_424 = arith.constant 0 : i32
        %dma_wait3A_425 = arith.constant 0 : i32
        %dma_wait3A_426 = tpu.memref_slice %arg25[%dma_wait3A_424, %dma_wait3A_425] : memref<10000x16xf32, #tpu.memory_space<vmem_shared>> -> memref<10000x16xf32, #tpu.memory_space<vmem_shared>>
        tpu.wait_indirect_dma semaphore(%arg29 : memref<!tpu.dma_semaphore, #tpu.memory_space<semaphore_mem>>) src(%arg15 : memref<80x16xf32, #tpu.memory_space<vmem>>) dst(%dma_wait3A_426 : memref<10000x16xf32, #tpu.memory_space<vmem_shared>>)
        %dma_wait3A_427 = arith.constant 1 : i32
        %dma_wait3A_428 = arith.constant 4 : i32
        %dma_wait3A_429 = arith.constant 0 : i32
        %dma_wait3A_430 = tpu.memref_slice %arg9[%dma_wait3A_427, %dma_wait3A_428, %dma_wait3A_429] : memref<2x5x80xi32, #tpu.memory_space<vmem>> -> memref<1x1x80xi32, #tpu.memory_space<vmem>>
        %dma_wait3A_431 = tpu.memref_squeeze %dma_wait3A_430 : memref<1x1x80xi32, #tpu.memory_space<vmem>> -> memref<80xi32, #tpu.memory_space<vmem>>
        %dma_wait3A_432 = arith.constant 0 : i32
        %dma_wait3A_433 = arith.constant 0 : i32
        %dma_wait3A_434 = tpu.memref_slice %arg26[%dma_wait3A_432, %dma_wait3A_433] : memref<10000x16xf32, #tpu.memory_space<vmem_shared>> -> memref<10000x16xf32, #tpu.memory_space<vmem_shared>>
        tpu.wait_indirect_dma semaphore(%arg29 : memref<!tpu.dma_semaphore, #tpu.memory_space<semaphore_mem>>) src(%arg15 : memref<80x16xf32, #tpu.memory_space<vmem>>) dst(%dma_wait3A_434 : memref<10000x16xf32, #tpu.memory_space<vmem_shared>>)
      } else {
      }
      %mul3A_163 = arith.constant 50 : i32
      %mul3A_164 = arith.muli %arg1, %mul3A_163 : i32
      %add3A = arith.addi %mul3A_164, %mul3A_160 : i32
      %mul3A_165 = arith.constant 5 : i32
      %mul3A_166 = arith.muli %add3A, %mul3A_165 : i32
      "tpu.region"() ({
        %run_scoped3A = tpu.sem_alloc : memref<!tpu.dma_semaphore, #tpu.memory_space<semaphore_mem>>
        %dma_start3A_355 = arith.constant 0 : i32
        %dma_start3A_356 = arith.constant 0 : i32
        %dma_start3A_357 = tpu.memref_slice %arg5[%dma_start3A_355, %mul3A_166, %dma_start3A_356] : memref<2x4000x80xi32, #tpu.memory_space<hbm>> -> memref<2x5x80xi32, #tpu.memory_space<hbm>>
        %dma_start3A_358 = arith.constant 0 : i32
        %dma_start3A_359 = arith.constant 0 : i32
        %dma_start3A_360 = tpu.memref_slice %arg5[%dma_start3A_358, %mul3A_166, %dma_start3A_359] : memref<2x4000x80xi32, #tpu.memory_space<hbm>> -> memref<2x5x80xi32, #tpu.memory_space<hbm>>
        tpu.enqueue_dma source(%dma_start3A_360 : memref<2x5x80xi32, #tpu.memory_space<hbm>>) target(%arg9 : memref<2x5x80xi32, #tpu.memory_space<vmem>>) target_semaphore(%run_scoped3A : memref<!tpu.dma_semaphore, #tpu.memory_space<semaphore_mem>>)
        %dma_wait3A_361 = arith.constant 0 : i32
        %dma_wait3A_362 = arith.constant 0 : i32
        %dma_wait3A_363 = tpu.memref_slice %arg5[%dma_wait3A_361, %mul3A_166, %dma_wait3A_362] : memref<2x4000x80xi32, #tpu.memory_space<hbm>> -> memref<2x5x80xi32, #tpu.memory_space<hbm>>
        %dma_wait3A_364 = arith.constant 0 : i32
        %dma_wait3A_365 = arith.constant 0 : i32
        %dma_wait3A_366 = tpu.memref_slice %arg5[%dma_wait3A_364, %mul3A_166, %dma_wait3A_365] : memref<2x4000x80xi32, #tpu.memory_space<hbm>> -> memref<2x5x80xi32, #tpu.memory_space<hbm>>
        tpu.wait_dma2 semaphore(%run_scoped3A : memref<!tpu.dma_semaphore, #tpu.memory_space<semaphore_mem>>) src(%dma_wait3A_366 : memref<2x5x80xi32, #tpu.memory_space<hbm>>) dst(%arg9 : memref<2x5x80xi32, #tpu.memory_space<vmem>>)
        tpu.yield
      }) : () -> ()
      %dma_start3A = arith.constant 0 : i32
      %dma_start3A_167 = arith.constant 0 : i32
      %dma_start3A_168 = arith.constant 0 : i32
      %dma_start3A_169 = tpu.memref_slice %arg9[%dma_start3A, %dma_start3A_167, %dma_start3A_168] : memref<2x5x80xi32, #tpu.memory_space<vmem>> -> memref<1x1x80xi32, #tpu.memory_space<vmem>>
      %dma_start3A_170 = tpu.memref_squeeze %dma_start3A_169 : memref<1x1x80xi32, #tpu.memory_space<vmem>> -> memref<80xi32, #tpu.memory_space<vmem>>
      %dma_start3A_171 = arith.constant 0 : i32
      %dma_start3A_172 = arith.constant 0 : i32
      %dma_start3A_173 = tpu.memref_slice %arg25[%dma_start3A_171, %dma_start3A_172] : memref<10000x16xf32, #tpu.memory_space<vmem_shared>> -> memref<10000x16xf32, #tpu.memory_space<vmem_shared>>
      tpu.enqueue_indirect_dma source(%arg15 : memref<80x16xf32, #tpu.memory_space<vmem>>) target(%dma_start3A_173 : memref<10000x16xf32, #tpu.memory_space<vmem_shared>>) offsets(%dma_start3A_170 : memref<80xi32, #tpu.memory_space<vmem>>) semaphore(%arg29 : memref<!tpu.dma_semaphore, #tpu.memory_space<semaphore_mem>>) {add = true}
      %dma_start3A_174 = arith.constant 1 : i32
      %dma_start3A_175 = arith.constant 0 : i32
      %dma_start3A_176 = arith.constant 0 : i32
      %dma_start3A_177 = tpu.memref_slice %arg9[%dma_start3A_174, %dma_start3A_175, %dma_start3A_176] : memref<2x5x80xi32, #tpu.memory_space<vmem>> -> memref<1x1x80xi32, #tpu.memory_space<vmem>>
      %dma_start3A_178 = tpu.memref_squeeze %dma_start3A_177 : memref<1x1x80xi32, #tpu.memory_space<vmem>> -> memref<80xi32, #tpu.memory_space<vmem>>
      %dma_start3A_179 = arith.constant 0 : i32
      %dma_start3A_180 = arith.constant 0 : i32
      %dma_start3A_181 = tpu.memref_slice %arg26[%dma_start3A_179, %dma_start3A_180] : memref<10000x16xf32, #tpu.memory_space<vmem_shared>> -> memref<10000x16xf32, #tpu.memory_space<vmem_shared>>
      tpu.enqueue_indirect_dma source(%arg15 : memref<80x16xf32, #tpu.memory_space<vmem>>) target(%dma_start3A_181 : memref<10000x16xf32, #tpu.memory_space<vmem_shared>>) offsets(%dma_start3A_178 : memref<80xi32, #tpu.memory_space<vmem>>) semaphore(%arg29 : memref<!tpu.dma_semaphore, #tpu.memory_space<semaphore_mem>>) {add = true}
      %dma_start3A_182 = arith.constant 0 : i32
      %dma_start3A_183 = arith.constant 1 : i32
      %dma_start3A_184 = arith.constant 0 : i32
      %dma_start3A_185 = tpu.memref_slice %arg9[%dma_start3A_182, %dma_start3A_183, %dma_start3A_184] : memref<2x5x80xi32, #tpu.memory_space<vmem>> -> memref<1x1x80xi32, #tpu.memory_space<vmem>>
      %dma_start3A_186 = tpu.memref_squeeze %dma_start3A_185 : memref<1x1x80xi32, #tpu.memory_space<vmem>> -> memref<80xi32, #tpu.memory_space<vmem>>
      %dma_start3A_187 = arith.constant 0 : i32
      %dma_start3A_188 = arith.constant 0 : i32
      %dma_start3A_189 = tpu.memref_slice %arg25[%dma_start3A_187, %dma_start3A_188] : memref<10000x16xf32, #tpu.memory_space<vmem_shared>> -> memref<10000x16xf32, #tpu.memory_space<vmem_shared>>
      tpu.enqueue_indirect_dma source(%arg15 : memref<80x16xf32, #tpu.memory_space<vmem>>) target(%dma_start3A_189 : memref<10000x16xf32, #tpu.memory_space<vmem_shared>>) offsets(%dma_start3A_186 : memref<80xi32, #tpu.memory_space<vmem>>) semaphore(%arg29 : memref<!tpu.dma_semaphore, #tpu.memory_space<semaphore_mem>>) {add = true}
      %dma_start3A_190 = arith.constant 1 : i32
      %dma_start3A_191 = arith.constant 1 : i32
      %dma_start3A_192 = arith.constant 0 : i32
      %dma_start3A_193 = tpu.memref_slice %arg9[%dma_start3A_190, %dma_start3A_191, %dma_start3A_192] : memref<2x5x80xi32, #tpu.memory_space<vmem>> -> memref<1x1x80xi32, #tpu.memory_space<vmem>>
      %dma_start3A_194 = tpu.memref_squeeze %dma_start3A_193 : memref<1x1x80xi32, #tpu.memory_space<vmem>> -> memref<80xi32, #tpu.memory_space<vmem>>
      %dma_start3A_195 = arith.constant 0 : i32
      %dma_start3A_196 = arith.constant 0 : i32
      %dma_start3A_197 = tpu.memref_slice %arg26[%dma_start3A_195, %dma_start3A_196] : memref<10000x16xf32, #tpu.memory_space<vmem_shared>> -> memref<10000x16xf32, #tpu.memory_space<vmem_shared>>
      tpu.enqueue_indirect_dma source(%arg15 : memref<80x16xf32, #tpu.memory_space<vmem>>) target(%dma_start3A_197 : memref<10000x16xf32, #tpu.memory_space<vmem_shared>>) offsets(%dma_start3A_194 : memref<80xi32, #tpu.memory_space<vmem>>) semaphore(%arg29 : memref<!tpu.dma_semaphore, #tpu.memory_space<semaphore_mem>>) {add = true}
      %dma_start3A_198 = arith.constant 0 : i32
      %dma_start3A_199 = arith.constant 2 : i32
      %dma_start3A_200 = arith.constant 0 : i32
      %dma_start3A_201 = tpu.memref_slice %arg9[%dma_start3A_198, %dma_start3A_199, %dma_start3A_200] : memref<2x5x80xi32, #tpu.memory_space<vmem>> -> memref<1x1x80xi32, #tpu.memory_space<vmem>>
      %dma_start3A_202 = tpu.memref_squeeze %dma_start3A_201 : memref<1x1x80xi32, #tpu.memory_space<vmem>> -> memref<80xi32, #tpu.memory_space<vmem>>
      %dma_start3A_203 = arith.constant 0 : i32
      %dma_start3A_204 = arith.constant 0 : i32
      %dma_start3A_205 = tpu.memref_slice %arg25[%dma_start3A_203, %dma_start3A_204] : memref<10000x16xf32, #tpu.memory_space<vmem_shared>> -> memref<10000x16xf32, #tpu.memory_space<vmem_shared>>
      tpu.enqueue_indirect_dma source(%arg15 : memref<80x16xf32, #tpu.memory_space<vmem>>) target(%dma_start3A_205 : memref<10000x16xf32, #tpu.memory_space<vmem_shared>>) offsets(%dma_start3A_202 : memref<80xi32, #tpu.memory_space<vmem>>) semaphore(%arg29 : memref<!tpu.dma_semaphore, #tpu.memory_space<semaphore_mem>>) {add = true}
      %dma_start3A_206 = arith.constant 1 : i32
      %dma_start3A_207 = arith.constant 2 : i32
      %dma_start3A_208 = arith.constant 0 : i32
      %dma_start3A_209 = tpu.memref_slice %arg9[%dma_start3A_206, %dma_start3A_207, %dma_start3A_208] : memref<2x5x80xi32, #tpu.memory_space<vmem>> -> memref<1x1x80xi32, #tpu.memory_space<vmem>>
      %dma_start3A_210 = tpu.memref_squeeze %dma_start3A_209 : memref<1x1x80xi32, #tpu.memory_space<vmem>> -> memref<80xi32, #tpu.memory_space<vmem>>
      %dma_start3A_211 = arith.constant 0 : i32
      %dma_start3A_212 = arith.constant 0 : i32
      %dma_start3A_213 = tpu.memref_slice %arg26[%dma_start3A_211, %dma_start3A_212] : memref<10000x16xf32, #tpu.memory_space<vmem_shared>> -> memref<10000x16xf32, #tpu.memory_space<vmem_shared>>
      tpu.enqueue_indirect_dma source(%arg15 : memref<80x16xf32, #tpu.memory_space<vmem>>) target(%dma_start3A_213 : memref<10000x16xf32, #tpu.memory_space<vmem_shared>>) offsets(%dma_start3A_210 : memref<80xi32, #tpu.memory_space<vmem>>) semaphore(%arg29 : memref<!tpu.dma_semaphore, #tpu.memory_space<semaphore_mem>>) {add = true}
      %dma_start3A_214 = arith.constant 0 : i32
      %dma_start3A_215 = arith.constant 3 : i32
      %dma_start3A_216 = arith.constant 0 : i32
      %dma_start3A_217 = tpu.memref_slice %arg9[%dma_start3A_214, %dma_start3A_215, %dma_start3A_216] : memref<2x5x80xi32, #tpu.memory_space<vmem>> -> memref<1x1x80xi32, #tpu.memory_space<vmem>>
      %dma_start3A_218 = tpu.memref_squeeze %dma_start3A_217 : memref<1x1x80xi32, #tpu.memory_space<vmem>> -> memref<80xi32, #tpu.memory_space<vmem>>
      %dma_start3A_219 = arith.constant 0 : i32
      %dma_start3A_220 = arith.constant 0 : i32
      %dma_start3A_221 = tpu.memref_slice %arg25[%dma_start3A_219, %dma_start3A_220] : memref<10000x16xf32, #tpu.memory_space<vmem_shared>> -> memref<10000x16xf32, #tpu.memory_space<vmem_shared>>
      tpu.enqueue_indirect_dma source(%arg15 : memref<80x16xf32, #tpu.memory_space<vmem>>) target(%dma_start3A_221 : memref<10000x16xf32, #tpu.memory_space<vmem_shared>>) offsets(%dma_start3A_218 : memref<80xi32, #tpu.memory_space<vmem>>) semaphore(%arg29 : memref<!tpu.dma_semaphore, #tpu.memory_space<semaphore_mem>>) {add = true}
      %dma_start3A_222 = arith.constant 1 : i32
      %dma_start3A_223 = arith.constant 3 : i32
      %dma_start3A_224 = arith.constant 0 : i32
      %dma_start3A_225 = tpu.memref_slice %arg9[%dma_start3A_222, %dma_start3A_223, %dma_start3A_224] : memref<2x5x80xi32, #tpu.memory_space<vmem>> -> memref<1x1x80xi32, #tpu.memory_space<vmem>>
      %dma_start3A_226 = tpu.memref_squeeze %dma_start3A_225 : memref<1x1x80xi32, #tpu.memory_space<vmem>> -> memref<80xi32, #tpu.memory_space<vmem>>
      %dma_start3A_227 = arith.constant 0 : i32
      %dma_start3A_228 = arith.constant 0 : i32
      %dma_start3A_229 = tpu.memref_slice %arg26[%dma_start3A_227, %dma_start3A_228] : memref<10000x16xf32, #tpu.memory_space<vmem_shared>> -> memref<10000x16xf32, #tpu.memory_space<vmem_shared>>
      tpu.enqueue_indirect_dma source(%arg15 : memref<80x16xf32, #tpu.memory_space<vmem>>) target(%dma_start3A_229 : memref<10000x16xf32, #tpu.memory_space<vmem_shared>>) offsets(%dma_start3A_226 : memref<80xi32, #tpu.memory_space<vmem>>) semaphore(%arg29 : memref<!tpu.dma_semaphore, #tpu.memory_space<semaphore_mem>>) {add = true}
      %dma_start3A_230 = arith.constant 0 : i32
      %dma_start3A_231 = arith.constant 4 : i32
      %dma_start3A_232 = arith.constant 0 : i32
      %dma_start3A_233 = tpu.memref_slice %arg9[%dma_start3A_230, %dma_start3A_231, %dma_start3A_232] : memref<2x5x80xi32, #tpu.memory_space<vmem>> -> memref<1x1x80xi32, #tpu.memory_space<vmem>>
      %dma_start3A_234 = tpu.memref_squeeze %dma_start3A_233 : memref<1x1x80xi32, #tpu.memory_space<vmem>> -> memref<80xi32, #tpu.memory_space<vmem>>
      %dma_start3A_235 = arith.constant 0 : i32
      %dma_start3A_236 = arith.constant 0 : i32
      %dma_start3A_237 = tpu.memref_slice %arg25[%dma_start3A_235, %dma_start3A_236] : memref<10000x16xf32, #tpu.memory_space<vmem_shared>> -> memref<10000x16xf32, #tpu.memory_space<vmem_shared>>
      tpu.enqueue_indirect_dma source(%arg15 : memref<80x16xf32, #tpu.memory_space<vmem>>) target(%dma_start3A_237 : memref<10000x16xf32, #tpu.memory_space<vmem_shared>>) offsets(%dma_start3A_234 : memref<80xi32, #tpu.memory_space<vmem>>) semaphore(%arg29 : memref<!tpu.dma_semaphore, #tpu.memory_space<semaphore_mem>>) {add = true}
      %dma_start3A_238 = arith.constant 1 : i32
      %dma_start3A_239 = arith.constant 4 : i32
      %dma_start3A_240 = arith.constant 0 : i32
      %dma_start3A_241 = tpu.memref_slice %arg9[%dma_start3A_238, %dma_start3A_239, %dma_start3A_240] : memref<2x5x80xi32, #tpu.memory_space<vmem>> -> memref<1x1x80xi32, #tpu.memory_space<vmem>>
      %dma_start3A_242 = tpu.memref_squeeze %dma_start3A_241 : memref<1x1x80xi32, #tpu.memory_space<vmem>> -> memref<80xi32, #tpu.memory_space<vmem>>
      %dma_start3A_243 = arith.constant 0 : i32
      %dma_start3A_244 = arith.constant 0 : i32
      %dma_start3A_245 = tpu.memref_slice %arg26[%dma_start3A_243, %dma_start3A_244] : memref<10000x16xf32, #tpu.memory_space<vmem_shared>> -> memref<10000x16xf32, #tpu.memory_space<vmem_shared>>
      tpu.enqueue_indirect_dma source(%arg15 : memref<80x16xf32, #tpu.memory_space<vmem>>) target(%dma_start3A_245 : memref<10000x16xf32, #tpu.memory_space<vmem_shared>>) offsets(%dma_start3A_242 : memref<80xi32, #tpu.memory_space<vmem>>) semaphore(%arg29 : memref<!tpu.dma_semaphore, #tpu.memory_space<semaphore_mem>>) {add = true}
      %mul3A_246 = arith.constant 625 : i32
      %mul3A_247 = arith.muli %arg1, %mul3A_246 : i32
      %mul3A_248 = arith.constant 25 : i32
      %mul3A_249 = arith.muli %scan3A_157, %mul3A_248 : i32
      %add3A_250 = arith.addi %mul3A_247, %mul3A_249 : i32
      %mul3A_251 = arith.constant 64 : i32
      %mul3A_252 = arith.muli %arg0, %mul3A_251 : i32
      "tpu.region"() ({
        %run_scoped3A = tpu.sem_alloc : memref<!tpu.dma_semaphore, #tpu.memory_space<semaphore_mem>>
        %dma_start3A_355 = tpu.memref_slice %arg2[%add3A_250, %mul3A_252] : memref<10000x128xf32, #tpu.memory_space<hbm>> -> memref<25x64xf32, #tpu.memory_space<hbm>>
        %dma_start3A_356 = tpu.memref_slice %arg2[%add3A_250, %mul3A_252] : memref<10000x128xf32, #tpu.memory_space<hbm>> -> memref<25x64xf32, #tpu.memory_space<hbm>>
        tpu.enqueue_dma source(%dma_start3A_356 : memref<25x64xf32, #tpu.memory_space<hbm>>) target(%arg19 : memref<25x64xf32, #tpu.memory_space<vmem>>) target_semaphore(%run_scoped3A : memref<!tpu.dma_semaphore, #tpu.memory_space<semaphore_mem>>)
        %dma_wait3A_357 = tpu.memref_slice %arg2[%add3A_250, %mul3A_252] : memref<10000x128xf32, #tpu.memory_space<hbm>> -> memref<25x64xf32, #tpu.memory_space<hbm>>
        %dma_wait3A_358 = tpu.memref_slice %arg2[%add3A_250, %mul3A_252] : memref<10000x128xf32, #tpu.memory_space<hbm>> -> memref<25x64xf32, #tpu.memory_space<hbm>>
        tpu.wait_dma2 semaphore(%run_scoped3A : memref<!tpu.dma_semaphore, #tpu.memory_space<semaphore_mem>>) src(%dma_wait3A_358 : memref<25x64xf32, #tpu.memory_space<hbm>>) dst(%arg19 : memref<25x64xf32, #tpu.memory_space<vmem>>)
        tpu.yield
      }) : () -> ()
      %scan3A_253 = arith.constant 0 : i32
      %scan3A_254 = arith.constant 0 : i32
      %scan3A_255 = arith.constant 25 : i32
      %scan3A_256 = arith.addi %scan3A_254, %scan3A_255 : i32
      %scan3A_257 = arith.constant 1 : i32
      %scan3A_258 = scf.for %scan3A_355 = %scan3A_254 to %scan3A_256 step %scan3A_257 iter_args(%scan3A_356 = %scan3A_253) -> (i32)  : i32 {
        %get3A = arith.index_cast %scan3A_355 : i32 to index
        %get3A_357 = arith.constant 0 : index
        %get3A_358 = tpu.vector_load %arg19[%get3A, %get3A_357] {strides = array<i32>} : memref<25x64xf32, #tpu.memory_space<vmem>>, vector<16xf32>,
        %max3A = arith.constant 0.000000e+00 : f32
        %max3A_359 = vector.broadcast %max3A : f32 to vector<16xf32>
        %max3A_360 = arith.maximumf %get3A_358, %max3A_359 : vector<16xf32>
        %swap3A = arith.index_cast %scan3A_355 : i32 to index
        %swap3A_361 = arith.constant 0 : index
        %swap3A_362 = tpu.vector_load %arg19[%swap3A, %swap3A_361] {strides = array<i32>} : memref<25x64xf32, #tpu.memory_space<vmem>>, vector<16xf32>,
        tpu.vector_store %arg19[%swap3A, %swap3A_361], %max3A_360 {strides = array<i32>} : memref<25x64xf32, #tpu.memory_space<vmem>>, vector<16xf32>,
        %get3A_363 = arith.index_cast %scan3A_355 : i32 to index
        %get3A_364 = arith.constant 16 : index
        %get3A_365 = tpu.vector_load %arg19[%get3A_363, %get3A_364] {strides = array<i32>} : memref<25x64xf32, #tpu.memory_space<vmem>>, vector<16xf32>,
        %max3A_366 = arith.constant 0.000000e+00 : f32
        %max3A_367 = vector.broadcast %max3A_366 : f32 to vector<16xf32>
        %max3A_368 = arith.maximumf %get3A_365, %max3A_367 : vector<16xf32>
        %swap3A_369 = arith.index_cast %scan3A_355 : i32 to index
        %swap3A_370 = arith.constant 16 : index
        %swap3A_371 = tpu.vector_load %arg19[%swap3A_369, %swap3A_370] {strides = array<i32>} : memref<25x64xf32, #tpu.memory_space<vmem>>, vector<16xf32>,
        tpu.vector_store %arg19[%swap3A_369, %swap3A_370], %max3A_368 {strides = array<i32>} : memref<25x64xf32, #tpu.memory_space<vmem>>, vector<16xf32>,
        %get3A_372 = arith.index_cast %scan3A_355 : i32 to index
        %get3A_373 = arith.constant 32 : index
        %get3A_374 = tpu.vector_load %arg19[%get3A_372, %get3A_373] {strides = array<i32>} : memref<25x64xf32, #tpu.memory_space<vmem>>, vector<16xf32>,
        %max3A_375 = arith.constant 0.000000e+00 : f32
        %max3A_376 = vector.broadcast %max3A_375 : f32 to vector<16xf32>
        %max3A_377 = arith.maximumf %get3A_374, %max3A_376 : vector<16xf32>
        %swap3A_378 = arith.index_cast %scan3A_355 : i32 to index
        %swap3A_379 = arith.constant 32 : index
        %swap3A_380 = tpu.vector_load %arg19[%swap3A_378, %swap3A_379] {strides = array<i32>} : memref<25x64xf32, #tpu.memory_space<vmem>>, vector<16xf32>,
        tpu.vector_store %arg19[%swap3A_378, %swap3A_379], %max3A_377 {strides = array<i32>} : memref<25x64xf32, #tpu.memory_space<vmem>>, vector<16xf32>,
        %get3A_381 = arith.index_cast %scan3A_355 : i32 to index
        %get3A_382 = arith.constant 48 : index
        %get3A_383 = tpu.vector_load %arg19[%get3A_381, %get3A_382] {strides = array<i32>} : memref<25x64xf32, #tpu.memory_space<vmem>>, vector<16xf32>,
        %max3A_384 = arith.constant 0.000000e+00 : f32
        %max3A_385 = vector.broadcast %max3A_384 : f32 to vector<16xf32>
        %max3A_386 = arith.maximumf %get3A_383, %max3A_385 : vector<16xf32>
        %swap3A_387 = arith.index_cast %scan3A_355 : i32 to index
        %swap3A_388 = arith.constant 48 : index
        %swap3A_389 = tpu.vector_load %arg19[%swap3A_387, %swap3A_388] {strides = array<i32>} : memref<25x64xf32, #tpu.memory_space<vmem>>, vector<16xf32>,
        tpu.vector_store %arg19[%swap3A_387, %swap3A_388], %max3A_386 {strides = array<i32>} : memref<25x64xf32, #tpu.memory_space<vmem>>, vector<16xf32>,
        %scan3A_390 = arith.constant 0 : i32
        scf.yield %scan3A_390 : i32
      }
      %scan3A_259 = arith.constant 25 : i32
      "tpu.region"() ({
        %run_scoped3A = tpu.sem_alloc : memref<!tpu.dma_semaphore, #tpu.memory_space<semaphore_mem>>
        %dma_start3A_355 = arith.constant 0 : i32
        %dma_start3A_356 = tpu.memref_slice %arg23[%add3A_250, %dma_start3A_355] : memref<10000x64xf32, #tpu.memory_space<vmem_shared>> -> memref<25x64xf32, #tpu.memory_space<vmem_shared>>
        %dma_start3A_357 = arith.constant 0 : i32
        %dma_start3A_358 = tpu.memref_slice %arg23[%add3A_250, %dma_start3A_357] : memref<10000x64xf32, #tpu.memory_space<vmem_shared>> -> memref<25x64xf32, #tpu.memory_space<vmem_shared>>
        tpu.enqueue_dma source(%arg19 : memref<25x64xf32, #tpu.memory_space<vmem>>) target(%dma_start3A_358 : memref<25x64xf32, #tpu.memory_space<vmem_shared>>) target_semaphore(%run_scoped3A : memref<!tpu.dma_semaphore, #tpu.memory_space<semaphore_mem>>)
        %dma_wait3A_359 = arith.constant 0 : i32
        %dma_wait3A_360 = tpu.memref_slice %arg23[%add3A_250, %dma_wait3A_359] : memref<10000x64xf32, #tpu.memory_space<vmem_shared>> -> memref<25x64xf32, #tpu.memory_space<vmem_shared>>
        %dma_wait3A_361 = arith.constant 0 : i32
        %dma_wait3A_362 = tpu.memref_slice %arg23[%add3A_250, %dma_wait3A_361] : memref<10000x64xf32, #tpu.memory_space<vmem_shared>> -> memref<25x64xf32, #tpu.memory_space<vmem_shared>>
        tpu.wait_dma2 semaphore(%run_scoped3A : memref<!tpu.dma_semaphore, #tpu.memory_space<semaphore_mem>>) src(%arg19 : memref<25x64xf32, #tpu.memory_space<vmem>>) dst(%dma_wait3A_362 : memref<25x64xf32, #tpu.memory_space<vmem_shared>>)
        tpu.yield
      }) : () -> ()
      %mul3A_260 = arith.constant 2 : i32
      %mul3A_261 = arith.muli %mul3A_260, %scan3A_157 : i32
      %add3A_262 = arith.constant 1 : i32
      %add3A_263 = arith.addi %mul3A_261, %add3A_262 : i32
      %gt3A_264 = arith.constant 0 : i32
      %gt3A_265 = arith.cmpi sgt, %add3A_263, %gt3A_264 : i32
      %convert_element_type3A_266 = arith.extui %gt3A_265 : i1 to i32
      %cond3A_267 = arith.constant 0 : i32
      %cond3A_268 = arith.cmpi ne, %convert_element_type3A_266, %cond3A_267 : i32
      scf.if %cond3A_268 {
        %dma_wait3A_355 = arith.constant 0 : i32
        %dma_wait3A_356 = arith.constant 0 : i32
        %dma_wait3A_357 = arith.constant 0 : i32
        %dma_wait3A_358 = tpu.memref_slice %arg9[%dma_wait3A_355, %dma_wait3A_356, %dma_wait3A_357] : memref<2x5x80xi32, #tpu.memory_space<vmem>> -> memref<1x1x80xi32, #tpu.memory_space<vmem>>
        %dma_wait3A_359 = tpu.memref_squeeze %dma_wait3A_358 : memref<1x1x80xi32, #tpu.memory_space<vmem>> -> memref<80xi32, #tpu.memory_space<vmem>>
        %dma_wait3A_360 = arith.constant 0 : i32
        %dma_wait3A_361 = arith.constant 0 : i32
        %dma_wait3A_362 = tpu.memref_slice %arg25[%dma_wait3A_360, %dma_wait3A_361] : memref<10000x16xf32, #tpu.memory_space<vmem_shared>> -> memref<10000x16xf32, #tpu.memory_space<vmem_shared>>
        tpu.wait_indirect_dma semaphore(%arg29 : memref<!tpu.dma_semaphore, #tpu.memory_space<semaphore_mem>>) src(%arg15 : memref<80x16xf32, #tpu.memory_space<vmem>>) dst(%dma_wait3A_362 : memref<10000x16xf32, #tpu.memory_space<vmem_shared>>)
        %dma_wait3A_363 = arith.constant 1 : i32
        %dma_wait3A_364 = arith.constant 0 : i32
        %dma_wait3A_365 = arith.constant 0 : i32
        %dma_wait3A_366 = tpu.memref_slice %arg9[%dma_wait3A_363, %dma_wait3A_364, %dma_wait3A_365] : memref<2x5x80xi32, #tpu.memory_space<vmem>> -> memref<1x1x80xi32, #tpu.memory_space<vmem>>
        %dma_wait3A_367 = tpu.memref_squeeze %dma_wait3A_366 : memref<1x1x80xi32, #tpu.memory_space<vmem>> -> memref<80xi32, #tpu.memory_space<vmem>>
        %dma_wait3A_368 = arith.constant 0 : i32
        %dma_wait3A_369 = arith.constant 0 : i32
        %dma_wait3A_370 = tpu.memref_slice %arg26[%dma_wait3A_368, %dma_wait3A_369] : memref<10000x16xf32, #tpu.memory_space<vmem_shared>> -> memref<10000x16xf32, #tpu.memory_space<vmem_shared>>
        tpu.wait_indirect_dma semaphore(%arg29 : memref<!tpu.dma_semaphore, #tpu.memory_space<semaphore_mem>>) src(%arg15 : memref<80x16xf32, #tpu.memory_space<vmem>>) dst(%dma_wait3A_370 : memref<10000x16xf32, #tpu.memory_space<vmem_shared>>)
        %dma_wait3A_371 = arith.constant 0 : i32
        %dma_wait3A_372 = arith.constant 1 : i32
        %dma_wait3A_373 = arith.constant 0 : i32
        %dma_wait3A_374 = tpu.memref_slice %arg9[%dma_wait3A_371, %dma_wait3A_372, %dma_wait3A_373] : memref<2x5x80xi32, #tpu.memory_space<vmem>> -> memref<1x1x80xi32, #tpu.memory_space<vmem>>
        %dma_wait3A_375 = tpu.memref_squeeze %dma_wait3A_374 : memref<1x1x80xi32, #tpu.memory_space<vmem>> -> memref<80xi32, #tpu.memory_space<vmem>>
        %dma_wait3A_376 = arith.constant 0 : i32
        %dma_wait3A_377 = arith.constant 0 : i32
        %dma_wait3A_378 = tpu.memref_slice %arg25[%dma_wait3A_376, %dma_wait3A_377] : memref<10000x16xf32, #tpu.memory_space<vmem_shared>> -> memref<10000x16xf32, #tpu.memory_space<vmem_shared>>
        tpu.wait_indirect_dma semaphore(%arg29 : memref<!tpu.dma_semaphore, #tpu.memory_space<semaphore_mem>>) src(%arg15 : memref<80x16xf32, #tpu.memory_space<vmem>>) dst(%dma_wait3A_378 : memref<10000x16xf32, #tpu.memory_space<vmem_shared>>)
        %dma_wait3A_379 = arith.constant 1 : i32
        %dma_wait3A_380 = arith.constant 1 : i32
        %dma_wait3A_381 = arith.constant 0 : i32
        %dma_wait3A_382 = tpu.memref_slice %arg9[%dma_wait3A_379, %dma_wait3A_380, %dma_wait3A_381] : memref<2x5x80xi32, #tpu.memory_space<vmem>> -> memref<1x1x80xi32, #tpu.memory_space<vmem>>
        %dma_wait3A_383 = tpu.memref_squeeze %dma_wait3A_382 : memref<1x1x80xi32, #tpu.memory_space<vmem>> -> memref<80xi32, #tpu.memory_space<vmem>>
        %dma_wait3A_384 = arith.constant 0 : i32
        %dma_wait3A_385 = arith.constant 0 : i32
        %dma_wait3A_386 = tpu.memref_slice %arg26[%dma_wait3A_384, %dma_wait3A_385] : memref<10000x16xf32, #tpu.memory_space<vmem_shared>> -> memref<10000x16xf32, #tpu.memory_space<vmem_shared>>
        tpu.wait_indirect_dma semaphore(%arg29 : memref<!tpu.dma_semaphore, #tpu.memory_space<semaphore_mem>>) src(%arg15 : memref<80x16xf32, #tpu.memory_space<vmem>>) dst(%dma_wait3A_386 : memref<10000x16xf32, #tpu.memory_space<vmem_shared>>)
        %dma_wait3A_387 = arith.constant 0 : i32
        %dma_wait3A_388 = arith.constant 2 : i32
        %dma_wait3A_389 = arith.constant 0 : i32
        %dma_wait3A_390 = tpu.memref_slice %arg9[%dma_wait3A_387, %dma_wait3A_388, %dma_wait3A_389] : memref<2x5x80xi32, #tpu.memory_space<vmem>> -> memref<1x1x80xi32, #tpu.memory_space<vmem>>
        %dma_wait3A_391 = tpu.memref_squeeze %dma_wait3A_390 : memref<1x1x80xi32, #tpu.memory_space<vmem>> -> memref<80xi32, #tpu.memory_space<vmem>>
        %dma_wait3A_392 = arith.constant 0 : i32
        %dma_wait3A_393 = arith.constant 0 : i32
        %dma_wait3A_394 = tpu.memref_slice %arg25[%dma_wait3A_392, %dma_wait3A_393] : memref<10000x16xf32, #tpu.memory_space<vmem_shared>> -> memref<10000x16xf32, #tpu.memory_space<vmem_shared>>
        tpu.wait_indirect_dma semaphore(%arg29 : memref<!tpu.dma_semaphore, #tpu.memory_space<semaphore_mem>>) src(%arg15 : memref<80x16xf32, #tpu.memory_space<vmem>>) dst(%dma_wait3A_394 : memref<10000x16xf32, #tpu.memory_space<vmem_shared>>)
        %dma_wait3A_395 = arith.constant 1 : i32
        %dma_wait3A_396 = arith.constant 2 : i32
        %dma_wait3A_397 = arith.constant 0 : i32
        %dma_wait3A_398 = tpu.memref_slice %arg9[%dma_wait3A_395, %dma_wait3A_396, %dma_wait3A_397] : memref<2x5x80xi32, #tpu.memory_space<vmem>> -> memref<1x1x80xi32, #tpu.memory_space<vmem>>
        %dma_wait3A_399 = tpu.memref_squeeze %dma_wait3A_398 : memref<1x1x80xi32, #tpu.memory_space<vmem>> -> memref<80xi32, #tpu.memory_space<vmem>>
        %dma_wait3A_400 = arith.constant 0 : i32
        %dma_wait3A_401 = arith.constant 0 : i32
        %dma_wait3A_402 = tpu.memref_slice %arg26[%dma_wait3A_400, %dma_wait3A_401] : memref<10000x16xf32, #tpu.memory_space<vmem_shared>> -> memref<10000x16xf32, #tpu.memory_space<vmem_shared>>
        tpu.wait_indirect_dma semaphore(%arg29 : memref<!tpu.dma_semaphore, #tpu.memory_space<semaphore_mem>>) src(%arg15 : memref<80x16xf32, #tpu.memory_space<vmem>>) dst(%dma_wait3A_402 : memref<10000x16xf32, #tpu.memory_space<vmem_shared>>)
        %dma_wait3A_403 = arith.constant 0 : i32
        %dma_wait3A_404 = arith.constant 3 : i32
        %dma_wait3A_405 = arith.constant 0 : i32
        %dma_wait3A_406 = tpu.memref_slice %arg9[%dma_wait3A_403, %dma_wait3A_404, %dma_wait3A_405] : memref<2x5x80xi32, #tpu.memory_space<vmem>> -> memref<1x1x80xi32, #tpu.memory_space<vmem>>
        %dma_wait3A_407 = tpu.memref_squeeze %dma_wait3A_406 : memref<1x1x80xi32, #tpu.memory_space<vmem>> -> memref<80xi32, #tpu.memory_space<vmem>>
        %dma_wait3A_408 = arith.constant 0 : i32
        %dma_wait3A_409 = arith.constant 0 : i32
        %dma_wait3A_410 = tpu.memref_slice %arg25[%dma_wait3A_408, %dma_wait3A_409] : memref<10000x16xf32, #tpu.memory_space<vmem_shared>> -> memref<10000x16xf32, #tpu.memory_space<vmem_shared>>
        tpu.wait_indirect_dma semaphore(%arg29 : memref<!tpu.dma_semaphore, #tpu.memory_space<semaphore_mem>>) src(%arg15 : memref<80x16xf32, #tpu.memory_space<vmem>>) dst(%dma_wait3A_410 : memref<10000x16xf32, #tpu.memory_space<vmem_shared>>)
        %dma_wait3A_411 = arith.constant 1 : i32
        %dma_wait3A_412 = arith.constant 3 : i32
        %dma_wait3A_413 = arith.constant 0 : i32
        %dma_wait3A_414 = tpu.memref_slice %arg9[%dma_wait3A_411, %dma_wait3A_412, %dma_wait3A_413] : memref<2x5x80xi32, #tpu.memory_space<vmem>> -> memref<1x1x80xi32, #tpu.memory_space<vmem>>
        %dma_wait3A_415 = tpu.memref_squeeze %dma_wait3A_414 : memref<1x1x80xi32, #tpu.memory_space<vmem>> -> memref<80xi32, #tpu.memory_space<vmem>>
        %dma_wait3A_416 = arith.constant 0 : i32
        %dma_wait3A_417 = arith.constant 0 : i32
        %dma_wait3A_418 = tpu.memref_slice %arg26[%dma_wait3A_416, %dma_wait3A_417] : memref<10000x16xf32, #tpu.memory_space<vmem_shared>> -> memref<10000x16xf32, #tpu.memory_space<vmem_shared>>
        tpu.wait_indirect_dma semaphore(%arg29 : memref<!tpu.dma_semaphore, #tpu.memory_space<semaphore_mem>>) src(%arg15 : memref<80x16xf32, #tpu.memory_space<vmem>>) dst(%dma_wait3A_418 : memref<10000x16xf32, #tpu.memory_space<vmem_shared>>)
        %dma_wait3A_419 = arith.constant 0 : i32
        %dma_wait3A_420 = arith.constant 4 : i32
        %dma_wait3A_421 = arith.constant 0 : i32
        %dma_wait3A_422 = tpu.memref_slice %arg9[%dma_wait3A_419, %dma_wait3A_420, %dma_wait3A_421] : memref<2x5x80xi32, #tpu.memory_space<vmem>> -> memref<1x1x80xi32, #tpu.memory_space<vmem>>
        %dma_wait3A_423 = tpu.memref_squeeze %dma_wait3A_422 : memref<1x1x80xi32, #tpu.memory_space<vmem>> -> memref<80xi32, #tpu.memory_space<vmem>>
        %dma_wait3A_424 = arith.constant 0 : i32
        %dma_wait3A_425 = arith.constant 0 : i32
        %dma_wait3A_426 = tpu.memref_slice %arg25[%dma_wait3A_424, %dma_wait3A_425] : memref<10000x16xf32, #tpu.memory_space<vmem_shared>> -> memref<10000x16xf32, #tpu.memory_space<vmem_shared>>
        tpu.wait_indirect_dma semaphore(%arg29 : memref<!tpu.dma_semaphore, #tpu.memory_space<semaphore_mem>>) src(%arg15 : memref<80x16xf32, #tpu.memory_space<vmem>>) dst(%dma_wait3A_426 : memref<10000x16xf32, #tpu.memory_space<vmem_shared>>)
        %dma_wait3A_427 = arith.constant 1 : i32
        %dma_wait3A_428 = arith.constant 4 : i32
        %dma_wait3A_429 = arith.constant 0 : i32
        %dma_wait3A_430 = tpu.memref_slice %arg9[%dma_wait3A_427, %dma_wait3A_428, %dma_wait3A_429] : memref<2x5x80xi32, #tpu.memory_space<vmem>> -> memref<1x1x80xi32, #tpu.memory_space<vmem>>
        %dma_wait3A_431 = tpu.memref_squeeze %dma_wait3A_430 : memref<1x1x80xi32, #tpu.memory_space<vmem>> -> memref<80xi32, #tpu.memory_space<vmem>>
        %dma_wait3A_432 = arith.constant 0 : i32
        %dma_wait3A_433 = arith.constant 0 : i32
        %dma_wait3A_434 = tpu.memref_slice %arg26[%dma_wait3A_432, %dma_wait3A_433] : memref<10000x16xf32, #tpu.memory_space<vmem_shared>> -> memref<10000x16xf32, #tpu.memory_space<vmem_shared>>
        tpu.wait_indirect_dma semaphore(%arg29 : memref<!tpu.dma_semaphore, #tpu.memory_space<semaphore_mem>>) src(%arg15 : memref<80x16xf32, #tpu.memory_space<vmem>>) dst(%dma_wait3A_434 : memref<10000x16xf32, #tpu.memory_space<vmem_shared>>)
      } else {
      }
      %mul3A_269 = arith.constant 50 : i32
      %mul3A_270 = arith.muli %arg1, %mul3A_269 : i32
      %add3A_271 = arith.addi %mul3A_270, %add3A_263 : i32
      %mul3A_272 = arith.constant 5 : i32
      %mul3A_273 = arith.muli %add3A_271, %mul3A_272 : i32
      "tpu.region"() ({
        %run_scoped3A = tpu.sem_alloc : memref<!tpu.dma_semaphore, #tpu.memory_space<semaphore_mem>>
        %dma_start3A_355 = arith.constant 0 : i32
        %dma_start3A_356 = arith.constant 0 : i32
        %dma_start3A_357 = tpu.memref_slice %arg5[%dma_start3A_355, %mul3A_273, %dma_start3A_356] : memref<2x4000x80xi32, #tpu.memory_space<hbm>> -> memref<2x5x80xi32, #tpu.memory_space<hbm>>
        %dma_start3A_358 = arith.constant 0 : i32
        %dma_start3A_359 = arith.constant 0 : i32
        %dma_start3A_360 = tpu.memref_slice %arg5[%dma_start3A_358, %mul3A_273, %dma_start3A_359] : memref<2x4000x80xi32, #tpu.memory_space<hbm>> -> memref<2x5x80xi32, #tpu.memory_space<hbm>>
        tpu.enqueue_dma source(%dma_start3A_360 : memref<2x5x80xi32, #tpu.memory_space<hbm>>) target(%arg9 : memref<2x5x80xi32, #tpu.memory_space<vmem>>) target_semaphore(%run_scoped3A : memref<!tpu.dma_semaphore, #tpu.memory_space<semaphore_mem>>)
        %dma_wait3A_361 = arith.constant 0 : i32
        %dma_wait3A_362 = arith.constant 0 : i32
        %dma_wait3A_363 = tpu.memref_slice %arg5[%dma_wait3A_361, %mul3A_273, %dma_wait3A_362] : memref<2x4000x80xi32, #tpu.memory_space<hbm>> -> memref<2x5x80xi32, #tpu.memory_space<hbm>>
        %dma_wait3A_364 = arith.constant 0 : i32
        %dma_wait3A_365 = arith.constant 0 : i32
        %dma_wait3A_366 = tpu.memref_slice %arg5[%dma_wait3A_364, %mul3A_273, %dma_wait3A_365] : memref<2x4000x80xi32, #tpu.memory_space<hbm>> -> memref<2x5x80xi32, #tpu.memory_space<hbm>>
        tpu.wait_dma2 semaphore(%run_scoped3A : memref<!tpu.dma_semaphore, #tpu.memory_space<semaphore_mem>>) src(%dma_wait3A_366 : memref<2x5x80xi32, #tpu.memory_space<hbm>>) dst(%arg9 : memref<2x5x80xi32, #tpu.memory_space<vmem>>)
        tpu.yield
      }) : () -> ()
      %dma_start3A_274 = arith.constant 0 : i32
      %dma_start3A_275 = arith.constant 0 : i32
      %dma_start3A_276 = arith.constant 0 : i32
      %dma_start3A_277 = tpu.memref_slice %arg9[%dma_start3A_274, %dma_start3A_275, %dma_start3A_276] : memref<2x5x80xi32, #tpu.memory_space<vmem>> -> memref<1x1x80xi32, #tpu.memory_space<vmem>>
      %dma_start3A_278 = tpu.memref_squeeze %dma_start3A_277 : memref<1x1x80xi32, #tpu.memory_space<vmem>> -> memref<80xi32, #tpu.memory_space<vmem>>
      %dma_start3A_279 = arith.constant 0 : i32
      %dma_start3A_280 = arith.constant 0 : i32
      %dma_start3A_281 = tpu.memref_slice %arg25[%dma_start3A_279, %dma_start3A_280] : memref<10000x16xf32, #tpu.memory_space<vmem_shared>> -> memref<10000x16xf32, #tpu.memory_space<vmem_shared>>
      tpu.enqueue_indirect_dma source(%arg15 : memref<80x16xf32, #tpu.memory_space<vmem>>) target(%dma_start3A_281 : memref<10000x16xf32, #tpu.memory_space<vmem_shared>>) offsets(%dma_start3A_278 : memref<80xi32, #tpu.memory_space<vmem>>) semaphore(%arg29 : memref<!tpu.dma_semaphore, #tpu.memory_space<semaphore_mem>>) {add = true}
      %dma_start3A_282 = arith.constant 1 : i32
      %dma_start3A_283 = arith.constant 0 : i32
      %dma_start3A_284 = arith.constant 0 : i32
      %dma_start3A_285 = tpu.memref_slice %arg9[%dma_start3A_282, %dma_start3A_283, %dma_start3A_284] : memref<2x5x80xi32, #tpu.memory_space<vmem>> -> memref<1x1x80xi32, #tpu.memory_space<vmem>>
      %dma_start3A_286 = tpu.memref_squeeze %dma_start3A_285 : memref<1x1x80xi32, #tpu.memory_space<vmem>> -> memref<80xi32, #tpu.memory_space<vmem>>
      %dma_start3A_287 = arith.constant 0 : i32
      %dma_start3A_288 = arith.constant 0 : i32
      %dma_start3A_289 = tpu.memref_slice %arg26[%dma_start3A_287, %dma_start3A_288] : memref<10000x16xf32, #tpu.memory_space<vmem_shared>> -> memref<10000x16xf32, #tpu.memory_space<vmem_shared>>
      tpu.enqueue_indirect_dma source(%arg15 : memref<80x16xf32, #tpu.memory_space<vmem>>) target(%dma_start3A_289 : memref<10000x16xf32, #tpu.memory_space<vmem_shared>>) offsets(%dma_start3A_286 : memref<80xi32, #tpu.memory_space<vmem>>) semaphore(%arg29 : memref<!tpu.dma_semaphore, #tpu.memory_space<semaphore_mem>>) {add = true}
      %dma_start3A_290 = arith.constant 0 : i32
      %dma_start3A_291 = arith.constant 1 : i32
      %dma_start3A_292 = arith.constant 0 : i32
      %dma_start3A_293 = tpu.memref_slice %arg9[%dma_start3A_290, %dma_start3A_291, %dma_start3A_292] : memref<2x5x80xi32, #tpu.memory_space<vmem>> -> memref<1x1x80xi32, #tpu.memory_space<vmem>>
      %dma_start3A_294 = tpu.memref_squeeze %dma_start3A_293 : memref<1x1x80xi32, #tpu.memory_space<vmem>> -> memref<80xi32, #tpu.memory_space<vmem>>
      %dma_start3A_295 = arith.constant 0 : i32
      %dma_start3A_296 = arith.constant 0 : i32
      %dma_start3A_297 = tpu.memref_slice %arg25[%dma_start3A_295, %dma_start3A_296] : memref<10000x16xf32, #tpu.memory_space<vmem_shared>> -> memref<10000x16xf32, #tpu.memory_space<vmem_shared>>
      tpu.enqueue_indirect_dma source(%arg15 : memref<80x16xf32, #tpu.memory_space<vmem>>) target(%dma_start3A_297 : memref<10000x16xf32, #tpu.memory_space<vmem_shared>>) offsets(%dma_start3A_294 : memref<80xi32, #tpu.memory_space<vmem>>) semaphore(%arg29 : memref<!tpu.dma_semaphore, #tpu.memory_space<semaphore_mem>>) {add = true}
      %dma_start3A_298 = arith.constant 1 : i32
      %dma_start3A_299 = arith.constant 1 : i32
      %dma_start3A_300 = arith.constant 0 : i32
      %dma_start3A_301 = tpu.memref_slice %arg9[%dma_start3A_298, %dma_start3A_299, %dma_start3A_300] : memref<2x5x80xi32, #tpu.memory_space<vmem>> -> memref<1x1x80xi32, #tpu.memory_space<vmem>>
      %dma_start3A_302 = tpu.memref_squeeze %dma_start3A_301 : memref<1x1x80xi32, #tpu.memory_space<vmem>> -> memref<80xi32, #tpu.memory_space<vmem>>
      %dma_start3A_303 = arith.constant 0 : i32
      %dma_start3A_304 = arith.constant 0 : i32
      %dma_start3A_305 = tpu.memref_slice %arg26[%dma_start3A_303, %dma_start3A_304] : memref<10000x16xf32, #tpu.memory_space<vmem_shared>> -> memref<10000x16xf32, #tpu.memory_space<vmem_shared>>
      tpu.enqueue_indirect_dma source(%arg15 : memref<80x16xf32, #tpu.memory_space<vmem>>) target(%dma_start3A_305 : memref<10000x16xf32, #tpu.memory_space<vmem_shared>>) offsets(%dma_start3A_302 : memref<80xi32, #tpu.memory_space<vmem>>) semaphore(%arg29 : memref<!tpu.dma_semaphore, #tpu.memory_space<semaphore_mem>>) {add = true}
      %dma_start3A_306 = arith.constant 0 : i32
      %dma_start3A_307 = arith.constant 2 : i32
      %dma_start3A_308 = arith.constant 0 : i32
      %dma_start3A_309 = tpu.memref_slice %arg9[%dma_start3A_306, %dma_start3A_307, %dma_start3A_308] : memref<2x5x80xi32, #tpu.memory_space<vmem>> -> memref<1x1x80xi32, #tpu.memory_space<vmem>>
      %dma_start3A_310 = tpu.memref_squeeze %dma_start3A_309 : memref<1x1x80xi32, #tpu.memory_space<vmem>> -> memref<80xi32, #tpu.memory_space<vmem>>
      %dma_start3A_311 = arith.constant 0 : i32
      %dma_start3A_312 = arith.constant 0 : i32
      %dma_start3A_313 = tpu.memref_slice %arg25[%dma_start3A_311, %dma_start3A_312] : memref<10000x16xf32, #tpu.memory_space<vmem_shared>> -> memref<10000x16xf32, #tpu.memory_space<vmem_shared>>
      tpu.enqueue_indirect_dma source(%arg15 : memref<80x16xf32, #tpu.memory_space<vmem>>) target(%dma_start3A_313 : memref<10000x16xf32, #tpu.memory_space<vmem_shared>>) offsets(%dma_start3A_310 : memref<80xi32, #tpu.memory_space<vmem>>) semaphore(%arg29 : memref<!tpu.dma_semaphore, #tpu.memory_space<semaphore_mem>>) {add = true}
      %dma_start3A_314 = arith.constant 1 : i32
      %dma_start3A_315 = arith.constant 2 : i32
      %dma_start3A_316 = arith.constant 0 : i32
      %dma_start3A_317 = tpu.memref_slice %arg9[%dma_start3A_314, %dma_start3A_315, %dma_start3A_316] : memref<2x5x80xi32, #tpu.memory_space<vmem>> -> memref<1x1x80xi32, #tpu.memory_space<vmem>>
      %dma_start3A_318 = tpu.memref_squeeze %dma_start3A_317 : memref<1x1x80xi32, #tpu.memory_space<vmem>> -> memref<80xi32, #tpu.memory_space<vmem>>
      %dma_start3A_319 = arith.constant 0 : i32
      %dma_start3A_320 = arith.constant 0 : i32
      %dma_start3A_321 = tpu.memref_slice %arg26[%dma_start3A_319, %dma_start3A_320] : memref<10000x16xf32, #tpu.memory_space<vmem_shared>> -> memref<10000x16xf32, #tpu.memory_space<vmem_shared>>
      tpu.enqueue_indirect_dma source(%arg15 : memref<80x16xf32, #tpu.memory_space<vmem>>) target(%dma_start3A_321 : memref<10000x16xf32, #tpu.memory_space<vmem_shared>>) offsets(%dma_start3A_318 : memref<80xi32, #tpu.memory_space<vmem>>) semaphore(%arg29 : memref<!tpu.dma_semaphore, #tpu.memory_space<semaphore_mem>>) {add = true}
      %dma_start3A_322 = arith.constant 0 : i32
      %dma_start3A_323 = arith.constant 3 : i32
      %dma_start3A_324 = arith.constant 0 : i32
      %dma_start3A_325 = tpu.memref_slice %arg9[%dma_start3A_322, %dma_start3A_323, %dma_start3A_324] : memref<2x5x80xi32, #tpu.memory_space<vmem>> -> memref<1x1x80xi32, #tpu.memory_space<vmem>>
      %dma_start3A_326 = tpu.memref_squeeze %dma_start3A_325 : memref<1x1x80xi32, #tpu.memory_space<vmem>> -> memref<80xi32, #tpu.memory_space<vmem>>
      %dma_start3A_327 = arith.constant 0 : i32
      %dma_start3A_328 = arith.constant 0 : i32
      %dma_start3A_329 = tpu.memref_slice %arg25[%dma_start3A_327, %dma_start3A_328] : memref<10000x16xf32, #tpu.memory_space<vmem_shared>> -> memref<10000x16xf32, #tpu.memory_space<vmem_shared>>
      tpu.enqueue_indirect_dma source(%arg15 : memref<80x16xf32, #tpu.memory_space<vmem>>) target(%dma_start3A_329 : memref<10000x16xf32, #tpu.memory_space<vmem_shared>>) offsets(%dma_start3A_326 : memref<80xi32, #tpu.memory_space<vmem>>) semaphore(%arg29 : memref<!tpu.dma_semaphore, #tpu.memory_space<semaphore_mem>>) {add = true}
      %dma_start3A_330 = arith.constant 1 : i32
      %dma_start3A_331 = arith.constant 3 : i32
      %dma_start3A_332 = arith.constant 0 : i32
      %dma_start3A_333 = tpu.memref_slice %arg9[%dma_start3A_330, %dma_start3A_331, %dma_start3A_332] : memref<2x5x80xi32, #tpu.memory_space<vmem>> -> memref<1x1x80xi32, #tpu.memory_space<vmem>>
      %dma_start3A_334 = tpu.memref_squeeze %dma_start3A_333 : memref<1x1x80xi32, #tpu.memory_space<vmem>> -> memref<80xi32, #tpu.memory_space<vmem>>
      %dma_start3A_335 = arith.constant 0 : i32
      %dma_start3A_336 = arith.constant 0 : i32
      %dma_start3A_337 = tpu.memref_slice %arg26[%dma_start3A_335, %dma_start3A_336] : memref<10000x16xf32, #tpu.memory_space<vmem_shared>> -> memref<10000x16xf32, #tpu.memory_space<vmem_shared>>
      tpu.enqueue_indirect_dma source(%arg15 : memref<80x16xf32, #tpu.memory_space<vmem>>) target(%dma_start3A_337 : memref<10000x16xf32, #tpu.memory_space<vmem_shared>>) offsets(%dma_start3A_334 : memref<80xi32, #tpu.memory_space<vmem>>) semaphore(%arg29 : memref<!tpu.dma_semaphore, #tpu.memory_space<semaphore_mem>>) {add = true}
      %dma_start3A_338 = arith.constant 0 : i32
      %dma_start3A_339 = arith.constant 4 : i32
      %dma_start3A_340 = arith.constant 0 : i32
      %dma_start3A_341 = tpu.memref_slice %arg9[%dma_start3A_338, %dma_start3A_339, %dma_start3A_340] : memref<2x5x80xi32, #tpu.memory_space<vmem>> -> memref<1x1x80xi32, #tpu.memory_space<vmem>>
      %dma_start3A_342 = tpu.memref_squeeze %dma_start3A_341 : memref<1x1x80xi32, #tpu.memory_space<vmem>> -> memref<80xi32, #tpu.memory_space<vmem>>
      %dma_start3A_343 = arith.constant 0 : i32
      %dma_start3A_344 = arith.constant 0 : i32
      %dma_start3A_345 = tpu.memref_slice %arg25[%dma_start3A_343, %dma_start3A_344] : memref<10000x16xf32, #tpu.memory_space<vmem_shared>> -> memref<10000x16xf32, #tpu.memory_space<vmem_shared>>
      tpu.enqueue_indirect_dma source(%arg15 : memref<80x16xf32, #tpu.memory_space<vmem>>) target(%dma_start3A_345 : memref<10000x16xf32, #tpu.memory_space<vmem_shared>>) offsets(%dma_start3A_342 : memref<80xi32, #tpu.memory_space<vmem>>) semaphore(%arg29 : memref<!tpu.dma_semaphore, #tpu.memory_space<semaphore_mem>>) {add = true}
      %dma_start3A_346 = arith.constant 1 : i32
      %dma_start3A_347 = arith.constant 4 : i32
      %dma_start3A_348 = arith.constant 0 : i32
      %dma_start3A_349 = tpu.memref_slice %arg9[%dma_start3A_346, %dma_start3A_347, %dma_start3A_348] : memref<2x5x80xi32, #tpu.memory_space<vmem>> -> memref<1x1x80xi32, #tpu.memory_space<vmem>>
      %dma_start3A_350 = tpu.memref_squeeze %dma_start3A_349 : memref<1x1x80xi32, #tpu.memory_space<vmem>> -> memref<80xi32, #tpu.memory_space<vmem>>
      %dma_start3A_351 = arith.constant 0 : i32
      %dma_start3A_352 = arith.constant 0 : i32
      %dma_start3A_353 = tpu.memref_slice %arg26[%dma_start3A_351, %dma_start3A_352] : memref<10000x16xf32, #tpu.memory_space<vmem_shared>> -> memref<10000x16xf32, #tpu.memory_space<vmem_shared>>
      tpu.enqueue_indirect_dma source(%arg15 : memref<80x16xf32, #tpu.memory_space<vmem>>) target(%dma_start3A_353 : memref<10000x16xf32, #tpu.memory_space<vmem_shared>>) offsets(%dma_start3A_350 : memref<80xi32, #tpu.memory_space<vmem>>) semaphore(%arg29 : memref<!tpu.dma_semaphore, #tpu.memory_space<semaphore_mem>>) {add = true}
      "tpu.region"() ({
        %run_scoped3A = tpu.sem_alloc : memref<!tpu.dma_semaphore, #tpu.memory_space<semaphore_mem>>
        %dma_start3A_355 = arith.constant 0 : i32
        %dma_start3A_356 = tpu.memref_slice %arg24[%add3A_250, %dma_start3A_355] : memref<10000x64xf32, #tpu.memory_space<vmem_shared>> -> memref<25x64xf32, #tpu.memory_space<vmem_shared>>
        %dma_start3A_357 = arith.constant 0 : i32
        %dma_start3A_358 = tpu.memref_slice %arg24[%add3A_250, %dma_start3A_357] : memref<10000x64xf32, #tpu.memory_space<vmem_shared>> -> memref<25x64xf32, #tpu.memory_space<vmem_shared>>
        tpu.enqueue_dma source(%arg20 : memref<25x64xf32, #tpu.memory_space<vmem>>) target(%dma_start3A_358 : memref<25x64xf32, #tpu.memory_space<vmem_shared>>) target_semaphore(%run_scoped3A : memref<!tpu.dma_semaphore, #tpu.memory_space<semaphore_mem>>)
        %dma_wait3A_359 = arith.constant 0 : i32
        %dma_wait3A_360 = tpu.memref_slice %arg24[%add3A_250, %dma_wait3A_359] : memref<10000x64xf32, #tpu.memory_space<vmem_shared>> -> memref<25x64xf32, #tpu.memory_space<vmem_shared>>
        %dma_wait3A_361 = arith.constant 0 : i32
        %dma_wait3A_362 = tpu.memref_slice %arg24[%add3A_250, %dma_wait3A_361] : memref<10000x64xf32, #tpu.memory_space<vmem_shared>> -> memref<25x64xf32, #tpu.memory_space<vmem_shared>>
        tpu.wait_dma2 semaphore(%run_scoped3A : memref<!tpu.dma_semaphore, #tpu.memory_space<semaphore_mem>>) src(%arg20 : memref<25x64xf32, #tpu.memory_space<vmem>>) dst(%dma_wait3A_362 : memref<25x64xf32, #tpu.memory_space<vmem_shared>>)
        tpu.yield
      }) : () -> ()
      %scan3A_354 = arith.constant 0 : i32
      scf.yield %scan3A_354 : i32
    }
    %scan3A_37 = arith.constant 25 : i32
    %dma_wait3A = arith.constant 0 : i32
    %dma_wait3A_38 = arith.constant 0 : i32
    %dma_wait3A_39 = arith.constant 0 : i32
    %dma_wait3A_40 = tpu.memref_slice %arg9[%dma_wait3A, %dma_wait3A_38, %dma_wait3A_39] : memref<2x5x80xi32, #tpu.memory_space<vmem>> -> memref<1x1x80xi32, #tpu.memory_space<vmem>>
    %dma_wait3A_41 = tpu.memref_squeeze %dma_wait3A_40 : memref<1x1x80xi32, #tpu.memory_space<vmem>> -> memref<80xi32, #tpu.memory_space<vmem>>
    %dma_wait3A_42 = arith.constant 0 : i32
    %dma_wait3A_43 = arith.constant 0 : i32
    %dma_wait3A_44 = tpu.memref_slice %arg25[%dma_wait3A_42, %dma_wait3A_43] : memref<10000x16xf32, #tpu.memory_space<vmem_shared>> -> memref<10000x16xf32, #tpu.memory_space<vmem_shared>>
    tpu.wait_indirect_dma semaphore(%arg29 : memref<!tpu.dma_semaphore, #tpu.memory_space<semaphore_mem>>) src(%arg15 : memref<80x16xf32, #tpu.memory_space<vmem>>) dst(%dma_wait3A_44 : memref<10000x16xf32, #tpu.memory_space<vmem_shared>>)
    %dma_wait3A_45 = arith.constant 1 : i32
    %dma_wait3A_46 = arith.constant 0 : i32
    %dma_wait3A_47 = arith.constant 0 : i32
    %dma_wait3A_48 = tpu.memref_slice %arg9[%dma_wait3A_45, %dma_wait3A_46, %dma_wait3A_47] : memref<2x5x80xi32, #tpu.memory_space<vmem>> -> memref<1x1x80xi32, #tpu.memory_space<vmem>>
    %dma_wait3A_49 = tpu.memref_squeeze %dma_wait3A_48 : memref<1x1x80xi32, #tpu.memory_space<vmem>> -> memref<80xi32, #tpu.memory_space<vmem>>
    %dma_wait3A_50 = arith.constant 0 : i32
    %dma_wait3A_51 = arith.constant 0 : i32
    %dma_wait3A_52 = tpu.memref_slice %arg26[%dma_wait3A_50, %dma_wait3A_51] : memref<10000x16xf32, #tpu.memory_space<vmem_shared>> -> memref<10000x16xf32, #tpu.memory_space<vmem_shared>>
    tpu.wait_indirect_dma semaphore(%arg29 : memref<!tpu.dma_semaphore, #tpu.memory_space<semaphore_mem>>) src(%arg15 : memref<80x16xf32, #tpu.memory_space<vmem>>) dst(%dma_wait3A_52 : memref<10000x16xf32, #tpu.memory_space<vmem_shared>>)
    %dma_wait3A_53 = arith.constant 0 : i32
    %dma_wait3A_54 = arith.constant 1 : i32
    %dma_wait3A_55 = arith.constant 0 : i32
    %dma_wait3A_56 = tpu.memref_slice %arg9[%dma_wait3A_53, %dma_wait3A_54, %dma_wait3A_55] : memref<2x5x80xi32, #tpu.memory_space<vmem>> -> memref<1x1x80xi32, #tpu.memory_space<vmem>>
    %dma_wait3A_57 = tpu.memref_squeeze %dma_wait3A_56 : memref<1x1x80xi32, #tpu.memory_space<vmem>> -> memref<80xi32, #tpu.memory_space<vmem>>
    %dma_wait3A_58 = arith.constant 0 : i32
    %dma_wait3A_59 = arith.constant 0 : i32
    %dma_wait3A_60 = tpu.memref_slice %arg25[%dma_wait3A_58, %dma_wait3A_59] : memref<10000x16xf32, #tpu.memory_space<vmem_shared>> -> memref<10000x16xf32, #tpu.memory_space<vmem_shared>>
    tpu.wait_indirect_dma semaphore(%arg29 : memref<!tpu.dma_semaphore, #tpu.memory_space<semaphore_mem>>) src(%arg15 : memref<80x16xf32, #tpu.memory_space<vmem>>) dst(%dma_wait3A_60 : memref<10000x16xf32, #tpu.memory_space<vmem_shared>>)
    %dma_wait3A_61 = arith.constant 1 : i32
    %dma_wait3A_62 = arith.constant 1 : i32
    %dma_wait3A_63 = arith.constant 0 : i32
    %dma_wait3A_64 = tpu.memref_slice %arg9[%dma_wait3A_61, %dma_wait3A_62, %dma_wait3A_63] : memref<2x5x80xi32, #tpu.memory_space<vmem>> -> memref<1x1x80xi32, #tpu.memory_space<vmem>>
    %dma_wait3A_65 = tpu.memref_squeeze %dma_wait3A_64 : memref<1x1x80xi32, #tpu.memory_space<vmem>> -> memref<80xi32, #tpu.memory_space<vmem>>
    %dma_wait3A_66 = arith.constant 0 : i32
    %dma_wait3A_67 = arith.constant 0 : i32
    %dma_wait3A_68 = tpu.memref_slice %arg26[%dma_wait3A_66, %dma_wait3A_67] : memref<10000x16xf32, #tpu.memory_space<vmem_shared>> -> memref<10000x16xf32, #tpu.memory_space<vmem_shared>>
    tpu.wait_indirect_dma semaphore(%arg29 : memref<!tpu.dma_semaphore, #tpu.memory_space<semaphore_mem>>) src(%arg15 : memref<80x16xf32, #tpu.memory_space<vmem>>) dst(%dma_wait3A_68 : memref<10000x16xf32, #tpu.memory_space<vmem_shared>>)
    %dma_wait3A_69 = arith.constant 0 : i32
    %dma_wait3A_70 = arith.constant 2 : i32
    %dma_wait3A_71 = arith.constant 0 : i32
    %dma_wait3A_72 = tpu.memref_slice %arg9[%dma_wait3A_69, %dma_wait3A_70, %dma_wait3A_71] : memref<2x5x80xi32, #tpu.memory_space<vmem>> -> memref<1x1x80xi32, #tpu.memory_space<vmem>>
    %dma_wait3A_73 = tpu.memref_squeeze %dma_wait3A_72 : memref<1x1x80xi32, #tpu.memory_space<vmem>> -> memref<80xi32, #tpu.memory_space<vmem>>
    %dma_wait3A_74 = arith.constant 0 : i32
    %dma_wait3A_75 = arith.constant 0 : i32
    %dma_wait3A_76 = tpu.memref_slice %arg25[%dma_wait3A_74, %dma_wait3A_75] : memref<10000x16xf32, #tpu.memory_space<vmem_shared>> -> memref<10000x16xf32, #tpu.memory_space<vmem_shared>>
    tpu.wait_indirect_dma semaphore(%arg29 : memref<!tpu.dma_semaphore, #tpu.memory_space<semaphore_mem>>) src(%arg15 : memref<80x16xf32, #tpu.memory_space<vmem>>) dst(%dma_wait3A_76 : memref<10000x16xf32, #tpu.memory_space<vmem_shared>>)
    %dma_wait3A_77 = arith.constant 1 : i32
    %dma_wait3A_78 = arith.constant 2 : i32
    %dma_wait3A_79 = arith.constant 0 : i32
    %dma_wait3A_80 = tpu.memref_slice %arg9[%dma_wait3A_77, %dma_wait3A_78, %dma_wait3A_79] : memref<2x5x80xi32, #tpu.memory_space<vmem>> -> memref<1x1x80xi32, #tpu.memory_space<vmem>>
    %dma_wait3A_81 = tpu.memref_squeeze %dma_wait3A_80 : memref<1x1x80xi32, #tpu.memory_space<vmem>> -> memref<80xi32, #tpu.memory_space<vmem>>
    %dma_wait3A_82 = arith.constant 0 : i32
    %dma_wait3A_83 = arith.constant 0 : i32
    %dma_wait3A_84 = tpu.memref_slice %arg26[%dma_wait3A_82, %dma_wait3A_83] : memref<10000x16xf32, #tpu.memory_space<vmem_shared>> -> memref<10000x16xf32, #tpu.memory_space<vmem_shared>>
    tpu.wait_indirect_dma semaphore(%arg29 : memref<!tpu.dma_semaphore, #tpu.memory_space<semaphore_mem>>) src(%arg15 : memref<80x16xf32, #tpu.memory_space<vmem>>) dst(%dma_wait3A_84 : memref<10000x16xf32, #tpu.memory_space<vmem_shared>>)
    %dma_wait3A_85 = arith.constant 0 : i32
    %dma_wait3A_86 = arith.constant 3 : i32
    %dma_wait3A_87 = arith.constant 0 : i32
    %dma_wait3A_88 = tpu.memref_slice %arg9[%dma_wait3A_85, %dma_wait3A_86, %dma_wait3A_87] : memref<2x5x80xi32, #tpu.memory_space<vmem>> -> memref<1x1x80xi32, #tpu.memory_space<vmem>>
    %dma_wait3A_89 = tpu.memref_squeeze %dma_wait3A_88 : memref<1x1x80xi32, #tpu.memory_space<vmem>> -> memref<80xi32, #tpu.memory_space<vmem>>
    %dma_wait3A_90 = arith.constant 0 : i32
    %dma_wait3A_91 = arith.constant 0 : i32
    %dma_wait3A_92 = tpu.memref_slice %arg25[%dma_wait3A_90, %dma_wait3A_91] : memref<10000x16xf32, #tpu.memory_space<vmem_shared>> -> memref<10000x16xf32, #tpu.memory_space<vmem_shared>>
    tpu.wait_indirect_dma semaphore(%arg29 : memref<!tpu.dma_semaphore, #tpu.memory_space<semaphore_mem>>) src(%arg15 : memref<80x16xf32, #tpu.memory_space<vmem>>) dst(%dma_wait3A_92 : memref<10000x16xf32, #tpu.memory_space<vmem_shared>>)
    %dma_wait3A_93 = arith.constant 1 : i32
    %dma_wait3A_94 = arith.constant 3 : i32
    %dma_wait3A_95 = arith.constant 0 : i32
    %dma_wait3A_96 = tpu.memref_slice %arg9[%dma_wait3A_93, %dma_wait3A_94, %dma_wait3A_95] : memref<2x5x80xi32, #tpu.memory_space<vmem>> -> memref<1x1x80xi32, #tpu.memory_space<vmem>>
    %dma_wait3A_97 = tpu.memref_squeeze %dma_wait3A_96 : memref<1x1x80xi32, #tpu.memory_space<vmem>> -> memref<80xi32, #tpu.memory_space<vmem>>
    %dma_wait3A_98 = arith.constant 0 : i32
    %dma_wait3A_99 = arith.constant 0 : i32
    %dma_wait3A_100 = tpu.memref_slice %arg26[%dma_wait3A_98, %dma_wait3A_99] : memref<10000x16xf32, #tpu.memory_space<vmem_shared>> -> memref<10000x16xf32, #tpu.memory_space<vmem_shared>>
    tpu.wait_indirect_dma semaphore(%arg29 : memref<!tpu.dma_semaphore, #tpu.memory_space<semaphore_mem>>) src(%arg15 : memref<80x16xf32, #tpu.memory_space<vmem>>) dst(%dma_wait3A_100 : memref<10000x16xf32, #tpu.memory_space<vmem_shared>>)
    %dma_wait3A_101 = arith.constant 0 : i32
    %dma_wait3A_102 = arith.constant 4 : i32
    %dma_wait3A_103 = arith.constant 0 : i32
    %dma_wait3A_104 = tpu.memref_slice %arg9[%dma_wait3A_101, %dma_wait3A_102, %dma_wait3A_103] : memref<2x5x80xi32, #tpu.memory_space<vmem>> -> memref<1x1x80xi32, #tpu.memory_space<vmem>>
    %dma_wait3A_105 = tpu.memref_squeeze %dma_wait3A_104 : memref<1x1x80xi32, #tpu.memory_space<vmem>> -> memref<80xi32, #tpu.memory_space<vmem>>
    %dma_wait3A_106 = arith.constant 0 : i32
    %dma_wait3A_107 = arith.constant 0 : i32
    %dma_wait3A_108 = tpu.memref_slice %arg25[%dma_wait3A_106, %dma_wait3A_107] : memref<10000x16xf32, #tpu.memory_space<vmem_shared>> -> memref<10000x16xf32, #tpu.memory_space<vmem_shared>>
    tpu.wait_indirect_dma semaphore(%arg29 : memref<!tpu.dma_semaphore, #tpu.memory_space<semaphore_mem>>) src(%arg15 : memref<80x16xf32, #tpu.memory_space<vmem>>) dst(%dma_wait3A_108 : memref<10000x16xf32, #tpu.memory_space<vmem_shared>>)
    %dma_wait3A_109 = arith.constant 1 : i32
    %dma_wait3A_110 = arith.constant 4 : i32
    %dma_wait3A_111 = arith.constant 0 : i32
    %dma_wait3A_112 = tpu.memref_slice %arg9[%dma_wait3A_109, %dma_wait3A_110, %dma_wait3A_111] : memref<2x5x80xi32, #tpu.memory_space<vmem>> -> memref<1x1x80xi32, #tpu.memory_space<vmem>>
    %dma_wait3A_113 = tpu.memref_squeeze %dma_wait3A_112 : memref<1x1x80xi32, #tpu.memory_space<vmem>> -> memref<80xi32, #tpu.memory_space<vmem>>
    %dma_wait3A_114 = arith.constant 0 : i32
    %dma_wait3A_115 = arith.constant 0 : i32
    %dma_wait3A_116 = tpu.memref_slice %arg26[%dma_wait3A_114, %dma_wait3A_115] : memref<10000x16xf32, #tpu.memory_space<vmem_shared>> -> memref<10000x16xf32, #tpu.memory_space<vmem_shared>>
    tpu.wait_indirect_dma semaphore(%arg29 : memref<!tpu.dma_semaphore, #tpu.memory_space<semaphore_mem>>) src(%arg15 : memref<80x16xf32, #tpu.memory_space<vmem>>) dst(%dma_wait3A_116 : memref<10000x16xf32, #tpu.memory_space<vmem_shared>>)
    %barrier3A_117 = arith.constant 0 : index
    tpu.barrier barrier_id(%barrier3A_117)
    %scan3A_118 = arith.constant 0 : i32
    %scan3A_119 = arith.constant 0 : i32
    %scan3A_120 = arith.constant 25 : i32
    %scan3A_121 = arith.addi %scan3A_119, %scan3A_120 : i32
    %scan3A_122 = arith.constant 1 : i32
    %scan3A_123 = scf.for %scan3A_157 = %scan3A_119 to %scan3A_121 step %scan3A_122 iter_args(%scan3A_158 = %scan3A_118) -> (i32)  : i32 {
      %mul3A_159 = arith.constant 625 : i32
      %mul3A_160 = arith.muli %arg1, %mul3A_159 : i32
      %mul3A_161 = arith.constant 25 : i32
      %mul3A_162 = arith.muli %scan3A_157, %mul3A_161 : i32
      %add3A = arith.addi %mul3A_160, %mul3A_162 : i32
      "tpu.region"() ({
        %run_scoped3A = tpu.sem_alloc : memref<!tpu.dma_semaphore, #tpu.memory_space<semaphore_mem>>
        %dma_start3A = arith.constant 0 : i32
        %dma_start3A_171 = tpu.memref_slice %arg26[%add3A, %dma_start3A] : memref<10000x16xf32, #tpu.memory_space<vmem_shared>> -> memref<25x16xf32, #tpu.memory_space<vmem_shared>>
        %dma_start3A_172 = arith.constant 0 : i32
        %dma_start3A_173 = tpu.memref_slice %arg26[%add3A, %dma_start3A_172] : memref<10000x16xf32, #tpu.memory_space<vmem_shared>> -> memref<25x16xf32, #tpu.memory_space<vmem_shared>>
        tpu.enqueue_dma source(%dma_start3A_173 : memref<25x16xf32, #tpu.memory_space<vmem_shared>>) target(%arg17 : memref<25x16xf32, #tpu.memory_space<vmem>>) target_semaphore(%run_scoped3A : memref<!tpu.dma_semaphore, #tpu.memory_space<semaphore_mem>>)
        %dma_wait3A_174 = arith.constant 0 : i32
        %dma_wait3A_175 = tpu.memref_slice %arg26[%add3A, %dma_wait3A_174] : memref<10000x16xf32, #tpu.memory_space<vmem_shared>> -> memref<25x16xf32, #tpu.memory_space<vmem_shared>>
        %dma_wait3A_176 = arith.constant 0 : i32
        %dma_wait3A_177 = tpu.memref_slice %arg26[%add3A, %dma_wait3A_176] : memref<10000x16xf32, #tpu.memory_space<vmem_shared>> -> memref<25x16xf32, #tpu.memory_space<vmem_shared>>
        tpu.wait_dma2 semaphore(%run_scoped3A : memref<!tpu.dma_semaphore, #tpu.memory_space<semaphore_mem>>) src(%dma_wait3A_177 : memref<25x16xf32, #tpu.memory_space<vmem_shared>>) dst(%arg17 : memref<25x16xf32, #tpu.memory_space<vmem>>)
        tpu.yield
      }) : () -> ()
      "tpu.region"() ({
        %run_scoped3A = tpu.sem_alloc : memref<!tpu.dma_semaphore, #tpu.memory_space<semaphore_mem>>
        %dma_start3A = arith.constant 0 : i32
        %dma_start3A_171 = tpu.memref_slice %arg25[%add3A, %dma_start3A] : memref<10000x16xf32, #tpu.memory_space<vmem_shared>> -> memref<25x16xf32, #tpu.memory_space<vmem_shared>>
        %dma_start3A_172 = arith.constant 0 : i32
        %dma_start3A_173 = tpu.memref_slice %arg25[%add3A, %dma_start3A_172] : memref<10000x16xf32, #tpu.memory_space<vmem_shared>> -> memref<25x16xf32, #tpu.memory_space<vmem_shared>>
        tpu.enqueue_dma source(%dma_start3A_173 : memref<25x16xf32, #tpu.memory_space<vmem_shared>>) target(%arg18 : memref<25x16xf32, #tpu.memory_space<vmem>>) target_semaphore(%run_scoped3A : memref<!tpu.dma_semaphore, #tpu.memory_space<semaphore_mem>>)
        %dma_wait3A_174 = arith.constant 0 : i32
        %dma_wait3A_175 = tpu.memref_slice %arg25[%add3A, %dma_wait3A_174] : memref<10000x16xf32, #tpu.memory_space<vmem_shared>> -> memref<25x16xf32, #tpu.memory_space<vmem_shared>>
        %dma_wait3A_176 = arith.constant 0 : i32
        %dma_wait3A_177 = tpu.memref_slice %arg25[%add3A, %dma_wait3A_176] : memref<10000x16xf32, #tpu.memory_space<vmem_shared>> -> memref<25x16xf32, #tpu.memory_space<vmem_shared>>
        tpu.wait_dma2 semaphore(%run_scoped3A : memref<!tpu.dma_semaphore, #tpu.memory_space<semaphore_mem>>) src(%dma_wait3A_177 : memref<25x16xf32, #tpu.memory_space<vmem_shared>>) dst(%arg18 : memref<25x16xf32, #tpu.memory_space<vmem>>)
        tpu.yield
      }) : () -> ()
      %scan3A_163 = arith.constant 0 : i32
      %scan3A_164 = arith.constant 0 : i32
      %scan3A_165 = arith.constant 25 : i32
      %scan3A_166 = arith.addi %scan3A_164, %scan3A_165 : i32
      %scan3A_167 = arith.constant 1 : i32
      %scan3A_168 = scf.for %scan3A_171 = %scan3A_164 to %scan3A_166 step %scan3A_167 iter_args(%scan3A_172 = %scan3A_163) -> (i32)  : i32 {
        %get3A = arith.index_cast %scan3A_171 : i32 to index
        %get3A_173 = arith.constant 0 : index
        %get3A_174 = tpu.vector_load %arg17[%get3A, %get3A_173] {strides = array<i32>} : memref<25x16xf32, #tpu.memory_space<vmem>>, vector<16xf32>,
        %max3A = arith.constant 1.000000e+00 : f32
        %max3A_175 = vector.broadcast %max3A : f32 to vector<16xf32>
        %max3A_176 = arith.maximumf %get3A_174, %max3A_175 : vector<16xf32>
        %div3A = arith.constant 1.000000e+00 : f32
        %div3A_177 = vector.broadcast %div3A : f32 to vector<16xf32>
        %div3A_178 = arith.divf %div3A_177, %max3A_176 : vector<16xf32>
        %get3A_179 = arith.index_cast %scan3A_171 : i32 to index
        %get3A_180 = arith.constant 0 : index
        %get3A_181 = tpu.vector_load %arg18[%get3A_179, %get3A_180] {strides = array<i32>} : memref<25x16xf32, #tpu.memory_space<vmem>>, vector<16xf32>,
        %max3A_182 = arith.constant 1.000000e+00 : f32
        %max3A_183 = vector.broadcast %max3A_182 : f32 to vector<16xf32>
        %max3A_184 = arith.maximumf %get3A_181, %max3A_183 : vector<16xf32>
        %div3A_185 = arith.constant -1.000000e+00 : f32
        %div3A_186 = vector.broadcast %div3A_185 : f32 to vector<16xf32>
        %div3A_187 = arith.divf %div3A_186, %max3A_184 : vector<16xf32>
        %lt3A = arith.constant 8 : i32
        %lt3A_188 = vector.broadcast %lt3A : i32 to vector<16xi32>
        %lt3A_189 = arith.cmpi slt, %iota3A, %lt3A_188 : vector<16xi32>
        %select_n3A = arith.select %lt3A_189, %div3A_178, %div3A_187 : vector<16xi1>, vector<16xf32>
        %swap3A = arith.index_cast %scan3A_171 : i32 to index
        %swap3A_190 = arith.constant 0 : index
        %swap3A_191 = tpu.vector_load %arg17[%swap3A, %swap3A_190] {strides = array<i32>} : memref<25x16xf32, #tpu.memory_space<vmem>>, vector<16xf32>,
        tpu.vector_store %arg17[%swap3A, %swap3A_190], %select_n3A {strides = array<i32>} : memref<25x16xf32, #tpu.memory_space<vmem>>, vector<16xf32>,
        %scan3A_192 = arith.constant 0 : i32
        scf.yield %scan3A_192 : i32
      }
      %scan3A_169 = arith.constant 25 : i32
      "tpu.region"() ({
        %run_scoped3A = tpu.sem_alloc : memref<!tpu.dma_semaphore, #tpu.memory_space<semaphore_mem>>
        %dma_start3A = arith.constant 0 : i32
        %dma_start3A_171 = tpu.memref_slice %arg26[%add3A, %dma_start3A] : memref<10000x16xf32, #tpu.memory_space<vmem_shared>> -> memref<25x16xf32, #tpu.memory_space<vmem_shared>>
        %dma_start3A_172 = arith.constant 0 : i32
        %dma_start3A_173 = tpu.memref_slice %arg26[%add3A, %dma_start3A_172] : memref<10000x16xf32, #tpu.memory_space<vmem_shared>> -> memref<25x16xf32, #tpu.memory_space<vmem_shared>>
        tpu.enqueue_dma source(%arg17 : memref<25x16xf32, #tpu.memory_space<vmem>>) target(%dma_start3A_173 : memref<25x16xf32, #tpu.memory_space<vmem_shared>>) target_semaphore(%run_scoped3A : memref<!tpu.dma_semaphore, #tpu.memory_space<semaphore_mem>>)
        %dma_wait3A_174 = arith.constant 0 : i32
        %dma_wait3A_175 = tpu.memref_slice %arg26[%add3A, %dma_wait3A_174] : memref<10000x16xf32, #tpu.memory_space<vmem_shared>> -> memref<25x16xf32, #tpu.memory_space<vmem_shared>>
        %dma_wait3A_176 = arith.constant 0 : i32
        %dma_wait3A_177 = tpu.memref_slice %arg26[%add3A, %dma_wait3A_176] : memref<10000x16xf32, #tpu.memory_space<vmem_shared>> -> memref<25x16xf32, #tpu.memory_space<vmem_shared>>
        tpu.wait_dma2 semaphore(%run_scoped3A : memref<!tpu.dma_semaphore, #tpu.memory_space<semaphore_mem>>) src(%arg17 : memref<25x16xf32, #tpu.memory_space<vmem>>) dst(%dma_wait3A_177 : memref<25x16xf32, #tpu.memory_space<vmem_shared>>)
        tpu.yield
      }) : () -> ()
      %scan3A_170 = arith.constant 0 : i32
      scf.yield %scan3A_170 : i32
    }
    %scan3A_124 = arith.constant 25 : i32
    %barrier3A_125 = arith.constant 0 : index
    tpu.barrier barrier_id(%barrier3A_125)
    %scan3A_126 = arith.constant 0 : i32
    %scan3A_127 = arith.constant 0 : i32
    %scan3A_128 = arith.constant 125 : i32
    %scan3A_129 = arith.addi %scan3A_127, %scan3A_128 : i32
    %scan3A_130 = arith.constant 1 : i32
    %scan3A_131 = scf.for %scan3A_157 = %scan3A_127 to %scan3A_129 step %scan3A_130 iter_args(%scan3A_158 = %scan3A_126) -> (i32)  : i32 {
      %mul3A_159 = arith.constant 2 : i32
      %mul3A_160 = arith.muli %mul3A_159, %scan3A_157 : i32
      %gt3A = arith.constant 0 : i32
      %gt3A_161 = arith.cmpi sgt, %scan3A_157, %gt3A : i32
      %jit3A = arith.constant 5 : i32
      %div3A = arith.divsi %mul3A_160, %jit3A : i32
      %sign3A = arith.constant 0 : i32
      %sign3A_162 = arith.cmpi sgt, %mul3A_160, %sign3A : i32
      %sign3A_163 = arith.extui %sign3A_162 : i1 to i32
      %sign3A_164 = arith.constant 0 : i32
      %sign3A_165 = arith.cmpi slt, %mul3A_160, %sign3A_164 : i32
      %sign3A_166 = arith.extui %sign3A_165 : i1 to i32
      %sign3A_167 = arith.subi %sign3A_163, %sign3A_166 : i32
      %sign3A_168 = arith.constant 0 : i32
      %sign3A_169 = arith.cmpi sgt, %jit3A, %sign3A_168 : i32
      %sign3A_170 = arith.extui %sign3A_169 : i1 to i32
      %sign3A_171 = arith.constant 0 : i32
      %sign3A_172 = arith.cmpi slt, %jit3A, %sign3A_171 : i32
      %sign3A_173 = arith.extui %sign3A_172 : i1 to i32
      %sign3A_174 = arith.subi %sign3A_170, %sign3A_173 : i32
      %ne3A = arith.cmpi ne, %sign3A_167, %sign3A_174 : i32
      %rem3A = arith.remsi %mul3A_160, %jit3A : i32
      %ne3A_175 = arith.constant 0 : i32
      %ne3A_176 = arith.cmpi ne, %rem3A, %ne3A_175 : i32
      %and3A = arith.andi %ne3A, %ne3A_176 : i1
      %sub3A = arith.constant 1 : i32
      %sub3A_177 = arith.subi %div3A, %sub3A : i32
      %select_n3A = arith.select %and3A, %sub3A_177, %div3A : i32
      %mul3A_178 = arith.constant 5 : i32
      %mul3A_179 = arith.muli %select_n3A, %mul3A_178 : i32
      %sub3A_180 = arith.subi %mul3A_160, %mul3A_179 : i32
      %sub3A_181 = arith.constant 1 : i32
      %sub3A_182 = arith.subi %mul3A_160, %sub3A_181 : i32
      %jit3A_183 = arith.constant 5 : i32
      %div3A_184 = arith.divsi %sub3A_182, %jit3A_183 : i32
      %sign3A_185 = arith.constant 0 : i32
      %sign3A_186 = arith.cmpi sgt, %sub3A_182, %sign3A_185 : i32
      %sign3A_187 = arith.extui %sign3A_186 : i1 to i32
      %sign3A_188 = arith.constant 0 : i32
      %sign3A_189 = arith.cmpi slt, %sub3A_182, %sign3A_188 : i32
      %sign3A_190 = arith.extui %sign3A_189 : i1 to i32
      %sign3A_191 = arith.subi %sign3A_187, %sign3A_190 : i32
      %sign3A_192 = arith.constant 0 : i32
      %sign3A_193 = arith.cmpi sgt, %jit3A_183, %sign3A_192 : i32
      %sign3A_194 = arith.extui %sign3A_193 : i1 to i32
      %sign3A_195 = arith.constant 0 : i32
      %sign3A_196 = arith.cmpi slt, %jit3A_183, %sign3A_195 : i32
      %sign3A_197 = arith.extui %sign3A_196 : i1 to i32
      %sign3A_198 = arith.subi %sign3A_194, %sign3A_197 : i32
      %ne3A_199 = arith.cmpi ne, %sign3A_191, %sign3A_198 : i32
      %rem3A_200 = arith.remsi %sub3A_182, %jit3A_183 : i32
      %ne3A_201 = arith.constant 0 : i32
      %ne3A_202 = arith.cmpi ne, %rem3A_200, %ne3A_201 : i32
      %and3A_203 = arith.andi %ne3A_199, %ne3A_202 : i1
      %sub3A_204 = arith.constant 1 : i32
      %sub3A_205 = arith.subi %div3A_184, %sub3A_204 : i32
      %select_n3A_206 = arith.select %and3A_203, %sub3A_205, %div3A_184 : i32
      %mul3A_207 = arith.constant 5 : i32
      %mul3A_208 = arith.muli %select_n3A_206, %mul3A_207 : i32
      %sub3A_209 = arith.subi %sub3A_182, %mul3A_208 : i32
      %convert_element_type3A = arith.extui %gt3A_161 : i1 to i32
      %cond3A = arith.constant 0 : i32
      %cond3A_210 = arith.cmpi ne, %convert_element_type3A, %cond3A : i32
      scf.if %cond3A_210 {
        %dma_wait3A_396 = arith.constant 0 : i32
        %dma_wait3A_397 = arith.constant 0 : i32
        %dma_wait3A_398 = tpu.memref_slice %arg9[%dma_wait3A_396, %sub3A_209, %dma_wait3A_397] : memref<2x5x80xi32, #tpu.memory_space<vmem>> -> memref<1x1x80xi32, #tpu.memory_space<vmem>>
        %dma_wait3A_399 = tpu.memref_squeeze %dma_wait3A_398 : memref<1x1x80xi32, #tpu.memory_space<vmem>> -> memref<80xi32, #tpu.memory_space<vmem>>
        %dma_wait3A_400 = arith.constant 0 : i32
        %dma_wait3A_401 = arith.constant 0 : i32
        %dma_wait3A_402 = tpu.memref_slice %arg24[%dma_wait3A_400, %dma_wait3A_401] : memref<10000x64xf32, #tpu.memory_space<vmem_shared>> -> memref<10000x64xf32, #tpu.memory_space<vmem_shared>>
        tpu.wait_indirect_dma semaphore(%arg30 : memref<!tpu.dma_semaphore, #tpu.memory_space<semaphore_mem>>) src(%arg12 : memref<80x64xf32, #tpu.memory_space<vmem>>) dst(%dma_wait3A_402 : memref<10000x64xf32, #tpu.memory_space<vmem_shared>>)
        %dma_wait3A_403 = arith.constant 1 : i32
        %dma_wait3A_404 = arith.constant 0 : i32
        %dma_wait3A_405 = tpu.memref_slice %arg9[%dma_wait3A_403, %sub3A_209, %dma_wait3A_404] : memref<2x5x80xi32, #tpu.memory_space<vmem>> -> memref<1x1x80xi32, #tpu.memory_space<vmem>>
        %dma_wait3A_406 = tpu.memref_squeeze %dma_wait3A_405 : memref<1x1x80xi32, #tpu.memory_space<vmem>> -> memref<80xi32, #tpu.memory_space<vmem>>
        %dma_wait3A_407 = arith.constant 0 : i32
        %dma_wait3A_408 = arith.constant 0 : i32
        %dma_wait3A_409 = tpu.memref_slice %arg24[%dma_wait3A_407, %dma_wait3A_408] : memref<10000x64xf32, #tpu.memory_space<vmem_shared>> -> memref<10000x64xf32, #tpu.memory_space<vmem_shared>>
        tpu.wait_indirect_dma semaphore(%arg30 : memref<!tpu.dma_semaphore, #tpu.memory_space<semaphore_mem>>) src(%arg14 : memref<80x64xf32, #tpu.memory_space<vmem>>) dst(%dma_wait3A_409 : memref<10000x64xf32, #tpu.memory_space<vmem_shared>>)
      } else {
      }
      %eq3A = arith.constant 0 : i32
      %eq3A_211 = arith.cmpi eq, %sub3A_180, %eq3A : i32
      %convert_element_type3A_212 = arith.extui %eq3A_211 : i1 to i32
      %cond3A_213 = arith.constant 0 : i32
      %cond3A_214 = arith.cmpi ne, %convert_element_type3A_212, %cond3A_213 : i32
      scf.if %cond3A_214 {
        %jit3A_396 = arith.constant 5 : i32
        %div3A_397 = arith.divsi %mul3A_160, %jit3A_396 : i32
        %sign3A_398 = arith.constant 0 : i32
        %sign3A_399 = arith.cmpi sgt, %mul3A_160, %sign3A_398 : i32
        %sign3A_400 = arith.extui %sign3A_399 : i1 to i32
        %sign3A_401 = arith.constant 0 : i32
        %sign3A_402 = arith.cmpi slt, %mul3A_160, %sign3A_401 : i32
        %sign3A_403 = arith.extui %sign3A_402 : i1 to i32
        %sign3A_404 = arith.subi %sign3A_400, %sign3A_403 : i32
        %sign3A_405 = arith.constant 0 : i32
        %sign3A_406 = arith.cmpi sgt, %jit3A_396, %sign3A_405 : i32
        %sign3A_407 = arith.extui %sign3A_406 : i1 to i32
        %sign3A_408 = arith.constant 0 : i32
        %sign3A_409 = arith.cmpi slt, %jit3A_396, %sign3A_408 : i32
        %sign3A_410 = arith.extui %sign3A_409 : i1 to i32
        %sign3A_411 = arith.subi %sign3A_407, %sign3A_410 : i32
        %ne3A_412 = arith.cmpi ne, %sign3A_404, %sign3A_411 : i32
        %rem3A_413 = arith.remsi %mul3A_160, %jit3A_396 : i32
        %ne3A_414 = arith.constant 0 : i32
        %ne3A_415 = arith.cmpi ne, %rem3A_413, %ne3A_414 : i32
        %and3A_416 = arith.andi %ne3A_412, %ne3A_415 : i1
        %sub3A_417 = arith.constant 1 : i32
        %sub3A_418 = arith.subi %div3A_397, %sub3A_417 : i32
        %select_n3A_419 = arith.select %and3A_416, %sub3A_418, %div3A_397 : i32
        %mul3A_420 = arith.constant 50 : i32
        %mul3A_421 = arith.muli %arg1, %mul3A_420 : i32
        %add3A_422 = arith.addi %mul3A_421, %select_n3A_419 : i32
        %mul3A_423 = arith.constant 5 : i32
        %mul3A_424 = arith.muli %add3A_422, %mul3A_423 : i32
        "tpu.region"() ({
          %run_scoped3A = tpu.sem_alloc : memref<!tpu.dma_semaphore, #tpu.memory_space<semaphore_mem>>
          %dma_start3A_449 = arith.constant 0 : i32
          %dma_start3A_450 = arith.constant 0 : i32
          %dma_start3A_451 = tpu.memref_slice %arg5[%dma_start3A_449, %mul3A_424, %dma_start3A_450] : memref<2x4000x80xi32, #tpu.memory_space<hbm>> -> memref<2x5x80xi32, #tpu.memory_space<hbm>>
          %dma_start3A_452 = arith.constant 0 : i32
          %dma_start3A_453 = arith.constant 0 : i32
          %dma_start3A_454 = tpu.memref_slice %arg5[%dma_start3A_452, %mul3A_424, %dma_start3A_453] : memref<2x4000x80xi32, #tpu.memory_space<hbm>> -> memref<2x5x80xi32, #tpu.memory_space<hbm>>
          tpu.enqueue_dma source(%dma_start3A_454 : memref<2x5x80xi32, #tpu.memory_space<hbm>>) target(%arg9 : memref<2x5x80xi32, #tpu.memory_space<vmem>>) target_semaphore(%run_scoped3A : memref<!tpu.dma_semaphore, #tpu.memory_space<semaphore_mem>>)
          %dma_wait3A_455 = arith.constant 0 : i32
          %dma_wait3A_456 = arith.constant 0 : i32
          %dma_wait3A_457 = tpu.memref_slice %arg5[%dma_wait3A_455, %mul3A_424, %dma_wait3A_456] : memref<2x4000x80xi32, #tpu.memory_space<hbm>> -> memref<2x5x80xi32, #tpu.memory_space<hbm>>
          %dma_wait3A_458 = arith.constant 0 : i32
          %dma_wait3A_459 = arith.constant 0 : i32
          %dma_wait3A_460 = tpu.memref_slice %arg5[%dma_wait3A_458, %mul3A_424, %dma_wait3A_459] : memref<2x4000x80xi32, #tpu.memory_space<hbm>> -> memref<2x5x80xi32, #tpu.memory_space<hbm>>
          tpu.wait_dma2 semaphore(%run_scoped3A : memref<!tpu.dma_semaphore, #tpu.memory_space<semaphore_mem>>) src(%dma_wait3A_460 : memref<2x5x80xi32, #tpu.memory_space<hbm>>) dst(%arg9 : memref<2x5x80xi32, #tpu.memory_space<vmem>>)
          tpu.yield
        }) : () -> ()
        "tpu.region"() ({
          %run_scoped3A = tpu.sem_alloc : memref<!tpu.dma_semaphore, #tpu.memory_space<semaphore_mem>>
          %dma_start3A_449 = arith.constant 0 : i32
          %dma_start3A_450 = tpu.memref_slice %arg6[%mul3A_424, %dma_start3A_449] : memref<4000x80xf32, #tpu.memory_space<hbm>> -> memref<5x80xf32, #tpu.memory_space<hbm>>
          %dma_start3A_451 = arith.constant 0 : i32
          %dma_start3A_452 = tpu.memref_slice %arg6[%mul3A_424, %dma_start3A_451] : memref<4000x80xf32, #tpu.memory_space<hbm>> -> memref<5x80xf32, #tpu.memory_space<hbm>>
          tpu.enqueue_dma source(%dma_start3A_452 : memref<5x80xf32, #tpu.memory_space<hbm>>) target(%arg10 : memref<5x80xf32, #tpu.memory_space<vmem>>) target_semaphore(%run_scoped3A : memref<!tpu.dma_semaphore, #tpu.memory_space<semaphore_mem>>)
          %dma_wait3A_453 = arith.constant 0 : i32
          %dma_wait3A_454 = tpu.memref_slice %arg6[%mul3A_424, %dma_wait3A_453] : memref<4000x80xf32, #tpu.memory_space<hbm>> -> memref<5x80xf32, #tpu.memory_space<hbm>>
          %dma_wait3A_455 = arith.constant 0 : i32
          %dma_wait3A_456 = tpu.memref_slice %arg6[%mul3A_424, %dma_wait3A_455] : memref<4000x80xf32, #tpu.memory_space<hbm>> -> memref<5x80xf32, #tpu.memory_space<hbm>>
          tpu.wait_dma2 semaphore(%run_scoped3A : memref<!tpu.dma_semaphore, #tpu.memory_space<semaphore_mem>>) src(%dma_wait3A_456 : memref<5x80xf32, #tpu.memory_space<hbm>>) dst(%arg10 : memref<5x80xf32, #tpu.memory_space<vmem>>)
          tpu.yield
        }) : () -> ()
        %dma_start3A_425 = arith.constant 0 : i32
        %dma_start3A_426 = arith.constant 0 : i32
        %dma_start3A_427 = arith.constant 0 : i32
        %dma_start3A_428 = tpu.memref_slice %arg9[%dma_start3A_425, %dma_start3A_426, %dma_start3A_427] : memref<2x5x80xi32, #tpu.memory_space<vmem>> -> memref<1x1x80xi32, #tpu.memory_space<vmem>>
        %dma_start3A_429 = tpu.memref_squeeze %dma_start3A_428 : memref<1x1x80xi32, #tpu.memory_space<vmem>> -> memref<80xi32, #tpu.memory_space<vmem>>
        %dma_start3A_430 = arith.constant 0 : i32
        %dma_start3A_431 = arith.constant 0 : i32
        %dma_start3A_432 = tpu.memref_slice %arg23[%dma_start3A_430, %dma_start3A_431] : memref<10000x64xf32, #tpu.memory_space<vmem_shared>> -> memref<10000x64xf32, #tpu.memory_space<vmem_shared>>
        tpu.enqueue_indirect_dma source(%dma_start3A_432 : memref<10000x64xf32, #tpu.memory_space<vmem_shared>>) target(%arg11 : memref<80x64xf32, #tpu.memory_space<vmem>>) offsets(%dma_start3A_429 : memref<80xi32, #tpu.memory_space<vmem>>) semaphore(%arg27 : memref<!tpu.dma_semaphore, #tpu.memory_space<semaphore_mem>>)
        %dma_start3A_433 = arith.constant 1 : i32
        %dma_start3A_434 = arith.constant 0 : i32
        %dma_start3A_435 = arith.constant 0 : i32
        %dma_start3A_436 = tpu.memref_slice %arg9[%dma_start3A_433, %dma_start3A_434, %dma_start3A_435] : memref<2x5x80xi32, #tpu.memory_space<vmem>> -> memref<1x1x80xi32, #tpu.memory_space<vmem>>
        %dma_start3A_437 = tpu.memref_squeeze %dma_start3A_436 : memref<1x1x80xi32, #tpu.memory_space<vmem>> -> memref<80xi32, #tpu.memory_space<vmem>>
        %dma_start3A_438 = arith.constant 0 : i32
        %dma_start3A_439 = arith.constant 0 : i32
        %dma_start3A_440 = tpu.memref_slice %arg23[%dma_start3A_438, %dma_start3A_439] : memref<10000x64xf32, #tpu.memory_space<vmem_shared>> -> memref<10000x64xf32, #tpu.memory_space<vmem_shared>>
        tpu.enqueue_indirect_dma source(%dma_start3A_440 : memref<10000x64xf32, #tpu.memory_space<vmem_shared>>) target(%arg13 : memref<80x64xf32, #tpu.memory_space<vmem>>) offsets(%dma_start3A_437 : memref<80xi32, #tpu.memory_space<vmem>>) semaphore(%arg27 : memref<!tpu.dma_semaphore, #tpu.memory_space<semaphore_mem>>)
        %dma_start3A_441 = arith.constant 0 : i32
        %dma_start3A_442 = arith.constant 0 : i32
        %dma_start3A_443 = arith.constant 0 : i32
        %dma_start3A_444 = tpu.memref_slice %arg9[%dma_start3A_441, %dma_start3A_442, %dma_start3A_443] : memref<2x5x80xi32, #tpu.memory_space<vmem>> -> memref<1x1x80xi32, #tpu.memory_space<vmem>>
        %dma_start3A_445 = tpu.memref_squeeze %dma_start3A_444 : memref<1x1x80xi32, #tpu.memory_space<vmem>> -> memref<80xi32, #tpu.memory_space<vmem>>
        %dma_start3A_446 = arith.constant 0 : i32
        %dma_start3A_447 = arith.constant 0 : i32
        %dma_start3A_448 = tpu.memref_slice %arg26[%dma_start3A_446, %dma_start3A_447] : memref<10000x16xf32, #tpu.memory_space<vmem_shared>> -> memref<10000x16xf32, #tpu.memory_space<vmem_shared>>
        tpu.enqueue_indirect_dma source(%dma_start3A_448 : memref<10000x16xf32, #tpu.memory_space<vmem_shared>>) target(%arg15 : memref<80x16xf32, #tpu.memory_space<vmem>>) offsets(%dma_start3A_445 : memref<80xi32, #tpu.memory_space<vmem>>) semaphore(%arg27 : memref<!tpu.dma_semaphore, #tpu.memory_space<semaphore_mem>>)
      } else {
      }
      %lt3A = arith.constant 4 : i32
      %lt3A_215 = arith.cmpi slt, %sub3A_180, %lt3A : i32
      %add3A = arith.constant 1 : i32
      %add3A_216 = arith.addi %mul3A_160, %add3A : i32
      %lt3A_217 = arith.constant 250 : i32
      %lt3A_218 = arith.cmpi slt, %add3A_216, %lt3A_217 : i32
      %and3A_219 = arith.andi %lt3A_215, %lt3A_218 : i1
      %convert_element_type3A_220 = arith.extui %and3A_219 : i1 to i32
      %cond3A_221 = arith.constant 0 : i32
      %cond3A_222 = arith.cmpi ne, %convert_element_type3A_220, %cond3A_221 : i32
      scf.if %cond3A_222 {
        %add3A_396 = arith.constant 1 : i32
        %add3A_397 = arith.addi %sub3A_180, %add3A_396 : i32
        %dma_start3A_398 = arith.constant 0 : i32
        %dma_start3A_399 = arith.constant 0 : i32
        %dma_start3A_400 = tpu.memref_slice %arg9[%dma_start3A_398, %add3A_397, %dma_start3A_399] : memref<2x5x80xi32, #tpu.memory_space<vmem>> -> memref<1x1x80xi32, #tpu.memory_space<vmem>>
        %dma_start3A_401 = tpu.memref_squeeze %dma_start3A_400 : memref<1x1x80xi32, #tpu.memory_space<vmem>> -> memref<80xi32, #tpu.memory_space<vmem>>
        %dma_start3A_402 = arith.constant 0 : i32
        %dma_start3A_403 = arith.constant 0 : i32
        %dma_start3A_404 = tpu.memref_slice %arg23[%dma_start3A_402, %dma_start3A_403] : memref<10000x64xf32, #tpu.memory_space<vmem_shared>> -> memref<10000x64xf32, #tpu.memory_space<vmem_shared>>
        tpu.enqueue_indirect_dma source(%dma_start3A_404 : memref<10000x64xf32, #tpu.memory_space<vmem_shared>>) target(%arg12 : memref<80x64xf32, #tpu.memory_space<vmem>>) offsets(%dma_start3A_401 : memref<80xi32, #tpu.memory_space<vmem>>) semaphore(%arg28 : memref<!tpu.dma_semaphore, #tpu.memory_space<semaphore_mem>>)
        %dma_start3A_405 = arith.constant 1 : i32
        %dma_start3A_406 = arith.constant 0 : i32
        %dma_start3A_407 = tpu.memref_slice %arg9[%dma_start3A_405, %add3A_397, %dma_start3A_406] : memref<2x5x80xi32, #tpu.memory_space<vmem>> -> memref<1x1x80xi32, #tpu.memory_space<vmem>>
        %dma_start3A_408 = tpu.memref_squeeze %dma_start3A_407 : memref<1x1x80xi32, #tpu.memory_space<vmem>> -> memref<80xi32, #tpu.memory_space<vmem>>
        %dma_start3A_409 = arith.constant 0 : i32
        %dma_start3A_410 = arith.constant 0 : i32
        %dma_start3A_411 = tpu.memref_slice %arg23[%dma_start3A_409, %dma_start3A_410] : memref<10000x64xf32, #tpu.memory_space<vmem_shared>> -> memref<10000x64xf32, #tpu.memory_space<vmem_shared>>
        tpu.enqueue_indirect_dma source(%dma_start3A_411 : memref<10000x64xf32, #tpu.memory_space<vmem_shared>>) target(%arg14 : memref<80x64xf32, #tpu.memory_space<vmem>>) offsets(%dma_start3A_408 : memref<80xi32, #tpu.memory_space<vmem>>) semaphore(%arg28 : memref<!tpu.dma_semaphore, #tpu.memory_space<semaphore_mem>>)
        %dma_start3A_412 = arith.constant 0 : i32
        %dma_start3A_413 = arith.constant 0 : i32
        %dma_start3A_414 = tpu.memref_slice %arg9[%dma_start3A_412, %add3A_397, %dma_start3A_413] : memref<2x5x80xi32, #tpu.memory_space<vmem>> -> memref<1x1x80xi32, #tpu.memory_space<vmem>>
        %dma_start3A_415 = tpu.memref_squeeze %dma_start3A_414 : memref<1x1x80xi32, #tpu.memory_space<vmem>> -> memref<80xi32, #tpu.memory_space<vmem>>
        %dma_start3A_416 = arith.constant 0 : i32
        %dma_start3A_417 = arith.constant 0 : i32
        %dma_start3A_418 = tpu.memref_slice %arg26[%dma_start3A_416, %dma_start3A_417] : memref<10000x16xf32, #tpu.memory_space<vmem_shared>> -> memref<10000x16xf32, #tpu.memory_space<vmem_shared>>
        tpu.enqueue_indirect_dma source(%dma_start3A_418 : memref<10000x16xf32, #tpu.memory_space<vmem_shared>>) target(%arg16 : memref<80x16xf32, #tpu.memory_space<vmem>>) offsets(%dma_start3A_415 : memref<80xi32, #tpu.memory_space<vmem>>) semaphore(%arg28 : memref<!tpu.dma_semaphore, #tpu.memory_space<semaphore_mem>>)
      } else {
      }
      %dma_wait3A_223 = arith.constant 0 : i32
      %dma_wait3A_224 = arith.constant 0 : i32
      %dma_wait3A_225 = tpu.memref_slice %arg9[%dma_wait3A_223, %sub3A_180, %dma_wait3A_224] : memref<2x5x80xi32, #tpu.memory_space<vmem>> -> memref<1x1x80xi32, #tpu.memory_space<vmem>>
      %dma_wait3A_226 = tpu.memref_squeeze %dma_wait3A_225 : memref<1x1x80xi32, #tpu.memory_space<vmem>> -> memref<80xi32, #tpu.memory_space<vmem>>
      %dma_wait3A_227 = arith.constant 0 : i32
      %dma_wait3A_228 = arith.constant 0 : i32
      %dma_wait3A_229 = tpu.memref_slice %arg23[%dma_wait3A_227, %dma_wait3A_228] : memref<10000x64xf32, #tpu.memory_space<vmem_shared>> -> memref<10000x64xf32, #tpu.memory_space<vmem_shared>>
      tpu.wait_indirect_dma semaphore(%arg27 : memref<!tpu.dma_semaphore, #tpu.memory_space<semaphore_mem>>) src(%dma_wait3A_229 : memref<10000x64xf32, #tpu.memory_space<vmem_shared>>) dst(%arg11 : memref<80x64xf32, #tpu.memory_space<vmem>>)
      %dma_wait3A_230 = arith.constant 1 : i32
      %dma_wait3A_231 = arith.constant 0 : i32
      %dma_wait3A_232 = tpu.memref_slice %arg9[%dma_wait3A_230, %sub3A_180, %dma_wait3A_231] : memref<2x5x80xi32, #tpu.memory_space<vmem>> -> memref<1x1x80xi32, #tpu.memory_space<vmem>>
      %dma_wait3A_233 = tpu.memref_squeeze %dma_wait3A_232 : memref<1x1x80xi32, #tpu.memory_space<vmem>> -> memref<80xi32, #tpu.memory_space<vmem>>
      %dma_wait3A_234 = arith.constant 0 : i32
      %dma_wait3A_235 = arith.constant 0 : i32
      %dma_wait3A_236 = tpu.memref_slice %arg23[%dma_wait3A_234, %dma_wait3A_235] : memref<10000x64xf32, #tpu.memory_space<vmem_shared>> -> memref<10000x64xf32, #tpu.memory_space<vmem_shared>>
      tpu.wait_indirect_dma semaphore(%arg27 : memref<!tpu.dma_semaphore, #tpu.memory_space<semaphore_mem>>) src(%dma_wait3A_236 : memref<10000x64xf32, #tpu.memory_space<vmem_shared>>) dst(%arg13 : memref<80x64xf32, #tpu.memory_space<vmem>>)
      %dma_wait3A_237 = arith.constant 0 : i32
      %dma_wait3A_238 = arith.constant 0 : i32
      %dma_wait3A_239 = tpu.memref_slice %arg9[%dma_wait3A_237, %sub3A_180, %dma_wait3A_238] : memref<2x5x80xi32, #tpu.memory_space<vmem>> -> memref<1x1x80xi32, #tpu.memory_space<vmem>>
      %dma_wait3A_240 = tpu.memref_squeeze %dma_wait3A_239 : memref<1x1x80xi32, #tpu.memory_space<vmem>> -> memref<80xi32, #tpu.memory_space<vmem>>
      %dma_wait3A_241 = arith.constant 0 : i32
      %dma_wait3A_242 = arith.constant 0 : i32
      %dma_wait3A_243 = tpu.memref_slice %arg26[%dma_wait3A_241, %dma_wait3A_242] : memref<10000x16xf32, #tpu.memory_space<vmem_shared>> -> memref<10000x16xf32, #tpu.memory_space<vmem_shared>>
      tpu.wait_indirect_dma semaphore(%arg27 : memref<!tpu.dma_semaphore, #tpu.memory_space<semaphore_mem>>) src(%dma_wait3A_243 : memref<10000x16xf32, #tpu.memory_space<vmem_shared>>) dst(%arg15 : memref<80x16xf32, #tpu.memory_space<vmem>>)
      %scan3A_244 = arith.constant 0 : i32
      %scan3A_245 = arith.constant 0 : i32
      %scan3A_246 = arith.constant 5 : i32
      %scan3A_247 = arith.addi %scan3A_245, %scan3A_246 : i32
      %scan3A_248 = arith.constant 1 : i32
      %scan3A_249 = scf.for %scan3A_396 = %scan3A_245 to %scan3A_247 step %scan3A_248 iter_args(%scan3A_397 = %scan3A_244) -> (i32)  : i32 {
        %mul3A_398 = arith.constant 16 : i32
        %mul3A_399 = arith.muli %scan3A_396, %mul3A_398 : i32
        %get3A = arith.index_cast %sub3A_180 : i32 to index
        %get3A_400 = arith.index_cast %mul3A_399 : i32 to index
        %get3A_401 = tpu.vector_load %arg10[%get3A, %get3A_400] {strides = array<i32>} : memref<5x80xf32, #tpu.memory_space<vmem>>, vector<16xf32>,
        %mul3A_402 = arith.constant 16 : i32
        %mul3A_403 = arith.muli %scan3A_396, %mul3A_402 : i32
        %add3A_404 = vector.broadcast %mul3A_403 : i32 to vector<16xi32>
        %add3A_405 = arith.addi %add3A_404, %iota3A : vector<16xi32>
        %broadcast_in_dim3A_406 = arith.constant 0 : i32
        %broadcast_in_dim3A_407 = vector.broadcast %broadcast_in_dim3A_406 : i32 to vector<16xi32>
        %gather3A = tpu.vector_load_idx %arg15[%add3A_405, %broadcast_in_dim3A_407] : memref<80x16xf32, #tpu.memory_space<vmem>>[vector<16xi32>, vector<16xi32>], vector<16xf32>,
        %mul3A_408 = arith.mulf %get3A_401, %gather3A : vector<16xf32>
        %broadcast_in_dim3A_409 = arith.constant 8 : i32
        %broadcast_in_dim3A_410 = vector.broadcast %broadcast_in_dim3A_409 : i32 to vector<16xi32>
        %gather3A_411 = tpu.vector_load_idx %arg15[%add3A_405, %broadcast_in_dim3A_410] : memref<80x16xf32, #tpu.memory_space<vmem>>[vector<16xi32>, vector<16xi32>], vector<16xf32>,
        %mul3A_412 = arith.mulf %get3A_401, %gather3A_411 : vector<16xf32>
        %mul3A_413 = arith.constant 16 : i32
        %mul3A_414 = arith.muli %scan3A_396, %mul3A_413 : i32
        %add3A_415 = arith.constant 0 : i32
        %add3A_416 = arith.addi %mul3A_414, %add3A_415 : i32
        %slice3A = vector.extract_strided_slice %mul3A_408 {offsets = [0], sizes = [1], strides = [1]} : vector<16xf32> to vector<1xf32>
        %squeeze3A = vector.extract %slice3A[0] : f32 from vector<1xf32>
        %broadcast_in_dim3A_417 = vector.broadcast %squeeze3A : f32 to vector<16xf32>
        %slice3A_418 = vector.extract_strided_slice %mul3A_412 {offsets = [0], sizes = [1], strides = [1]} : vector<16xf32> to vector<1xf32>
        %squeeze3A_419 = vector.extract %slice3A_418[0] : f32 from vector<1xf32>
        %broadcast_in_dim3A_420 = vector.broadcast %squeeze3A_419 : f32 to vector<16xf32>
        %get3A_421 = arith.index_cast %add3A_416 : i32 to index
        %get3A_422 = arith.constant 0 : index
        %get3A_423 = tpu.vector_load %arg13[%get3A_421, %get3A_422] {strides = array<i32>} : memref<80x64xf32, #tpu.memory_space<vmem>>, vector<16xf32>,
        %get3A_424 = arith.index_cast %add3A_416 : i32 to index
        %get3A_425 = arith.constant 0 : index
        %get3A_426 = tpu.vector_load %arg11[%get3A_424, %get3A_425] {strides = array<i32>} : memref<80x64xf32, #tpu.memory_space<vmem>>, vector<16xf32>,
        %sub3A_427 = arith.subf %get3A_423, %get3A_426 : vector<16xf32>
        %mul3A_428 = arith.mulf %broadcast_in_dim3A_417, %sub3A_427 : vector<16xf32>
        %swap3A = arith.index_cast %add3A_416 : i32 to index
        %swap3A_429 = arith.constant 0 : index
        %swap3A_430 = tpu.vector_load %arg11[%swap3A, %swap3A_429] {strides = array<i32>} : memref<80x64xf32, #tpu.memory_space<vmem>>, vector<16xf32>,
        tpu.vector_store %arg11[%swap3A, %swap3A_429], %mul3A_428 {strides = array<i32>} : memref<80x64xf32, #tpu.memory_space<vmem>>, vector<16xf32>,
        %mul3A_431 = arith.mulf %broadcast_in_dim3A_420, %sub3A_427 : vector<16xf32>
        %swap3A_432 = arith.index_cast %add3A_416 : i32 to index
        %swap3A_433 = arith.constant 0 : index
        %swap3A_434 = tpu.vector_load %arg13[%swap3A_432, %swap3A_433] {strides = array<i32>} : memref<80x64xf32, #tpu.memory_space<vmem>>, vector<16xf32>,
        tpu.vector_store %arg13[%swap3A_432, %swap3A_433], %mul3A_431 {strides = array<i32>} : memref<80x64xf32, #tpu.memory_space<vmem>>, vector<16xf32>,
        %get3A_435 = arith.index_cast %add3A_416 : i32 to index
        %get3A_436 = arith.constant 16 : index
        %get3A_437 = tpu.vector_load %arg13[%get3A_435, %get3A_436] {strides = array<i32>} : memref<80x64xf32, #tpu.memory_space<vmem>>, vector<16xf32>,
        %get3A_438 = arith.index_cast %add3A_416 : i32 to index
        %get3A_439 = arith.constant 16 : index
        %get3A_440 = tpu.vector_load %arg11[%get3A_438, %get3A_439] {strides = array<i32>} : memref<80x64xf32, #tpu.memory_space<vmem>>, vector<16xf32>,
        %sub3A_441 = arith.subf %get3A_437, %get3A_440 : vector<16xf32>
        %mul3A_442 = arith.mulf %broadcast_in_dim3A_417, %sub3A_441 : vector<16xf32>
        %swap3A_443 = arith.index_cast %add3A_416 : i32 to index
        %swap3A_444 = arith.constant 16 : index
        %swap3A_445 = tpu.vector_load %arg11[%swap3A_443, %swap3A_444] {strides = array<i32>} : memref<80x64xf32, #tpu.memory_space<vmem>>, vector<16xf32>,
        tpu.vector_store %arg11[%swap3A_443, %swap3A_444], %mul3A_442 {strides = array<i32>} : memref<80x64xf32, #tpu.memory_space<vmem>>, vector<16xf32>,
        %mul3A_446 = arith.mulf %broadcast_in_dim3A_420, %sub3A_441 : vector<16xf32>
        %swap3A_447 = arith.index_cast %add3A_416 : i32 to index
        %swap3A_448 = arith.constant 16 : index
        %swap3A_449 = tpu.vector_load %arg13[%swap3A_447, %swap3A_448] {strides = array<i32>} : memref<80x64xf32, #tpu.memory_space<vmem>>, vector<16xf32>,
        tpu.vector_store %arg13[%swap3A_447, %swap3A_448], %mul3A_446 {strides = array<i32>} : memref<80x64xf32, #tpu.memory_space<vmem>>, vector<16xf32>,
        %get3A_450 = arith.index_cast %add3A_416 : i32 to index
        %get3A_451 = arith.constant 32 : index
        %get3A_452 = tpu.vector_load %arg13[%get3A_450, %get3A_451] {strides = array<i32>} : memref<80x64xf32, #tpu.memory_space<vmem>>, vector<16xf32>,
        %get3A_453 = arith.index_cast %add3A_416 : i32 to index
        %get3A_454 = arith.constant 32 : index
        %get3A_455 = tpu.vector_load %arg11[%get3A_453, %get3A_454] {strides = array<i32>} : memref<80x64xf32, #tpu.memory_space<vmem>>, vector<16xf32>,
        %sub3A_456 = arith.subf %get3A_452, %get3A_455 : vector<16xf32>
        %mul3A_457 = arith.mulf %broadcast_in_dim3A_417, %sub3A_456 : vector<16xf32>
        %swap3A_458 = arith.index_cast %add3A_416 : i32 to index
        %swap3A_459 = arith.constant 32 : index
        %swap3A_460 = tpu.vector_load %arg11[%swap3A_458, %swap3A_459] {strides = array<i32>} : memref<80x64xf32, #tpu.memory_space<vmem>>, vector<16xf32>,
        tpu.vector_store %arg11[%swap3A_458, %swap3A_459], %mul3A_457 {strides = array<i32>} : memref<80x64xf32, #tpu.memory_space<vmem>>, vector<16xf32>,
        %mul3A_461 = arith.mulf %broadcast_in_dim3A_420, %sub3A_456 : vector<16xf32>
        %swap3A_462 = arith.index_cast %add3A_416 : i32 to index
        %swap3A_463 = arith.constant 32 : index
        %swap3A_464 = tpu.vector_load %arg13[%swap3A_462, %swap3A_463] {strides = array<i32>} : memref<80x64xf32, #tpu.memory_space<vmem>>, vector<16xf32>,
        tpu.vector_store %arg13[%swap3A_462, %swap3A_463], %mul3A_461 {strides = array<i32>} : memref<80x64xf32, #tpu.memory_space<vmem>>, vector<16xf32>,
        %get3A_465 = arith.index_cast %add3A_416 : i32 to index
        %get3A_466 = arith.constant 48 : index
        %get3A_467 = tpu.vector_load %arg13[%get3A_465, %get3A_466] {strides = array<i32>} : memref<80x64xf32, #tpu.memory_space<vmem>>, vector<16xf32>,
        %get3A_468 = arith.index_cast %add3A_416 : i32 to index
        %get3A_469 = arith.constant 48 : index
        %get3A_470 = tpu.vector_load %arg11[%get3A_468, %get3A_469] {strides = array<i32>} : memref<80x64xf32, #tpu.memory_space<vmem>>, vector<16xf32>,
        %sub3A_471 = arith.subf %get3A_467, %get3A_470 : vector<16xf32>
        %mul3A_472 = arith.mulf %broadcast_in_dim3A_417, %sub3A_471 : vector<16xf32>
        %swap3A_473 = arith.index_cast %add3A_416 : i32 to index
        %swap3A_474 = arith.constant 48 : index
        %swap3A_475 = tpu.vector_load %arg11[%swap3A_473, %swap3A_474] {strides = array<i32>} : memref<80x64xf32, #tpu.memory_space<vmem>>, vector<16xf32>,
        tpu.vector_store %arg11[%swap3A_473, %swap3A_474], %mul3A_472 {strides = array<i32>} : memref<80x64xf32, #tpu.memory_space<vmem>>, vector<16xf32>,
        %mul3A_476 = arith.mulf %broadcast_in_dim3A_420, %sub3A_471 : vector<16xf32>
        %swap3A_477 = arith.index_cast %add3A_416 : i32 to index
        %swap3A_478 = arith.constant 48 : index
        %swap3A_479 = tpu.vector_load %arg13[%swap3A_477, %swap3A_478] {strides = array<i32>} : memref<80x64xf32, #tpu.memory_space<vmem>>, vector<16xf32>,
        tpu.vector_store %arg13[%swap3A_477, %swap3A_478], %mul3A_476 {strides = array<i32>} : memref<80x64xf32, #tpu.memory_space<vmem>>, vector<16xf32>,
        %mul3A_480 = arith.constant 16 : i32
        %mul3A_481 = arith.muli %scan3A_396, %mul3A_480 : i32
        %add3A_482 = arith.constant 1 : i32
        %add3A_483 = arith.addi %mul3A_481, %add3A_482 : i32
        %slice3A_484 = vector.extract_strided_slice %mul3A_408 {offsets = [1], sizes = [1], strides = [1]} : vector<16xf32> to vector<1xf32>
        %squeeze3A_485 = vector.extract %slice3A_484[0] : f32 from vector<1xf32>
        %broadcast_in_dim3A_486 = vector.broadcast %squeeze3A_485 : f32 to vector<16xf32>
        %slice3A_487 = vector.extract_strided_slice %mul3A_412 {offsets = [1], sizes = [1], strides = [1]} : vector<16xf32> to vector<1xf32>
        %squeeze3A_488 = vector.extract %slice3A_487[0] : f32 from vector<1xf32>
        %broadcast_in_dim3A_489 = vector.broadcast %squeeze3A_488 : f32 to vector<16xf32>
        %get3A_490 = arith.index_cast %add3A_483 : i32 to index
        %get3A_491 = arith.constant 0 : index
        %get3A_492 = tpu.vector_load %arg13[%get3A_490, %get3A_491] {strides = array<i32>} : memref<80x64xf32, #tpu.memory_space<vmem>>, vector<16xf32>,
        %get3A_493 = arith.index_cast %add3A_483 : i32 to index
        %get3A_494 = arith.constant 0 : index
        %get3A_495 = tpu.vector_load %arg11[%get3A_493, %get3A_494] {strides = array<i32>} : memref<80x64xf32, #tpu.memory_space<vmem>>, vector<16xf32>,
        %sub3A_496 = arith.subf %get3A_492, %get3A_495 : vector<16xf32>
        %mul3A_497 = arith.mulf %broadcast_in_dim3A_486, %sub3A_496 : vector<16xf32>
        %swap3A_498 = arith.index_cast %add3A_483 : i32 to index
        %swap3A_499 = arith.constant 0 : index
        %swap3A_500 = tpu.vector_load %arg11[%swap3A_498, %swap3A_499] {strides = array<i32>} : memref<80x64xf32, #tpu.memory_space<vmem>>, vector<16xf32>,
        tpu.vector_store %arg11[%swap3A_498, %swap3A_499], %mul3A_497 {strides = array<i32>} : memref<80x64xf32, #tpu.memory_space<vmem>>, vector<16xf32>,
        %mul3A_501 = arith.mulf %broadcast_in_dim3A_489, %sub3A_496 : vector<16xf32>
        %swap3A_502 = arith.index_cast %add3A_483 : i32 to index
        %swap3A_503 = arith.constant 0 : index
        %swap3A_504 = tpu.vector_load %arg13[%swap3A_502, %swap3A_503] {strides = array<i32>} : memref<80x64xf32, #tpu.memory_space<vmem>>, vector<16xf32>,
        tpu.vector_store %arg13[%swap3A_502, %swap3A_503], %mul3A_501 {strides = array<i32>} : memref<80x64xf32, #tpu.memory_space<vmem>>, vector<16xf32>,
        %get3A_505 = arith.index_cast %add3A_483 : i32 to index
        %get3A_506 = arith.constant 16 : index
        %get3A_507 = tpu.vector_load %arg13[%get3A_505, %get3A_506] {strides = array<i32>} : memref<80x64xf32, #tpu.memory_space<vmem>>, vector<16xf32>,
        %get3A_508 = arith.index_cast %add3A_483 : i32 to index
        %get3A_509 = arith.constant 16 : index
        %get3A_510 = tpu.vector_load %arg11[%get3A_508, %get3A_509] {strides = array<i32>} : memref<80x64xf32, #tpu.memory_space<vmem>>, vector<16xf32>,
        %sub3A_511 = arith.subf %get3A_507, %get3A_510 : vector<16xf32>
        %mul3A_512 = arith.mulf %broadcast_in_dim3A_486, %sub3A_511 : vector<16xf32>
        %swap3A_513 = arith.index_cast %add3A_483 : i32 to index
        %swap3A_514 = arith.constant 16 : index
        %swap3A_515 = tpu.vector_load %arg11[%swap3A_513, %swap3A_514] {strides = array<i32>} : memref<80x64xf32, #tpu.memory_space<vmem>>, vector<16xf32>,
        tpu.vector_store %arg11[%swap3A_513, %swap3A_514], %mul3A_512 {strides = array<i32>} : memref<80x64xf32, #tpu.memory_space<vmem>>, vector<16xf32>,
        %mul3A_516 = arith.mulf %broadcast_in_dim3A_489, %sub3A_511 : vector<16xf32>
        %swap3A_517 = arith.index_cast %add3A_483 : i32 to index
        %swap3A_518 = arith.constant 16 : index
        %swap3A_519 = tpu.vector_load %arg13[%swap3A_517, %swap3A_518] {strides = array<i32>} : memref<80x64xf32, #tpu.memory_space<vmem>>, vector<16xf32>,
        tpu.vector_store %arg13[%swap3A_517, %swap3A_518], %mul3A_516 {strides = array<i32>} : memref<80x64xf32, #tpu.memory_space<vmem>>, vector<16xf32>,
        %get3A_520 = arith.index_cast %add3A_483 : i32 to index
        %get3A_521 = arith.constant 32 : index
        %get3A_522 = tpu.vector_load %arg13[%get3A_520, %get3A_521] {strides = array<i32>} : memref<80x64xf32, #tpu.memory_space<vmem>>, vector<16xf32>,
        %get3A_523 = arith.index_cast %add3A_483 : i32 to index
        %get3A_524 = arith.constant 32 : index
        %get3A_525 = tpu.vector_load %arg11[%get3A_523, %get3A_524] {strides = array<i32>} : memref<80x64xf32, #tpu.memory_space<vmem>>, vector<16xf32>,
        %sub3A_526 = arith.subf %get3A_522, %get3A_525 : vector<16xf32>
        %mul3A_527 = arith.mulf %broadcast_in_dim3A_486, %sub3A_526 : vector<16xf32>
        %swap3A_528 = arith.index_cast %add3A_483 : i32 to index
        %swap3A_529 = arith.constant 32 : index
        %swap3A_530 = tpu.vector_load %arg11[%swap3A_528, %swap3A_529] {strides = array<i32>} : memref<80x64xf32, #tpu.memory_space<vmem>>, vector<16xf32>,
        tpu.vector_store %arg11[%swap3A_528, %swap3A_529], %mul3A_527 {strides = array<i32>} : memref<80x64xf32, #tpu.memory_space<vmem>>, vector<16xf32>,
        %mul3A_531 = arith.mulf %broadcast_in_dim3A_489, %sub3A_526 : vector<16xf32>
        %swap3A_532 = arith.index_cast %add3A_483 : i32 to index
        %swap3A_533 = arith.constant 32 : index
        %swap3A_534 = tpu.vector_load %arg13[%swap3A_532, %swap3A_533] {strides = array<i32>} : memref<80x64xf32, #tpu.memory_space<vmem>>, vector<16xf32>,
        tpu.vector_store %arg13[%swap3A_532, %swap3A_533], %mul3A_531 {strides = array<i32>} : memref<80x64xf32, #tpu.memory_space<vmem>>, vector<16xf32>,
        %get3A_535 = arith.index_cast %add3A_483 : i32 to index
        %get3A_536 = arith.constant 48 : index
        %get3A_537 = tpu.vector_load %arg13[%get3A_535, %get3A_536] {strides = array<i32>} : memref<80x64xf32, #tpu.memory_space<vmem>>, vector<16xf32>,
        %get3A_538 = arith.index_cast %add3A_483 : i32 to index
        %get3A_539 = arith.constant 48 : index
        %get3A_540 = tpu.vector_load %arg11[%get3A_538, %get3A_539] {strides = array<i32>} : memref<80x64xf32, #tpu.memory_space<vmem>>, vector<16xf32>,
        %sub3A_541 = arith.subf %get3A_537, %get3A_540 : vector<16xf32>
        %mul3A_542 = arith.mulf %broadcast_in_dim3A_486, %sub3A_541 : vector<16xf32>
        %swap3A_543 = arith.index_cast %add3A_483 : i32 to index
        %swap3A_544 = arith.constant 48 : index
        %swap3A_545 = tpu.vector_load %arg11[%swap3A_543, %swap3A_544] {strides = array<i32>} : memref<80x64xf32, #tpu.memory_space<vmem>>, vector<16xf32>,
        tpu.vector_store %arg11[%swap3A_543, %swap3A_544], %mul3A_542 {strides = array<i32>} : memref<80x64xf32, #tpu.memory_space<vmem>>, vector<16xf32>,
        %mul3A_546 = arith.mulf %broadcast_in_dim3A_489, %sub3A_541 : vector<16xf32>
        %swap3A_547 = arith.index_cast %add3A_483 : i32 to index
        %swap3A_548 = arith.constant 48 : index
        %swap3A_549 = tpu.vector_load %arg13[%swap3A_547, %swap3A_548] {strides = array<i32>} : memref<80x64xf32, #tpu.memory_space<vmem>>, vector<16xf32>,
        tpu.vector_store %arg13[%swap3A_547, %swap3A_548], %mul3A_546 {strides = array<i32>} : memref<80x64xf32, #tpu.memory_space<vmem>>, vector<16xf32>,
        %mul3A_550 = arith.constant 16 : i32
        %mul3A_551 = arith.muli %scan3A_396, %mul3A_550 : i32
        %add3A_552 = arith.constant 2 : i32
        %add3A_553 = arith.addi %mul3A_551, %add3A_552 : i32
        %slice3A_554 = vector.extract_strided_slice %mul3A_408 {offsets = [2], sizes = [1], strides = [1]} : vector<16xf32> to vector<1xf32>
        %squeeze3A_555 = vector.extract %slice3A_554[0] : f32 from vector<1xf32>
        %broadcast_in_dim3A_556 = vector.broadcast %squeeze3A_555 : f32 to vector<16xf32>
        %slice3A_557 = vector.extract_strided_slice %mul3A_412 {offsets = [2], sizes = [1], strides = [1]} : vector<16xf32> to vector<1xf32>
        %squeeze3A_558 = vector.extract %slice3A_557[0] : f32 from vector<1xf32>
        %broadcast_in_dim3A_559 = vector.broadcast %squeeze3A_558 : f32 to vector<16xf32>
        %get3A_560 = arith.index_cast %add3A_553 : i32 to index
        %get3A_561 = arith.constant 0 : index
        %get3A_562 = tpu.vector_load %arg13[%get3A_560, %get3A_561] {strides = array<i32>} : memref<80x64xf32, #tpu.memory_space<vmem>>, vector<16xf32>,
        %get3A_563 = arith.index_cast %add3A_553 : i32 to index
        %get3A_564 = arith.constant 0 : index
        %get3A_565 = tpu.vector_load %arg11[%get3A_563, %get3A_564] {strides = array<i32>} : memref<80x64xf32, #tpu.memory_space<vmem>>, vector<16xf32>,
        %sub3A_566 = arith.subf %get3A_562, %get3A_565 : vector<16xf32>
        %mul3A_567 = arith.mulf %broadcast_in_dim3A_556, %sub3A_566 : vector<16xf32>
        %swap3A_568 = arith.index_cast %add3A_553 : i32 to index
        %swap3A_569 = arith.constant 0 : index
        %swap3A_570 = tpu.vector_load %arg11[%swap3A_568, %swap3A_569] {strides = array<i32>} : memref<80x64xf32, #tpu.memory_space<vmem>>, vector<16xf32>,
        tpu.vector_store %arg11[%swap3A_568, %swap3A_569], %mul3A_567 {strides = array<i32>} : memref<80x64xf32, #tpu.memory_space<vmem>>, vector<16xf32>,
        %mul3A_571 = arith.mulf %broadcast_in_dim3A_559, %sub3A_566 : vector<16xf32>
        %swap3A_572 = arith.index_cast %add3A_553 : i32 to index
        %swap3A_573 = arith.constant 0 : index
        %swap3A_574 = tpu.vector_load %arg13[%swap3A_572, %swap3A_573] {strides = array<i32>} : memref<80x64xf32, #tpu.memory_space<vmem>>, vector<16xf32>,
        tpu.vector_store %arg13[%swap3A_572, %swap3A_573], %mul3A_571 {strides = array<i32>} : memref<80x64xf32, #tpu.memory_space<vmem>>, vector<16xf32>,
        %get3A_575 = arith.index_cast %add3A_553 : i32 to index
        %get3A_576 = arith.constant 16 : index
        %get3A_577 = tpu.vector_load %arg13[%get3A_575, %get3A_576] {strides = array<i32>} : memref<80x64xf32, #tpu.memory_space<vmem>>, vector<16xf32>,
        %get3A_578 = arith.index_cast %add3A_553 : i32 to index
        %get3A_579 = arith.constant 16 : index
        %get3A_580 = tpu.vector_load %arg11[%get3A_578, %get3A_579] {strides = array<i32>} : memref<80x64xf32, #tpu.memory_space<vmem>>, vector<16xf32>,
        %sub3A_581 = arith.subf %get3A_577, %get3A_580 : vector<16xf32>
        %mul3A_582 = arith.mulf %broadcast_in_dim3A_556, %sub3A_581 : vector<16xf32>
        %swap3A_583 = arith.index_cast %add3A_553 : i32 to index
        %swap3A_584 = arith.constant 16 : index
        %swap3A_585 = tpu.vector_load %arg11[%swap3A_583, %swap3A_584] {strides = array<i32>} : memref<80x64xf32, #tpu.memory_space<vmem>>, vector<16xf32>,
        tpu.vector_store %arg11[%swap3A_583, %swap3A_584], %mul3A_582 {strides = array<i32>} : memref<80x64xf32, #tpu.memory_space<vmem>>, vector<16xf32>,
        %mul3A_586 = arith.mulf %broadcast_in_dim3A_559, %sub3A_581 : vector<16xf32>
        %swap3A_587 = arith.index_cast %add3A_553 : i32 to index
        %swap3A_588 = arith.constant 16 : index
        %swap3A_589 = tpu.vector_load %arg13[%swap3A_587, %swap3A_588] {strides = array<i32>} : memref<80x64xf32, #tpu.memory_space<vmem>>, vector<16xf32>,
        tpu.vector_store %arg13[%swap3A_587, %swap3A_588], %mul3A_586 {strides = array<i32>} : memref<80x64xf32, #tpu.memory_space<vmem>>, vector<16xf32>,
        %get3A_590 = arith.index_cast %add3A_553 : i32 to index
        %get3A_591 = arith.constant 32 : index
        %get3A_592 = tpu.vector_load %arg13[%get3A_590, %get3A_591] {strides = array<i32>} : memref<80x64xf32, #tpu.memory_space<vmem>>, vector<16xf32>,
        %get3A_593 = arith.index_cast %add3A_553 : i32 to index
        %get3A_594 = arith.constant 32 : index
        %get3A_595 = tpu.vector_load %arg11[%get3A_593, %get3A_594] {strides = array<i32>} : memref<80x64xf32, #tpu.memory_space<vmem>>, vector<16xf32>,
        %sub3A_596 = arith.subf %get3A_592, %get3A_595 : vector<16xf32>
        %mul3A_597 = arith.mulf %broadcast_in_dim3A_556, %sub3A_596 : vector<16xf32>
        %swap3A_598 = arith.index_cast %add3A_553 : i32 to index
        %swap3A_599 = arith.constant 32 : index
        %swap3A_600 = tpu.vector_load %arg11[%swap3A_598, %swap3A_599] {strides = array<i32>} : memref<80x64xf32, #tpu.memory_space<vmem>>, vector<16xf32>,
        tpu.vector_store %arg11[%swap3A_598, %swap3A_599], %mul3A_597 {strides = array<i32>} : memref<80x64xf32, #tpu.memory_space<vmem>>, vector<16xf32>,
        %mul3A_601 = arith.mulf %broadcast_in_dim3A_559, %sub3A_596 : vector<16xf32>
        %swap3A_602 = arith.index_cast %add3A_553 : i32 to index
        %swap3A_603 = arith.constant 32 : index
        %swap3A_604 = tpu.vector_load %arg13[%swap3A_602, %swap3A_603] {strides = array<i32>} : memref<80x64xf32, #tpu.memory_space<vmem>>, vector<16xf32>,
        tpu.vector_store %arg13[%swap3A_602, %swap3A_603], %mul3A_601 {strides = array<i32>} : memref<80x64xf32, #tpu.memory_space<vmem>>, vector<16xf32>,
        %get3A_605 = arith.index_cast %add3A_553 : i32 to index
        %get3A_606 = arith.constant 48 : index
        %get3A_607 = tpu.vector_load %arg13[%get3A_605, %get3A_606] {strides = array<i32>} : memref<80x64xf32, #tpu.memory_space<vmem>>, vector<16xf32>,
        %get3A_608 = arith.index_cast %add3A_553 : i32 to index
        %get3A_609 = arith.constant 48 : index
        %get3A_610 = tpu.vector_load %arg11[%get3A_608, %get3A_609] {strides = array<i32>} : memref<80x64xf32, #tpu.memory_space<vmem>>, vector<16xf32>,
        %sub3A_611 = arith.subf %get3A_607, %get3A_610 : vector<16xf32>
        %mul3A_612 = arith.mulf %broadcast_in_dim3A_556, %sub3A_611 : vector<16xf32>
        %swap3A_613 = arith.index_cast %add3A_553 : i32 to index
        %swap3A_614 = arith.constant 48 : index
        %swap3A_615 = tpu.vector_load %arg11[%swap3A_613, %swap3A_614] {strides = array<i32>} : memref<80x64xf32, #tpu.memory_space<vmem>>, vector<16xf32>,
        tpu.vector_store %arg11[%swap3A_613, %swap3A_614], %mul3A_612 {strides = array<i32>} : memref<80x64xf32, #tpu.memory_space<vmem>>, vector<16xf32>,
        %mul3A_616 = arith.mulf %broadcast_in_dim3A_559, %sub3A_611 : vector<16xf32>
        %swap3A_617 = arith.index_cast %add3A_553 : i32 to index
        %swap3A_618 = arith.constant 48 : index
        %swap3A_619 = tpu.vector_load %arg13[%swap3A_617, %swap3A_618] {strides = array<i32>} : memref<80x64xf32, #tpu.memory_space<vmem>>, vector<16xf32>,
        tpu.vector_store %arg13[%swap3A_617, %swap3A_618], %mul3A_616 {strides = array<i32>} : memref<80x64xf32, #tpu.memory_space<vmem>>, vector<16xf32>,
        %mul3A_620 = arith.constant 16 : i32
        %mul3A_621 = arith.muli %scan3A_396, %mul3A_620 : i32
        %add3A_622 = arith.constant 3 : i32
        %add3A_623 = arith.addi %mul3A_621, %add3A_622 : i32
        %slice3A_624 = vector.extract_strided_slice %mul3A_408 {offsets = [3], sizes = [1], strides = [1]} : vector<16xf32> to vector<1xf32>
        %squeeze3A_625 = vector.extract %slice3A_624[0] : f32 from vector<1xf32>
        %broadcast_in_dim3A_626 = vector.broadcast %squeeze3A_625 : f32 to vector<16xf32>
        %slice3A_627 = vector.extract_strided_slice %mul3A_412 {offsets = [3], sizes = [1], strides = [1]} : vector<16xf32> to vector<1xf32>
        %squeeze3A_628 = vector.extract %slice3A_627[0] : f32 from vector<1xf32>
        %broadcast_in_dim3A_629 = vector.broadcast %squeeze3A_628 : f32 to vector<16xf32>
        %get3A_630 = arith.index_cast %add3A_623 : i32 to index
        %get3A_631 = arith.constant 0 : index
        %get3A_632 = tpu.vector_load %arg13[%get3A_630, %get3A_631] {strides = array<i32>} : memref<80x64xf32, #tpu.memory_space<vmem>>, vector<16xf32>,
        %get3A_633 = arith.index_cast %add3A_623 : i32 to index
        %get3A_634 = arith.constant 0 : index
        %get3A_635 = tpu.vector_load %arg11[%get3A_633, %get3A_634] {strides = array<i32>} : memref<80x64xf32, #tpu.memory_space<vmem>>, vector<16xf32>,
        %sub3A_636 = arith.subf %get3A_632, %get3A_635 : vector<16xf32>
        %mul3A_637 = arith.mulf %broadcast_in_dim3A_626, %sub3A_636 : vector<16xf32>
        %swap3A_638 = arith.index_cast %add3A_623 : i32 to index
        %swap3A_639 = arith.constant 0 : index
        %swap3A_640 = tpu.vector_load %arg11[%swap3A_638, %swap3A_639] {strides = array<i32>} : memref<80x64xf32, #tpu.memory_space<vmem>>, vector<16xf32>,
        tpu.vector_store %arg11[%swap3A_638, %swap3A_639], %mul3A_637 {strides = array<i32>} : memref<80x64xf32, #tpu.memory_space<vmem>>, vector<16xf32>,
        %mul3A_641 = arith.mulf %broadcast_in_dim3A_629, %sub3A_636 : vector<16xf32>
        %swap3A_642 = arith.index_cast %add3A_623 : i32 to index
        %swap3A_643 = arith.constant 0 : index
        %swap3A_644 = tpu.vector_load %arg13[%swap3A_642, %swap3A_643] {strides = array<i32>} : memref<80x64xf32, #tpu.memory_space<vmem>>, vector<16xf32>,
        tpu.vector_store %arg13[%swap3A_642, %swap3A_643], %mul3A_641 {strides = array<i32>} : memref<80x64xf32, #tpu.memory_space<vmem>>, vector<16xf32>,
        %get3A_645 = arith.index_cast %add3A_623 : i32 to index
        %get3A_646 = arith.constant 16 : index
        %get3A_647 = tpu.vector_load %arg13[%get3A_645, %get3A_646] {strides = array<i32>} : memref<80x64xf32, #tpu.memory_space<vmem>>, vector<16xf32>,
        %get3A_648 = arith.index_cast %add3A_623 : i32 to index
        %get3A_649 = arith.constant 16 : index
        %get3A_650 = tpu.vector_load %arg11[%get3A_648, %get3A_649] {strides = array<i32>} : memref<80x64xf32, #tpu.memory_space<vmem>>, vector<16xf32>,
        %sub3A_651 = arith.subf %get3A_647, %get3A_650 : vector<16xf32>
        %mul3A_652 = arith.mulf %broadcast_in_dim3A_626, %sub3A_651 : vector<16xf32>
        %swap3A_653 = arith.index_cast %add3A_623 : i32 to index
        %swap3A_654 = arith.constant 16 : index
        %swap3A_655 = tpu.vector_load %arg11[%swap3A_653, %swap3A_654] {strides = array<i32>} : memref<80x64xf32, #tpu.memory_space<vmem>>, vector<16xf32>,
        tpu.vector_store %arg11[%swap3A_653, %swap3A_654], %mul3A_652 {strides = array<i32>} : memref<80x64xf32, #tpu.memory_space<vmem>>, vector<16xf32>,
        %mul3A_656 = arith.mulf %broadcast_in_dim3A_629, %sub3A_651 : vector<16xf32>
        %swap3A_657 = arith.index_cast %add3A_623 : i32 to index
        %swap3A_658 = arith.constant 16 : index
        %swap3A_659 = tpu.vector_load %arg13[%swap3A_657, %swap3A_658] {strides = array<i32>} : memref<80x64xf32, #tpu.memory_space<vmem>>, vector<16xf32>,
        tpu.vector_store %arg13[%swap3A_657, %swap3A_658], %mul3A_656 {strides = array<i32>} : memref<80x64xf32, #tpu.memory_space<vmem>>, vector<16xf32>,
        %get3A_660 = arith.index_cast %add3A_623 : i32 to index
        %get3A_661 = arith.constant 32 : index
        %get3A_662 = tpu.vector_load %arg13[%get3A_660, %get3A_661] {strides = array<i32>} : memref<80x64xf32, #tpu.memory_space<vmem>>, vector<16xf32>,
        %get3A_663 = arith.index_cast %add3A_623 : i32 to index
        %get3A_664 = arith.constant 32 : index
        %get3A_665 = tpu.vector_load %arg11[%get3A_663, %get3A_664] {strides = array<i32>} : memref<80x64xf32, #tpu.memory_space<vmem>>, vector<16xf32>,
        %sub3A_666 = arith.subf %get3A_662, %get3A_665 : vector<16xf32>
        %mul3A_667 = arith.mulf %broadcast_in_dim3A_626, %sub3A_666 : vector<16xf32>
        %swap3A_668 = arith.index_cast %add3A_623 : i32 to index
        %swap3A_669 = arith.constant 32 : index
        %swap3A_670 = tpu.vector_load %arg11[%swap3A_668, %swap3A_669] {strides = array<i32>} : memref<80x64xf32, #tpu.memory_space<vmem>>, vector<16xf32>,
        tpu.vector_store %arg11[%swap3A_668, %swap3A_669], %mul3A_667 {strides = array<i32>} : memref<80x64xf32, #tpu.memory_space<vmem>>, vector<16xf32>,
        %mul3A_671 = arith.mulf %broadcast_in_dim3A_629, %sub3A_666 : vector<16xf32>
        %swap3A_672 = arith.index_cast %add3A_623 : i32 to index
        %swap3A_673 = arith.constant 32 : index
        %swap3A_674 = tpu.vector_load %arg13[%swap3A_672, %swap3A_673] {strides = array<i32>} : memref<80x64xf32, #tpu.memory_space<vmem>>, vector<16xf32>,
        tpu.vector_store %arg13[%swap3A_672, %swap3A_673], %mul3A_671 {strides = array<i32>} : memref<80x64xf32, #tpu.memory_space<vmem>>, vector<16xf32>,
        %get3A_675 = arith.index_cast %add3A_623 : i32 to index
        %get3A_676 = arith.constant 48 : index
        %get3A_677 = tpu.vector_load %arg13[%get3A_675, %get3A_676] {strides = array<i32>} : memref<80x64xf32, #tpu.memory_space<vmem>>, vector<16xf32>,
        %get3A_678 = arith.index_cast %add3A_623 : i32 to index
        %get3A_679 = arith.constant 48 : index
        %get3A_680 = tpu.vector_load %arg11[%get3A_678, %get3A_679] {strides = array<i32>} : memref<80x64xf32, #tpu.memory_space<vmem>>, vector<16xf32>,
        %sub3A_681 = arith.subf %get3A_677, %get3A_680 : vector<16xf32>
        %mul3A_682 = arith.mulf %broadcast_in_dim3A_626, %sub3A_681 : vector<16xf32>
        %swap3A_683 = arith.index_cast %add3A_623 : i32 to index
        %swap3A_684 = arith.constant 48 : index
        %swap3A_685 = tpu.vector_load %arg11[%swap3A_683, %swap3A_684] {strides = array<i32>} : memref<80x64xf32, #tpu.memory_space<vmem>>, vector<16xf32>,
        tpu.vector_store %arg11[%swap3A_683, %swap3A_684], %mul3A_682 {strides = array<i32>} : memref<80x64xf32, #tpu.memory_space<vmem>>, vector<16xf32>,
        %mul3A_686 = arith.mulf %broadcast_in_dim3A_629, %sub3A_681 : vector<16xf32>
        %swap3A_687 = arith.index_cast %add3A_623 : i32 to index
        %swap3A_688 = arith.constant 48 : index
        %swap3A_689 = tpu.vector_load %arg13[%swap3A_687, %swap3A_688] {strides = array<i32>} : memref<80x64xf32, #tpu.memory_space<vmem>>, vector<16xf32>,
        tpu.vector_store %arg13[%swap3A_687, %swap3A_688], %mul3A_686 {strides = array<i32>} : memref<80x64xf32, #tpu.memory_space<vmem>>, vector<16xf32>,
        %mul3A_690 = arith.constant 16 : i32
        %mul3A_691 = arith.muli %scan3A_396, %mul3A_690 : i32
        %add3A_692 = arith.constant 4 : i32
        %add3A_693 = arith.addi %mul3A_691, %add3A_692 : i32
        %slice3A_694 = vector.extract_strided_slice %mul3A_408 {offsets = [4], sizes = [1], strides = [1]} : vector<16xf32> to vector<1xf32>
        %squeeze3A_695 = vector.extract %slice3A_694[0] : f32 from vector<1xf32>
        %broadcast_in_dim3A_696 = vector.broadcast %squeeze3A_695 : f32 to vector<16xf32>
        %slice3A_697 = vector.extract_strided_slice %mul3A_412 {offsets = [4], sizes = [1], strides = [1]} : vector<16xf32> to vector<1xf32>
        %squeeze3A_698 = vector.extract %slice3A_697[0] : f32 from vector<1xf32>
        %broadcast_in_dim3A_699 = vector.broadcast %squeeze3A_698 : f32 to vector<16xf32>
        %get3A_700 = arith.index_cast %add3A_693 : i32 to index
        %get3A_701 = arith.constant 0 : index
        %get3A_702 = tpu.vector_load %arg13[%get3A_700, %get3A_701] {strides = array<i32>} : memref<80x64xf32, #tpu.memory_space<vmem>>, vector<16xf32>,
        %get3A_703 = arith.index_cast %add3A_693 : i32 to index
        %get3A_704 = arith.constant 0 : index
        %get3A_705 = tpu.vector_load %arg11[%get3A_703, %get3A_704] {strides = array<i32>} : memref<80x64xf32, #tpu.memory_space<vmem>>, vector<16xf32>,
        %sub3A_706 = arith.subf %get3A_702, %get3A_705 : vector<16xf32>
        %mul3A_707 = arith.mulf %broadcast_in_dim3A_696, %sub3A_706 : vector<16xf32>
        %swap3A_708 = arith.index_cast %add3A_693 : i32 to index
        %swap3A_709 = arith.constant 0 : index
        %swap3A_710 = tpu.vector_load %arg11[%swap3A_708, %swap3A_709] {strides = array<i32>} : memref<80x64xf32, #tpu.memory_space<vmem>>, vector<16xf32>,
        tpu.vector_store %arg11[%swap3A_708, %swap3A_709], %mul3A_707 {strides = array<i32>} : memref<80x64xf32, #tpu.memory_space<vmem>>, vector<16xf32>,
        %mul3A_711 = arith.mulf %broadcast_in_dim3A_699, %sub3A_706 : vector<16xf32>
        %swap3A_712 = arith.index_cast %add3A_693 : i32 to index
        %swap3A_713 = arith.constant 0 : index
        %swap3A_714 = tpu.vector_load %arg13[%swap3A_712, %swap3A_713] {strides = array<i32>} : memref<80x64xf32, #tpu.memory_space<vmem>>, vector<16xf32>,
        tpu.vector_store %arg13[%swap3A_712, %swap3A_713], %mul3A_711 {strides = array<i32>} : memref<80x64xf32, #tpu.memory_space<vmem>>, vector<16xf32>,
        %get3A_715 = arith.index_cast %add3A_693 : i32 to index
        %get3A_716 = arith.constant 16 : index
        %get3A_717 = tpu.vector_load %arg13[%get3A_715, %get3A_716] {strides = array<i32>} : memref<80x64xf32, #tpu.memory_space<vmem>>, vector<16xf32>,
        %get3A_718 = arith.index_cast %add3A_693 : i32 to index
        %get3A_719 = arith.constant 16 : index
        %get3A_720 = tpu.vector_load %arg11[%get3A_718, %get3A_719] {strides = array<i32>} : memref<80x64xf32, #tpu.memory_space<vmem>>, vector<16xf32>,
        %sub3A_721 = arith.subf %get3A_717, %get3A_720 : vector<16xf32>
        %mul3A_722 = arith.mulf %broadcast_in_dim3A_696, %sub3A_721 : vector<16xf32>
        %swap3A_723 = arith.index_cast %add3A_693 : i32 to index
        %swap3A_724 = arith.constant 16 : index
        %swap3A_725 = tpu.vector_load %arg11[%swap3A_723, %swap3A_724] {strides = array<i32>} : memref<80x64xf32, #tpu.memory_space<vmem>>, vector<16xf32>,
        tpu.vector_store %arg11[%swap3A_723, %swap3A_724], %mul3A_722 {strides = array<i32>} : memref<80x64xf32, #tpu.memory_space<vmem>>, vector<16xf32>,
        %mul3A_726 = arith.mulf %broadcast_in_dim3A_699, %sub3A_721 : vector<16xf32>
        %swap3A_727 = arith.index_cast %add3A_693 : i32 to index
        %swap3A_728 = arith.constant 16 : index
        %swap3A_729 = tpu.vector_load %arg13[%swap3A_727, %swap3A_728] {strides = array<i32>} : memref<80x64xf32, #tpu.memory_space<vmem>>, vector<16xf32>,
        tpu.vector_store %arg13[%swap3A_727, %swap3A_728], %mul3A_726 {strides = array<i32>} : memref<80x64xf32, #tpu.memory_space<vmem>>, vector<16xf32>,
        %get3A_730 = arith.index_cast %add3A_693 : i32 to index
        %get3A_731 = arith.constant 32 : index
        %get3A_732 = tpu.vector_load %arg13[%get3A_730, %get3A_731] {strides = array<i32>} : memref<80x64xf32, #tpu.memory_space<vmem>>, vector<16xf32>,
        %get3A_733 = arith.index_cast %add3A_693 : i32 to index
        %get3A_734 = arith.constant 32 : index
        %get3A_735 = tpu.vector_load %arg11[%get3A_733, %get3A_734] {strides = array<i32>} : memref<80x64xf32, #tpu.memory_space<vmem>>, vector<16xf32>,
        %sub3A_736 = arith.subf %get3A_732, %get3A_735 : vector<16xf32>
        %mul3A_737 = arith.mulf %broadcast_in_dim3A_696, %sub3A_736 : vector<16xf32>
        %swap3A_738 = arith.index_cast %add3A_693 : i32 to index
        %swap3A_739 = arith.constant 32 : index
        %swap3A_740 = tpu.vector_load %arg11[%swap3A_738, %swap3A_739] {strides = array<i32>} : memref<80x64xf32, #tpu.memory_space<vmem>>, vector<16xf32>,
        tpu.vector_store %arg11[%swap3A_738, %swap3A_739], %mul3A_737 {strides = array<i32>} : memref<80x64xf32, #tpu.memory_space<vmem>>, vector<16xf32>,
        %mul3A_741 = arith.mulf %broadcast_in_dim3A_699, %sub3A_736 : vector<16xf32>
        %swap3A_742 = arith.index_cast %add3A_693 : i32 to index
        %swap3A_743 = arith.constant 32 : index
        %swap3A_744 = tpu.vector_load %arg13[%swap3A_742, %swap3A_743] {strides = array<i32>} : memref<80x64xf32, #tpu.memory_space<vmem>>, vector<16xf32>,
        tpu.vector_store %arg13[%swap3A_742, %swap3A_743], %mul3A_741 {strides = array<i32>} : memref<80x64xf32, #tpu.memory_space<vmem>>, vector<16xf32>,
        %get3A_745 = arith.index_cast %add3A_693 : i32 to index
        %get3A_746 = arith.constant 48 : index
        %get3A_747 = tpu.vector_load %arg13[%get3A_745, %get3A_746] {strides = array<i32>} : memref<80x64xf32, #tpu.memory_space<vmem>>, vector<16xf32>,
        %get3A_748 = arith.index_cast %add3A_693 : i32 to index
        %get3A_749 = arith.constant 48 : index
        %get3A_750 = tpu.vector_load %arg11[%get3A_748, %get3A_749] {strides = array<i32>} : memref<80x64xf32, #tpu.memory_space<vmem>>, vector<16xf32>,
        %sub3A_751 = arith.subf %get3A_747, %get3A_750 : vector<16xf32>
        %mul3A_752 = arith.mulf %broadcast_in_dim3A_696, %sub3A_751 : vector<16xf32>
        %swap3A_753 = arith.index_cast %add3A_693 : i32 to index
        %swap3A_754 = arith.constant 48 : index
        %swap3A_755 = tpu.vector_load %arg11[%swap3A_753, %swap3A_754] {strides = array<i32>} : memref<80x64xf32, #tpu.memory_space<vmem>>, vector<16xf32>,
        tpu.vector_store %arg11[%swap3A_753, %swap3A_754], %mul3A_752 {strides = array<i32>} : memref<80x64xf32, #tpu.memory_space<vmem>>, vector<16xf32>,
        %mul3A_756 = arith.mulf %broadcast_in_dim3A_699, %sub3A_751 : vector<16xf32>
        %swap3A_757 = arith.index_cast %add3A_693 : i32 to index
        %swap3A_758 = arith.constant 48 : index
        %swap3A_759 = tpu.vector_load %arg13[%swap3A_757, %swap3A_758] {strides = array<i32>} : memref<80x64xf32, #tpu.memory_space<vmem>>, vector<16xf32>,
        tpu.vector_store %arg13[%swap3A_757, %swap3A_758], %mul3A_756 {strides = array<i32>} : memref<80x64xf32, #tpu.memory_space<vmem>>, vector<16xf32>,
        %mul3A_760 = arith.constant 16 : i32
        %mul3A_761 = arith.muli %scan3A_396, %mul3A_760 : i32
        %add3A_762 = arith.constant 5 : i32
        %add3A_763 = arith.addi %mul3A_761, %add3A_762 : i32
        %slice3A_764 = vector.extract_strided_slice %mul3A_408 {offsets = [5], sizes = [1], strides = [1]} : vector<16xf32> to vector<1xf32>
        %squeeze3A_765 = vector.extract %slice3A_764[0] : f32 from vector<1xf32>
        %broadcast_in_dim3A_766 = vector.broadcast %squeeze3A_765 : f32 to vector<16xf32>
        %slice3A_767 = vector.extract_strided_slice %mul3A_412 {offsets = [5], sizes = [1], strides = [1]} : vector<16xf32> to vector<1xf32>
        %squeeze3A_768 = vector.extract %slice3A_767[0] : f32 from vector<1xf32>
        %broadcast_in_dim3A_769 = vector.broadcast %squeeze3A_768 : f32 to vector<16xf32>
        %get3A_770 = arith.index_cast %add3A_763 : i32 to index
        %get3A_771 = arith.constant 0 : index
        %get3A_772 = tpu.vector_load %arg13[%get3A_770, %get3A_771] {strides = array<i32>} : memref<80x64xf32, #tpu.memory_space<vmem>>, vector<16xf32>,
        %get3A_773 = arith.index_cast %add3A_763 : i32 to index
        %get3A_774 = arith.constant 0 : index
        %get3A_775 = tpu.vector_load %arg11[%get3A_773, %get3A_774] {strides = array<i32>} : memref<80x64xf32, #tpu.memory_space<vmem>>, vector<16xf32>,
        %sub3A_776 = arith.subf %get3A_772, %get3A_775 : vector<16xf32>
        %mul3A_777 = arith.mulf %broadcast_in_dim3A_766, %sub3A_776 : vector<16xf32>
        %swap3A_778 = arith.index_cast %add3A_763 : i32 to index
        %swap3A_779 = arith.constant 0 : index
        %swap3A_780 = tpu.vector_load %arg11[%swap3A_778, %swap3A_779] {strides = array<i32>} : memref<80x64xf32, #tpu.memory_space<vmem>>, vector<16xf32>,
        tpu.vector_store %arg11[%swap3A_778, %swap3A_779], %mul3A_777 {strides = array<i32>} : memref<80x64xf32, #tpu.memory_space<vmem>>, vector<16xf32>,
        %mul3A_781 = arith.mulf %broadcast_in_dim3A_769, %sub3A_776 : vector<16xf32>
        %swap3A_782 = arith.index_cast %add3A_763 : i32 to index
        %swap3A_783 = arith.constant 0 : index
        %swap3A_784 = tpu.vector_load %arg13[%swap3A_782, %swap3A_783] {strides = array<i32>} : memref<80x64xf32, #tpu.memory_space<vmem>>, vector<16xf32>,
        tpu.vector_store %arg13[%swap3A_782, %swap3A_783], %mul3A_781 {strides = array<i32>} : memref<80x64xf32, #tpu.memory_space<vmem>>, vector<16xf32>,
        %get3A_785 = arith.index_cast %add3A_763 : i32 to index
        %get3A_786 = arith.constant 16 : index
        %get3A_787 = tpu.vector_load %arg13[%get3A_785, %get3A_786] {strides = array<i32>} : memref<80x64xf32, #tpu.memory_space<vmem>>, vector<16xf32>,
        %get3A_788 = arith.index_cast %add3A_763 : i32 to index
        %get3A_789 = arith.constant 16 : index
        %get3A_790 = tpu.vector_load %arg11[%get3A_788, %get3A_789] {strides = array<i32>} : memref<80x64xf32, #tpu.memory_space<vmem>>, vector<16xf32>,
        %sub3A_791 = arith.subf %get3A_787, %get3A_790 : vector<16xf32>
        %mul3A_792 = arith.mulf %broadcast_in_dim3A_766, %sub3A_791 : vector<16xf32>
        %swap3A_793 = arith.index_cast %add3A_763 : i32 to index
        %swap3A_794 = arith.constant 16 : index
        %swap3A_795 = tpu.vector_load %arg11[%swap3A_793, %swap3A_794] {strides = array<i32>} : memref<80x64xf32, #tpu.memory_space<vmem>>, vector<16xf32>,
        tpu.vector_store %arg11[%swap3A_793, %swap3A_794], %mul3A_792 {strides = array<i32>} : memref<80x64xf32, #tpu.memory_space<vmem>>, vector<16xf32>,
        %mul3A_796 = arith.mulf %broadcast_in_dim3A_769, %sub3A_791 : vector<16xf32>
        %swap3A_797 = arith.index_cast %add3A_763 : i32 to index
        %swap3A_798 = arith.constant 16 : index
        %swap3A_799 = tpu.vector_load %arg13[%swap3A_797, %swap3A_798] {strides = array<i32>} : memref<80x64xf32, #tpu.memory_space<vmem>>, vector<16xf32>,
        tpu.vector_store %arg13[%swap3A_797, %swap3A_798], %mul3A_796 {strides = array<i32>} : memref<80x64xf32, #tpu.memory_space<vmem>>, vector<16xf32>,
        %get3A_800 = arith.index_cast %add3A_763 : i32 to index
        %get3A_801 = arith.constant 32 : index
        %get3A_802 = tpu.vector_load %arg13[%get3A_800, %get3A_801] {strides = array<i32>} : memref<80x64xf32, #tpu.memory_space<vmem>>, vector<16xf32>,
        %get3A_803 = arith.index_cast %add3A_763 : i32 to index
        %get3A_804 = arith.constant 32 : index
        %get3A_805 = tpu.vector_load %arg11[%get3A_803, %get3A_804] {strides = array<i32>} : memref<80x64xf32, #tpu.memory_space<vmem>>, vector<16xf32>,
        %sub3A_806 = arith.subf %get3A_802, %get3A_805 : vector<16xf32>
        %mul3A_807 = arith.mulf %broadcast_in_dim3A_766, %sub3A_806 : vector<16xf32>
        %swap3A_808 = arith.index_cast %add3A_763 : i32 to index
        %swap3A_809 = arith.constant 32 : index
        %swap3A_810 = tpu.vector_load %arg11[%swap3A_808, %swap3A_809] {strides = array<i32>} : memref<80x64xf32, #tpu.memory_space<vmem>>, vector<16xf32>,
        tpu.vector_store %arg11[%swap3A_808, %swap3A_809], %mul3A_807 {strides = array<i32>} : memref<80x64xf32, #tpu.memory_space<vmem>>, vector<16xf32>,
        %mul3A_811 = arith.mulf %broadcast_in_dim3A_769, %sub3A_806 : vector<16xf32>
        %swap3A_812 = arith.index_cast %add3A_763 : i32 to index
        %swap3A_813 = arith.constant 32 : index
        %swap3A_814 = tpu.vector_load %arg13[%swap3A_812, %swap3A_813] {strides = array<i32>} : memref<80x64xf32, #tpu.memory_space<vmem>>, vector<16xf32>,
        tpu.vector_store %arg13[%swap3A_812, %swap3A_813], %mul3A_811 {strides = array<i32>} : memref<80x64xf32, #tpu.memory_space<vmem>>, vector<16xf32>,
        %get3A_815 = arith.index_cast %add3A_763 : i32 to index
        %get3A_816 = arith.constant 48 : index
        %get3A_817 = tpu.vector_load %arg13[%get3A_815, %get3A_816] {strides = array<i32>} : memref<80x64xf32, #tpu.memory_space<vmem>>, vector<16xf32>,
        %get3A_818 = arith.index_cast %add3A_763 : i32 to index
        %get3A_819 = arith.constant 48 : index
        %get3A_820 = tpu.vector_load %arg11[%get3A_818, %get3A_819] {strides = array<i32>} : memref<80x64xf32, #tpu.memory_space<vmem>>, vector<16xf32>,
        %sub3A_821 = arith.subf %get3A_817, %get3A_820 : vector<16xf32>
        %mul3A_822 = arith.mulf %broadcast_in_dim3A_766, %sub3A_821 : vector<16xf32>
        %swap3A_823 = arith.index_cast %add3A_763 : i32 to index
        %swap3A_824 = arith.constant 48 : index
        %swap3A_825 = tpu.vector_load %arg11[%swap3A_823, %swap3A_824] {strides = array<i32>} : memref<80x64xf32, #tpu.memory_space<vmem>>, vector<16xf32>,
        tpu.vector_store %arg11[%swap3A_823, %swap3A_824], %mul3A_822 {strides = array<i32>} : memref<80x64xf32, #tpu.memory_space<vmem>>, vector<16xf32>,
        %mul3A_826 = arith.mulf %broadcast_in_dim3A_769, %sub3A_821 : vector<16xf32>
        %swap3A_827 = arith.index_cast %add3A_763 : i32 to index
        %swap3A_828 = arith.constant 48 : index
        %swap3A_829 = tpu.vector_load %arg13[%swap3A_827, %swap3A_828] {strides = array<i32>} : memref<80x64xf32, #tpu.memory_space<vmem>>, vector<16xf32>,
        tpu.vector_store %arg13[%swap3A_827, %swap3A_828], %mul3A_826 {strides = array<i32>} : memref<80x64xf32, #tpu.memory_space<vmem>>, vector<16xf32>,
        %mul3A_830 = arith.constant 16 : i32
        %mul3A_831 = arith.muli %scan3A_396, %mul3A_830 : i32
        %add3A_832 = arith.constant 6 : i32
        %add3A_833 = arith.addi %mul3A_831, %add3A_832 : i32
        %slice3A_834 = vector.extract_strided_slice %mul3A_408 {offsets = [6], sizes = [1], strides = [1]} : vector<16xf32> to vector<1xf32>
        %squeeze3A_835 = vector.extract %slice3A_834[0] : f32 from vector<1xf32>
        %broadcast_in_dim3A_836 = vector.broadcast %squeeze3A_835 : f32 to vector<16xf32>
        %slice3A_837 = vector.extract_strided_slice %mul3A_412 {offsets = [6], sizes = [1], strides = [1]} : vector<16xf32> to vector<1xf32>
        %squeeze3A_838 = vector.extract %slice3A_837[0] : f32 from vector<1xf32>
        %broadcast_in_dim3A_839 = vector.broadcast %squeeze3A_838 : f32 to vector<16xf32>
        %get3A_840 = arith.index_cast %add3A_833 : i32 to index
        %get3A_841 = arith.constant 0 : index
        %get3A_842 = tpu.vector_load %arg13[%get3A_840, %get3A_841] {strides = array<i32>} : memref<80x64xf32, #tpu.memory_space<vmem>>, vector<16xf32>,
        %get3A_843 = arith.index_cast %add3A_833 : i32 to index
        %get3A_844 = arith.constant 0 : index
        %get3A_845 = tpu.vector_load %arg11[%get3A_843, %get3A_844] {strides = array<i32>} : memref<80x64xf32, #tpu.memory_space<vmem>>, vector<16xf32>,
        %sub3A_846 = arith.subf %get3A_842, %get3A_845 : vector<16xf32>
        %mul3A_847 = arith.mulf %broadcast_in_dim3A_836, %sub3A_846 : vector<16xf32>
        %swap3A_848 = arith.index_cast %add3A_833 : i32 to index
        %swap3A_849 = arith.constant 0 : index
        %swap3A_850 = tpu.vector_load %arg11[%swap3A_848, %swap3A_849] {strides = array<i32>} : memref<80x64xf32, #tpu.memory_space<vmem>>, vector<16xf32>,
        tpu.vector_store %arg11[%swap3A_848, %swap3A_849], %mul3A_847 {strides = array<i32>} : memref<80x64xf32, #tpu.memory_space<vmem>>, vector<16xf32>,
        %mul3A_851 = arith.mulf %broadcast_in_dim3A_839, %sub3A_846 : vector<16xf32>
        %swap3A_852 = arith.index_cast %add3A_833 : i32 to index
        %swap3A_853 = arith.constant 0 : index
        %swap3A_854 = tpu.vector_load %arg13[%swap3A_852, %swap3A_853] {strides = array<i32>} : memref<80x64xf32, #tpu.memory_space<vmem>>, vector<16xf32>,
        tpu.vector_store %arg13[%swap3A_852, %swap3A_853], %mul3A_851 {strides = array<i32>} : memref<80x64xf32, #tpu.memory_space<vmem>>, vector<16xf32>,
        %get3A_855 = arith.index_cast %add3A_833 : i32 to index
        %get3A_856 = arith.constant 16 : index
        %get3A_857 = tpu.vector_load %arg13[%get3A_855, %get3A_856] {strides = array<i32>} : memref<80x64xf32, #tpu.memory_space<vmem>>, vector<16xf32>,
        %get3A_858 = arith.index_cast %add3A_833 : i32 to index
        %get3A_859 = arith.constant 16 : index
        %get3A_860 = tpu.vector_load %arg11[%get3A_858, %get3A_859] {strides = array<i32>} : memref<80x64xf32, #tpu.memory_space<vmem>>, vector<16xf32>,
        %sub3A_861 = arith.subf %get3A_857, %get3A_860 : vector<16xf32>
        %mul3A_862 = arith.mulf %broadcast_in_dim3A_836, %sub3A_861 : vector<16xf32>
        %swap3A_863 = arith.index_cast %add3A_833 : i32 to index
        %swap3A_864 = arith.constant 16 : index
        %swap3A_865 = tpu.vector_load %arg11[%swap3A_863, %swap3A_864] {strides = array<i32>} : memref<80x64xf32, #tpu.memory_space<vmem>>, vector<16xf32>,
        tpu.vector_store %arg11[%swap3A_863, %swap3A_864], %mul3A_862 {strides = array<i32>} : memref<80x64xf32, #tpu.memory_space<vmem>>, vector<16xf32>,
        %mul3A_866 = arith.mulf %broadcast_in_dim3A_839, %sub3A_861 : vector<16xf32>
        %swap3A_867 = arith.index_cast %add3A_833 : i32 to index
        %swap3A_868 = arith.constant 16 : index
        %swap3A_869 = tpu.vector_load %arg13[%swap3A_867, %swap3A_868] {strides = array<i32>} : memref<80x64xf32, #tpu.memory_space<vmem>>, vector<16xf32>,
        tpu.vector_store %arg13[%swap3A_867, %swap3A_868], %mul3A_866 {strides = array<i32>} : memref<80x64xf32, #tpu.memory_space<vmem>>, vector<16xf32>,
        %get3A_870 = arith.index_cast %add3A_833 : i32 to index
        %get3A_871 = arith.constant 32 : index
        %get3A_872 = tpu.vector_load %arg13[%get3A_870, %get3A_871] {strides = array<i32>} : memref<80x64xf32, #tpu.memory_space<vmem>>, vector<16xf32>,
        %get3A_873 = arith.index_cast %add3A_833 : i32 to index
        %get3A_874 = arith.constant 32 : index
        %get3A_875 = tpu.vector_load %arg11[%get3A_873, %get3A_874] {strides = array<i32>} : memref<80x64xf32, #tpu.memory_space<vmem>>, vector<16xf32>,
        %sub3A_876 = arith.subf %get3A_872, %get3A_875 : vector<16xf32>
        %mul3A_877 = arith.mulf %broadcast_in_dim3A_836, %sub3A_876 : vector<16xf32>
        %swap3A_878 = arith.index_cast %add3A_833 : i32 to index
        %swap3A_879 = arith.constant 32 : index
        %swap3A_880 = tpu.vector_load %arg11[%swap3A_878, %swap3A_879] {strides = array<i32>} : memref<80x64xf32, #tpu.memory_space<vmem>>, vector<16xf32>,
        tpu.vector_store %arg11[%swap3A_878, %swap3A_879], %mul3A_877 {strides = array<i32>} : memref<80x64xf32, #tpu.memory_space<vmem>>, vector<16xf32>,
        %mul3A_881 = arith.mulf %broadcast_in_dim3A_839, %sub3A_876 : vector<16xf32>
        %swap3A_882 = arith.index_cast %add3A_833 : i32 to index
        %swap3A_883 = arith.constant 32 : index
        %swap3A_884 = tpu.vector_load %arg13[%swap3A_882, %swap3A_883] {strides = array<i32>} : memref<80x64xf32, #tpu.memory_space<vmem>>, vector<16xf32>,
        tpu.vector_store %arg13[%swap3A_882, %swap3A_883], %mul3A_881 {strides = array<i32>} : memref<80x64xf32, #tpu.memory_space<vmem>>, vector<16xf32>,
        %get3A_885 = arith.index_cast %add3A_833 : i32 to index
        %get3A_886 = arith.constant 48 : index
        %get3A_887 = tpu.vector_load %arg13[%get3A_885, %get3A_886] {strides = array<i32>} : memref<80x64xf32, #tpu.memory_space<vmem>>, vector<16xf32>,
        %get3A_888 = arith.index_cast %add3A_833 : i32 to index
        %get3A_889 = arith.constant 48 : index
        %get3A_890 = tpu.vector_load %arg11[%get3A_888, %get3A_889] {strides = array<i32>} : memref<80x64xf32, #tpu.memory_space<vmem>>, vector<16xf32>,
        %sub3A_891 = arith.subf %get3A_887, %get3A_890 : vector<16xf32>
        %mul3A_892 = arith.mulf %broadcast_in_dim3A_836, %sub3A_891 : vector<16xf32>
        %swap3A_893 = arith.index_cast %add3A_833 : i32 to index
        %swap3A_894 = arith.constant 48 : index
        %swap3A_895 = tpu.vector_load %arg11[%swap3A_893, %swap3A_894] {strides = array<i32>} : memref<80x64xf32, #tpu.memory_space<vmem>>, vector<16xf32>,
        tpu.vector_store %arg11[%swap3A_893, %swap3A_894], %mul3A_892 {strides = array<i32>} : memref<80x64xf32, #tpu.memory_space<vmem>>, vector<16xf32>,
        %mul3A_896 = arith.mulf %broadcast_in_dim3A_839, %sub3A_891 : vector<16xf32>
        %swap3A_897 = arith.index_cast %add3A_833 : i32 to index
        %swap3A_898 = arith.constant 48 : index
        %swap3A_899 = tpu.vector_load %arg13[%swap3A_897, %swap3A_898] {strides = array<i32>} : memref<80x64xf32, #tpu.memory_space<vmem>>, vector<16xf32>,
        tpu.vector_store %arg13[%swap3A_897, %swap3A_898], %mul3A_896 {strides = array<i32>} : memref<80x64xf32, #tpu.memory_space<vmem>>, vector<16xf32>,
        %mul3A_900 = arith.constant 16 : i32
        %mul3A_901 = arith.muli %scan3A_396, %mul3A_900 : i32
        %add3A_902 = arith.constant 7 : i32
        %add3A_903 = arith.addi %mul3A_901, %add3A_902 : i32
        %slice3A_904 = vector.extract_strided_slice %mul3A_408 {offsets = [7], sizes = [1], strides = [1]} : vector<16xf32> to vector<1xf32>
        %squeeze3A_905 = vector.extract %slice3A_904[0] : f32 from vector<1xf32>
        %broadcast_in_dim3A_906 = vector.broadcast %squeeze3A_905 : f32 to vector<16xf32>
        %slice3A_907 = vector.extract_strided_slice %mul3A_412 {offsets = [7], sizes = [1], strides = [1]} : vector<16xf32> to vector<1xf32>
        %squeeze3A_908 = vector.extract %slice3A_907[0] : f32 from vector<1xf32>
        %broadcast_in_dim3A_909 = vector.broadcast %squeeze3A_908 : f32 to vector<16xf32>
        %get3A_910 = arith.index_cast %add3A_903 : i32 to index
        %get3A_911 = arith.constant 0 : index
        %get3A_912 = tpu.vector_load %arg13[%get3A_910, %get3A_911] {strides = array<i32>} : memref<80x64xf32, #tpu.memory_space<vmem>>, vector<16xf32>,
        %get3A_913 = arith.index_cast %add3A_903 : i32 to index
        %get3A_914 = arith.constant 0 : index
        %get3A_915 = tpu.vector_load %arg11[%get3A_913, %get3A_914] {strides = array<i32>} : memref<80x64xf32, #tpu.memory_space<vmem>>, vector<16xf32>,
        %sub3A_916 = arith.subf %get3A_912, %get3A_915 : vector<16xf32>
        %mul3A_917 = arith.mulf %broadcast_in_dim3A_906, %sub3A_916 : vector<16xf32>
        %swap3A_918 = arith.index_cast %add3A_903 : i32 to index
        %swap3A_919 = arith.constant 0 : index
        %swap3A_920 = tpu.vector_load %arg11[%swap3A_918, %swap3A_919] {strides = array<i32>} : memref<80x64xf32, #tpu.memory_space<vmem>>, vector<16xf32>,
        tpu.vector_store %arg11[%swap3A_918, %swap3A_919], %mul3A_917 {strides = array<i32>} : memref<80x64xf32, #tpu.memory_space<vmem>>, vector<16xf32>,
        %mul3A_921 = arith.mulf %broadcast_in_dim3A_909, %sub3A_916 : vector<16xf32>
        %swap3A_922 = arith.index_cast %add3A_903 : i32 to index
        %swap3A_923 = arith.constant 0 : index
        %swap3A_924 = tpu.vector_load %arg13[%swap3A_922, %swap3A_923] {strides = array<i32>} : memref<80x64xf32, #tpu.memory_space<vmem>>, vector<16xf32>,
        tpu.vector_store %arg13[%swap3A_922, %swap3A_923], %mul3A_921 {strides = array<i32>} : memref<80x64xf32, #tpu.memory_space<vmem>>, vector<16xf32>,
        %get3A_925 = arith.index_cast %add3A_903 : i32 to index
        %get3A_926 = arith.constant 16 : index
        %get3A_927 = tpu.vector_load %arg13[%get3A_925, %get3A_926] {strides = array<i32>} : memref<80x64xf32, #tpu.memory_space<vmem>>, vector<16xf32>,
        %get3A_928 = arith.index_cast %add3A_903 : i32 to index
        %get3A_929 = arith.constant 16 : index
        %get3A_930 = tpu.vector_load %arg11[%get3A_928, %get3A_929] {strides = array<i32>} : memref<80x64xf32, #tpu.memory_space<vmem>>, vector<16xf32>,
        %sub3A_931 = arith.subf %get3A_927, %get3A_930 : vector<16xf32>
        %mul3A_932 = arith.mulf %broadcast_in_dim3A_906, %sub3A_931 : vector<16xf32>
        %swap3A_933 = arith.index_cast %add3A_903 : i32 to index
        %swap3A_934 = arith.constant 16 : index
        %swap3A_935 = tpu.vector_load %arg11[%swap3A_933, %swap3A_934] {strides = array<i32>} : memref<80x64xf32, #tpu.memory_space<vmem>>, vector<16xf32>,
        tpu.vector_store %arg11[%swap3A_933, %swap3A_934], %mul3A_932 {strides = array<i32>} : memref<80x64xf32, #tpu.memory_space<vmem>>, vector<16xf32>,
        %mul3A_936 = arith.mulf %broadcast_in_dim3A_909, %sub3A_931 : vector<16xf32>
        %swap3A_937 = arith.index_cast %add3A_903 : i32 to index
        %swap3A_938 = arith.constant 16 : index
        %swap3A_939 = tpu.vector_load %arg13[%swap3A_937, %swap3A_938] {strides = array<i32>} : memref<80x64xf32, #tpu.memory_space<vmem>>, vector<16xf32>,
        tpu.vector_store %arg13[%swap3A_937, %swap3A_938], %mul3A_936 {strides = array<i32>} : memref<80x64xf32, #tpu.memory_space<vmem>>, vector<16xf32>,
        %get3A_940 = arith.index_cast %add3A_903 : i32 to index
        %get3A_941 = arith.constant 32 : index
        %get3A_942 = tpu.vector_load %arg13[%get3A_940, %get3A_941] {strides = array<i32>} : memref<80x64xf32, #tpu.memory_space<vmem>>, vector<16xf32>,
        %get3A_943 = arith.index_cast %add3A_903 : i32 to index
        %get3A_944 = arith.constant 32 : index
        %get3A_945 = tpu.vector_load %arg11[%get3A_943, %get3A_944] {strides = array<i32>} : memref<80x64xf32, #tpu.memory_space<vmem>>, vector<16xf32>,
        %sub3A_946 = arith.subf %get3A_942, %get3A_945 : vector<16xf32>
        %mul3A_947 = arith.mulf %broadcast_in_dim3A_906, %sub3A_946 : vector<16xf32>
        %swap3A_948 = arith.index_cast %add3A_903 : i32 to index
        %swap3A_949 = arith.constant 32 : index
        %swap3A_950 = tpu.vector_load %arg11[%swap3A_948, %swap3A_949] {strides = array<i32>} : memref<80x64xf32, #tpu.memory_space<vmem>>, vector<16xf32>,
        tpu.vector_store %arg11[%swap3A_948, %swap3A_949], %mul3A_947 {strides = array<i32>} : memref<80x64xf32, #tpu.memory_space<vmem>>, vector<16xf32>,
        %mul3A_951 = arith.mulf %broadcast_in_dim3A_909, %sub3A_946 : vector<16xf32>
        %swap3A_952 = arith.index_cast %add3A_903 : i32 to index
        %swap3A_953 = arith.constant 32 : index
        %swap3A_954 = tpu.vector_load %arg13[%swap3A_952, %swap3A_953] {strides = array<i32>} : memref<80x64xf32, #tpu.memory_space<vmem>>, vector<16xf32>,
        tpu.vector_store %arg13[%swap3A_952, %swap3A_953], %mul3A_951 {strides = array<i32>} : memref<80x64xf32, #tpu.memory_space<vmem>>, vector<16xf32>,
        %get3A_955 = arith.index_cast %add3A_903 : i32 to index
        %get3A_956 = arith.constant 48 : index
        %get3A_957 = tpu.vector_load %arg13[%get3A_955, %get3A_956] {strides = array<i32>} : memref<80x64xf32, #tpu.memory_space<vmem>>, vector<16xf32>,
        %get3A_958 = arith.index_cast %add3A_903 : i32 to index
        %get3A_959 = arith.constant 48 : index
        %get3A_960 = tpu.vector_load %arg11[%get3A_958, %get3A_959] {strides = array<i32>} : memref<80x64xf32, #tpu.memory_space<vmem>>, vector<16xf32>,
        %sub3A_961 = arith.subf %get3A_957, %get3A_960 : vector<16xf32>
        %mul3A_962 = arith.mulf %broadcast_in_dim3A_906, %sub3A_961 : vector<16xf32>
        %swap3A_963 = arith.index_cast %add3A_903 : i32 to index
        %swap3A_964 = arith.constant 48 : index
        %swap3A_965 = tpu.vector_load %arg11[%swap3A_963, %swap3A_964] {strides = array<i32>} : memref<80x64xf32, #tpu.memory_space<vmem>>, vector<16xf32>,
        tpu.vector_store %arg11[%swap3A_963, %swap3A_964], %mul3A_962 {strides = array<i32>} : memref<80x64xf32, #tpu.memory_space<vmem>>, vector<16xf32>,
        %mul3A_966 = arith.mulf %broadcast_in_dim3A_909, %sub3A_961 : vector<16xf32>
        %swap3A_967 = arith.index_cast %add3A_903 : i32 to index
        %swap3A_968 = arith.constant 48 : index
        %swap3A_969 = tpu.vector_load %arg13[%swap3A_967, %swap3A_968] {strides = array<i32>} : memref<80x64xf32, #tpu.memory_space<vmem>>, vector<16xf32>,
        tpu.vector_store %arg13[%swap3A_967, %swap3A_968], %mul3A_966 {strides = array<i32>} : memref<80x64xf32, #tpu.memory_space<vmem>>, vector<16xf32>,
        %mul3A_970 = arith.constant 16 : i32
        %mul3A_971 = arith.muli %scan3A_396, %mul3A_970 : i32
        %add3A_972 = arith.constant 8 : i32
        %add3A_973 = arith.addi %mul3A_971, %add3A_972 : i32
        %slice3A_974 = vector.extract_strided_slice %mul3A_408 {offsets = [8], sizes = [1], strides = [1]} : vector<16xf32> to vector<1xf32>
        %squeeze3A_975 = vector.extract %slice3A_974[0] : f32 from vector<1xf32>
        %broadcast_in_dim3A_976 = vector.broadcast %squeeze3A_975 : f32 to vector<16xf32>
        %slice3A_977 = vector.extract_strided_slice %mul3A_412 {offsets = [8], sizes = [1], strides = [1]} : vector<16xf32> to vector<1xf32>
        %squeeze3A_978 = vector.extract %slice3A_977[0] : f32 from vector<1xf32>
        %broadcast_in_dim3A_979 = vector.broadcast %squeeze3A_978 : f32 to vector<16xf32>
        %get3A_980 = arith.index_cast %add3A_973 : i32 to index
        %get3A_981 = arith.constant 0 : index
        %get3A_982 = tpu.vector_load %arg13[%get3A_980, %get3A_981] {strides = array<i32>} : memref<80x64xf32, #tpu.memory_space<vmem>>, vector<16xf32>,
        %get3A_983 = arith.index_cast %add3A_973 : i32 to index
        %get3A_984 = arith.constant 0 : index
        %get3A_985 = tpu.vector_load %arg11[%get3A_983, %get3A_984] {strides = array<i32>} : memref<80x64xf32, #tpu.memory_space<vmem>>, vector<16xf32>,
        %sub3A_986 = arith.subf %get3A_982, %get3A_985 : vector<16xf32>
        %mul3A_987 = arith.mulf %broadcast_in_dim3A_976, %sub3A_986 : vector<16xf32>
        %swap3A_988 = arith.index_cast %add3A_973 : i32 to index
        %swap3A_989 = arith.constant 0 : index
        %swap3A_990 = tpu.vector_load %arg11[%swap3A_988, %swap3A_989] {strides = array<i32>} : memref<80x64xf32, #tpu.memory_space<vmem>>, vector<16xf32>,
        tpu.vector_store %arg11[%swap3A_988, %swap3A_989], %mul3A_987 {strides = array<i32>} : memref<80x64xf32, #tpu.memory_space<vmem>>, vector<16xf32>,
        %mul3A_991 = arith.mulf %broadcast_in_dim3A_979, %sub3A_986 : vector<16xf32>
        %swap3A_992 = arith.index_cast %add3A_973 : i32 to index
        %swap3A_993 = arith.constant 0 : index
        %swap3A_994 = tpu.vector_load %arg13[%swap3A_992, %swap3A_993] {strides = array<i32>} : memref<80x64xf32, #tpu.memory_space<vmem>>, vector<16xf32>,
        tpu.vector_store %arg13[%swap3A_992, %swap3A_993], %mul3A_991 {strides = array<i32>} : memref<80x64xf32, #tpu.memory_space<vmem>>, vector<16xf32>,
        %get3A_995 = arith.index_cast %add3A_973 : i32 to index
        %get3A_996 = arith.constant 16 : index
        %get3A_997 = tpu.vector_load %arg13[%get3A_995, %get3A_996] {strides = array<i32>} : memref<80x64xf32, #tpu.memory_space<vmem>>, vector<16xf32>,
        %get3A_998 = arith.index_cast %add3A_973 : i32 to index
        %get3A_999 = arith.constant 16 : index
        %get3A_1000 = tpu.vector_load %arg11[%get3A_998, %get3A_999] {strides = array<i32>} : memref<80x64xf32, #tpu.memory_space<vmem>>, vector<16xf32>,
        %sub3A_1001 = arith.subf %get3A_997, %get3A_1000 : vector<16xf32>
        %mul3A_1002 = arith.mulf %broadcast_in_dim3A_976, %sub3A_1001 : vector<16xf32>
        %swap3A_1003 = arith.index_cast %add3A_973 : i32 to index
        %swap3A_1004 = arith.constant 16 : index
        %swap3A_1005 = tpu.vector_load %arg11[%swap3A_1003, %swap3A_1004] {strides = array<i32>} : memref<80x64xf32, #tpu.memory_space<vmem>>, vector<16xf32>,
        tpu.vector_store %arg11[%swap3A_1003, %swap3A_1004], %mul3A_1002 {strides = array<i32>} : memref<80x64xf32, #tpu.memory_space<vmem>>, vector<16xf32>,
        %mul3A_1006 = arith.mulf %broadcast_in_dim3A_979, %sub3A_1001 : vector<16xf32>
        %swap3A_1007 = arith.index_cast %add3A_973 : i32 to index
        %swap3A_1008 = arith.constant 16 : index
        %swap3A_1009 = tpu.vector_load %arg13[%swap3A_1007, %swap3A_1008] {strides = array<i32>} : memref<80x64xf32, #tpu.memory_space<vmem>>, vector<16xf32>,
        tpu.vector_store %arg13[%swap3A_1007, %swap3A_1008], %mul3A_1006 {strides = array<i32>} : memref<80x64xf32, #tpu.memory_space<vmem>>, vector<16xf32>,
        %get3A_1010 = arith.index_cast %add3A_973 : i32 to index
        %get3A_1011 = arith.constant 32 : index
        %get3A_1012 = tpu.vector_load %arg13[%get3A_1010, %get3A_1011] {strides = array<i32>} : memref<80x64xf32, #tpu.memory_space<vmem>>, vector<16xf32>,
        %get3A_1013 = arith.index_cast %add3A_973 : i32 to index
        %get3A_1014 = arith.constant 32 : index
        %get3A_1015 = tpu.vector_load %arg11[%get3A_1013, %get3A_1014] {strides = array<i32>} : memref<80x64xf32, #tpu.memory_space<vmem>>, vector<16xf32>,
        %sub3A_1016 = arith.subf %get3A_1012, %get3A_1015 : vector<16xf32>
        %mul3A_1017 = arith.mulf %broadcast_in_dim3A_976, %sub3A_1016 : vector<16xf32>
        %swap3A_1018 = arith.index_cast %add3A_973 : i32 to index
        %swap3A_1019 = arith.constant 32 : index
        %swap3A_1020 = tpu.vector_load %arg11[%swap3A_1018, %swap3A_1019] {strides = array<i32>} : memref<80x64xf32, #tpu.memory_space<vmem>>, vector<16xf32>,
        tpu.vector_store %arg11[%swap3A_1018, %swap3A_1019], %mul3A_1017 {strides = array<i32>} : memref<80x64xf32, #tpu.memory_space<vmem>>, vector<16xf32>,
        %mul3A_1021 = arith.mulf %broadcast_in_dim3A_979, %sub3A_1016 : vector<16xf32>
        %swap3A_1022 = arith.index_cast %add3A_973 : i32 to index
        %swap3A_1023 = arith.constant 32 : index
        %swap3A_1024 = tpu.vector_load %arg13[%swap3A_1022, %swap3A_1023] {strides = array<i32>} : memref<80x64xf32, #tpu.memory_space<vmem>>, vector<16xf32>,
        tpu.vector_store %arg13[%swap3A_1022, %swap3A_1023], %mul3A_1021 {strides = array<i32>} : memref<80x64xf32, #tpu.memory_space<vmem>>, vector<16xf32>,
        %get3A_1025 = arith.index_cast %add3A_973 : i32 to index
        %get3A_1026 = arith.constant 48 : index
        %get3A_1027 = tpu.vector_load %arg13[%get3A_1025, %get3A_1026] {strides = array<i32>} : memref<80x64xf32, #tpu.memory_space<vmem>>, vector<16xf32>,
        %get3A_1028 = arith.index_cast %add3A_973 : i32 to index
        %get3A_1029 = arith.constant 48 : index
        %get3A_1030 = tpu.vector_load %arg11[%get3A_1028, %get3A_1029] {strides = array<i32>} : memref<80x64xf32, #tpu.memory_space<vmem>>, vector<16xf32>,
        %sub3A_1031 = arith.subf %get3A_1027, %get3A_1030 : vector<16xf32>
        %mul3A_1032 = arith.mulf %broadcast_in_dim3A_976, %sub3A_1031 : vector<16xf32>
        %swap3A_1033 = arith.index_cast %add3A_973 : i32 to index
        %swap3A_1034 = arith.constant 48 : index
        %swap3A_1035 = tpu.vector_load %arg11[%swap3A_1033, %swap3A_1034] {strides = array<i32>} : memref<80x64xf32, #tpu.memory_space<vmem>>, vector<16xf32>,
        tpu.vector_store %arg11[%swap3A_1033, %swap3A_1034], %mul3A_1032 {strides = array<i32>} : memref<80x64xf32, #tpu.memory_space<vmem>>, vector<16xf32>,
        %mul3A_1036 = arith.mulf %broadcast_in_dim3A_979, %sub3A_1031 : vector<16xf32>
        %swap3A_1037 = arith.index_cast %add3A_973 : i32 to index
        %swap3A_1038 = arith.constant 48 : index
        %swap3A_1039 = tpu.vector_load %arg13[%swap3A_1037, %swap3A_1038] {strides = array<i32>} : memref<80x64xf32, #tpu.memory_space<vmem>>, vector<16xf32>,
        tpu.vector_store %arg13[%swap3A_1037, %swap3A_1038], %mul3A_1036 {strides = array<i32>} : memref<80x64xf32, #tpu.memory_space<vmem>>, vector<16xf32>,
        %mul3A_1040 = arith.constant 16 : i32
        %mul3A_1041 = arith.muli %scan3A_396, %mul3A_1040 : i32
        %add3A_1042 = arith.constant 9 : i32
        %add3A_1043 = arith.addi %mul3A_1041, %add3A_1042 : i32
        %slice3A_1044 = vector.extract_strided_slice %mul3A_408 {offsets = [9], sizes = [1], strides = [1]} : vector<16xf32> to vector<1xf32>
        %squeeze3A_1045 = vector.extract %slice3A_1044[0] : f32 from vector<1xf32>
        %broadcast_in_dim3A_1046 = vector.broadcast %squeeze3A_1045 : f32 to vector<16xf32>
        %slice3A_1047 = vector.extract_strided_slice %mul3A_412 {offsets = [9], sizes = [1], strides = [1]} : vector<16xf32> to vector<1xf32>
        %squeeze3A_1048 = vector.extract %slice3A_1047[0] : f32 from vector<1xf32>
        %broadcast_in_dim3A_1049 = vector.broadcast %squeeze3A_1048 : f32 to vector<16xf32>
        %get3A_1050 = arith.index_cast %add3A_1043 : i32 to index
        %get3A_1051 = arith.constant 0 : index
        %get3A_1052 = tpu.vector_load %arg13[%get3A_1050, %get3A_1051] {strides = array<i32>} : memref<80x64xf32, #tpu.memory_space<vmem>>, vector<16xf32>,
        %get3A_1053 = arith.index_cast %add3A_1043 : i32 to index
        %get3A_1054 = arith.constant 0 : index
        %get3A_1055 = tpu.vector_load %arg11[%get3A_1053, %get3A_1054] {strides = array<i32>} : memref<80x64xf32, #tpu.memory_space<vmem>>, vector<16xf32>,
        %sub3A_1056 = arith.subf %get3A_1052, %get3A_1055 : vector<16xf32>
        %mul3A_1057 = arith.mulf %broadcast_in_dim3A_1046, %sub3A_1056 : vector<16xf32>
        %swap3A_1058 = arith.index_cast %add3A_1043 : i32 to index
        %swap3A_1059 = arith.constant 0 : index
        %swap3A_1060 = tpu.vector_load %arg11[%swap3A_1058, %swap3A_1059] {strides = array<i32>} : memref<80x64xf32, #tpu.memory_space<vmem>>, vector<16xf32>,
        tpu.vector_store %arg11[%swap3A_1058, %swap3A_1059], %mul3A_1057 {strides = array<i32>} : memref<80x64xf32, #tpu.memory_space<vmem>>, vector<16xf32>,
        %mul3A_1061 = arith.mulf %broadcast_in_dim3A_1049, %sub3A_1056 : vector<16xf32>
        %swap3A_1062 = arith.index_cast %add3A_1043 : i32 to index
        %swap3A_1063 = arith.constant 0 : index
        %swap3A_1064 = tpu.vector_load %arg13[%swap3A_1062, %swap3A_1063] {strides = array<i32>} : memref<80x64xf32, #tpu.memory_space<vmem>>, vector<16xf32>,
        tpu.vector_store %arg13[%swap3A_1062, %swap3A_1063], %mul3A_1061 {strides = array<i32>} : memref<80x64xf32, #tpu.memory_space<vmem>>, vector<16xf32>,
        %get3A_1065 = arith.index_cast %add3A_1043 : i32 to index
        %get3A_1066 = arith.constant 16 : index
        %get3A_1067 = tpu.vector_load %arg13[%get3A_1065, %get3A_1066] {strides = array<i32>} : memref<80x64xf32, #tpu.memory_space<vmem>>, vector<16xf32>,
        %get3A_1068 = arith.index_cast %add3A_1043 : i32 to index
        %get3A_1069 = arith.constant 16 : index
        %get3A_1070 = tpu.vector_load %arg11[%get3A_1068, %get3A_1069] {strides = array<i32>} : memref<80x64xf32, #tpu.memory_space<vmem>>, vector<16xf32>,
        %sub3A_1071 = arith.subf %get3A_1067, %get3A_1070 : vector<16xf32>
        %mul3A_1072 = arith.mulf %broadcast_in_dim3A_1046, %sub3A_1071 : vector<16xf32>
        %swap3A_1073 = arith.index_cast %add3A_1043 : i32 to index
        %swap3A_1074 = arith.constant 16 : index
        %swap3A_1075 = tpu.vector_load %arg11[%swap3A_1073, %swap3A_1074] {strides = array<i32>} : memref<80x64xf32, #tpu.memory_space<vmem>>, vector<16xf32>,
        tpu.vector_store %arg11[%swap3A_1073, %swap3A_1074], %mul3A_1072 {strides = array<i32>} : memref<80x64xf32, #tpu.memory_space<vmem>>, vector<16xf32>,
        %mul3A_1076 = arith.mulf %broadcast_in_dim3A_1049, %sub3A_1071 : vector<16xf32>
        %swap3A_1077 = arith.index_cast %add3A_1043 : i32 to index
        %swap3A_1078 = arith.constant 16 : index
        %swap3A_1079 = tpu.vector_load %arg13[%swap3A_1077, %swap3A_1078] {strides = array<i32>} : memref<80x64xf32, #tpu.memory_space<vmem>>, vector<16xf32>,
        tpu.vector_store %arg13[%swap3A_1077, %swap3A_1078], %mul3A_1076 {strides = array<i32>} : memref<80x64xf32, #tpu.memory_space<vmem>>, vector<16xf32>,
        %get3A_1080 = arith.index_cast %add3A_1043 : i32 to index
        %get3A_1081 = arith.constant 32 : index
        %get3A_1082 = tpu.vector_load %arg13[%get3A_1080, %get3A_1081] {strides = array<i32>} : memref<80x64xf32, #tpu.memory_space<vmem>>, vector<16xf32>,
        %get3A_1083 = arith.index_cast %add3A_1043 : i32 to index
        %get3A_1084 = arith.constant 32 : index
        %get3A_1085 = tpu.vector_load %arg11[%get3A_1083, %get3A_1084] {strides = array<i32>} : memref<80x64xf32, #tpu.memory_space<vmem>>, vector<16xf32>,
        %sub3A_1086 = arith.subf %get3A_1082, %get3A_1085 : vector<16xf32>
        %mul3A_1087 = arith.mulf %broadcast_in_dim3A_1046, %sub3A_1086 : vector<16xf32>
        %swap3A_1088 = arith.index_cast %add3A_1043 : i32 to index
        %swap3A_1089 = arith.constant 32 : index
        %swap3A_1090 = tpu.vector_load %arg11[%swap3A_1088, %swap3A_1089] {strides = array<i32>} : memref<80x64xf32, #tpu.memory_space<vmem>>, vector<16xf32>,
        tpu.vector_store %arg11[%swap3A_1088, %swap3A_1089], %mul3A_1087 {strides = array<i32>} : memref<80x64xf32, #tpu.memory_space<vmem>>, vector<16xf32>,
        %mul3A_1091 = arith.mulf %broadcast_in_dim3A_1049, %sub3A_1086 : vector<16xf32>
        %swap3A_1092 = arith.index_cast %add3A_1043 : i32 to index
        %swap3A_1093 = arith.constant 32 : index
        %swap3A_1094 = tpu.vector_load %arg13[%swap3A_1092, %swap3A_1093] {strides = array<i32>} : memref<80x64xf32, #tpu.memory_space<vmem>>, vector<16xf32>,
        tpu.vector_store %arg13[%swap3A_1092, %swap3A_1093], %mul3A_1091 {strides = array<i32>} : memref<80x64xf32, #tpu.memory_space<vmem>>, vector<16xf32>,
        %get3A_1095 = arith.index_cast %add3A_1043 : i32 to index
        %get3A_1096 = arith.constant 48 : index
        %get3A_1097 = tpu.vector_load %arg13[%get3A_1095, %get3A_1096] {strides = array<i32>} : memref<80x64xf32, #tpu.memory_space<vmem>>, vector<16xf32>,
        %get3A_1098 = arith.index_cast %add3A_1043 : i32 to index
        %get3A_1099 = arith.constant 48 : index
        %get3A_1100 = tpu.vector_load %arg11[%get3A_1098, %get3A_1099] {strides = array<i32>} : memref<80x64xf32, #tpu.memory_space<vmem>>, vector<16xf32>,
        %sub3A_1101 = arith.subf %get3A_1097, %get3A_1100 : vector<16xf32>
        %mul3A_1102 = arith.mulf %broadcast_in_dim3A_1046, %sub3A_1101 : vector<16xf32>
        %swap3A_1103 = arith.index_cast %add3A_1043 : i32 to index
        %swap3A_1104 = arith.constant 48 : index
        %swap3A_1105 = tpu.vector_load %arg11[%swap3A_1103, %swap3A_1104] {strides = array<i32>} : memref<80x64xf32, #tpu.memory_space<vmem>>, vector<16xf32>,
        tpu.vector_store %arg11[%swap3A_1103, %swap3A_1104], %mul3A_1102 {strides = array<i32>} : memref<80x64xf32, #tpu.memory_space<vmem>>, vector<16xf32>,
        %mul3A_1106 = arith.mulf %broadcast_in_dim3A_1049, %sub3A_1101 : vector<16xf32>
        %swap3A_1107 = arith.index_cast %add3A_1043 : i32 to index
        %swap3A_1108 = arith.constant 48 : index
        %swap3A_1109 = tpu.vector_load %arg13[%swap3A_1107, %swap3A_1108] {strides = array<i32>} : memref<80x64xf32, #tpu.memory_space<vmem>>, vector<16xf32>,
        tpu.vector_store %arg13[%swap3A_1107, %swap3A_1108], %mul3A_1106 {strides = array<i32>} : memref<80x64xf32, #tpu.memory_space<vmem>>, vector<16xf32>,
        %mul3A_1110 = arith.constant 16 : i32
        %mul3A_1111 = arith.muli %scan3A_396, %mul3A_1110 : i32
        %add3A_1112 = arith.constant 10 : i32
        %add3A_1113 = arith.addi %mul3A_1111, %add3A_1112 : i32
        %slice3A_1114 = vector.extract_strided_slice %mul3A_408 {offsets = [10], sizes = [1], strides = [1]} : vector<16xf32> to vector<1xf32>
        %squeeze3A_1115 = vector.extract %slice3A_1114[0] : f32 from vector<1xf32>
        %broadcast_in_dim3A_1116 = vector.broadcast %squeeze3A_1115 : f32 to vector<16xf32>
        %slice3A_1117 = vector.extract_strided_slice %mul3A_412 {offsets = [10], sizes = [1], strides = [1]} : vector<16xf32> to vector<1xf32>
        %squeeze3A_1118 = vector.extract %slice3A_1117[0] : f32 from vector<1xf32>
        %broadcast_in_dim3A_1119 = vector.broadcast %squeeze3A_1118 : f32 to vector<16xf32>
        %get3A_1120 = arith.index_cast %add3A_1113 : i32 to index
        %get3A_1121 = arith.constant 0 : index
        %get3A_1122 = tpu.vector_load %arg13[%get3A_1120, %get3A_1121] {strides = array<i32>} : memref<80x64xf32, #tpu.memory_space<vmem>>, vector<16xf32>,
        %get3A_1123 = arith.index_cast %add3A_1113 : i32 to index
        %get3A_1124 = arith.constant 0 : index
        %get3A_1125 = tpu.vector_load %arg11[%get3A_1123, %get3A_1124] {strides = array<i32>} : memref<80x64xf32, #tpu.memory_space<vmem>>, vector<16xf32>,
        %sub3A_1126 = arith.subf %get3A_1122, %get3A_1125 : vector<16xf32>
        %mul3A_1127 = arith.mulf %broadcast_in_dim3A_1116, %sub3A_1126 : vector<16xf32>
        %swap3A_1128 = arith.index_cast %add3A_1113 : i32 to index
        %swap3A_1129 = arith.constant 0 : index
        %swap3A_1130 = tpu.vector_load %arg11[%swap3A_1128, %swap3A_1129] {strides = array<i32>} : memref<80x64xf32, #tpu.memory_space<vmem>>, vector<16xf32>,
        tpu.vector_store %arg11[%swap3A_1128, %swap3A_1129], %mul3A_1127 {strides = array<i32>} : memref<80x64xf32, #tpu.memory_space<vmem>>, vector<16xf32>,
        %mul3A_1131 = arith.mulf %broadcast_in_dim3A_1119, %sub3A_1126 : vector<16xf32>
        %swap3A_1132 = arith.index_cast %add3A_1113 : i32 to index
        %swap3A_1133 = arith.constant 0 : index
        %swap3A_1134 = tpu.vector_load %arg13[%swap3A_1132, %swap3A_1133] {strides = array<i32>} : memref<80x64xf32, #tpu.memory_space<vmem>>, vector<16xf32>,
        tpu.vector_store %arg13[%swap3A_1132, %swap3A_1133], %mul3A_1131 {strides = array<i32>} : memref<80x64xf32, #tpu.memory_space<vmem>>, vector<16xf32>,
        %get3A_1135 = arith.index_cast %add3A_1113 : i32 to index
        %get3A_1136 = arith.constant 16 : index
        %get3A_1137 = tpu.vector_load %arg13[%get3A_1135, %get3A_1136] {strides = array<i32>} : memref<80x64xf32, #tpu.memory_space<vmem>>, vector<16xf32>,
        %get3A_1138 = arith.index_cast %add3A_1113 : i32 to index
        %get3A_1139 = arith.constant 16 : index
        %get3A_1140 = tpu.vector_load %arg11[%get3A_1138, %get3A_1139] {strides = array<i32>} : memref<80x64xf32, #tpu.memory_space<vmem>>, vector<16xf32>,
        %sub3A_1141 = arith.subf %get3A_1137, %get3A_1140 : vector<16xf32>
        %mul3A_1142 = arith.mulf %broadcast_in_dim3A_1116, %sub3A_1141 : vector<16xf32>
        %swap3A_1143 = arith.index_cast %add3A_1113 : i32 to index
        %swap3A_1144 = arith.constant 16 : index
        %swap3A_1145 = tpu.vector_load %arg11[%swap3A_1143, %swap3A_1144] {strides = array<i32>} : memref<80x64xf32, #tpu.memory_space<vmem>>, vector<16xf32>,
        tpu.vector_store %arg11[%swap3A_1143, %swap3A_1144], %mul3A_1142 {strides = array<i32>} : memref<80x64xf32, #tpu.memory_space<vmem>>, vector<16xf32>,
        %mul3A_1146 = arith.mulf %broadcast_in_dim3A_1119, %sub3A_1141 : vector<16xf32>
        %swap3A_1147 = arith.index_cast %add3A_1113 : i32 to index
        %swap3A_1148 = arith.constant 16 : index
        %swap3A_1149 = tpu.vector_load %arg13[%swap3A_1147, %swap3A_1148] {strides = array<i32>} : memref<80x64xf32, #tpu.memory_space<vmem>>, vector<16xf32>,
        tpu.vector_store %arg13[%swap3A_1147, %swap3A_1148], %mul3A_1146 {strides = array<i32>} : memref<80x64xf32, #tpu.memory_space<vmem>>, vector<16xf32>,
        %get3A_1150 = arith.index_cast %add3A_1113 : i32 to index
        %get3A_1151 = arith.constant 32 : index
        %get3A_1152 = tpu.vector_load %arg13[%get3A_1150, %get3A_1151] {strides = array<i32>} : memref<80x64xf32, #tpu.memory_space<vmem>>, vector<16xf32>,
        %get3A_1153 = arith.index_cast %add3A_1113 : i32 to index
        %get3A_1154 = arith.constant 32 : index
        %get3A_1155 = tpu.vector_load %arg11[%get3A_1153, %get3A_1154] {strides = array<i32>} : memref<80x64xf32, #tpu.memory_space<vmem>>, vector<16xf32>,
        %sub3A_1156 = arith.subf %get3A_1152, %get3A_1155 : vector<16xf32>
        %mul3A_1157 = arith.mulf %broadcast_in_dim3A_1116, %sub3A_1156 : vector<16xf32>
        %swap3A_1158 = arith.index_cast %add3A_1113 : i32 to index
        %swap3A_1159 = arith.constant 32 : index
        %swap3A_1160 = tpu.vector_load %arg11[%swap3A_1158, %swap3A_1159] {strides = array<i32>} : memref<80x64xf32, #tpu.memory_space<vmem>>, vector<16xf32>,
        tpu.vector_store %arg11[%swap3A_1158, %swap3A_1159], %mul3A_1157 {strides = array<i32>} : memref<80x64xf32, #tpu.memory_space<vmem>>, vector<16xf32>,
        %mul3A_1161 = arith.mulf %broadcast_in_dim3A_1119, %sub3A_1156 : vector<16xf32>
        %swap3A_1162 = arith.index_cast %add3A_1113 : i32 to index
        %swap3A_1163 = arith.constant 32 : index
        %swap3A_1164 = tpu.vector_load %arg13[%swap3A_1162, %swap3A_1163] {strides = array<i32>} : memref<80x64xf32, #tpu.memory_space<vmem>>, vector<16xf32>,
        tpu.vector_store %arg13[%swap3A_1162, %swap3A_1163], %mul3A_1161 {strides = array<i32>} : memref<80x64xf32, #tpu.memory_space<vmem>>, vector<16xf32>,
        %get3A_1165 = arith.index_cast %add3A_1113 : i32 to index
        %get3A_1166 = arith.constant 48 : index
        %get3A_1167 = tpu.vector_load %arg13[%get3A_1165, %get3A_1166] {strides = array<i32>} : memref<80x64xf32, #tpu.memory_space<vmem>>, vector<16xf32>,
        %get3A_1168 = arith.index_cast %add3A_1113 : i32 to index
        %get3A_1169 = arith.constant 48 : index
        %get3A_1170 = tpu.vector_load %arg11[%get3A_1168, %get3A_1169] {strides = array<i32>} : memref<80x64xf32, #tpu.memory_space<vmem>>, vector<16xf32>,
        %sub3A_1171 = arith.subf %get3A_1167, %get3A_1170 : vector<16xf32>
        %mul3A_1172 = arith.mulf %broadcast_in_dim3A_1116, %sub3A_1171 : vector<16xf32>
        %swap3A_1173 = arith.index_cast %add3A_1113 : i32 to index
        %swap3A_1174 = arith.constant 48 : index
        %swap3A_1175 = tpu.vector_load %arg11[%swap3A_1173, %swap3A_1174] {strides = array<i32>} : memref<80x64xf32, #tpu.memory_space<vmem>>, vector<16xf32>,
        tpu.vector_store %arg11[%swap3A_1173, %swap3A_1174], %mul3A_1172 {strides = array<i32>} : memref<80x64xf32, #tpu.memory_space<vmem>>, vector<16xf32>,
        %mul3A_1176 = arith.mulf %broadcast_in_dim3A_1119, %sub3A_1171 : vector<16xf32>
        %swap3A_1177 = arith.index_cast %add3A_1113 : i32 to index
        %swap3A_1178 = arith.constant 48 : index
        %swap3A_1179 = tpu.vector_load %arg13[%swap3A_1177, %swap3A_1178] {strides = array<i32>} : memref<80x64xf32, #tpu.memory_space<vmem>>, vector<16xf32>,
        tpu.vector_store %arg13[%swap3A_1177, %swap3A_1178], %mul3A_1176 {strides = array<i32>} : memref<80x64xf32, #tpu.memory_space<vmem>>, vector<16xf32>,
        %mul3A_1180 = arith.constant 16 : i32
        %mul3A_1181 = arith.muli %scan3A_396, %mul3A_1180 : i32
        %add3A_1182 = arith.constant 11 : i32
        %add3A_1183 = arith.addi %mul3A_1181, %add3A_1182 : i32
        %slice3A_1184 = vector.extract_strided_slice %mul3A_408 {offsets = [11], sizes = [1], strides = [1]} : vector<16xf32> to vector<1xf32>
        %squeeze3A_1185 = vector.extract %slice3A_1184[0] : f32 from vector<1xf32>
        %broadcast_in_dim3A_1186 = vector.broadcast %squeeze3A_1185 : f32 to vector<16xf32>
        %slice3A_1187 = vector.extract_strided_slice %mul3A_412 {offsets = [11], sizes = [1], strides = [1]} : vector<16xf32> to vector<1xf32>
        %squeeze3A_1188 = vector.extract %slice3A_1187[0] : f32 from vector<1xf32>
        %broadcast_in_dim3A_1189 = vector.broadcast %squeeze3A_1188 : f32 to vector<16xf32>
        %get3A_1190 = arith.index_cast %add3A_1183 : i32 to index
        %get3A_1191 = arith.constant 0 : index
        %get3A_1192 = tpu.vector_load %arg13[%get3A_1190, %get3A_1191] {strides = array<i32>} : memref<80x64xf32, #tpu.memory_space<vmem>>, vector<16xf32>,
        %get3A_1193 = arith.index_cast %add3A_1183 : i32 to index
        %get3A_1194 = arith.constant 0 : index
        %get3A_1195 = tpu.vector_load %arg11[%get3A_1193, %get3A_1194] {strides = array<i32>} : memref<80x64xf32, #tpu.memory_space<vmem>>, vector<16xf32>,
        %sub3A_1196 = arith.subf %get3A_1192, %get3A_1195 : vector<16xf32>
        %mul3A_1197 = arith.mulf %broadcast_in_dim3A_1186, %sub3A_1196 : vector<16xf32>
        %swap3A_1198 = arith.index_cast %add3A_1183 : i32 to index
        %swap3A_1199 = arith.constant 0 : index
        %swap3A_1200 = tpu.vector_load %arg11[%swap3A_1198, %swap3A_1199] {strides = array<i32>} : memref<80x64xf32, #tpu.memory_space<vmem>>, vector<16xf32>,
        tpu.vector_store %arg11[%swap3A_1198, %swap3A_1199], %mul3A_1197 {strides = array<i32>} : memref<80x64xf32, #tpu.memory_space<vmem>>, vector<16xf32>,
        %mul3A_1201 = arith.mulf %broadcast_in_dim3A_1189, %sub3A_1196 : vector<16xf32>
        %swap3A_1202 = arith.index_cast %add3A_1183 : i32 to index
        %swap3A_1203 = arith.constant 0 : index
        %swap3A_1204 = tpu.vector_load %arg13[%swap3A_1202, %swap3A_1203] {strides = array<i32>} : memref<80x64xf32, #tpu.memory_space<vmem>>, vector<16xf32>,
        tpu.vector_store %arg13[%swap3A_1202, %swap3A_1203], %mul3A_1201 {strides = array<i32>} : memref<80x64xf32, #tpu.memory_space<vmem>>, vector<16xf32>,
        %get3A_1205 = arith.index_cast %add3A_1183 : i32 to index
        %get3A_1206 = arith.constant 16 : index
        %get3A_1207 = tpu.vector_load %arg13[%get3A_1205, %get3A_1206] {strides = array<i32>} : memref<80x64xf32, #tpu.memory_space<vmem>>, vector<16xf32>,
        %get3A_1208 = arith.index_cast %add3A_1183 : i32 to index
        %get3A_1209 = arith.constant 16 : index
        %get3A_1210 = tpu.vector_load %arg11[%get3A_1208, %get3A_1209] {strides = array<i32>} : memref<80x64xf32, #tpu.memory_space<vmem>>, vector<16xf32>,
        %sub3A_1211 = arith.subf %get3A_1207, %get3A_1210 : vector<16xf32>
        %mul3A_1212 = arith.mulf %broadcast_in_dim3A_1186, %sub3A_1211 : vector<16xf32>
        %swap3A_1213 = arith.index_cast %add3A_1183 : i32 to index
        %swap3A_1214 = arith.constant 16 : index
        %swap3A_1215 = tpu.vector_load %arg11[%swap3A_1213, %swap3A_1214] {strides = array<i32>} : memref<80x64xf32, #tpu.memory_space<vmem>>, vector<16xf32>,
        tpu.vector_store %arg11[%swap3A_1213, %swap3A_1214], %mul3A_1212 {strides = array<i32>} : memref<80x64xf32, #tpu.memory_space<vmem>>, vector<16xf32>,
        %mul3A_1216 = arith.mulf %broadcast_in_dim3A_1189, %sub3A_1211 : vector<16xf32>
        %swap3A_1217 = arith.index_cast %add3A_1183 : i32 to index
        %swap3A_1218 = arith.constant 16 : index
        %swap3A_1219 = tpu.vector_load %arg13[%swap3A_1217, %swap3A_1218] {strides = array<i32>} : memref<80x64xf32, #tpu.memory_space<vmem>>, vector<16xf32>,
        tpu.vector_store %arg13[%swap3A_1217, %swap3A_1218], %mul3A_1216 {strides = array<i32>} : memref<80x64xf32, #tpu.memory_space<vmem>>, vector<16xf32>,
        %get3A_1220 = arith.index_cast %add3A_1183 : i32 to index
        %get3A_1221 = arith.constant 32 : index
        %get3A_1222 = tpu.vector_load %arg13[%get3A_1220, %get3A_1221] {strides = array<i32>} : memref<80x64xf32, #tpu.memory_space<vmem>>, vector<16xf32>,
        %get3A_1223 = arith.index_cast %add3A_1183 : i32 to index
        %get3A_1224 = arith.constant 32 : index
        %get3A_1225 = tpu.vector_load %arg11[%get3A_1223, %get3A_1224] {strides = array<i32>} : memref<80x64xf32, #tpu.memory_space<vmem>>, vector<16xf32>,
        %sub3A_1226 = arith.subf %get3A_1222, %get3A_1225 : vector<16xf32>
        %mul3A_1227 = arith.mulf %broadcast_in_dim3A_1186, %sub3A_1226 : vector<16xf32>
        %swap3A_1228 = arith.index_cast %add3A_1183 : i32 to index
        %swap3A_1229 = arith.constant 32 : index
        %swap3A_1230 = tpu.vector_load %arg11[%swap3A_1228, %swap3A_1229] {strides = array<i32>} : memref<80x64xf32, #tpu.memory_space<vmem>>, vector<16xf32>,
        tpu.vector_store %arg11[%swap3A_1228, %swap3A_1229], %mul3A_1227 {strides = array<i32>} : memref<80x64xf32, #tpu.memory_space<vmem>>, vector<16xf32>,
        %mul3A_1231 = arith.mulf %broadcast_in_dim3A_1189, %sub3A_1226 : vector<16xf32>
        %swap3A_1232 = arith.index_cast %add3A_1183 : i32 to index
        %swap3A_1233 = arith.constant 32 : index
        %swap3A_1234 = tpu.vector_load %arg13[%swap3A_1232, %swap3A_1233] {strides = array<i32>} : memref<80x64xf32, #tpu.memory_space<vmem>>, vector<16xf32>,
        tpu.vector_store %arg13[%swap3A_1232, %swap3A_1233], %mul3A_1231 {strides = array<i32>} : memref<80x64xf32, #tpu.memory_space<vmem>>, vector<16xf32>,
        %get3A_1235 = arith.index_cast %add3A_1183 : i32 to index
        %get3A_1236 = arith.constant 48 : index
        %get3A_1237 = tpu.vector_load %arg13[%get3A_1235, %get3A_1236] {strides = array<i32>} : memref<80x64xf32, #tpu.memory_space<vmem>>, vector<16xf32>,
        %get3A_1238 = arith.index_cast %add3A_1183 : i32 to index
        %get3A_1239 = arith.constant 48 : index
        %get3A_1240 = tpu.vector_load %arg11[%get3A_1238, %get3A_1239] {strides = array<i32>} : memref<80x64xf32, #tpu.memory_space<vmem>>, vector<16xf32>,
        %sub3A_1241 = arith.subf %get3A_1237, %get3A_1240 : vector<16xf32>
        %mul3A_1242 = arith.mulf %broadcast_in_dim3A_1186, %sub3A_1241 : vector<16xf32>
        %swap3A_1243 = arith.index_cast %add3A_1183 : i32 to index
        %swap3A_1244 = arith.constant 48 : index
        %swap3A_1245 = tpu.vector_load %arg11[%swap3A_1243, %swap3A_1244] {strides = array<i32>} : memref<80x64xf32, #tpu.memory_space<vmem>>, vector<16xf32>,
        tpu.vector_store %arg11[%swap3A_1243, %swap3A_1244], %mul3A_1242 {strides = array<i32>} : memref<80x64xf32, #tpu.memory_space<vmem>>, vector<16xf32>,
        %mul3A_1246 = arith.mulf %broadcast_in_dim3A_1189, %sub3A_1241 : vector<16xf32>
        %swap3A_1247 = arith.index_cast %add3A_1183 : i32 to index
        %swap3A_1248 = arith.constant 48 : index
        %swap3A_1249 = tpu.vector_load %arg13[%swap3A_1247, %swap3A_1248] {strides = array<i32>} : memref<80x64xf32, #tpu.memory_space<vmem>>, vector<16xf32>,
        tpu.vector_store %arg13[%swap3A_1247, %swap3A_1248], %mul3A_1246 {strides = array<i32>} : memref<80x64xf32, #tpu.memory_space<vmem>>, vector<16xf32>,
        %mul3A_1250 = arith.constant 16 : i32
        %mul3A_1251 = arith.muli %scan3A_396, %mul3A_1250 : i32
        %add3A_1252 = arith.constant 12 : i32
        %add3A_1253 = arith.addi %mul3A_1251, %add3A_1252 : i32
        %slice3A_1254 = vector.extract_strided_slice %mul3A_408 {offsets = [12], sizes = [1], strides = [1]} : vector<16xf32> to vector<1xf32>
        %squeeze3A_1255 = vector.extract %slice3A_1254[0] : f32 from vector<1xf32>
        %broadcast_in_dim3A_1256 = vector.broadcast %squeeze3A_1255 : f32 to vector<16xf32>
        %slice3A_1257 = vector.extract_strided_slice %mul3A_412 {offsets = [12], sizes = [1], strides = [1]} : vector<16xf32> to vector<1xf32>
        %squeeze3A_1258 = vector.extract %slice3A_1257[0] : f32 from vector<1xf32>
        %broadcast_in_dim3A_1259 = vector.broadcast %squeeze3A_1258 : f32 to vector<16xf32>
        %get3A_1260 = arith.index_cast %add3A_1253 : i32 to index
        %get3A_1261 = arith.constant 0 : index
        %get3A_1262 = tpu.vector_load %arg13[%get3A_1260, %get3A_1261] {strides = array<i32>} : memref<80x64xf32, #tpu.memory_space<vmem>>, vector<16xf32>,
        %get3A_1263 = arith.index_cast %add3A_1253 : i32 to index
        %get3A_1264 = arith.constant 0 : index
        %get3A_1265 = tpu.vector_load %arg11[%get3A_1263, %get3A_1264] {strides = array<i32>} : memref<80x64xf32, #tpu.memory_space<vmem>>, vector<16xf32>,
        %sub3A_1266 = arith.subf %get3A_1262, %get3A_1265 : vector<16xf32>
        %mul3A_1267 = arith.mulf %broadcast_in_dim3A_1256, %sub3A_1266 : vector<16xf32>
        %swap3A_1268 = arith.index_cast %add3A_1253 : i32 to index
        %swap3A_1269 = arith.constant 0 : index
        %swap3A_1270 = tpu.vector_load %arg11[%swap3A_1268, %swap3A_1269] {strides = array<i32>} : memref<80x64xf32, #tpu.memory_space<vmem>>, vector<16xf32>,
        tpu.vector_store %arg11[%swap3A_1268, %swap3A_1269], %mul3A_1267 {strides = array<i32>} : memref<80x64xf32, #tpu.memory_space<vmem>>, vector<16xf32>,
        %mul3A_1271 = arith.mulf %broadcast_in_dim3A_1259, %sub3A_1266 : vector<16xf32>
        %swap3A_1272 = arith.index_cast %add3A_1253 : i32 to index
        %swap3A_1273 = arith.constant 0 : index
        %swap3A_1274 = tpu.vector_load %arg13[%swap3A_1272, %swap3A_1273] {strides = array<i32>} : memref<80x64xf32, #tpu.memory_space<vmem>>, vector<16xf32>,
        tpu.vector_store %arg13[%swap3A_1272, %swap3A_1273], %mul3A_1271 {strides = array<i32>} : memref<80x64xf32, #tpu.memory_space<vmem>>, vector<16xf32>,
        %get3A_1275 = arith.index_cast %add3A_1253 : i32 to index
        %get3A_1276 = arith.constant 16 : index
        %get3A_1277 = tpu.vector_load %arg13[%get3A_1275, %get3A_1276] {strides = array<i32>} : memref<80x64xf32, #tpu.memory_space<vmem>>, vector<16xf32>,
        %get3A_1278 = arith.index_cast %add3A_1253 : i32 to index
        %get3A_1279 = arith.constant 16 : index
        %get3A_1280 = tpu.vector_load %arg11[%get3A_1278, %get3A_1279] {strides = array<i32>} : memref<80x64xf32, #tpu.memory_space<vmem>>, vector<16xf32>,
        %sub3A_1281 = arith.subf %get3A_1277, %get3A_1280 : vector<16xf32>
        %mul3A_1282 = arith.mulf %broadcast_in_dim3A_1256, %sub3A_1281 : vector<16xf32>
        %swap3A_1283 = arith.index_cast %add3A_1253 : i32 to index
        %swap3A_1284 = arith.constant 16 : index
        %swap3A_1285 = tpu.vector_load %arg11[%swap3A_1283, %swap3A_1284] {strides = array<i32>} : memref<80x64xf32, #tpu.memory_space<vmem>>, vector<16xf32>,
        tpu.vector_store %arg11[%swap3A_1283, %swap3A_1284], %mul3A_1282 {strides = array<i32>} : memref<80x64xf32, #tpu.memory_space<vmem>>, vector<16xf32>,
        %mul3A_1286 = arith.mulf %broadcast_in_dim3A_1259, %sub3A_1281 : vector<16xf32>
        %swap3A_1287 = arith.index_cast %add3A_1253 : i32 to index
        %swap3A_1288 = arith.constant 16 : index
        %swap3A_1289 = tpu.vector_load %arg13[%swap3A_1287, %swap3A_1288] {strides = array<i32>} : memref<80x64xf32, #tpu.memory_space<vmem>>, vector<16xf32>,
        tpu.vector_store %arg13[%swap3A_1287, %swap3A_1288], %mul3A_1286 {strides = array<i32>} : memref<80x64xf32, #tpu.memory_space<vmem>>, vector<16xf32>,
        %get3A_1290 = arith.index_cast %add3A_1253 : i32 to index
        %get3A_1291 = arith.constant 32 : index
        %get3A_1292 = tpu.vector_load %arg13[%get3A_1290, %get3A_1291] {strides = array<i32>} : memref<80x64xf32, #tpu.memory_space<vmem>>, vector<16xf32>,
        %get3A_1293 = arith.index_cast %add3A_1253 : i32 to index
        %get3A_1294 = arith.constant 32 : index
        %get3A_1295 = tpu.vector_load %arg11[%get3A_1293, %get3A_1294] {strides = array<i32>} : memref<80x64xf32, #tpu.memory_space<vmem>>, vector<16xf32>,
        %sub3A_1296 = arith.subf %get3A_1292, %get3A_1295 : vector<16xf32>
        %mul3A_1297 = arith.mulf %broadcast_in_dim3A_1256, %sub3A_1296 : vector<16xf32>
        %swap3A_1298 = arith.index_cast %add3A_1253 : i32 to index
        %swap3A_1299 = arith.constant 32 : index
        %swap3A_1300 = tpu.vector_load %arg11[%swap3A_1298, %swap3A_1299] {strides = array<i32>} : memref<80x64xf32, #tpu.memory_space<vmem>>, vector<16xf32>,
        tpu.vector_store %arg11[%swap3A_1298, %swap3A_1299], %mul3A_1297 {strides = array<i32>} : memref<80x64xf32, #tpu.memory_space<vmem>>, vector<16xf32>,
        %mul3A_1301 = arith.mulf %broadcast_in_dim3A_1259, %sub3A_1296 : vector<16xf32>
        %swap3A_1302 = arith.index_cast %add3A_1253 : i32 to index
        %swap3A_1303 = arith.constant 32 : index
        %swap3A_1304 = tpu.vector_load %arg13[%swap3A_1302, %swap3A_1303] {strides = array<i32>} : memref<80x64xf32, #tpu.memory_space<vmem>>, vector<16xf32>,
        tpu.vector_store %arg13[%swap3A_1302, %swap3A_1303], %mul3A_1301 {strides = array<i32>} : memref<80x64xf32, #tpu.memory_space<vmem>>, vector<16xf32>,
        %get3A_1305 = arith.index_cast %add3A_1253 : i32 to index
        %get3A_1306 = arith.constant 48 : index
        %get3A_1307 = tpu.vector_load %arg13[%get3A_1305, %get3A_1306] {strides = array<i32>} : memref<80x64xf32, #tpu.memory_space<vmem>>, vector<16xf32>,
        %get3A_1308 = arith.index_cast %add3A_1253 : i32 to index
        %get3A_1309 = arith.constant 48 : index
        %get3A_1310 = tpu.vector_load %arg11[%get3A_1308, %get3A_1309] {strides = array<i32>} : memref<80x64xf32, #tpu.memory_space<vmem>>, vector<16xf32>,
        %sub3A_1311 = arith.subf %get3A_1307, %get3A_1310 : vector<16xf32>
        %mul3A_1312 = arith.mulf %broadcast_in_dim3A_1256, %sub3A_1311 : vector<16xf32>
        %swap3A_1313 = arith.index_cast %add3A_1253 : i32 to index
        %swap3A_1314 = arith.constant 48 : index
        %swap3A_1315 = tpu.vector_load %arg11[%swap3A_1313, %swap3A_1314] {strides = array<i32>} : memref<80x64xf32, #tpu.memory_space<vmem>>, vector<16xf32>,
        tpu.vector_store %arg11[%swap3A_1313, %swap3A_1314], %mul3A_1312 {strides = array<i32>} : memref<80x64xf32, #tpu.memory_space<vmem>>, vector<16xf32>,
        %mul3A_1316 = arith.mulf %broadcast_in_dim3A_1259, %sub3A_1311 : vector<16xf32>
        %swap3A_1317 = arith.index_cast %add3A_1253 : i32 to index
        %swap3A_1318 = arith.constant 48 : index
        %swap3A_1319 = tpu.vector_load %arg13[%swap3A_1317, %swap3A_1318] {strides = array<i32>} : memref<80x64xf32, #tpu.memory_space<vmem>>, vector<16xf32>,
        tpu.vector_store %arg13[%swap3A_1317, %swap3A_1318], %mul3A_1316 {strides = array<i32>} : memref<80x64xf32, #tpu.memory_space<vmem>>, vector<16xf32>,
        %mul3A_1320 = arith.constant 16 : i32
        %mul3A_1321 = arith.muli %scan3A_396, %mul3A_1320 : i32
        %add3A_1322 = arith.constant 13 : i32
        %add3A_1323 = arith.addi %mul3A_1321, %add3A_1322 : i32
        %slice3A_1324 = vector.extract_strided_slice %mul3A_408 {offsets = [13], sizes = [1], strides = [1]} : vector<16xf32> to vector<1xf32>
        %squeeze3A_1325 = vector.extract %slice3A_1324[0] : f32 from vector<1xf32>
        %broadcast_in_dim3A_1326 = vector.broadcast %squeeze3A_1325 : f32 to vector<16xf32>
        %slice3A_1327 = vector.extract_strided_slice %mul3A_412 {offsets = [13], sizes = [1], strides = [1]} : vector<16xf32> to vector<1xf32>
        %squeeze3A_1328 = vector.extract %slice3A_1327[0] : f32 from vector<1xf32>
        %broadcast_in_dim3A_1329 = vector.broadcast %squeeze3A_1328 : f32 to vector<16xf32>
        %get3A_1330 = arith.index_cast %add3A_1323 : i32 to index
        %get3A_1331 = arith.constant 0 : index
        %get3A_1332 = tpu.vector_load %arg13[%get3A_1330, %get3A_1331] {strides = array<i32>} : memref<80x64xf32, #tpu.memory_space<vmem>>, vector<16xf32>,
        %get3A_1333 = arith.index_cast %add3A_1323 : i32 to index
        %get3A_1334 = arith.constant 0 : index
        %get3A_1335 = tpu.vector_load %arg11[%get3A_1333, %get3A_1334] {strides = array<i32>} : memref<80x64xf32, #tpu.memory_space<vmem>>, vector<16xf32>,
        %sub3A_1336 = arith.subf %get3A_1332, %get3A_1335 : vector<16xf32>
        %mul3A_1337 = arith.mulf %broadcast_in_dim3A_1326, %sub3A_1336 : vector<16xf32>
        %swap3A_1338 = arith.index_cast %add3A_1323 : i32 to index
        %swap3A_1339 = arith.constant 0 : index
        %swap3A_1340 = tpu.vector_load %arg11[%swap3A_1338, %swap3A_1339] {strides = array<i32>} : memref<80x64xf32, #tpu.memory_space<vmem>>, vector<16xf32>,
        tpu.vector_store %arg11[%swap3A_1338, %swap3A_1339], %mul3A_1337 {strides = array<i32>} : memref<80x64xf32, #tpu.memory_space<vmem>>, vector<16xf32>,
        %mul3A_1341 = arith.mulf %broadcast_in_dim3A_1329, %sub3A_1336 : vector<16xf32>
        %swap3A_1342 = arith.index_cast %add3A_1323 : i32 to index
        %swap3A_1343 = arith.constant 0 : index
        %swap3A_1344 = tpu.vector_load %arg13[%swap3A_1342, %swap3A_1343] {strides = array<i32>} : memref<80x64xf32, #tpu.memory_space<vmem>>, vector<16xf32>,
        tpu.vector_store %arg13[%swap3A_1342, %swap3A_1343], %mul3A_1341 {strides = array<i32>} : memref<80x64xf32, #tpu.memory_space<vmem>>, vector<16xf32>,
        %get3A_1345 = arith.index_cast %add3A_1323 : i32 to index
        %get3A_1346 = arith.constant 16 : index
        %get3A_1347 = tpu.vector_load %arg13[%get3A_1345, %get3A_1346] {strides = array<i32>} : memref<80x64xf32, #tpu.memory_space<vmem>>, vector<16xf32>,
        %get3A_1348 = arith.index_cast %add3A_1323 : i32 to index
        %get3A_1349 = arith.constant 16 : index
        %get3A_1350 = tpu.vector_load %arg11[%get3A_1348, %get3A_1349] {strides = array<i32>} : memref<80x64xf32, #tpu.memory_space<vmem>>, vector<16xf32>,
        %sub3A_1351 = arith.subf %get3A_1347, %get3A_1350 : vector<16xf32>
        %mul3A_1352 = arith.mulf %broadcast_in_dim3A_1326, %sub3A_1351 : vector<16xf32>
        %swap3A_1353 = arith.index_cast %add3A_1323 : i32 to index
        %swap3A_1354 = arith.constant 16 : index
        %swap3A_1355 = tpu.vector_load %arg11[%swap3A_1353, %swap3A_1354] {strides = array<i32>} : memref<80x64xf32, #tpu.memory_space<vmem>>, vector<16xf32>,
        tpu.vector_store %arg11[%swap3A_1353, %swap3A_1354], %mul3A_1352 {strides = array<i32>} : memref<80x64xf32, #tpu.memory_space<vmem>>, vector<16xf32>,
        %mul3A_1356 = arith.mulf %broadcast_in_dim3A_1329, %sub3A_1351 : vector<16xf32>
        %swap3A_1357 = arith.index_cast %add3A_1323 : i32 to index
        %swap3A_1358 = arith.constant 16 : index
        %swap3A_1359 = tpu.vector_load %arg13[%swap3A_1357, %swap3A_1358] {strides = array<i32>} : memref<80x64xf32, #tpu.memory_space<vmem>>, vector<16xf32>,
        tpu.vector_store %arg13[%swap3A_1357, %swap3A_1358], %mul3A_1356 {strides = array<i32>} : memref<80x64xf32, #tpu.memory_space<vmem>>, vector<16xf32>,
        %get3A_1360 = arith.index_cast %add3A_1323 : i32 to index
        %get3A_1361 = arith.constant 32 : index
        %get3A_1362 = tpu.vector_load %arg13[%get3A_1360, %get3A_1361] {strides = array<i32>} : memref<80x64xf32, #tpu.memory_space<vmem>>, vector<16xf32>,
        %get3A_1363 = arith.index_cast %add3A_1323 : i32 to index
        %get3A_1364 = arith.constant 32 : index
        %get3A_1365 = tpu.vector_load %arg11[%get3A_1363, %get3A_1364] {strides = array<i32>} : memref<80x64xf32, #tpu.memory_space<vmem>>, vector<16xf32>,
        %sub3A_1366 = arith.subf %get3A_1362, %get3A_1365 : vector<16xf32>
        %mul3A_1367 = arith.mulf %broadcast_in_dim3A_1326, %sub3A_1366 : vector<16xf32>
        %swap3A_1368 = arith.index_cast %add3A_1323 : i32 to index
        %swap3A_1369 = arith.constant 32 : index
        %swap3A_1370 = tpu.vector_load %arg11[%swap3A_1368, %swap3A_1369] {strides = array<i32>} : memref<80x64xf32, #tpu.memory_space<vmem>>, vector<16xf32>,
        tpu.vector_store %arg11[%swap3A_1368, %swap3A_1369], %mul3A_1367 {strides = array<i32>} : memref<80x64xf32, #tpu.memory_space<vmem>>, vector<16xf32>,
        %mul3A_1371 = arith.mulf %broadcast_in_dim3A_1329, %sub3A_1366 : vector<16xf32>
        %swap3A_1372 = arith.index_cast %add3A_1323 : i32 to index
        %swap3A_1373 = arith.constant 32 : index
        %swap3A_1374 = tpu.vector_load %arg13[%swap3A_1372, %swap3A_1373] {strides = array<i32>} : memref<80x64xf32, #tpu.memory_space<vmem>>, vector<16xf32>,
        tpu.vector_store %arg13[%swap3A_1372, %swap3A_1373], %mul3A_1371 {strides = array<i32>} : memref<80x64xf32, #tpu.memory_space<vmem>>, vector<16xf32>,
        %get3A_1375 = arith.index_cast %add3A_1323 : i32 to index
        %get3A_1376 = arith.constant 48 : index
        %get3A_1377 = tpu.vector_load %arg13[%get3A_1375, %get3A_1376] {strides = array<i32>} : memref<80x64xf32, #tpu.memory_space<vmem>>, vector<16xf32>,
        %get3A_1378 = arith.index_cast %add3A_1323 : i32 to index
        %get3A_1379 = arith.constant 48 : index
        %get3A_1380 = tpu.vector_load %arg11[%get3A_1378, %get3A_1379] {strides = array<i32>} : memref<80x64xf32, #tpu.memory_space<vmem>>, vector<16xf32>,
        %sub3A_1381 = arith.subf %get3A_1377, %get3A_1380 : vector<16xf32>
        %mul3A_1382 = arith.mulf %broadcast_in_dim3A_1326, %sub3A_1381 : vector<16xf32>
        %swap3A_1383 = arith.index_cast %add3A_1323 : i32 to index
        %swap3A_1384 = arith.constant 48 : index
        %swap3A_1385 = tpu.vector_load %arg11[%swap3A_1383, %swap3A_1384] {strides = array<i32>} : memref<80x64xf32, #tpu.memory_space<vmem>>, vector<16xf32>,
        tpu.vector_store %arg11[%swap3A_1383, %swap3A_1384], %mul3A_1382 {strides = array<i32>} : memref<80x64xf32, #tpu.memory_space<vmem>>, vector<16xf32>,
        %mul3A_1386 = arith.mulf %broadcast_in_dim3A_1329, %sub3A_1381 : vector<16xf32>
        %swap3A_1387 = arith.index_cast %add3A_1323 : i32 to index
        %swap3A_1388 = arith.constant 48 : index
        %swap3A_1389 = tpu.vector_load %arg13[%swap3A_1387, %swap3A_1388] {strides = array<i32>} : memref<80x64xf32, #tpu.memory_space<vmem>>, vector<16xf32>,
        tpu.vector_store %arg13[%swap3A_1387, %swap3A_1388], %mul3A_1386 {strides = array<i32>} : memref<80x64xf32, #tpu.memory_space<vmem>>, vector<16xf32>,
        %mul3A_1390 = arith.constant 16 : i32
        %mul3A_1391 = arith.muli %scan3A_396, %mul3A_1390 : i32
        %add3A_1392 = arith.constant 14 : i32
        %add3A_1393 = arith.addi %mul3A_1391, %add3A_1392 : i32
        %slice3A_1394 = vector.extract_strided_slice %mul3A_408 {offsets = [14], sizes = [1], strides = [1]} : vector<16xf32> to vector<1xf32>
        %squeeze3A_1395 = vector.extract %slice3A_1394[0] : f32 from vector<1xf32>
        %broadcast_in_dim3A_1396 = vector.broadcast %squeeze3A_1395 : f32 to vector<16xf32>
        %slice3A_1397 = vector.extract_strided_slice %mul3A_412 {offsets = [14], sizes = [1], strides = [1]} : vector<16xf32> to vector<1xf32>
        %squeeze3A_1398 = vector.extract %slice3A_1397[0] : f32 from vector<1xf32>
        %broadcast_in_dim3A_1399 = vector.broadcast %squeeze3A_1398 : f32 to vector<16xf32>
        %get3A_1400 = arith.index_cast %add3A_1393 : i32 to index
        %get3A_1401 = arith.constant 0 : index
        %get3A_1402 = tpu.vector_load %arg13[%get3A_1400, %get3A_1401] {strides = array<i32>} : memref<80x64xf32, #tpu.memory_space<vmem>>, vector<16xf32>,
        %get3A_1403 = arith.index_cast %add3A_1393 : i32 to index
        %get3A_1404 = arith.constant 0 : index
        %get3A_1405 = tpu.vector_load %arg11[%get3A_1403, %get3A_1404] {strides = array<i32>} : memref<80x64xf32, #tpu.memory_space<vmem>>, vector<16xf32>,
        %sub3A_1406 = arith.subf %get3A_1402, %get3A_1405 : vector<16xf32>
        %mul3A_1407 = arith.mulf %broadcast_in_dim3A_1396, %sub3A_1406 : vector<16xf32>
        %swap3A_1408 = arith.index_cast %add3A_1393 : i32 to index
        %swap3A_1409 = arith.constant 0 : index
        %swap3A_1410 = tpu.vector_load %arg11[%swap3A_1408, %swap3A_1409] {strides = array<i32>} : memref<80x64xf32, #tpu.memory_space<vmem>>, vector<16xf32>,
        tpu.vector_store %arg11[%swap3A_1408, %swap3A_1409], %mul3A_1407 {strides = array<i32>} : memref<80x64xf32, #tpu.memory_space<vmem>>, vector<16xf32>,
        %mul3A_1411 = arith.mulf %broadcast_in_dim3A_1399, %sub3A_1406 : vector<16xf32>
        %swap3A_1412 = arith.index_cast %add3A_1393 : i32 to index
        %swap3A_1413 = arith.constant 0 : index
        %swap3A_1414 = tpu.vector_load %arg13[%swap3A_1412, %swap3A_1413] {strides = array<i32>} : memref<80x64xf32, #tpu.memory_space<vmem>>, vector<16xf32>,
        tpu.vector_store %arg13[%swap3A_1412, %swap3A_1413], %mul3A_1411 {strides = array<i32>} : memref<80x64xf32, #tpu.memory_space<vmem>>, vector<16xf32>,
        %get3A_1415 = arith.index_cast %add3A_1393 : i32 to index
        %get3A_1416 = arith.constant 16 : index
        %get3A_1417 = tpu.vector_load %arg13[%get3A_1415, %get3A_1416] {strides = array<i32>} : memref<80x64xf32, #tpu.memory_space<vmem>>, vector<16xf32>,
        %get3A_1418 = arith.index_cast %add3A_1393 : i32 to index
        %get3A_1419 = arith.constant 16 : index
        %get3A_1420 = tpu.vector_load %arg11[%get3A_1418, %get3A_1419] {strides = array<i32>} : memref<80x64xf32, #tpu.memory_space<vmem>>, vector<16xf32>,
        %sub3A_1421 = arith.subf %get3A_1417, %get3A_1420 : vector<16xf32>
        %mul3A_1422 = arith.mulf %broadcast_in_dim3A_1396, %sub3A_1421 : vector<16xf32>
        %swap3A_1423 = arith.index_cast %add3A_1393 : i32 to index
        %swap3A_1424 = arith.constant 16 : index
        %swap3A_1425 = tpu.vector_load %arg11[%swap3A_1423, %swap3A_1424] {strides = array<i32>} : memref<80x64xf32, #tpu.memory_space<vmem>>, vector<16xf32>,
        tpu.vector_store %arg11[%swap3A_1423, %swap3A_1424], %mul3A_1422 {strides = array<i32>} : memref<80x64xf32, #tpu.memory_space<vmem>>, vector<16xf32>,
        %mul3A_1426 = arith.mulf %broadcast_in_dim3A_1399, %sub3A_1421 : vector<16xf32>
        %swap3A_1427 = arith.index_cast %add3A_1393 : i32 to index
        %swap3A_1428 = arith.constant 16 : index
        %swap3A_1429 = tpu.vector_load %arg13[%swap3A_1427, %swap3A_1428] {strides = array<i32>} : memref<80x64xf32, #tpu.memory_space<vmem>>, vector<16xf32>,
        tpu.vector_store %arg13[%swap3A_1427, %swap3A_1428], %mul3A_1426 {strides = array<i32>} : memref<80x64xf32, #tpu.memory_space<vmem>>, vector<16xf32>,
        %get3A_1430 = arith.index_cast %add3A_1393 : i32 to index
        %get3A_1431 = arith.constant 32 : index
        %get3A_1432 = tpu.vector_load %arg13[%get3A_1430, %get3A_1431] {strides = array<i32>} : memref<80x64xf32, #tpu.memory_space<vmem>>, vector<16xf32>,
        %get3A_1433 = arith.index_cast %add3A_1393 : i32 to index
        %get3A_1434 = arith.constant 32 : index
        %get3A_1435 = tpu.vector_load %arg11[%get3A_1433, %get3A_1434] {strides = array<i32>} : memref<80x64xf32, #tpu.memory_space<vmem>>, vector<16xf32>,
        %sub3A_1436 = arith.subf %get3A_1432, %get3A_1435 : vector<16xf32>
        %mul3A_1437 = arith.mulf %broadcast_in_dim3A_1396, %sub3A_1436 : vector<16xf32>
        %swap3A_1438 = arith.index_cast %add3A_1393 : i32 to index
        %swap3A_1439 = arith.constant 32 : index
        %swap3A_1440 = tpu.vector_load %arg11[%swap3A_1438, %swap3A_1439] {strides = array<i32>} : memref<80x64xf32, #tpu.memory_space<vmem>>, vector<16xf32>,
        tpu.vector_store %arg11[%swap3A_1438, %swap3A_1439], %mul3A_1437 {strides = array<i32>} : memref<80x64xf32, #tpu.memory_space<vmem>>, vector<16xf32>,
        %mul3A_1441 = arith.mulf %broadcast_in_dim3A_1399, %sub3A_1436 : vector<16xf32>
        %swap3A_1442 = arith.index_cast %add3A_1393 : i32 to index
        %swap3A_1443 = arith.constant 32 : index
        %swap3A_1444 = tpu.vector_load %arg13[%swap3A_1442, %swap3A_1443] {strides = array<i32>} : memref<80x64xf32, #tpu.memory_space<vmem>>, vector<16xf32>,
        tpu.vector_store %arg13[%swap3A_1442, %swap3A_1443], %mul3A_1441 {strides = array<i32>} : memref<80x64xf32, #tpu.memory_space<vmem>>, vector<16xf32>,
        %get3A_1445 = arith.index_cast %add3A_1393 : i32 to index
        %get3A_1446 = arith.constant 48 : index
        %get3A_1447 = tpu.vector_load %arg13[%get3A_1445, %get3A_1446] {strides = array<i32>} : memref<80x64xf32, #tpu.memory_space<vmem>>, vector<16xf32>,
        %get3A_1448 = arith.index_cast %add3A_1393 : i32 to index
        %get3A_1449 = arith.constant 48 : index
        %get3A_1450 = tpu.vector_load %arg11[%get3A_1448, %get3A_1449] {strides = array<i32>} : memref<80x64xf32, #tpu.memory_space<vmem>>, vector<16xf32>,
        %sub3A_1451 = arith.subf %get3A_1447, %get3A_1450 : vector<16xf32>
        %mul3A_1452 = arith.mulf %broadcast_in_dim3A_1396, %sub3A_1451 : vector<16xf32>
        %swap3A_1453 = arith.index_cast %add3A_1393 : i32 to index
        %swap3A_1454 = arith.constant 48 : index
        %swap3A_1455 = tpu.vector_load %arg11[%swap3A_1453, %swap3A_1454] {strides = array<i32>} : memref<80x64xf32, #tpu.memory_space<vmem>>, vector<16xf32>,
        tpu.vector_store %arg11[%swap3A_1453, %swap3A_1454], %mul3A_1452 {strides = array<i32>} : memref<80x64xf32, #tpu.memory_space<vmem>>, vector<16xf32>,
        %mul3A_1456 = arith.mulf %broadcast_in_dim3A_1399, %sub3A_1451 : vector<16xf32>
        %swap3A_1457 = arith.index_cast %add3A_1393 : i32 to index
        %swap3A_1458 = arith.constant 48 : index
        %swap3A_1459 = tpu.vector_load %arg13[%swap3A_1457, %swap3A_1458] {strides = array<i32>} : memref<80x64xf32, #tpu.memory_space<vmem>>, vector<16xf32>,
        tpu.vector_store %arg13[%swap3A_1457, %swap3A_1458], %mul3A_1456 {strides = array<i32>} : memref<80x64xf32, #tpu.memory_space<vmem>>, vector<16xf32>,
        %mul3A_1460 = arith.constant 16 : i32
        %mul3A_1461 = arith.muli %scan3A_396, %mul3A_1460 : i32
        %add3A_1462 = arith.constant 15 : i32
        %add3A_1463 = arith.addi %mul3A_1461, %add3A_1462 : i32
        %slice3A_1464 = vector.extract_strided_slice %mul3A_408 {offsets = [15], sizes = [1], strides = [1]} : vector<16xf32> to vector<1xf32>
        %squeeze3A_1465 = vector.extract %slice3A_1464[0] : f32 from vector<1xf32>
        %broadcast_in_dim3A_1466 = vector.broadcast %squeeze3A_1465 : f32 to vector<16xf32>
        %slice3A_1467 = vector.extract_strided_slice %mul3A_412 {offsets = [15], sizes = [1], strides = [1]} : vector<16xf32> to vector<1xf32>
        %squeeze3A_1468 = vector.extract %slice3A_1467[0] : f32 from vector<1xf32>
        %broadcast_in_dim3A_1469 = vector.broadcast %squeeze3A_1468 : f32 to vector<16xf32>
        %get3A_1470 = arith.index_cast %add3A_1463 : i32 to index
        %get3A_1471 = arith.constant 0 : index
        %get3A_1472 = tpu.vector_load %arg13[%get3A_1470, %get3A_1471] {strides = array<i32>} : memref<80x64xf32, #tpu.memory_space<vmem>>, vector<16xf32>,
        %get3A_1473 = arith.index_cast %add3A_1463 : i32 to index
        %get3A_1474 = arith.constant 0 : index
        %get3A_1475 = tpu.vector_load %arg11[%get3A_1473, %get3A_1474] {strides = array<i32>} : memref<80x64xf32, #tpu.memory_space<vmem>>, vector<16xf32>,
        %sub3A_1476 = arith.subf %get3A_1472, %get3A_1475 : vector<16xf32>
        %mul3A_1477 = arith.mulf %broadcast_in_dim3A_1466, %sub3A_1476 : vector<16xf32>
        %swap3A_1478 = arith.index_cast %add3A_1463 : i32 to index
        %swap3A_1479 = arith.constant 0 : index
        %swap3A_1480 = tpu.vector_load %arg11[%swap3A_1478, %swap3A_1479] {strides = array<i32>} : memref<80x64xf32, #tpu.memory_space<vmem>>, vector<16xf32>,
        tpu.vector_store %arg11[%swap3A_1478, %swap3A_1479], %mul3A_1477 {strides = array<i32>} : memref<80x64xf32, #tpu.memory_space<vmem>>, vector<16xf32>,
        %mul3A_1481 = arith.mulf %broadcast_in_dim3A_1469, %sub3A_1476 : vector<16xf32>
        %swap3A_1482 = arith.index_cast %add3A_1463 : i32 to index
        %swap3A_1483 = arith.constant 0 : index
        %swap3A_1484 = tpu.vector_load %arg13[%swap3A_1482, %swap3A_1483] {strides = array<i32>} : memref<80x64xf32, #tpu.memory_space<vmem>>, vector<16xf32>,
        tpu.vector_store %arg13[%swap3A_1482, %swap3A_1483], %mul3A_1481 {strides = array<i32>} : memref<80x64xf32, #tpu.memory_space<vmem>>, vector<16xf32>,
        %get3A_1485 = arith.index_cast %add3A_1463 : i32 to index
        %get3A_1486 = arith.constant 16 : index
        %get3A_1487 = tpu.vector_load %arg13[%get3A_1485, %get3A_1486] {strides = array<i32>} : memref<80x64xf32, #tpu.memory_space<vmem>>, vector<16xf32>,
        %get3A_1488 = arith.index_cast %add3A_1463 : i32 to index
        %get3A_1489 = arith.constant 16 : index
        %get3A_1490 = tpu.vector_load %arg11[%get3A_1488, %get3A_1489] {strides = array<i32>} : memref<80x64xf32, #tpu.memory_space<vmem>>, vector<16xf32>,
        %sub3A_1491 = arith.subf %get3A_1487, %get3A_1490 : vector<16xf32>
        %mul3A_1492 = arith.mulf %broadcast_in_dim3A_1466, %sub3A_1491 : vector<16xf32>
        %swap3A_1493 = arith.index_cast %add3A_1463 : i32 to index
        %swap3A_1494 = arith.constant 16 : index
        %swap3A_1495 = tpu.vector_load %arg11[%swap3A_1493, %swap3A_1494] {strides = array<i32>} : memref<80x64xf32, #tpu.memory_space<vmem>>, vector<16xf32>,
        tpu.vector_store %arg11[%swap3A_1493, %swap3A_1494], %mul3A_1492 {strides = array<i32>} : memref<80x64xf32, #tpu.memory_space<vmem>>, vector<16xf32>,
        %mul3A_1496 = arith.mulf %broadcast_in_dim3A_1469, %sub3A_1491 : vector<16xf32>
        %swap3A_1497 = arith.index_cast %add3A_1463 : i32 to index
        %swap3A_1498 = arith.constant 16 : index
        %swap3A_1499 = tpu.vector_load %arg13[%swap3A_1497, %swap3A_1498] {strides = array<i32>} : memref<80x64xf32, #tpu.memory_space<vmem>>, vector<16xf32>,
        tpu.vector_store %arg13[%swap3A_1497, %swap3A_1498], %mul3A_1496 {strides = array<i32>} : memref<80x64xf32, #tpu.memory_space<vmem>>, vector<16xf32>,
        %get3A_1500 = arith.index_cast %add3A_1463 : i32 to index
        %get3A_1501 = arith.constant 32 : index
        %get3A_1502 = tpu.vector_load %arg13[%get3A_1500, %get3A_1501] {strides = array<i32>} : memref<80x64xf32, #tpu.memory_space<vmem>>, vector<16xf32>,
        %get3A_1503 = arith.index_cast %add3A_1463 : i32 to index
        %get3A_1504 = arith.constant 32 : index
        %get3A_1505 = tpu.vector_load %arg11[%get3A_1503, %get3A_1504] {strides = array<i32>} : memref<80x64xf32, #tpu.memory_space<vmem>>, vector<16xf32>,
        %sub3A_1506 = arith.subf %get3A_1502, %get3A_1505 : vector<16xf32>
        %mul3A_1507 = arith.mulf %broadcast_in_dim3A_1466, %sub3A_1506 : vector<16xf32>
        %swap3A_1508 = arith.index_cast %add3A_1463 : i32 to index
        %swap3A_1509 = arith.constant 32 : index
        %swap3A_1510 = tpu.vector_load %arg11[%swap3A_1508, %swap3A_1509] {strides = array<i32>} : memref<80x64xf32, #tpu.memory_space<vmem>>, vector<16xf32>,
        tpu.vector_store %arg11[%swap3A_1508, %swap3A_1509], %mul3A_1507 {strides = array<i32>} : memref<80x64xf32, #tpu.memory_space<vmem>>, vector<16xf32>,
        %mul3A_1511 = arith.mulf %broadcast_in_dim3A_1469, %sub3A_1506 : vector<16xf32>
        %swap3A_1512 = arith.index_cast %add3A_1463 : i32 to index
        %swap3A_1513 = arith.constant 32 : index
        %swap3A_1514 = tpu.vector_load %arg13[%swap3A_1512, %swap3A_1513] {strides = array<i32>} : memref<80x64xf32, #tpu.memory_space<vmem>>, vector<16xf32>,
        tpu.vector_store %arg13[%swap3A_1512, %swap3A_1513], %mul3A_1511 {strides = array<i32>} : memref<80x64xf32, #tpu.memory_space<vmem>>, vector<16xf32>,
        %get3A_1515 = arith.index_cast %add3A_1463 : i32 to index
        %get3A_1516 = arith.constant 48 : index
        %get3A_1517 = tpu.vector_load %arg13[%get3A_1515, %get3A_1516] {strides = array<i32>} : memref<80x64xf32, #tpu.memory_space<vmem>>, vector<16xf32>,
        %get3A_1518 = arith.index_cast %add3A_1463 : i32 to index
        %get3A_1519 = arith.constant 48 : index
        %get3A_1520 = tpu.vector_load %arg11[%get3A_1518, %get3A_1519] {strides = array<i32>} : memref<80x64xf32, #tpu.memory_space<vmem>>, vector<16xf32>,
        %sub3A_1521 = arith.subf %get3A_1517, %get3A_1520 : vector<16xf32>
        %mul3A_1522 = arith.mulf %broadcast_in_dim3A_1466, %sub3A_1521 : vector<16xf32>
        %swap3A_1523 = arith.index_cast %add3A_1463 : i32 to index
        %swap3A_1524 = arith.constant 48 : index
        %swap3A_1525 = tpu.vector_load %arg11[%swap3A_1523, %swap3A_1524] {strides = array<i32>} : memref<80x64xf32, #tpu.memory_space<vmem>>, vector<16xf32>,
        tpu.vector_store %arg11[%swap3A_1523, %swap3A_1524], %mul3A_1522 {strides = array<i32>} : memref<80x64xf32, #tpu.memory_space<vmem>>, vector<16xf32>,
        %mul3A_1526 = arith.mulf %broadcast_in_dim3A_1469, %sub3A_1521 : vector<16xf32>
        %swap3A_1527 = arith.index_cast %add3A_1463 : i32 to index
        %swap3A_1528 = arith.constant 48 : index
        %swap3A_1529 = tpu.vector_load %arg13[%swap3A_1527, %swap3A_1528] {strides = array<i32>} : memref<80x64xf32, #tpu.memory_space<vmem>>, vector<16xf32>,
        tpu.vector_store %arg13[%swap3A_1527, %swap3A_1528], %mul3A_1526 {strides = array<i32>} : memref<80x64xf32, #tpu.memory_space<vmem>>, vector<16xf32>,
        %scan3A_1530 = arith.constant 0 : i32
        scf.yield %scan3A_1530 : i32
      }
      %scan3A_250 = arith.constant 5 : i32
      %dma_start3A = arith.constant 0 : i32
      %dma_start3A_251 = arith.constant 0 : i32
      %dma_start3A_252 = tpu.memref_slice %arg9[%dma_start3A, %sub3A_180, %dma_start3A_251] : memref<2x5x80xi32, #tpu.memory_space<vmem>> -> memref<1x1x80xi32, #tpu.memory_space<vmem>>
      %dma_start3A_253 = tpu.memref_squeeze %dma_start3A_252 : memref<1x1x80xi32, #tpu.memory_space<vmem>> -> memref<80xi32, #tpu.memory_space<vmem>>
      %dma_start3A_254 = arith.constant 0 : i32
      %dma_start3A_255 = arith.constant 0 : i32
      %dma_start3A_256 = tpu.memref_slice %arg24[%dma_start3A_254, %dma_start3A_255] : memref<10000x64xf32, #tpu.memory_space<vmem_shared>> -> memref<10000x64xf32, #tpu.memory_space<vmem_shared>>
      tpu.enqueue_indirect_dma source(%arg11 : memref<80x64xf32, #tpu.memory_space<vmem>>) target(%dma_start3A_256 : memref<10000x64xf32, #tpu.memory_space<vmem_shared>>) offsets(%dma_start3A_253 : memref<80xi32, #tpu.memory_space<vmem>>) semaphore(%arg29 : memref<!tpu.dma_semaphore, #tpu.memory_space<semaphore_mem>>) {add = true}
      %dma_start3A_257 = arith.constant 1 : i32
      %dma_start3A_258 = arith.constant 0 : i32
      %dma_start3A_259 = tpu.memref_slice %arg9[%dma_start3A_257, %sub3A_180, %dma_start3A_258] : memref<2x5x80xi32, #tpu.memory_space<vmem>> -> memref<1x1x80xi32, #tpu.memory_space<vmem>>
      %dma_start3A_260 = tpu.memref_squeeze %dma_start3A_259 : memref<1x1x80xi32, #tpu.memory_space<vmem>> -> memref<80xi32, #tpu.memory_space<vmem>>
      %dma_start3A_261 = arith.constant 0 : i32
      %dma_start3A_262 = arith.constant 0 : i32
      %dma_start3A_263 = tpu.memref_slice %arg24[%dma_start3A_261, %dma_start3A_262] : memref<10000x64xf32, #tpu.memory_space<vmem_shared>> -> memref<10000x64xf32, #tpu.memory_space<vmem_shared>>
      tpu.enqueue_indirect_dma source(%arg13 : memref<80x64xf32, #tpu.memory_space<vmem>>) target(%dma_start3A_263 : memref<10000x64xf32, #tpu.memory_space<vmem_shared>>) offsets(%dma_start3A_260 : memref<80xi32, #tpu.memory_space<vmem>>) semaphore(%arg29 : memref<!tpu.dma_semaphore, #tpu.memory_space<semaphore_mem>>) {add = true}
      %mul3A_264 = arith.constant 2 : i32
      %mul3A_265 = arith.muli %mul3A_264, %scan3A_157 : i32
      %add3A_266 = arith.constant 1 : i32
      %add3A_267 = arith.addi %mul3A_265, %add3A_266 : i32
      %jit3A_268 = arith.constant 5 : i32
      %div3A_269 = arith.divsi %add3A_267, %jit3A_268 : i32
      %sign3A_270 = arith.constant 0 : i32
      %sign3A_271 = arith.cmpi sgt, %add3A_267, %sign3A_270 : i32
      %sign3A_272 = arith.extui %sign3A_271 : i1 to i32
      %sign3A_273 = arith.constant 0 : i32
      %sign3A_274 = arith.cmpi slt, %add3A_267, %sign3A_273 : i32
      %sign3A_275 = arith.extui %sign3A_274 : i1 to i32
      %sign3A_276 = arith.subi %sign3A_272, %sign3A_275 : i32
      %sign3A_277 = arith.constant 0 : i32
      %sign3A_278 = arith.cmpi sgt, %jit3A_268, %sign3A_277 : i32
      %sign3A_279 = arith.extui %sign3A_278 : i1 to i32
      %sign3A_280 = arith.constant 0 : i32
      %sign3A_281 = arith.cmpi slt, %jit3A_268, %sign3A_280 : i32
      %sign3A_282 = arith.extui %sign3A_281 : i1 to i32
      %sign3A_283 = arith.subi %sign3A_279, %sign3A_282 : i32
      %ne3A_284 = arith.cmpi ne, %sign3A_276, %sign3A_283 : i32
      %rem3A_285 = arith.remsi %add3A_267, %jit3A_268 : i32
      %ne3A_286 = arith.constant 0 : i32
      %ne3A_287 = arith.cmpi ne, %rem3A_285, %ne3A_286 : i32
      %and3A_288 = arith.andi %ne3A_284, %ne3A_287 : i1
      %sub3A_289 = arith.constant 1 : i32
      %sub3A_290 = arith.subi %div3A_269, %sub3A_289 : i32
      %select_n3A_291 = arith.select %and3A_288, %sub3A_290, %div3A_269 : i32
      %mul3A_292 = arith.constant 5 : i32
      %mul3A_293 = arith.muli %select_n3A_291, %mul3A_292 : i32
      %sub3A_294 = arith.subi %add3A_267, %mul3A_293 : i32
      %sub3A_295 = arith.constant 1 : i32
      %sub3A_296 = arith.subi %add3A_267, %sub3A_295 : i32
      %jit3A_297 = arith.constant 5 : i32
      %div3A_298 = arith.divsi %sub3A_296, %jit3A_297 : i32
      %sign3A_299 = arith.constant 0 : i32
      %sign3A_300 = arith.cmpi sgt, %sub3A_296, %sign3A_299 : i32
      %sign3A_301 = arith.extui %sign3A_300 : i1 to i32
      %sign3A_302 = arith.constant 0 : i32
      %sign3A_303 = arith.cmpi slt, %sub3A_296, %sign3A_302 : i32
      %sign3A_304 = arith.extui %sign3A_303 : i1 to i32
      %sign3A_305 = arith.subi %sign3A_301, %sign3A_304 : i32
      %sign3A_306 = arith.constant 0 : i32
      %sign3A_307 = arith.cmpi sgt, %jit3A_297, %sign3A_306 : i32
      %sign3A_308 = arith.extui %sign3A_307 : i1 to i32
      %sign3A_309 = arith.constant 0 : i32
      %sign3A_310 = arith.cmpi slt, %jit3A_297, %sign3A_309 : i32
      %sign3A_311 = arith.extui %sign3A_310 : i1 to i32
      %sign3A_312 = arith.subi %sign3A_308, %sign3A_311 : i32
      %ne3A_313 = arith.cmpi ne, %sign3A_305, %sign3A_312 : i32
      %rem3A_314 = arith.remsi %sub3A_296, %jit3A_297 : i32
      %ne3A_315 = arith.constant 0 : i32
      %ne3A_316 = arith.cmpi ne, %rem3A_314, %ne3A_315 : i32
      %and3A_317 = arith.andi %ne3A_313, %ne3A_316 : i1
      %sub3A_318 = arith.constant 1 : i32
      %sub3A_319 = arith.subi %div3A_298, %sub3A_318 : i32
      %select_n3A_320 = arith.select %and3A_317, %sub3A_319, %div3A_298 : i32
      %mul3A_321 = arith.constant 5 : i32
      %mul3A_322 = arith.muli %select_n3A_320, %mul3A_321 : i32
      %sub3A_323 = arith.subi %sub3A_296, %mul3A_322 : i32
      %dma_wait3A_324 = arith.constant 0 : i32
      %dma_wait3A_325 = arith.constant 0 : i32
      %dma_wait3A_326 = tpu.memref_slice %arg9[%dma_wait3A_324, %sub3A_323, %dma_wait3A_325] : memref<2x5x80xi32, #tpu.memory_space<vmem>> -> memref<1x1x80xi32, #tpu.memory_space<vmem>>
      %dma_wait3A_327 = tpu.memref_squeeze %dma_wait3A_326 : memref<1x1x80xi32, #tpu.memory_space<vmem>> -> memref<80xi32, #tpu.memory_space<vmem>>
      %dma_wait3A_328 = arith.constant 0 : i32
      %dma_wait3A_329 = arith.constant 0 : i32
      %dma_wait3A_330 = tpu.memref_slice %arg24[%dma_wait3A_328, %dma_wait3A_329] : memref<10000x64xf32, #tpu.memory_space<vmem_shared>> -> memref<10000x64xf32, #tpu.memory_space<vmem_shared>>
      tpu.wait_indirect_dma semaphore(%arg29 : memref<!tpu.dma_semaphore, #tpu.memory_space<semaphore_mem>>) src(%arg11 : memref<80x64xf32, #tpu.memory_space<vmem>>) dst(%dma_wait3A_330 : memref<10000x64xf32, #tpu.memory_space<vmem_shared>>)
      %dma_wait3A_331 = arith.constant 1 : i32
      %dma_wait3A_332 = arith.constant 0 : i32
      %dma_wait3A_333 = tpu.memref_slice %arg9[%dma_wait3A_331, %sub3A_323, %dma_wait3A_332] : memref<2x5x80xi32, #tpu.memory_space<vmem>> -> memref<1x1x80xi32, #tpu.memory_space<vmem>>
      %dma_wait3A_334 = tpu.memref_squeeze %dma_wait3A_333 : memref<1x1x80xi32, #tpu.memory_space<vmem>> -> memref<80xi32, #tpu.memory_space<vmem>>
      %dma_wait3A_335 = arith.constant 0 : i32
      %dma_wait3A_336 = arith.constant 0 : i32
      %dma_wait3A_337 = tpu.memref_slice %arg24[%dma_wait3A_335, %dma_wait3A_336] : memref<10000x64xf32, #tpu.memory_space<vmem_shared>> -> memref<10000x64xf32, #tpu.memory_space<vmem_shared>>
      tpu.wait_indirect_dma semaphore(%arg29 : memref<!tpu.dma_semaphore, #tpu.memory_space<semaphore_mem>>) src(%arg13 : memref<80x64xf32, #tpu.memory_space<vmem>>) dst(%dma_wait3A_337 : memref<10000x64xf32, #tpu.memory_space<vmem_shared>>)
      %eq3A_338 = arith.constant 0 : i32
      %eq3A_339 = arith.cmpi eq, %sub3A_294, %eq3A_338 : i32
      %convert_element_type3A_340 = arith.extui %eq3A_339 : i1 to i32
      %cond3A_341 = arith.constant 0 : i32
      %cond3A_342 = arith.cmpi ne, %convert_element_type3A_340, %cond3A_341 : i32
      scf.if %cond3A_342 {
        %jit3A_396 = arith.constant 5 : i32
        %div3A_397 = arith.divsi %add3A_267, %jit3A_396 : i32
        %sign3A_398 = arith.constant 0 : i32
        %sign3A_399 = arith.cmpi sgt, %add3A_267, %sign3A_398 : i32
        %sign3A_400 = arith.extui %sign3A_399 : i1 to i32
        %sign3A_401 = arith.constant 0 : i32
        %sign3A_402 = arith.cmpi slt, %add3A_267, %sign3A_401 : i32
        %sign3A_403 = arith.extui %sign3A_402 : i1 to i32
        %sign3A_404 = arith.subi %sign3A_400, %sign3A_403 : i32
        %sign3A_405 = arith.constant 0 : i32
        %sign3A_406 = arith.cmpi sgt, %jit3A_396, %sign3A_405 : i32
        %sign3A_407 = arith.extui %sign3A_406 : i1 to i32
        %sign3A_408 = arith.constant 0 : i32
        %sign3A_409 = arith.cmpi slt, %jit3A_396, %sign3A_408 : i32
        %sign3A_410 = arith.extui %sign3A_409 : i1 to i32
        %sign3A_411 = arith.subi %sign3A_407, %sign3A_410 : i32
        %ne3A_412 = arith.cmpi ne, %sign3A_404, %sign3A_411 : i32
        %rem3A_413 = arith.remsi %add3A_267, %jit3A_396 : i32
        %ne3A_414 = arith.constant 0 : i32
        %ne3A_415 = arith.cmpi ne, %rem3A_413, %ne3A_414 : i32
        %and3A_416 = arith.andi %ne3A_412, %ne3A_415 : i1
        %sub3A_417 = arith.constant 1 : i32
        %sub3A_418 = arith.subi %div3A_397, %sub3A_417 : i32
        %select_n3A_419 = arith.select %and3A_416, %sub3A_418, %div3A_397 : i32
        %mul3A_420 = arith.constant 50 : i32
        %mul3A_421 = arith.muli %arg1, %mul3A_420 : i32
        %add3A_422 = arith.addi %mul3A_421, %select_n3A_419 : i32
        %mul3A_423 = arith.constant 5 : i32
        %mul3A_424 = arith.muli %add3A_422, %mul3A_423 : i32
        "tpu.region"() ({
          %run_scoped3A = tpu.sem_alloc : memref<!tpu.dma_semaphore, #tpu.memory_space<semaphore_mem>>
          %dma_start3A_449 = arith.constant 0 : i32
          %dma_start3A_450 = arith.constant 0 : i32
          %dma_start3A_451 = tpu.memref_slice %arg5[%dma_start3A_449, %mul3A_424, %dma_start3A_450] : memref<2x4000x80xi32, #tpu.memory_space<hbm>> -> memref<2x5x80xi32, #tpu.memory_space<hbm>>
          %dma_start3A_452 = arith.constant 0 : i32
          %dma_start3A_453 = arith.constant 0 : i32
          %dma_start3A_454 = tpu.memref_slice %arg5[%dma_start3A_452, %mul3A_424, %dma_start3A_453] : memref<2x4000x80xi32, #tpu.memory_space<hbm>> -> memref<2x5x80xi32, #tpu.memory_space<hbm>>
          tpu.enqueue_dma source(%dma_start3A_454 : memref<2x5x80xi32, #tpu.memory_space<hbm>>) target(%arg9 : memref<2x5x80xi32, #tpu.memory_space<vmem>>) target_semaphore(%run_scoped3A : memref<!tpu.dma_semaphore, #tpu.memory_space<semaphore_mem>>)
          %dma_wait3A_455 = arith.constant 0 : i32
          %dma_wait3A_456 = arith.constant 0 : i32
          %dma_wait3A_457 = tpu.memref_slice %arg5[%dma_wait3A_455, %mul3A_424, %dma_wait3A_456] : memref<2x4000x80xi32, #tpu.memory_space<hbm>> -> memref<2x5x80xi32, #tpu.memory_space<hbm>>
          %dma_wait3A_458 = arith.constant 0 : i32
          %dma_wait3A_459 = arith.constant 0 : i32
          %dma_wait3A_460 = tpu.memref_slice %arg5[%dma_wait3A_458, %mul3A_424, %dma_wait3A_459] : memref<2x4000x80xi32, #tpu.memory_space<hbm>> -> memref<2x5x80xi32, #tpu.memory_space<hbm>>
          tpu.wait_dma2 semaphore(%run_scoped3A : memref<!tpu.dma_semaphore, #tpu.memory_space<semaphore_mem>>) src(%dma_wait3A_460 : memref<2x5x80xi32, #tpu.memory_space<hbm>>) dst(%arg9 : memref<2x5x80xi32, #tpu.memory_space<vmem>>)
          tpu.yield
        }) : () -> ()
        "tpu.region"() ({
          %run_scoped3A = tpu.sem_alloc : memref<!tpu.dma_semaphore, #tpu.memory_space<semaphore_mem>>
          %dma_start3A_449 = arith.constant 0 : i32
          %dma_start3A_450 = tpu.memref_slice %arg6[%mul3A_424, %dma_start3A_449] : memref<4000x80xf32, #tpu.memory_space<hbm>> -> memref<5x80xf32, #tpu.memory_space<hbm>>
          %dma_start3A_451 = arith.constant 0 : i32
          %dma_start3A_452 = tpu.memref_slice %arg6[%mul3A_424, %dma_start3A_451] : memref<4000x80xf32, #tpu.memory_space<hbm>> -> memref<5x80xf32, #tpu.memory_space<hbm>>
          tpu.enqueue_dma source(%dma_start3A_452 : memref<5x80xf32, #tpu.memory_space<hbm>>) target(%arg10 : memref<5x80xf32, #tpu.memory_space<vmem>>) target_semaphore(%run_scoped3A : memref<!tpu.dma_semaphore, #tpu.memory_space<semaphore_mem>>)
          %dma_wait3A_453 = arith.constant 0 : i32
          %dma_wait3A_454 = tpu.memref_slice %arg6[%mul3A_424, %dma_wait3A_453] : memref<4000x80xf32, #tpu.memory_space<hbm>> -> memref<5x80xf32, #tpu.memory_space<hbm>>
          %dma_wait3A_455 = arith.constant 0 : i32
          %dma_wait3A_456 = tpu.memref_slice %arg6[%mul3A_424, %dma_wait3A_455] : memref<4000x80xf32, #tpu.memory_space<hbm>> -> memref<5x80xf32, #tpu.memory_space<hbm>>
          tpu.wait_dma2 semaphore(%run_scoped3A : memref<!tpu.dma_semaphore, #tpu.memory_space<semaphore_mem>>) src(%dma_wait3A_456 : memref<5x80xf32, #tpu.memory_space<hbm>>) dst(%arg10 : memref<5x80xf32, #tpu.memory_space<vmem>>)
          tpu.yield
        }) : () -> ()
        %dma_start3A_425 = arith.constant 0 : i32
        %dma_start3A_426 = arith.constant 0 : i32
        %dma_start3A_427 = arith.constant 0 : i32
        %dma_start3A_428 = tpu.memref_slice %arg9[%dma_start3A_425, %dma_start3A_426, %dma_start3A_427] : memref<2x5x80xi32, #tpu.memory_space<vmem>> -> memref<1x1x80xi32, #tpu.memory_space<vmem>>
        %dma_start3A_429 = tpu.memref_squeeze %dma_start3A_428 : memref<1x1x80xi32, #tpu.memory_space<vmem>> -> memref<80xi32, #tpu.memory_space<vmem>>
        %dma_start3A_430 = arith.constant 0 : i32
        %dma_start3A_431 = arith.constant 0 : i32
        %dma_start3A_432 = tpu.memref_slice %arg23[%dma_start3A_430, %dma_start3A_431] : memref<10000x64xf32, #tpu.memory_space<vmem_shared>> -> memref<10000x64xf32, #tpu.memory_space<vmem_shared>>
        tpu.enqueue_indirect_dma source(%dma_start3A_432 : memref<10000x64xf32, #tpu.memory_space<vmem_shared>>) target(%arg12 : memref<80x64xf32, #tpu.memory_space<vmem>>) offsets(%dma_start3A_429 : memref<80xi32, #tpu.memory_space<vmem>>) semaphore(%arg28 : memref<!tpu.dma_semaphore, #tpu.memory_space<semaphore_mem>>)
        %dma_start3A_433 = arith.constant 1 : i32
        %dma_start3A_434 = arith.constant 0 : i32
        %dma_start3A_435 = arith.constant 0 : i32
        %dma_start3A_436 = tpu.memref_slice %arg9[%dma_start3A_433, %dma_start3A_434, %dma_start3A_435] : memref<2x5x80xi32, #tpu.memory_space<vmem>> -> memref<1x1x80xi32, #tpu.memory_space<vmem>>
        %dma_start3A_437 = tpu.memref_squeeze %dma_start3A_436 : memref<1x1x80xi32, #tpu.memory_space<vmem>> -> memref<80xi32, #tpu.memory_space<vmem>>
        %dma_start3A_438 = arith.constant 0 : i32
        %dma_start3A_439 = arith.constant 0 : i32
        %dma_start3A_440 = tpu.memref_slice %arg23[%dma_start3A_438, %dma_start3A_439] : memref<10000x64xf32, #tpu.memory_space<vmem_shared>> -> memref<10000x64xf32, #tpu.memory_space<vmem_shared>>
        tpu.enqueue_indirect_dma source(%dma_start3A_440 : memref<10000x64xf32, #tpu.memory_space<vmem_shared>>) target(%arg14 : memref<80x64xf32, #tpu.memory_space<vmem>>) offsets(%dma_start3A_437 : memref<80xi32, #tpu.memory_space<vmem>>) semaphore(%arg28 : memref<!tpu.dma_semaphore, #tpu.memory_space<semaphore_mem>>)
        %dma_start3A_441 = arith.constant 0 : i32
        %dma_start3A_442 = arith.constant 0 : i32
        %dma_start3A_443 = arith.constant 0 : i32
        %dma_start3A_444 = tpu.memref_slice %arg9[%dma_start3A_441, %dma_start3A_442, %dma_start3A_443] : memref<2x5x80xi32, #tpu.memory_space<vmem>> -> memref<1x1x80xi32, #tpu.memory_space<vmem>>
        %dma_start3A_445 = tpu.memref_squeeze %dma_start3A_444 : memref<1x1x80xi32, #tpu.memory_space<vmem>> -> memref<80xi32, #tpu.memory_space<vmem>>
        %dma_start3A_446 = arith.constant 0 : i32
        %dma_start3A_447 = arith.constant 0 : i32
        %dma_start3A_448 = tpu.memref_slice %arg26[%dma_start3A_446, %dma_start3A_447] : memref<10000x16xf32, #tpu.memory_space<vmem_shared>> -> memref<10000x16xf32, #tpu.memory_space<vmem_shared>>
        tpu.enqueue_indirect_dma source(%dma_start3A_448 : memref<10000x16xf32, #tpu.memory_space<vmem_shared>>) target(%arg16 : memref<80x16xf32, #tpu.memory_space<vmem>>) offsets(%dma_start3A_445 : memref<80xi32, #tpu.memory_space<vmem>>) semaphore(%arg28 : memref<!tpu.dma_semaphore, #tpu.memory_space<semaphore_mem>>)
      } else {
      }
      %lt3A_343 = arith.constant 4 : i32
      %lt3A_344 = arith.cmpi slt, %sub3A_294, %lt3A_343 : i32
      %add3A_345 = arith.constant 1 : i32
      %add3A_346 = arith.addi %add3A_267, %add3A_345 : i32
      %lt3A_347 = arith.constant 250 : i32
      %lt3A_348 = arith.cmpi slt, %add3A_346, %lt3A_347 : i32
      %and3A_349 = arith.andi %lt3A_344, %lt3A_348 : i1
      %convert_element_type3A_350 = arith.extui %and3A_349 : i1 to i32
      %cond3A_351 = arith.constant 0 : i32
      %cond3A_352 = arith.cmpi ne, %convert_element_type3A_350, %cond3A_351 : i32
      scf.if %cond3A_352 {
        %add3A_396 = arith.constant 1 : i32
        %add3A_397 = arith.addi %sub3A_294, %add3A_396 : i32
        %dma_start3A_398 = arith.constant 0 : i32
        %dma_start3A_399 = arith.constant 0 : i32
        %dma_start3A_400 = tpu.memref_slice %arg9[%dma_start3A_398, %add3A_397, %dma_start3A_399] : memref<2x5x80xi32, #tpu.memory_space<vmem>> -> memref<1x1x80xi32, #tpu.memory_space<vmem>>
        %dma_start3A_401 = tpu.memref_squeeze %dma_start3A_400 : memref<1x1x80xi32, #tpu.memory_space<vmem>> -> memref<80xi32, #tpu.memory_space<vmem>>
        %dma_start3A_402 = arith.constant 0 : i32
        %dma_start3A_403 = arith.constant 0 : i32
        %dma_start3A_404 = tpu.memref_slice %arg23[%dma_start3A_402, %dma_start3A_403] : memref<10000x64xf32, #tpu.memory_space<vmem_shared>> -> memref<10000x64xf32, #tpu.memory_space<vmem_shared>>
        tpu.enqueue_indirect_dma source(%dma_start3A_404 : memref<10000x64xf32, #tpu.memory_space<vmem_shared>>) target(%arg11 : memref<80x64xf32, #tpu.memory_space<vmem>>) offsets(%dma_start3A_401 : memref<80xi32, #tpu.memory_space<vmem>>) semaphore(%arg27 : memref<!tpu.dma_semaphore, #tpu.memory_space<semaphore_mem>>)
        %dma_start3A_405 = arith.constant 1 : i32
        %dma_start3A_406 = arith.constant 0 : i32
        %dma_start3A_407 = tpu.memref_slice %arg9[%dma_start3A_405, %add3A_397, %dma_start3A_406] : memref<2x5x80xi32, #tpu.memory_space<vmem>> -> memref<1x1x80xi32, #tpu.memory_space<vmem>>
        %dma_start3A_408 = tpu.memref_squeeze %dma_start3A_407 : memref<1x1x80xi32, #tpu.memory_space<vmem>> -> memref<80xi32, #tpu.memory_space<vmem>>
        %dma_start3A_409 = arith.constant 0 : i32
        %dma_start3A_410 = arith.constant 0 : i32
        %dma_start3A_411 = tpu.memref_slice %arg23[%dma_start3A_409, %dma_start3A_410] : memref<10000x64xf32, #tpu.memory_space<vmem_shared>> -> memref<10000x64xf32, #tpu.memory_space<vmem_shared>>
        tpu.enqueue_indirect_dma source(%dma_start3A_411 : memref<10000x64xf32, #tpu.memory_space<vmem_shared>>) target(%arg13 : memref<80x64xf32, #tpu.memory_space<vmem>>) offsets(%dma_start3A_408 : memref<80xi32, #tpu.memory_space<vmem>>) semaphore(%arg27 : memref<!tpu.dma_semaphore, #tpu.memory_space<semaphore_mem>>)
        %dma_start3A_412 = arith.constant 0 : i32
        %dma_start3A_413 = arith.constant 0 : i32
        %dma_start3A_414 = tpu.memref_slice %arg9[%dma_start3A_412, %add3A_397, %dma_start3A_413] : memref<2x5x80xi32, #tpu.memory_space<vmem>> -> memref<1x1x80xi32, #tpu.memory_space<vmem>>
        %dma_start3A_415 = tpu.memref_squeeze %dma_start3A_414 : memref<1x1x80xi32, #tpu.memory_space<vmem>> -> memref<80xi32, #tpu.memory_space<vmem>>
        %dma_start3A_416 = arith.constant 0 : i32
        %dma_start3A_417 = arith.constant 0 : i32
        %dma_start3A_418 = tpu.memref_slice %arg26[%dma_start3A_416, %dma_start3A_417] : memref<10000x16xf32, #tpu.memory_space<vmem_shared>> -> memref<10000x16xf32, #tpu.memory_space<vmem_shared>>
        tpu.enqueue_indirect_dma source(%dma_start3A_418 : memref<10000x16xf32, #tpu.memory_space<vmem_shared>>) target(%arg15 : memref<80x16xf32, #tpu.memory_space<vmem>>) offsets(%dma_start3A_415 : memref<80xi32, #tpu.memory_space<vmem>>) semaphore(%arg27 : memref<!tpu.dma_semaphore, #tpu.memory_space<semaphore_mem>>)
      } else {
      }
      %dma_wait3A_353 = arith.constant 0 : i32
      %dma_wait3A_354 = arith.constant 0 : i32
      %dma_wait3A_355 = tpu.memref_slice %arg9[%dma_wait3A_353, %sub3A_294, %dma_wait3A_354] : memref<2x5x80xi32, #tpu.memory_space<vmem>> -> memref<1x1x80xi32, #tpu.memory_space<vmem>>
      %dma_wait3A_356 = tpu.memref_squeeze %dma_wait3A_355 : memref<1x1x80xi32, #tpu.memory_space<vmem>> -> memref<80xi32, #tpu.memory_space<vmem>>
      %dma_wait3A_357 = arith.constant 0 : i32
      %dma_wait3A_358 = arith.constant 0 : i32
      %dma_wait3A_359 = tpu.memref_slice %arg23[%dma_wait3A_357, %dma_wait3A_358] : memref<10000x64xf32, #tpu.memory_space<vmem_shared>> -> memref<10000x64xf32, #tpu.memory_space<vmem_shared>>
      tpu.wait_indirect_dma semaphore(%arg28 : memref<!tpu.dma_semaphore, #tpu.memory_space<semaphore_mem>>) src(%dma_wait3A_359 : memref<10000x64xf32, #tpu.memory_space<vmem_shared>>) dst(%arg12 : memref<80x64xf32, #tpu.memory_space<vmem>>)
      %dma_wait3A_360 = arith.constant 1 : i32
      %dma_wait3A_361 = arith.constant 0 : i32
      %dma_wait3A_362 = tpu.memref_slice %arg9[%dma_wait3A_360, %sub3A_294, %dma_wait3A_361] : memref<2x5x80xi32, #tpu.memory_space<vmem>> -> memref<1x1x80xi32, #tpu.memory_space<vmem>>
      %dma_wait3A_363 = tpu.memref_squeeze %dma_wait3A_362 : memref<1x1x80xi32, #tpu.memory_space<vmem>> -> memref<80xi32, #tpu.memory_space<vmem>>
      %dma_wait3A_364 = arith.constant 0 : i32
      %dma_wait3A_365 = arith.constant 0 : i32
      %dma_wait3A_366 = tpu.memref_slice %arg23[%dma_wait3A_364, %dma_wait3A_365] : memref<10000x64xf32, #tpu.memory_space<vmem_shared>> -> memref<10000x64xf32, #tpu.memory_space<vmem_shared>>
      tpu.wait_indirect_dma semaphore(%arg28 : memref<!tpu.dma_semaphore, #tpu.memory_space<semaphore_mem>>) src(%dma_wait3A_366 : memref<10000x64xf32, #tpu.memory_space<vmem_shared>>) dst(%arg14 : memref<80x64xf32, #tpu.memory_space<vmem>>)
      %dma_wait3A_367 = arith.constant 0 : i32
      %dma_wait3A_368 = arith.constant 0 : i32
      %dma_wait3A_369 = tpu.memref_slice %arg9[%dma_wait3A_367, %sub3A_294, %dma_wait3A_368] : memref<2x5x80xi32, #tpu.memory_space<vmem>> -> memref<1x1x80xi32, #tpu.memory_space<vmem>>
      %dma_wait3A_370 = tpu.memref_squeeze %dma_wait3A_369 : memref<1x1x80xi32, #tpu.memory_space<vmem>> -> memref<80xi32, #tpu.memory_space<vmem>>
      %dma_wait3A_371 = arith.constant 0 : i32
      %dma_wait3A_372 = arith.constant 0 : i32
      %dma_wait3A_373 = tpu.memref_slice %arg26[%dma_wait3A_371, %dma_wait3A_372] : memref<10000x16xf32, #tpu.memory_space<vmem_shared>> -> memref<10000x16xf32, #tpu.memory_space<vmem_shared>>
      tpu.wait_indirect_dma semaphore(%arg28 : memref<!tpu.dma_semaphore, #tpu.memory_space<semaphore_mem>>) src(%dma_wait3A_373 : memref<10000x16xf32, #tpu.memory_space<vmem_shared>>) dst(%arg16 : memref<80x16xf32, #tpu.memory_space<vmem>>)
      %scan3A_374 = arith.constant 0 : i32
      %scan3A_375 = arith.constant 0 : i32
      %scan3A_376 = arith.constant 5 : i32
      %scan3A_377 = arith.addi %scan3A_375, %scan3A_376 : i32
      %scan3A_378 = arith.constant 1 : i32
      %scan3A_379 = scf.for %scan3A_396 = %scan3A_375 to %scan3A_377 step %scan3A_378 iter_args(%scan3A_397 = %scan3A_374) -> (i32)  : i32 {
        %mul3A_398 = arith.constant 16 : i32
        %mul3A_399 = arith.muli %scan3A_396, %mul3A_398 : i32
        %get3A = arith.index_cast %sub3A_294 : i32 to index
        %get3A_400 = arith.index_cast %mul3A_399 : i32 to index
        %get3A_401 = tpu.vector_load %arg10[%get3A, %get3A_400] {strides = array<i32>} : memref<5x80xf32, #tpu.memory_space<vmem>>, vector<16xf32>,
        %mul3A_402 = arith.constant 16 : i32
        %mul3A_403 = arith.muli %scan3A_396, %mul3A_402 : i32
        %add3A_404 = vector.broadcast %mul3A_403 : i32 to vector<16xi32>
        %add3A_405 = arith.addi %add3A_404, %iota3A : vector<16xi32>
        %broadcast_in_dim3A_406 = arith.constant 0 : i32
        %broadcast_in_dim3A_407 = vector.broadcast %broadcast_in_dim3A_406 : i32 to vector<16xi32>
        %gather3A = tpu.vector_load_idx %arg16[%add3A_405, %broadcast_in_dim3A_407] : memref<80x16xf32, #tpu.memory_space<vmem>>[vector<16xi32>, vector<16xi32>], vector<16xf32>,
        %mul3A_408 = arith.mulf %get3A_401, %gather3A : vector<16xf32>
        %broadcast_in_dim3A_409 = arith.constant 8 : i32
        %broadcast_in_dim3A_410 = vector.broadcast %broadcast_in_dim3A_409 : i32 to vector<16xi32>
        %gather3A_411 = tpu.vector_load_idx %arg16[%add3A_405, %broadcast_in_dim3A_410] : memref<80x16xf32, #tpu.memory_space<vmem>>[vector<16xi32>, vector<16xi32>], vector<16xf32>,
        %mul3A_412 = arith.mulf %get3A_401, %gather3A_411 : vector<16xf32>
        %mul3A_413 = arith.constant 16 : i32
        %mul3A_414 = arith.muli %scan3A_396, %mul3A_413 : i32
        %add3A_415 = arith.constant 0 : i32
        %add3A_416 = arith.addi %mul3A_414, %add3A_415 : i32
        %slice3A = vector.extract_strided_slice %mul3A_408 {offsets = [0], sizes = [1], strides = [1]} : vector<16xf32> to vector<1xf32>
        %squeeze3A = vector.extract %slice3A[0] : f32 from vector<1xf32>
        %broadcast_in_dim3A_417 = vector.broadcast %squeeze3A : f32 to vector<16xf32>
        %slice3A_418 = vector.extract_strided_slice %mul3A_412 {offsets = [0], sizes = [1], strides = [1]} : vector<16xf32> to vector<1xf32>
        %squeeze3A_419 = vector.extract %slice3A_418[0] : f32 from vector<1xf32>
        %broadcast_in_dim3A_420 = vector.broadcast %squeeze3A_419 : f32 to vector<16xf32>
        %get3A_421 = arith.index_cast %add3A_416 : i32 to index
        %get3A_422 = arith.constant 0 : index
        %get3A_423 = tpu.vector_load %arg14[%get3A_421, %get3A_422] {strides = array<i32>} : memref<80x64xf32, #tpu.memory_space<vmem>>, vector<16xf32>,
        %get3A_424 = arith.index_cast %add3A_416 : i32 to index
        %get3A_425 = arith.constant 0 : index
        %get3A_426 = tpu.vector_load %arg12[%get3A_424, %get3A_425] {strides = array<i32>} : memref<80x64xf32, #tpu.memory_space<vmem>>, vector<16xf32>,
        %sub3A_427 = arith.subf %get3A_423, %get3A_426 : vector<16xf32>
        %mul3A_428 = arith.mulf %broadcast_in_dim3A_417, %sub3A_427 : vector<16xf32>
        %swap3A = arith.index_cast %add3A_416 : i32 to index
        %swap3A_429 = arith.constant 0 : index
        %swap3A_430 = tpu.vector_load %arg12[%swap3A, %swap3A_429] {strides = array<i32>} : memref<80x64xf32, #tpu.memory_space<vmem>>, vector<16xf32>,
        tpu.vector_store %arg12[%swap3A, %swap3A_429], %mul3A_428 {strides = array<i32>} : memref<80x64xf32, #tpu.memory_space<vmem>>, vector<16xf32>,
        %mul3A_431 = arith.mulf %broadcast_in_dim3A_420, %sub3A_427 : vector<16xf32>
        %swap3A_432 = arith.index_cast %add3A_416 : i32 to index
        %swap3A_433 = arith.constant 0 : index
        %swap3A_434 = tpu.vector_load %arg14[%swap3A_432, %swap3A_433] {strides = array<i32>} : memref<80x64xf32, #tpu.memory_space<vmem>>, vector<16xf32>,
        tpu.vector_store %arg14[%swap3A_432, %swap3A_433], %mul3A_431 {strides = array<i32>} : memref<80x64xf32, #tpu.memory_space<vmem>>, vector<16xf32>,
        %get3A_435 = arith.index_cast %add3A_416 : i32 to index
        %get3A_436 = arith.constant 16 : index
        %get3A_437 = tpu.vector_load %arg14[%get3A_435, %get3A_436] {strides = array<i32>} : memref<80x64xf32, #tpu.memory_space<vmem>>, vector<16xf32>,
        %get3A_438 = arith.index_cast %add3A_416 : i32 to index
        %get3A_439 = arith.constant 16 : index
        %get3A_440 = tpu.vector_load %arg12[%get3A_438, %get3A_439] {strides = array<i32>} : memref<80x64xf32, #tpu.memory_space<vmem>>, vector<16xf32>,
        %sub3A_441 = arith.subf %get3A_437, %get3A_440 : vector<16xf32>
        %mul3A_442 = arith.mulf %broadcast_in_dim3A_417, %sub3A_441 : vector<16xf32>
        %swap3A_443 = arith.index_cast %add3A_416 : i32 to index
        %swap3A_444 = arith.constant 16 : index
        %swap3A_445 = tpu.vector_load %arg12[%swap3A_443, %swap3A_444] {strides = array<i32>} : memref<80x64xf32, #tpu.memory_space<vmem>>, vector<16xf32>,
        tpu.vector_store %arg12[%swap3A_443, %swap3A_444], %mul3A_442 {strides = array<i32>} : memref<80x64xf32, #tpu.memory_space<vmem>>, vector<16xf32>,
        %mul3A_446 = arith.mulf %broadcast_in_dim3A_420, %sub3A_441 : vector<16xf32>
        %swap3A_447 = arith.index_cast %add3A_416 : i32 to index
        %swap3A_448 = arith.constant 16 : index
        %swap3A_449 = tpu.vector_load %arg14[%swap3A_447, %swap3A_448] {strides = array<i32>} : memref<80x64xf32, #tpu.memory_space<vmem>>, vector<16xf32>,
        tpu.vector_store %arg14[%swap3A_447, %swap3A_448], %mul3A_446 {strides = array<i32>} : memref<80x64xf32, #tpu.memory_space<vmem>>, vector<16xf32>,
        %get3A_450 = arith.index_cast %add3A_416 : i32 to index
        %get3A_451 = arith.constant 32 : index
        %get3A_452 = tpu.vector_load %arg14[%get3A_450, %get3A_451] {strides = array<i32>} : memref<80x64xf32, #tpu.memory_space<vmem>>, vector<16xf32>,
        %get3A_453 = arith.index_cast %add3A_416 : i32 to index
        %get3A_454 = arith.constant 32 : index
        %get3A_455 = tpu.vector_load %arg12[%get3A_453, %get3A_454] {strides = array<i32>} : memref<80x64xf32, #tpu.memory_space<vmem>>, vector<16xf32>,
        %sub3A_456 = arith.subf %get3A_452, %get3A_455 : vector<16xf32>
        %mul3A_457 = arith.mulf %broadcast_in_dim3A_417, %sub3A_456 : vector<16xf32>
        %swap3A_458 = arith.index_cast %add3A_416 : i32 to index
        %swap3A_459 = arith.constant 32 : index
        %swap3A_460 = tpu.vector_load %arg12[%swap3A_458, %swap3A_459] {strides = array<i32>} : memref<80x64xf32, #tpu.memory_space<vmem>>, vector<16xf32>,
        tpu.vector_store %arg12[%swap3A_458, %swap3A_459], %mul3A_457 {strides = array<i32>} : memref<80x64xf32, #tpu.memory_space<vmem>>, vector<16xf32>,
        %mul3A_461 = arith.mulf %broadcast_in_dim3A_420, %sub3A_456 : vector<16xf32>
        %swap3A_462 = arith.index_cast %add3A_416 : i32 to index
        %swap3A_463 = arith.constant 32 : index
        %swap3A_464 = tpu.vector_load %arg14[%swap3A_462, %swap3A_463] {strides = array<i32>} : memref<80x64xf32, #tpu.memory_space<vmem>>, vector<16xf32>,
        tpu.vector_store %arg14[%swap3A_462, %swap3A_463], %mul3A_461 {strides = array<i32>} : memref<80x64xf32, #tpu.memory_space<vmem>>, vector<16xf32>,
        %get3A_465 = arith.index_cast %add3A_416 : i32 to index
        %get3A_466 = arith.constant 48 : index
        %get3A_467 = tpu.vector_load %arg14[%get3A_465, %get3A_466] {strides = array<i32>} : memref<80x64xf32, #tpu.memory_space<vmem>>, vector<16xf32>,
        %get3A_468 = arith.index_cast %add3A_416 : i32 to index
        %get3A_469 = arith.constant 48 : index
        %get3A_470 = tpu.vector_load %arg12[%get3A_468, %get3A_469] {strides = array<i32>} : memref<80x64xf32, #tpu.memory_space<vmem>>, vector<16xf32>,
        %sub3A_471 = arith.subf %get3A_467, %get3A_470 : vector<16xf32>
        %mul3A_472 = arith.mulf %broadcast_in_dim3A_417, %sub3A_471 : vector<16xf32>
        %swap3A_473 = arith.index_cast %add3A_416 : i32 to index
        %swap3A_474 = arith.constant 48 : index
        %swap3A_475 = tpu.vector_load %arg12[%swap3A_473, %swap3A_474] {strides = array<i32>} : memref<80x64xf32, #tpu.memory_space<vmem>>, vector<16xf32>,
        tpu.vector_store %arg12[%swap3A_473, %swap3A_474], %mul3A_472 {strides = array<i32>} : memref<80x64xf32, #tpu.memory_space<vmem>>, vector<16xf32>,
        %mul3A_476 = arith.mulf %broadcast_in_dim3A_420, %sub3A_471 : vector<16xf32>
        %swap3A_477 = arith.index_cast %add3A_416 : i32 to index
        %swap3A_478 = arith.constant 48 : index
        %swap3A_479 = tpu.vector_load %arg14[%swap3A_477, %swap3A_478] {strides = array<i32>} : memref<80x64xf32, #tpu.memory_space<vmem>>, vector<16xf32>,
        tpu.vector_store %arg14[%swap3A_477, %swap3A_478], %mul3A_476 {strides = array<i32>} : memref<80x64xf32, #tpu.memory_space<vmem>>, vector<16xf32>,
        %mul3A_480 = arith.constant 16 : i32
        %mul3A_481 = arith.muli %scan3A_396, %mul3A_480 : i32
        %add3A_482 = arith.constant 1 : i32
        %add3A_483 = arith.addi %mul3A_481, %add3A_482 : i32
        %slice3A_484 = vector.extract_strided_slice %mul3A_408 {offsets = [1], sizes = [1], strides = [1]} : vector<16xf32> to vector<1xf32>
        %squeeze3A_485 = vector.extract %slice3A_484[0] : f32 from vector<1xf32>
        %broadcast_in_dim3A_486 = vector.broadcast %squeeze3A_485 : f32 to vector<16xf32>
        %slice3A_487 = vector.extract_strided_slice %mul3A_412 {offsets = [1], sizes = [1], strides = [1]} : vector<16xf32> to vector<1xf32>
        %squeeze3A_488 = vector.extract %slice3A_487[0] : f32 from vector<1xf32>
        %broadcast_in_dim3A_489 = vector.broadcast %squeeze3A_488 : f32 to vector<16xf32>
        %get3A_490 = arith.index_cast %add3A_483 : i32 to index
        %get3A_491 = arith.constant 0 : index
        %get3A_492 = tpu.vector_load %arg14[%get3A_490, %get3A_491] {strides = array<i32>} : memref<80x64xf32, #tpu.memory_space<vmem>>, vector<16xf32>,
        %get3A_493 = arith.index_cast %add3A_483 : i32 to index
        %get3A_494 = arith.constant 0 : index
        %get3A_495 = tpu.vector_load %arg12[%get3A_493, %get3A_494] {strides = array<i32>} : memref<80x64xf32, #tpu.memory_space<vmem>>, vector<16xf32>,
        %sub3A_496 = arith.subf %get3A_492, %get3A_495 : vector<16xf32>
        %mul3A_497 = arith.mulf %broadcast_in_dim3A_486, %sub3A_496 : vector<16xf32>
        %swap3A_498 = arith.index_cast %add3A_483 : i32 to index
        %swap3A_499 = arith.constant 0 : index
        %swap3A_500 = tpu.vector_load %arg12[%swap3A_498, %swap3A_499] {strides = array<i32>} : memref<80x64xf32, #tpu.memory_space<vmem>>, vector<16xf32>,
        tpu.vector_store %arg12[%swap3A_498, %swap3A_499], %mul3A_497 {strides = array<i32>} : memref<80x64xf32, #tpu.memory_space<vmem>>, vector<16xf32>,
        %mul3A_501 = arith.mulf %broadcast_in_dim3A_489, %sub3A_496 : vector<16xf32>
        %swap3A_502 = arith.index_cast %add3A_483 : i32 to index
        %swap3A_503 = arith.constant 0 : index
        %swap3A_504 = tpu.vector_load %arg14[%swap3A_502, %swap3A_503] {strides = array<i32>} : memref<80x64xf32, #tpu.memory_space<vmem>>, vector<16xf32>,
        tpu.vector_store %arg14[%swap3A_502, %swap3A_503], %mul3A_501 {strides = array<i32>} : memref<80x64xf32, #tpu.memory_space<vmem>>, vector<16xf32>,
        %get3A_505 = arith.index_cast %add3A_483 : i32 to index
        %get3A_506 = arith.constant 16 : index
        %get3A_507 = tpu.vector_load %arg14[%get3A_505, %get3A_506] {strides = array<i32>} : memref<80x64xf32, #tpu.memory_space<vmem>>, vector<16xf32>,
        %get3A_508 = arith.index_cast %add3A_483 : i32 to index
        %get3A_509 = arith.constant 16 : index
        %get3A_510 = tpu.vector_load %arg12[%get3A_508, %get3A_509] {strides = array<i32>} : memref<80x64xf32, #tpu.memory_space<vmem>>, vector<16xf32>,
        %sub3A_511 = arith.subf %get3A_507, %get3A_510 : vector<16xf32>
        %mul3A_512 = arith.mulf %broadcast_in_dim3A_486, %sub3A_511 : vector<16xf32>
        %swap3A_513 = arith.index_cast %add3A_483 : i32 to index
        %swap3A_514 = arith.constant 16 : index
        %swap3A_515 = tpu.vector_load %arg12[%swap3A_513, %swap3A_514] {strides = array<i32>} : memref<80x64xf32, #tpu.memory_space<vmem>>, vector<16xf32>,
        tpu.vector_store %arg12[%swap3A_513, %swap3A_514], %mul3A_512 {strides = array<i32>} : memref<80x64xf32, #tpu.memory_space<vmem>>, vector<16xf32>,
        %mul3A_516 = arith.mulf %broadcast_in_dim3A_489, %sub3A_511 : vector<16xf32>
        %swap3A_517 = arith.index_cast %add3A_483 : i32 to index
        %swap3A_518 = arith.constant 16 : index
        %swap3A_519 = tpu.vector_load %arg14[%swap3A_517, %swap3A_518] {strides = array<i32>} : memref<80x64xf32, #tpu.memory_space<vmem>>, vector<16xf32>,
        tpu.vector_store %arg14[%swap3A_517, %swap3A_518], %mul3A_516 {strides = array<i32>} : memref<80x64xf32, #tpu.memory_space<vmem>>, vector<16xf32>,
        %get3A_520 = arith.index_cast %add3A_483 : i32 to index
        %get3A_521 = arith.constant 32 : index
        %get3A_522 = tpu.vector_load %arg14[%get3A_520, %get3A_521] {strides = array<i32>} : memref<80x64xf32, #tpu.memory_space<vmem>>, vector<16xf32>,
        %get3A_523 = arith.index_cast %add3A_483 : i32 to index
        %get3A_524 = arith.constant 32 : index
        %get3A_525 = tpu.vector_load %arg12[%get3A_523, %get3A_524] {strides = array<i32>} : memref<80x64xf32, #tpu.memory_space<vmem>>, vector<16xf32>,
        %sub3A_526 = arith.subf %get3A_522, %get3A_525 : vector<16xf32>
        %mul3A_527 = arith.mulf %broadcast_in_dim3A_486, %sub3A_526 : vector<16xf32>
        %swap3A_528 = arith.index_cast %add3A_483 : i32 to index
        %swap3A_529 = arith.constant 32 : index
        %swap3A_530 = tpu.vector_load %arg12[%swap3A_528, %swap3A_529] {strides = array<i32>} : memref<80x64xf32, #tpu.memory_space<vmem>>, vector<16xf32>,
        tpu.vector_store %arg12[%swap3A_528, %swap3A_529], %mul3A_527 {strides = array<i32>} : memref<80x64xf32, #tpu.memory_space<vmem>>, vector<16xf32>,
        %mul3A_531 = arith.mulf %broadcast_in_dim3A_489, %sub3A_526 : vector<16xf32>
        %swap3A_532 = arith.index_cast %add3A_483 : i32 to index
        %swap3A_533 = arith.constant 32 : index
        %swap3A_534 = tpu.vector_load %arg14[%swap3A_532, %swap3A_533] {strides = array<i32>} : memref<80x64xf32, #tpu.memory_space<vmem>>, vector<16xf32>,
        tpu.vector_store %arg14[%swap3A_532, %swap3A_533], %mul3A_531 {strides = array<i32>} : memref<80x64xf32, #tpu.memory_space<vmem>>, vector<16xf32>,
        %get3A_535 = arith.index_cast %add3A_483 : i32 to index
        %get3A_536 = arith.constant 48 : index
        %get3A_537 = tpu.vector_load %arg14[%get3A_535, %get3A_536] {strides = array<i32>} : memref<80x64xf32, #tpu.memory_space<vmem>>, vector<16xf32>,
        %get3A_538 = arith.index_cast %add3A_483 : i32 to index
        %get3A_539 = arith.constant 48 : index
        %get3A_540 = tpu.vector_load %arg12[%get3A_538, %get3A_539] {strides = array<i32>} : memref<80x64xf32, #tpu.memory_space<vmem>>, vector<16xf32>,
        %sub3A_541 = arith.subf %get3A_537, %get3A_540 : vector<16xf32>
        %mul3A_542 = arith.mulf %broadcast_in_dim3A_486, %sub3A_541 : vector<16xf32>
        %swap3A_543 = arith.index_cast %add3A_483 : i32 to index
        %swap3A_544 = arith.constant 48 : index
        %swap3A_545 = tpu.vector_load %arg12[%swap3A_543, %swap3A_544] {strides = array<i32>} : memref<80x64xf32, #tpu.memory_space<vmem>>, vector<16xf32>,
        tpu.vector_store %arg12[%swap3A_543, %swap3A_544], %mul3A_542 {strides = array<i32>} : memref<80x64xf32, #tpu.memory_space<vmem>>, vector<16xf32>,
        %mul3A_546 = arith.mulf %broadcast_in_dim3A_489, %sub3A_541 : vector<16xf32>
        %swap3A_547 = arith.index_cast %add3A_483 : i32 to index
        %swap3A_548 = arith.constant 48 : index
        %swap3A_549 = tpu.vector_load %arg14[%swap3A_547, %swap3A_548] {strides = array<i32>} : memref<80x64xf32, #tpu.memory_space<vmem>>, vector<16xf32>,
        tpu.vector_store %arg14[%swap3A_547, %swap3A_548], %mul3A_546 {strides = array<i32>} : memref<80x64xf32, #tpu.memory_space<vmem>>, vector<16xf32>,
        %mul3A_550 = arith.constant 16 : i32
        %mul3A_551 = arith.muli %scan3A_396, %mul3A_550 : i32
        %add3A_552 = arith.constant 2 : i32
        %add3A_553 = arith.addi %mul3A_551, %add3A_552 : i32
        %slice3A_554 = vector.extract_strided_slice %mul3A_408 {offsets = [2], sizes = [1], strides = [1]} : vector<16xf32> to vector<1xf32>
        %squeeze3A_555 = vector.extract %slice3A_554[0] : f32 from vector<1xf32>
        %broadcast_in_dim3A_556 = vector.broadcast %squeeze3A_555 : f32 to vector<16xf32>
        %slice3A_557 = vector.extract_strided_slice %mul3A_412 {offsets = [2], sizes = [1], strides = [1]} : vector<16xf32> to vector<1xf32>
        %squeeze3A_558 = vector.extract %slice3A_557[0] : f32 from vector<1xf32>
        %broadcast_in_dim3A_559 = vector.broadcast %squeeze3A_558 : f32 to vector<16xf32>
        %get3A_560 = arith.index_cast %add3A_553 : i32 to index
        %get3A_561 = arith.constant 0 : index
        %get3A_562 = tpu.vector_load %arg14[%get3A_560, %get3A_561] {strides = array<i32>} : memref<80x64xf32, #tpu.memory_space<vmem>>, vector<16xf32>,
        %get3A_563 = arith.index_cast %add3A_553 : i32 to index
        %get3A_564 = arith.constant 0 : index
        %get3A_565 = tpu.vector_load %arg12[%get3A_563, %get3A_564] {strides = array<i32>} : memref<80x64xf32, #tpu.memory_space<vmem>>, vector<16xf32>,
        %sub3A_566 = arith.subf %get3A_562, %get3A_565 : vector<16xf32>
        %mul3A_567 = arith.mulf %broadcast_in_dim3A_556, %sub3A_566 : vector<16xf32>
        %swap3A_568 = arith.index_cast %add3A_553 : i32 to index
        %swap3A_569 = arith.constant 0 : index
        %swap3A_570 = tpu.vector_load %arg12[%swap3A_568, %swap3A_569] {strides = array<i32>} : memref<80x64xf32, #tpu.memory_space<vmem>>, vector<16xf32>,
        tpu.vector_store %arg12[%swap3A_568, %swap3A_569], %mul3A_567 {strides = array<i32>} : memref<80x64xf32, #tpu.memory_space<vmem>>, vector<16xf32>,
        %mul3A_571 = arith.mulf %broadcast_in_dim3A_559, %sub3A_566 : vector<16xf32>
        %swap3A_572 = arith.index_cast %add3A_553 : i32 to index
        %swap3A_573 = arith.constant 0 : index
        %swap3A_574 = tpu.vector_load %arg14[%swap3A_572, %swap3A_573] {strides = array<i32>} : memref<80x64xf32, #tpu.memory_space<vmem>>, vector<16xf32>,
        tpu.vector_store %arg14[%swap3A_572, %swap3A_573], %mul3A_571 {strides = array<i32>} : memref<80x64xf32, #tpu.memory_space<vmem>>, vector<16xf32>,
        %get3A_575 = arith.index_cast %add3A_553 : i32 to index
        %get3A_576 = arith.constant 16 : index
        %get3A_577 = tpu.vector_load %arg14[%get3A_575, %get3A_576] {strides = array<i32>} : memref<80x64xf32, #tpu.memory_space<vmem>>, vector<16xf32>,
        %get3A_578 = arith.index_cast %add3A_553 : i32 to index
        %get3A_579 = arith.constant 16 : index
        %get3A_580 = tpu.vector_load %arg12[%get3A_578, %get3A_579] {strides = array<i32>} : memref<80x64xf32, #tpu.memory_space<vmem>>, vector<16xf32>,
        %sub3A_581 = arith.subf %get3A_577, %get3A_580 : vector<16xf32>
        %mul3A_582 = arith.mulf %broadcast_in_dim3A_556, %sub3A_581 : vector<16xf32>
        %swap3A_583 = arith.index_cast %add3A_553 : i32 to index
        %swap3A_584 = arith.constant 16 : index
        %swap3A_585 = tpu.vector_load %arg12[%swap3A_583, %swap3A_584] {strides = array<i32>} : memref<80x64xf32, #tpu.memory_space<vmem>>, vector<16xf32>,
        tpu.vector_store %arg12[%swap3A_583, %swap3A_584], %mul3A_582 {strides = array<i32>} : memref<80x64xf32, #tpu.memory_space<vmem>>, vector<16xf32>,
        %mul3A_586 = arith.mulf %broadcast_in_dim3A_559, %sub3A_581 : vector<16xf32>
        %swap3A_587 = arith.index_cast %add3A_553 : i32 to index
        %swap3A_588 = arith.constant 16 : index
        %swap3A_589 = tpu.vector_load %arg14[%swap3A_587, %swap3A_588] {strides = array<i32>} : memref<80x64xf32, #tpu.memory_space<vmem>>, vector<16xf32>,
        tpu.vector_store %arg14[%swap3A_587, %swap3A_588], %mul3A_586 {strides = array<i32>} : memref<80x64xf32, #tpu.memory_space<vmem>>, vector<16xf32>,
        %get3A_590 = arith.index_cast %add3A_553 : i32 to index
        %get3A_591 = arith.constant 32 : index
        %get3A_592 = tpu.vector_load %arg14[%get3A_590, %get3A_591] {strides = array<i32>} : memref<80x64xf32, #tpu.memory_space<vmem>>, vector<16xf32>,
        %get3A_593 = arith.index_cast %add3A_553 : i32 to index
        %get3A_594 = arith.constant 32 : index
        %get3A_595 = tpu.vector_load %arg12[%get3A_593, %get3A_594] {strides = array<i32>} : memref<80x64xf32, #tpu.memory_space<vmem>>, vector<16xf32>,
        %sub3A_596 = arith.subf %get3A_592, %get3A_595 : vector<16xf32>
        %mul3A_597 = arith.mulf %broadcast_in_dim3A_556, %sub3A_596 : vector<16xf32>
        %swap3A_598 = arith.index_cast %add3A_553 : i32 to index
        %swap3A_599 = arith.constant 32 : index
        %swap3A_600 = tpu.vector_load %arg12[%swap3A_598, %swap3A_599] {strides = array<i32>} : memref<80x64xf32, #tpu.memory_space<vmem>>, vector<16xf32>,
        tpu.vector_store %arg12[%swap3A_598, %swap3A_599], %mul3A_597 {strides = array<i32>} : memref<80x64xf32, #tpu.memory_space<vmem>>, vector<16xf32>,
        %mul3A_601 = arith.mulf %broadcast_in_dim3A_559, %sub3A_596 : vector<16xf32>
        %swap3A_602 = arith.index_cast %add3A_553 : i32 to index
        %swap3A_603 = arith.constant 32 : index
        %swap3A_604 = tpu.vector_load %arg14[%swap3A_602, %swap3A_603] {strides = array<i32>} : memref<80x64xf32, #tpu.memory_space<vmem>>, vector<16xf32>,
        tpu.vector_store %arg14[%swap3A_602, %swap3A_603], %mul3A_601 {strides = array<i32>} : memref<80x64xf32, #tpu.memory_space<vmem>>, vector<16xf32>,
        %get3A_605 = arith.index_cast %add3A_553 : i32 to index
        %get3A_606 = arith.constant 48 : index
        %get3A_607 = tpu.vector_load %arg14[%get3A_605, %get3A_606] {strides = array<i32>} : memref<80x64xf32, #tpu.memory_space<vmem>>, vector<16xf32>,
        %get3A_608 = arith.index_cast %add3A_553 : i32 to index
        %get3A_609 = arith.constant 48 : index
        %get3A_610 = tpu.vector_load %arg12[%get3A_608, %get3A_609] {strides = array<i32>} : memref<80x64xf32, #tpu.memory_space<vmem>>, vector<16xf32>,
        %sub3A_611 = arith.subf %get3A_607, %get3A_610 : vector<16xf32>
        %mul3A_612 = arith.mulf %broadcast_in_dim3A_556, %sub3A_611 : vector<16xf32>
        %swap3A_613 = arith.index_cast %add3A_553 : i32 to index
        %swap3A_614 = arith.constant 48 : index
        %swap3A_615 = tpu.vector_load %arg12[%swap3A_613, %swap3A_614] {strides = array<i32>} : memref<80x64xf32, #tpu.memory_space<vmem>>, vector<16xf32>,
        tpu.vector_store %arg12[%swap3A_613, %swap3A_614], %mul3A_612 {strides = array<i32>} : memref<80x64xf32, #tpu.memory_space<vmem>>, vector<16xf32>,
        %mul3A_616 = arith.mulf %broadcast_in_dim3A_559, %sub3A_611 : vector<16xf32>
        %swap3A_617 = arith.index_cast %add3A_553 : i32 to index
        %swap3A_618 = arith.constant 48 : index
        %swap3A_619 = tpu.vector_load %arg14[%swap3A_617, %swap3A_618] {strides = array<i32>} : memref<80x64xf32, #tpu.memory_space<vmem>>, vector<16xf32>,
        tpu.vector_store %arg14[%swap3A_617, %swap3A_618], %mul3A_616 {strides = array<i32>} : memref<80x64xf32, #tpu.memory_space<vmem>>, vector<16xf32>,
        %mul3A_620 = arith.constant 16 : i32
        %mul3A_621 = arith.muli %scan3A_396, %mul3A_620 : i32
        %add3A_622 = arith.constant 3 : i32
        %add3A_623 = arith.addi %mul3A_621, %add3A_622 : i32
        %slice3A_624 = vector.extract_strided_slice %mul3A_408 {offsets = [3], sizes = [1], strides = [1]} : vector<16xf32> to vector<1xf32>
        %squeeze3A_625 = vector.extract %slice3A_624[0] : f32 from vector<1xf32>
        %broadcast_in_dim3A_626 = vector.broadcast %squeeze3A_625 : f32 to vector<16xf32>
        %slice3A_627 = vector.extract_strided_slice %mul3A_412 {offsets = [3], sizes = [1], strides = [1]} : vector<16xf32> to vector<1xf32>
        %squeeze3A_628 = vector.extract %slice3A_627[0] : f32 from vector<1xf32>
        %broadcast_in_dim3A_629 = vector.broadcast %squeeze3A_628 : f32 to vector<16xf32>
        %get3A_630 = arith.index_cast %add3A_623 : i32 to index
        %get3A_631 = arith.constant 0 : index
        %get3A_632 = tpu.vector_load %arg14[%get3A_630, %get3A_631] {strides = array<i32>} : memref<80x64xf32, #tpu.memory_space<vmem>>, vector<16xf32>,
        %get3A_633 = arith.index_cast %add3A_623 : i32 to index
        %get3A_634 = arith.constant 0 : index
        %get3A_635 = tpu.vector_load %arg12[%get3A_633, %get3A_634] {strides = array<i32>} : memref<80x64xf32, #tpu.memory_space<vmem>>, vector<16xf32>,
        %sub3A_636 = arith.subf %get3A_632, %get3A_635 : vector<16xf32>
        %mul3A_637 = arith.mulf %broadcast_in_dim3A_626, %sub3A_636 : vector<16xf32>
        %swap3A_638 = arith.index_cast %add3A_623 : i32 to index
        %swap3A_639 = arith.constant 0 : index
        %swap3A_640 = tpu.vector_load %arg12[%swap3A_638, %swap3A_639] {strides = array<i32>} : memref<80x64xf32, #tpu.memory_space<vmem>>, vector<16xf32>,
        tpu.vector_store %arg12[%swap3A_638, %swap3A_639], %mul3A_637 {strides = array<i32>} : memref<80x64xf32, #tpu.memory_space<vmem>>, vector<16xf32>,
        %mul3A_641 = arith.mulf %broadcast_in_dim3A_629, %sub3A_636 : vector<16xf32>
        %swap3A_642 = arith.index_cast %add3A_623 : i32 to index
        %swap3A_643 = arith.constant 0 : index
        %swap3A_644 = tpu.vector_load %arg14[%swap3A_642, %swap3A_643] {strides = array<i32>} : memref<80x64xf32, #tpu.memory_space<vmem>>, vector<16xf32>,
        tpu.vector_store %arg14[%swap3A_642, %swap3A_643], %mul3A_641 {strides = array<i32>} : memref<80x64xf32, #tpu.memory_space<vmem>>, vector<16xf32>,
        %get3A_645 = arith.index_cast %add3A_623 : i32 to index
        %get3A_646 = arith.constant 16 : index
        %get3A_647 = tpu.vector_load %arg14[%get3A_645, %get3A_646] {strides = array<i32>} : memref<80x64xf32, #tpu.memory_space<vmem>>, vector<16xf32>,
        %get3A_648 = arith.index_cast %add3A_623 : i32 to index
        %get3A_649 = arith.constant 16 : index
        %get3A_650 = tpu.vector_load %arg12[%get3A_648, %get3A_649] {strides = array<i32>} : memref<80x64xf32, #tpu.memory_space<vmem>>, vector<16xf32>,
        %sub3A_651 = arith.subf %get3A_647, %get3A_650 : vector<16xf32>
        %mul3A_652 = arith.mulf %broadcast_in_dim3A_626, %sub3A_651 : vector<16xf32>
        %swap3A_653 = arith.index_cast %add3A_623 : i32 to index
        %swap3A_654 = arith.constant 16 : index
        %swap3A_655 = tpu.vector_load %arg12[%swap3A_653, %swap3A_654] {strides = array<i32>} : memref<80x64xf32, #tpu.memory_space<vmem>>, vector<16xf32>,
        tpu.vector_store %arg12[%swap3A_653, %swap3A_654], %mul3A_652 {strides = array<i32>} : memref<80x64xf32, #tpu.memory_space<vmem>>, vector<16xf32>,
        %mul3A_656 = arith.mulf %broadcast_in_dim3A_629, %sub3A_651 : vector<16xf32>
        %swap3A_657 = arith.index_cast %add3A_623 : i32 to index
        %swap3A_658 = arith.constant 16 : index
        %swap3A_659 = tpu.vector_load %arg14[%swap3A_657, %swap3A_658] {strides = array<i32>} : memref<80x64xf32, #tpu.memory_space<vmem>>, vector<16xf32>,
        tpu.vector_store %arg14[%swap3A_657, %swap3A_658], %mul3A_656 {strides = array<i32>} : memref<80x64xf32, #tpu.memory_space<vmem>>, vector<16xf32>,
        %get3A_660 = arith.index_cast %add3A_623 : i32 to index
        %get3A_661 = arith.constant 32 : index
        %get3A_662 = tpu.vector_load %arg14[%get3A_660, %get3A_661] {strides = array<i32>} : memref<80x64xf32, #tpu.memory_space<vmem>>, vector<16xf32>,
        %get3A_663 = arith.index_cast %add3A_623 : i32 to index
        %get3A_664 = arith.constant 32 : index
        %get3A_665 = tpu.vector_load %arg12[%get3A_663, %get3A_664] {strides = array<i32>} : memref<80x64xf32, #tpu.memory_space<vmem>>, vector<16xf32>,
        %sub3A_666 = arith.subf %get3A_662, %get3A_665 : vector<16xf32>
        %mul3A_667 = arith.mulf %broadcast_in_dim3A_626, %sub3A_666 : vector<16xf32>
        %swap3A_668 = arith.index_cast %add3A_623 : i32 to index
        %swap3A_669 = arith.constant 32 : index
        %swap3A_670 = tpu.vector_load %arg12[%swap3A_668, %swap3A_669] {strides = array<i32>} : memref<80x64xf32, #tpu.memory_space<vmem>>, vector<16xf32>,
        tpu.vector_store %arg12[%swap3A_668, %swap3A_669], %mul3A_667 {strides = array<i32>} : memref<80x64xf32, #tpu.memory_space<vmem>>, vector<16xf32>,
        %mul3A_671 = arith.mulf %broadcast_in_dim3A_629, %sub3A_666 : vector<16xf32>
        %swap3A_672 = arith.index_cast %add3A_623 : i32 to index
        %swap3A_673 = arith.constant 32 : index
        %swap3A_674 = tpu.vector_load %arg14[%swap3A_672, %swap3A_673] {strides = array<i32>} : memref<80x64xf32, #tpu.memory_space<vmem>>, vector<16xf32>,
        tpu.vector_store %arg14[%swap3A_672, %swap3A_673], %mul3A_671 {strides = array<i32>} : memref<80x64xf32, #tpu.memory_space<vmem>>, vector<16xf32>,
        %get3A_675 = arith.index_cast %add3A_623 : i32 to index
        %get3A_676 = arith.constant 48 : index
        %get3A_677 = tpu.vector_load %arg14[%get3A_675, %get3A_676] {strides = array<i32>} : memref<80x64xf32, #tpu.memory_space<vmem>>, vector<16xf32>,
        %get3A_678 = arith.index_cast %add3A_623 : i32 to index
        %get3A_679 = arith.constant 48 : index
        %get3A_680 = tpu.vector_load %arg12[%get3A_678, %get3A_679] {strides = array<i32>} : memref<80x64xf32, #tpu.memory_space<vmem>>, vector<16xf32>,
        %sub3A_681 = arith.subf %get3A_677, %get3A_680 : vector<16xf32>
        %mul3A_682 = arith.mulf %broadcast_in_dim3A_626, %sub3A_681 : vector<16xf32>
        %swap3A_683 = arith.index_cast %add3A_623 : i32 to index
        %swap3A_684 = arith.constant 48 : index
        %swap3A_685 = tpu.vector_load %arg12[%swap3A_683, %swap3A_684] {strides = array<i32>} : memref<80x64xf32, #tpu.memory_space<vmem>>, vector<16xf32>,
        tpu.vector_store %arg12[%swap3A_683, %swap3A_684], %mul3A_682 {strides = array<i32>} : memref<80x64xf32, #tpu.memory_space<vmem>>, vector<16xf32>,
        %mul3A_686 = arith.mulf %broadcast_in_dim3A_629, %sub3A_681 : vector<16xf32>
        %swap3A_687 = arith.index_cast %add3A_623 : i32 to index
        %swap3A_688 = arith.constant 48 : index
        %swap3A_689 = tpu.vector_load %arg14[%swap3A_687, %swap3A_688] {strides = array<i32>} : memref<80x64xf32, #tpu.memory_space<vmem>>, vector<16xf32>,
        tpu.vector_store %arg14[%swap3A_687, %swap3A_688], %mul3A_686 {strides = array<i32>} : memref<80x64xf32, #tpu.memory_space<vmem>>, vector<16xf32>,
        %mul3A_690 = arith.constant 16 : i32
        %mul3A_691 = arith.muli %scan3A_396, %mul3A_690 : i32
        %add3A_692 = arith.constant 4 : i32
        %add3A_693 = arith.addi %mul3A_691, %add3A_692 : i32
        %slice3A_694 = vector.extract_strided_slice %mul3A_408 {offsets = [4], sizes = [1], strides = [1]} : vector<16xf32> to vector<1xf32>
        %squeeze3A_695 = vector.extract %slice3A_694[0] : f32 from vector<1xf32>
        %broadcast_in_dim3A_696 = vector.broadcast %squeeze3A_695 : f32 to vector<16xf32>
        %slice3A_697 = vector.extract_strided_slice %mul3A_412 {offsets = [4], sizes = [1], strides = [1]} : vector<16xf32> to vector<1xf32>
        %squeeze3A_698 = vector.extract %slice3A_697[0] : f32 from vector<1xf32>
        %broadcast_in_dim3A_699 = vector.broadcast %squeeze3A_698 : f32 to vector<16xf32>
        %get3A_700 = arith.index_cast %add3A_693 : i32 to index
        %get3A_701 = arith.constant 0 : index
        %get3A_702 = tpu.vector_load %arg14[%get3A_700, %get3A_701] {strides = array<i32>} : memref<80x64xf32, #tpu.memory_space<vmem>>, vector<16xf32>,
        %get3A_703 = arith.index_cast %add3A_693 : i32 to index
        %get3A_704 = arith.constant 0 : index
        %get3A_705 = tpu.vector_load %arg12[%get3A_703, %get3A_704] {strides = array<i32>} : memref<80x64xf32, #tpu.memory_space<vmem>>, vector<16xf32>,
        %sub3A_706 = arith.subf %get3A_702, %get3A_705 : vector<16xf32>
        %mul3A_707 = arith.mulf %broadcast_in_dim3A_696, %sub3A_706 : vector<16xf32>
        %swap3A_708 = arith.index_cast %add3A_693 : i32 to index
        %swap3A_709 = arith.constant 0 : index
        %swap3A_710 = tpu.vector_load %arg12[%swap3A_708, %swap3A_709] {strides = array<i32>} : memref<80x64xf32, #tpu.memory_space<vmem>>, vector<16xf32>,
        tpu.vector_store %arg12[%swap3A_708, %swap3A_709], %mul3A_707 {strides = array<i32>} : memref<80x64xf32, #tpu.memory_space<vmem>>, vector<16xf32>,
        %mul3A_711 = arith.mulf %broadcast_in_dim3A_699, %sub3A_706 : vector<16xf32>
        %swap3A_712 = arith.index_cast %add3A_693 : i32 to index
        %swap3A_713 = arith.constant 0 : index
        %swap3A_714 = tpu.vector_load %arg14[%swap3A_712, %swap3A_713] {strides = array<i32>} : memref<80x64xf32, #tpu.memory_space<vmem>>, vector<16xf32>,
        tpu.vector_store %arg14[%swap3A_712, %swap3A_713], %mul3A_711 {strides = array<i32>} : memref<80x64xf32, #tpu.memory_space<vmem>>, vector<16xf32>,
        %get3A_715 = arith.index_cast %add3A_693 : i32 to index
        %get3A_716 = arith.constant 16 : index
        %get3A_717 = tpu.vector_load %arg14[%get3A_715, %get3A_716] {strides = array<i32>} : memref<80x64xf32, #tpu.memory_space<vmem>>, vector<16xf32>,
        %get3A_718 = arith.index_cast %add3A_693 : i32 to index
        %get3A_719 = arith.constant 16 : index
        %get3A_720 = tpu.vector_load %arg12[%get3A_718, %get3A_719] {strides = array<i32>} : memref<80x64xf32, #tpu.memory_space<vmem>>, vector<16xf32>,
        %sub3A_721 = arith.subf %get3A_717, %get3A_720 : vector<16xf32>
        %mul3A_722 = arith.mulf %broadcast_in_dim3A_696, %sub3A_721 : vector<16xf32>
        %swap3A_723 = arith.index_cast %add3A_693 : i32 to index
        %swap3A_724 = arith.constant 16 : index
        %swap3A_725 = tpu.vector_load %arg12[%swap3A_723, %swap3A_724] {strides = array<i32>} : memref<80x64xf32, #tpu.memory_space<vmem>>, vector<16xf32>,
        tpu.vector_store %arg12[%swap3A_723, %swap3A_724], %mul3A_722 {strides = array<i32>} : memref<80x64xf32, #tpu.memory_space<vmem>>, vector<16xf32>,
        %mul3A_726 = arith.mulf %broadcast_in_dim3A_699, %sub3A_721 : vector<16xf32>
        %swap3A_727 = arith.index_cast %add3A_693 : i32 to index
        %swap3A_728 = arith.constant 16 : index
        %swap3A_729 = tpu.vector_load %arg14[%swap3A_727, %swap3A_728] {strides = array<i32>} : memref<80x64xf32, #tpu.memory_space<vmem>>, vector<16xf32>,
        tpu.vector_store %arg14[%swap3A_727, %swap3A_728], %mul3A_726 {strides = array<i32>} : memref<80x64xf32, #tpu.memory_space<vmem>>, vector<16xf32>,
        %get3A_730 = arith.index_cast %add3A_693 : i32 to index
        %get3A_731 = arith.constant 32 : index
        %get3A_732 = tpu.vector_load %arg14[%get3A_730, %get3A_731] {strides = array<i32>} : memref<80x64xf32, #tpu.memory_space<vmem>>, vector<16xf32>,
        %get3A_733 = arith.index_cast %add3A_693 : i32 to index
        %get3A_734 = arith.constant 32 : index
        %get3A_735 = tpu.vector_load %arg12[%get3A_733, %get3A_734] {strides = array<i32>} : memref<80x64xf32, #tpu.memory_space<vmem>>, vector<16xf32>,
        %sub3A_736 = arith.subf %get3A_732, %get3A_735 : vector<16xf32>
        %mul3A_737 = arith.mulf %broadcast_in_dim3A_696, %sub3A_736 : vector<16xf32>
        %swap3A_738 = arith.index_cast %add3A_693 : i32 to index
        %swap3A_739 = arith.constant 32 : index
        %swap3A_740 = tpu.vector_load %arg12[%swap3A_738, %swap3A_739] {strides = array<i32>} : memref<80x64xf32, #tpu.memory_space<vmem>>, vector<16xf32>,
        tpu.vector_store %arg12[%swap3A_738, %swap3A_739], %mul3A_737 {strides = array<i32>} : memref<80x64xf32, #tpu.memory_space<vmem>>, vector<16xf32>,
        %mul3A_741 = arith.mulf %broadcast_in_dim3A_699, %sub3A_736 : vector<16xf32>
        %swap3A_742 = arith.index_cast %add3A_693 : i32 to index
        %swap3A_743 = arith.constant 32 : index
        %swap3A_744 = tpu.vector_load %arg14[%swap3A_742, %swap3A_743] {strides = array<i32>} : memref<80x64xf32, #tpu.memory_space<vmem>>, vector<16xf32>,
        tpu.vector_store %arg14[%swap3A_742, %swap3A_743], %mul3A_741 {strides = array<i32>} : memref<80x64xf32, #tpu.memory_space<vmem>>, vector<16xf32>,
        %get3A_745 = arith.index_cast %add3A_693 : i32 to index
        %get3A_746 = arith.constant 48 : index
        %get3A_747 = tpu.vector_load %arg14[%get3A_745, %get3A_746] {strides = array<i32>} : memref<80x64xf32, #tpu.memory_space<vmem>>, vector<16xf32>,
        %get3A_748 = arith.index_cast %add3A_693 : i32 to index
        %get3A_749 = arith.constant 48 : index
        %get3A_750 = tpu.vector_load %arg12[%get3A_748, %get3A_749] {strides = array<i32>} : memref<80x64xf32, #tpu.memory_space<vmem>>, vector<16xf32>,
        %sub3A_751 = arith.subf %get3A_747, %get3A_750 : vector<16xf32>
        %mul3A_752 = arith.mulf %broadcast_in_dim3A_696, %sub3A_751 : vector<16xf32>
        %swap3A_753 = arith.index_cast %add3A_693 : i32 to index
        %swap3A_754 = arith.constant 48 : index
        %swap3A_755 = tpu.vector_load %arg12[%swap3A_753, %swap3A_754] {strides = array<i32>} : memref<80x64xf32, #tpu.memory_space<vmem>>, vector<16xf32>,
        tpu.vector_store %arg12[%swap3A_753, %swap3A_754], %mul3A_752 {strides = array<i32>} : memref<80x64xf32, #tpu.memory_space<vmem>>, vector<16xf32>,
        %mul3A_756 = arith.mulf %broadcast_in_dim3A_699, %sub3A_751 : vector<16xf32>
        %swap3A_757 = arith.index_cast %add3A_693 : i32 to index
        %swap3A_758 = arith.constant 48 : index
        %swap3A_759 = tpu.vector_load %arg14[%swap3A_757, %swap3A_758] {strides = array<i32>} : memref<80x64xf32, #tpu.memory_space<vmem>>, vector<16xf32>,
        tpu.vector_store %arg14[%swap3A_757, %swap3A_758], %mul3A_756 {strides = array<i32>} : memref<80x64xf32, #tpu.memory_space<vmem>>, vector<16xf32>,
        %mul3A_760 = arith.constant 16 : i32
        %mul3A_761 = arith.muli %scan3A_396, %mul3A_760 : i32
        %add3A_762 = arith.constant 5 : i32
        %add3A_763 = arith.addi %mul3A_761, %add3A_762 : i32
        %slice3A_764 = vector.extract_strided_slice %mul3A_408 {offsets = [5], sizes = [1], strides = [1]} : vector<16xf32> to vector<1xf32>
        %squeeze3A_765 = vector.extract %slice3A_764[0] : f32 from vector<1xf32>
        %broadcast_in_dim3A_766 = vector.broadcast %squeeze3A_765 : f32 to vector<16xf32>
        %slice3A_767 = vector.extract_strided_slice %mul3A_412 {offsets = [5], sizes = [1], strides = [1]} : vector<16xf32> to vector<1xf32>
        %squeeze3A_768 = vector.extract %slice3A_767[0] : f32 from vector<1xf32>
        %broadcast_in_dim3A_769 = vector.broadcast %squeeze3A_768 : f32 to vector<16xf32>
        %get3A_770 = arith.index_cast %add3A_763 : i32 to index
        %get3A_771 = arith.constant 0 : index
        %get3A_772 = tpu.vector_load %arg14[%get3A_770, %get3A_771] {strides = array<i32>} : memref<80x64xf32, #tpu.memory_space<vmem>>, vector<16xf32>,
        %get3A_773 = arith.index_cast %add3A_763 : i32 to index
        %get3A_774 = arith.constant 0 : index
        %get3A_775 = tpu.vector_load %arg12[%get3A_773, %get3A_774] {strides = array<i32>} : memref<80x64xf32, #tpu.memory_space<vmem>>, vector<16xf32>,
        %sub3A_776 = arith.subf %get3A_772, %get3A_775 : vector<16xf32>
        %mul3A_777 = arith.mulf %broadcast_in_dim3A_766, %sub3A_776 : vector<16xf32>
        %swap3A_778 = arith.index_cast %add3A_763 : i32 to index
        %swap3A_779 = arith.constant 0 : index
        %swap3A_780 = tpu.vector_load %arg12[%swap3A_778, %swap3A_779] {strides = array<i32>} : memref<80x64xf32, #tpu.memory_space<vmem>>, vector<16xf32>,
        tpu.vector_store %arg12[%swap3A_778, %swap3A_779], %mul3A_777 {strides = array<i32>} : memref<80x64xf32, #tpu.memory_space<vmem>>, vector<16xf32>,
        %mul3A_781 = arith.mulf %broadcast_in_dim3A_769, %sub3A_776 : vector<16xf32>
        %swap3A_782 = arith.index_cast %add3A_763 : i32 to index
        %swap3A_783 = arith.constant 0 : index
        %swap3A_784 = tpu.vector_load %arg14[%swap3A_782, %swap3A_783] {strides = array<i32>} : memref<80x64xf32, #tpu.memory_space<vmem>>, vector<16xf32>,
        tpu.vector_store %arg14[%swap3A_782, %swap3A_783], %mul3A_781 {strides = array<i32>} : memref<80x64xf32, #tpu.memory_space<vmem>>, vector<16xf32>,
        %get3A_785 = arith.index_cast %add3A_763 : i32 to index
        %get3A_786 = arith.constant 16 : index
        %get3A_787 = tpu.vector_load %arg14[%get3A_785, %get3A_786] {strides = array<i32>} : memref<80x64xf32, #tpu.memory_space<vmem>>, vector<16xf32>,
        %get3A_788 = arith.index_cast %add3A_763 : i32 to index
        %get3A_789 = arith.constant 16 : index
        %get3A_790 = tpu.vector_load %arg12[%get3A_788, %get3A_789] {strides = array<i32>} : memref<80x64xf32, #tpu.memory_space<vmem>>, vector<16xf32>,
        %sub3A_791 = arith.subf %get3A_787, %get3A_790 : vector<16xf32>
        %mul3A_792 = arith.mulf %broadcast_in_dim3A_766, %sub3A_791 : vector<16xf32>
        %swap3A_793 = arith.index_cast %add3A_763 : i32 to index
        %swap3A_794 = arith.constant 16 : index
        %swap3A_795 = tpu.vector_load %arg12[%swap3A_793, %swap3A_794] {strides = array<i32>} : memref<80x64xf32, #tpu.memory_space<vmem>>, vector<16xf32>,
        tpu.vector_store %arg12[%swap3A_793, %swap3A_794], %mul3A_792 {strides = array<i32>} : memref<80x64xf32, #tpu.memory_space<vmem>>, vector<16xf32>,
        %mul3A_796 = arith.mulf %broadcast_in_dim3A_769, %sub3A_791 : vector<16xf32>
        %swap3A_797 = arith.index_cast %add3A_763 : i32 to index
        %swap3A_798 = arith.constant 16 : index
        %swap3A_799 = tpu.vector_load %arg14[%swap3A_797, %swap3A_798] {strides = array<i32>} : memref<80x64xf32, #tpu.memory_space<vmem>>, vector<16xf32>,
        tpu.vector_store %arg14[%swap3A_797, %swap3A_798], %mul3A_796 {strides = array<i32>} : memref<80x64xf32, #tpu.memory_space<vmem>>, vector<16xf32>,
        %get3A_800 = arith.index_cast %add3A_763 : i32 to index
        %get3A_801 = arith.constant 32 : index
        %get3A_802 = tpu.vector_load %arg14[%get3A_800, %get3A_801] {strides = array<i32>} : memref<80x64xf32, #tpu.memory_space<vmem>>, vector<16xf32>,
        %get3A_803 = arith.index_cast %add3A_763 : i32 to index
        %get3A_804 = arith.constant 32 : index
        %get3A_805 = tpu.vector_load %arg12[%get3A_803, %get3A_804] {strides = array<i32>} : memref<80x64xf32, #tpu.memory_space<vmem>>, vector<16xf32>,
        %sub3A_806 = arith.subf %get3A_802, %get3A_805 : vector<16xf32>
        %mul3A_807 = arith.mulf %broadcast_in_dim3A_766, %sub3A_806 : vector<16xf32>
        %swap3A_808 = arith.index_cast %add3A_763 : i32 to index
        %swap3A_809 = arith.constant 32 : index
        %swap3A_810 = tpu.vector_load %arg12[%swap3A_808, %swap3A_809] {strides = array<i32>} : memref<80x64xf32, #tpu.memory_space<vmem>>, vector<16xf32>,
        tpu.vector_store %arg12[%swap3A_808, %swap3A_809], %mul3A_807 {strides = array<i32>} : memref<80x64xf32, #tpu.memory_space<vmem>>, vector<16xf32>,
        %mul3A_811 = arith.mulf %broadcast_in_dim3A_769, %sub3A_806 : vector<16xf32>
        %swap3A_812 = arith.index_cast %add3A_763 : i32 to index
        %swap3A_813 = arith.constant 32 : index
        %swap3A_814 = tpu.vector_load %arg14[%swap3A_812, %swap3A_813] {strides = array<i32>} : memref<80x64xf32, #tpu.memory_space<vmem>>, vector<16xf32>,
        tpu.vector_store %arg14[%swap3A_812, %swap3A_813], %mul3A_811 {strides = array<i32>} : memref<80x64xf32, #tpu.memory_space<vmem>>, vector<16xf32>,
        %get3A_815 = arith.index_cast %add3A_763 : i32 to index
        %get3A_816 = arith.constant 48 : index
        %get3A_817 = tpu.vector_load %arg14[%get3A_815, %get3A_816] {strides = array<i32>} : memref<80x64xf32, #tpu.memory_space<vmem>>, vector<16xf32>,
        %get3A_818 = arith.index_cast %add3A_763 : i32 to index
        %get3A_819 = arith.constant 48 : index
        %get3A_820 = tpu.vector_load %arg12[%get3A_818, %get3A_819] {strides = array<i32>} : memref<80x64xf32, #tpu.memory_space<vmem>>, vector<16xf32>,
        %sub3A_821 = arith.subf %get3A_817, %get3A_820 : vector<16xf32>
        %mul3A_822 = arith.mulf %broadcast_in_dim3A_766, %sub3A_821 : vector<16xf32>
        %swap3A_823 = arith.index_cast %add3A_763 : i32 to index
        %swap3A_824 = arith.constant 48 : index
        %swap3A_825 = tpu.vector_load %arg12[%swap3A_823, %swap3A_824] {strides = array<i32>} : memref<80x64xf32, #tpu.memory_space<vmem>>, vector<16xf32>,
        tpu.vector_store %arg12[%swap3A_823, %swap3A_824], %mul3A_822 {strides = array<i32>} : memref<80x64xf32, #tpu.memory_space<vmem>>, vector<16xf32>,
        %mul3A_826 = arith.mulf %broadcast_in_dim3A_769, %sub3A_821 : vector<16xf32>
        %swap3A_827 = arith.index_cast %add3A_763 : i32 to index
        %swap3A_828 = arith.constant 48 : index
        %swap3A_829 = tpu.vector_load %arg14[%swap3A_827, %swap3A_828] {strides = array<i32>} : memref<80x64xf32, #tpu.memory_space<vmem>>, vector<16xf32>,
        tpu.vector_store %arg14[%swap3A_827, %swap3A_828], %mul3A_826 {strides = array<i32>} : memref<80x64xf32, #tpu.memory_space<vmem>>, vector<16xf32>,
        %mul3A_830 = arith.constant 16 : i32
        %mul3A_831 = arith.muli %scan3A_396, %mul3A_830 : i32
        %add3A_832 = arith.constant 6 : i32
        %add3A_833 = arith.addi %mul3A_831, %add3A_832 : i32
        %slice3A_834 = vector.extract_strided_slice %mul3A_408 {offsets = [6], sizes = [1], strides = [1]} : vector<16xf32> to vector<1xf32>
        %squeeze3A_835 = vector.extract %slice3A_834[0] : f32 from vector<1xf32>
        %broadcast_in_dim3A_836 = vector.broadcast %squeeze3A_835 : f32 to vector<16xf32>
        %slice3A_837 = vector.extract_strided_slice %mul3A_412 {offsets = [6], sizes = [1], strides = [1]} : vector<16xf32> to vector<1xf32>
        %squeeze3A_838 = vector.extract %slice3A_837[0] : f32 from vector<1xf32>
        %broadcast_in_dim3A_839 = vector.broadcast %squeeze3A_838 : f32 to vector<16xf32>
        %get3A_840 = arith.index_cast %add3A_833 : i32 to index
        %get3A_841 = arith.constant 0 : index
        %get3A_842 = tpu.vector_load %arg14[%get3A_840, %get3A_841] {strides = array<i32>} : memref<80x64xf32, #tpu.memory_space<vmem>>, vector<16xf32>,
        %get3A_843 = arith.index_cast %add3A_833 : i32 to index
        %get3A_844 = arith.constant 0 : index
        %get3A_845 = tpu.vector_load %arg12[%get3A_843, %get3A_844] {strides = array<i32>} : memref<80x64xf32, #tpu.memory_space<vmem>>, vector<16xf32>,
        %sub3A_846 = arith.subf %get3A_842, %get3A_845 : vector<16xf32>
        %mul3A_847 = arith.mulf %broadcast_in_dim3A_836, %sub3A_846 : vector<16xf32>
        %swap3A_848 = arith.index_cast %add3A_833 : i32 to index
        %swap3A_849 = arith.constant 0 : index
        %swap3A_850 = tpu.vector_load %arg12[%swap3A_848, %swap3A_849] {strides = array<i32>} : memref<80x64xf32, #tpu.memory_space<vmem>>, vector<16xf32>,
        tpu.vector_store %arg12[%swap3A_848, %swap3A_849], %mul3A_847 {strides = array<i32>} : memref<80x64xf32, #tpu.memory_space<vmem>>, vector<16xf32>,
        %mul3A_851 = arith.mulf %broadcast_in_dim3A_839, %sub3A_846 : vector<16xf32>
        %swap3A_852 = arith.index_cast %add3A_833 : i32 to index
        %swap3A_853 = arith.constant 0 : index
        %swap3A_854 = tpu.vector_load %arg14[%swap3A_852, %swap3A_853] {strides = array<i32>} : memref<80x64xf32, #tpu.memory_space<vmem>>, vector<16xf32>,
        tpu.vector_store %arg14[%swap3A_852, %swap3A_853], %mul3A_851 {strides = array<i32>} : memref<80x64xf32, #tpu.memory_space<vmem>>, vector<16xf32>,
        %get3A_855 = arith.index_cast %add3A_833 : i32 to index
        %get3A_856 = arith.constant 16 : index
        %get3A_857 = tpu.vector_load %arg14[%get3A_855, %get3A_856] {strides = array<i32>} : memref<80x64xf32, #tpu.memory_space<vmem>>, vector<16xf32>,
        %get3A_858 = arith.index_cast %add3A_833 : i32 to index
        %get3A_859 = arith.constant 16 : index
        %get3A_860 = tpu.vector_load %arg12[%get3A_858, %get3A_859] {strides = array<i32>} : memref<80x64xf32, #tpu.memory_space<vmem>>, vector<16xf32>,
        %sub3A_861 = arith.subf %get3A_857, %get3A_860 : vector<16xf32>
        %mul3A_862 = arith.mulf %broadcast_in_dim3A_836, %sub3A_861 : vector<16xf32>
        %swap3A_863 = arith.index_cast %add3A_833 : i32 to index
        %swap3A_864 = arith.constant 16 : index
        %swap3A_865 = tpu.vector_load %arg12[%swap3A_863, %swap3A_864] {strides = array<i32>} : memref<80x64xf32, #tpu.memory_space<vmem>>, vector<16xf32>,
        tpu.vector_store %arg12[%swap3A_863, %swap3A_864], %mul3A_862 {strides = array<i32>} : memref<80x64xf32, #tpu.memory_space<vmem>>, vector<16xf32>,
        %mul3A_866 = arith.mulf %broadcast_in_dim3A_839, %sub3A_861 : vector<16xf32>
        %swap3A_867 = arith.index_cast %add3A_833 : i32 to index
        %swap3A_868 = arith.constant 16 : index
        %swap3A_869 = tpu.vector_load %arg14[%swap3A_867, %swap3A_868] {strides = array<i32>} : memref<80x64xf32, #tpu.memory_space<vmem>>, vector<16xf32>,
        tpu.vector_store %arg14[%swap3A_867, %swap3A_868], %mul3A_866 {strides = array<i32>} : memref<80x64xf32, #tpu.memory_space<vmem>>, vector<16xf32>,
        %get3A_870 = arith.index_cast %add3A_833 : i32 to index
        %get3A_871 = arith.constant 32 : index
        %get3A_872 = tpu.vector_load %arg14[%get3A_870, %get3A_871] {strides = array<i32>} : memref<80x64xf32, #tpu.memory_space<vmem>>, vector<16xf32>,
        %get3A_873 = arith.index_cast %add3A_833 : i32 to index
        %get3A_874 = arith.constant 32 : index
        %get3A_875 = tpu.vector_load %arg12[%get3A_873, %get3A_874] {strides = array<i32>} : memref<80x64xf32, #tpu.memory_space<vmem>>, vector<16xf32>,
        %sub3A_876 = arith.subf %get3A_872, %get3A_875 : vector<16xf32>
        %mul3A_877 = arith.mulf %broadcast_in_dim3A_836, %sub3A_876 : vector<16xf32>
        %swap3A_878 = arith.index_cast %add3A_833 : i32 to index
        %swap3A_879 = arith.constant 32 : index
        %swap3A_880 = tpu.vector_load %arg12[%swap3A_878, %swap3A_879] {strides = array<i32>} : memref<80x64xf32, #tpu.memory_space<vmem>>, vector<16xf32>,
        tpu.vector_store %arg12[%swap3A_878, %swap3A_879], %mul3A_877 {strides = array<i32>} : memref<80x64xf32, #tpu.memory_space<vmem>>, vector<16xf32>,
        %mul3A_881 = arith.mulf %broadcast_in_dim3A_839, %sub3A_876 : vector<16xf32>
        %swap3A_882 = arith.index_cast %add3A_833 : i32 to index
        %swap3A_883 = arith.constant 32 : index
        %swap3A_884 = tpu.vector_load %arg14[%swap3A_882, %swap3A_883] {strides = array<i32>} : memref<80x64xf32, #tpu.memory_space<vmem>>, vector<16xf32>,
        tpu.vector_store %arg14[%swap3A_882, %swap3A_883], %mul3A_881 {strides = array<i32>} : memref<80x64xf32, #tpu.memory_space<vmem>>, vector<16xf32>,
        %get3A_885 = arith.index_cast %add3A_833 : i32 to index
        %get3A_886 = arith.constant 48 : index
        %get3A_887 = tpu.vector_load %arg14[%get3A_885, %get3A_886] {strides = array<i32>} : memref<80x64xf32, #tpu.memory_space<vmem>>, vector<16xf32>,
        %get3A_888 = arith.index_cast %add3A_833 : i32 to index
        %get3A_889 = arith.constant 48 : index
        %get3A_890 = tpu.vector_load %arg12[%get3A_888, %get3A_889] {strides = array<i32>} : memref<80x64xf32, #tpu.memory_space<vmem>>, vector<16xf32>,
        %sub3A_891 = arith.subf %get3A_887, %get3A_890 : vector<16xf32>
        %mul3A_892 = arith.mulf %broadcast_in_dim3A_836, %sub3A_891 : vector<16xf32>
        %swap3A_893 = arith.index_cast %add3A_833 : i32 to index
        %swap3A_894 = arith.constant 48 : index
        %swap3A_895 = tpu.vector_load %arg12[%swap3A_893, %swap3A_894] {strides = array<i32>} : memref<80x64xf32, #tpu.memory_space<vmem>>, vector<16xf32>,
        tpu.vector_store %arg12[%swap3A_893, %swap3A_894], %mul3A_892 {strides = array<i32>} : memref<80x64xf32, #tpu.memory_space<vmem>>, vector<16xf32>,
        %mul3A_896 = arith.mulf %broadcast_in_dim3A_839, %sub3A_891 : vector<16xf32>
        %swap3A_897 = arith.index_cast %add3A_833 : i32 to index
        %swap3A_898 = arith.constant 48 : index
        %swap3A_899 = tpu.vector_load %arg14[%swap3A_897, %swap3A_898] {strides = array<i32>} : memref<80x64xf32, #tpu.memory_space<vmem>>, vector<16xf32>,
        tpu.vector_store %arg14[%swap3A_897, %swap3A_898], %mul3A_896 {strides = array<i32>} : memref<80x64xf32, #tpu.memory_space<vmem>>, vector<16xf32>,
        %mul3A_900 = arith.constant 16 : i32
        %mul3A_901 = arith.muli %scan3A_396, %mul3A_900 : i32
        %add3A_902 = arith.constant 7 : i32
        %add3A_903 = arith.addi %mul3A_901, %add3A_902 : i32
        %slice3A_904 = vector.extract_strided_slice %mul3A_408 {offsets = [7], sizes = [1], strides = [1]} : vector<16xf32> to vector<1xf32>
        %squeeze3A_905 = vector.extract %slice3A_904[0] : f32 from vector<1xf32>
        %broadcast_in_dim3A_906 = vector.broadcast %squeeze3A_905 : f32 to vector<16xf32>
        %slice3A_907 = vector.extract_strided_slice %mul3A_412 {offsets = [7], sizes = [1], strides = [1]} : vector<16xf32> to vector<1xf32>
        %squeeze3A_908 = vector.extract %slice3A_907[0] : f32 from vector<1xf32>
        %broadcast_in_dim3A_909 = vector.broadcast %squeeze3A_908 : f32 to vector<16xf32>
        %get3A_910 = arith.index_cast %add3A_903 : i32 to index
        %get3A_911 = arith.constant 0 : index
        %get3A_912 = tpu.vector_load %arg14[%get3A_910, %get3A_911] {strides = array<i32>} : memref<80x64xf32, #tpu.memory_space<vmem>>, vector<16xf32>,
        %get3A_913 = arith.index_cast %add3A_903 : i32 to index
        %get3A_914 = arith.constant 0 : index
        %get3A_915 = tpu.vector_load %arg12[%get3A_913, %get3A_914] {strides = array<i32>} : memref<80x64xf32, #tpu.memory_space<vmem>>, vector<16xf32>,
        %sub3A_916 = arith.subf %get3A_912, %get3A_915 : vector<16xf32>
        %mul3A_917 = arith.mulf %broadcast_in_dim3A_906, %sub3A_916 : vector<16xf32>
        %swap3A_918 = arith.index_cast %add3A_903 : i32 to index
        %swap3A_919 = arith.constant 0 : index
        %swap3A_920 = tpu.vector_load %arg12[%swap3A_918, %swap3A_919] {strides = array<i32>} : memref<80x64xf32, #tpu.memory_space<vmem>>, vector<16xf32>,
        tpu.vector_store %arg12[%swap3A_918, %swap3A_919], %mul3A_917 {strides = array<i32>} : memref<80x64xf32, #tpu.memory_space<vmem>>, vector<16xf32>,
        %mul3A_921 = arith.mulf %broadcast_in_dim3A_909, %sub3A_916 : vector<16xf32>
        %swap3A_922 = arith.index_cast %add3A_903 : i32 to index
        %swap3A_923 = arith.constant 0 : index
        %swap3A_924 = tpu.vector_load %arg14[%swap3A_922, %swap3A_923] {strides = array<i32>} : memref<80x64xf32, #tpu.memory_space<vmem>>, vector<16xf32>,
        tpu.vector_store %arg14[%swap3A_922, %swap3A_923], %mul3A_921 {strides = array<i32>} : memref<80x64xf32, #tpu.memory_space<vmem>>, vector<16xf32>,
        %get3A_925 = arith.index_cast %add3A_903 : i32 to index
        %get3A_926 = arith.constant 16 : index
        %get3A_927 = tpu.vector_load %arg14[%get3A_925, %get3A_926] {strides = array<i32>} : memref<80x64xf32, #tpu.memory_space<vmem>>, vector<16xf32>,
        %get3A_928 = arith.index_cast %add3A_903 : i32 to index
        %get3A_929 = arith.constant 16 : index
        %get3A_930 = tpu.vector_load %arg12[%get3A_928, %get3A_929] {strides = array<i32>} : memref<80x64xf32, #tpu.memory_space<vmem>>, vector<16xf32>,
        %sub3A_931 = arith.subf %get3A_927, %get3A_930 : vector<16xf32>
        %mul3A_932 = arith.mulf %broadcast_in_dim3A_906, %sub3A_931 : vector<16xf32>
        %swap3A_933 = arith.index_cast %add3A_903 : i32 to index
        %swap3A_934 = arith.constant 16 : index
        %swap3A_935 = tpu.vector_load %arg12[%swap3A_933, %swap3A_934] {strides = array<i32>} : memref<80x64xf32, #tpu.memory_space<vmem>>, vector<16xf32>,
        tpu.vector_store %arg12[%swap3A_933, %swap3A_934], %mul3A_932 {strides = array<i32>} : memref<80x64xf32, #tpu.memory_space<vmem>>, vector<16xf32>,
        %mul3A_936 = arith.mulf %broadcast_in_dim3A_909, %sub3A_931 : vector<16xf32>
        %swap3A_937 = arith.index_cast %add3A_903 : i32 to index
        %swap3A_938 = arith.constant 16 : index
        %swap3A_939 = tpu.vector_load %arg14[%swap3A_937, %swap3A_938] {strides = array<i32>} : memref<80x64xf32, #tpu.memory_space<vmem>>, vector<16xf32>,
        tpu.vector_store %arg14[%swap3A_937, %swap3A_938], %mul3A_936 {strides = array<i32>} : memref<80x64xf32, #tpu.memory_space<vmem>>, vector<16xf32>,
        %get3A_940 = arith.index_cast %add3A_903 : i32 to index
        %get3A_941 = arith.constant 32 : index
        %get3A_942 = tpu.vector_load %arg14[%get3A_940, %get3A_941] {strides = array<i32>} : memref<80x64xf32, #tpu.memory_space<vmem>>, vector<16xf32>,
        %get3A_943 = arith.index_cast %add3A_903 : i32 to index
        %get3A_944 = arith.constant 32 : index
        %get3A_945 = tpu.vector_load %arg12[%get3A_943, %get3A_944] {strides = array<i32>} : memref<80x64xf32, #tpu.memory_space<vmem>>, vector<16xf32>,
        %sub3A_946 = arith.subf %get3A_942, %get3A_945 : vector<16xf32>
        %mul3A_947 = arith.mulf %broadcast_in_dim3A_906, %sub3A_946 : vector<16xf32>
        %swap3A_948 = arith.index_cast %add3A_903 : i32 to index
        %swap3A_949 = arith.constant 32 : index
        %swap3A_950 = tpu.vector_load %arg12[%swap3A_948, %swap3A_949] {strides = array<i32>} : memref<80x64xf32, #tpu.memory_space<vmem>>, vector<16xf32>,
        tpu.vector_store %arg12[%swap3A_948, %swap3A_949], %mul3A_947 {strides = array<i32>} : memref<80x64xf32, #tpu.memory_space<vmem>>, vector<16xf32>,
        %mul3A_951 = arith.mulf %broadcast_in_dim3A_909, %sub3A_946 : vector<16xf32>
        %swap3A_952 = arith.index_cast %add3A_903 : i32 to index
        %swap3A_953 = arith.constant 32 : index
        %swap3A_954 = tpu.vector_load %arg14[%swap3A_952, %swap3A_953] {strides = array<i32>} : memref<80x64xf32, #tpu.memory_space<vmem>>, vector<16xf32>,
        tpu.vector_store %arg14[%swap3A_952, %swap3A_953], %mul3A_951 {strides = array<i32>} : memref<80x64xf32, #tpu.memory_space<vmem>>, vector<16xf32>,
        %get3A_955 = arith.index_cast %add3A_903 : i32 to index
        %get3A_956 = arith.constant 48 : index
        %get3A_957 = tpu.vector_load %arg14[%get3A_955, %get3A_956] {strides = array<i32>} : memref<80x64xf32, #tpu.memory_space<vmem>>, vector<16xf32>,
        %get3A_958 = arith.index_cast %add3A_903 : i32 to index
        %get3A_959 = arith.constant 48 : index
        %get3A_960 = tpu.vector_load %arg12[%get3A_958, %get3A_959] {strides = array<i32>} : memref<80x64xf32, #tpu.memory_space<vmem>>, vector<16xf32>,
        %sub3A_961 = arith.subf %get3A_957, %get3A_960 : vector<16xf32>
        %mul3A_962 = arith.mulf %broadcast_in_dim3A_906, %sub3A_961 : vector<16xf32>
        %swap3A_963 = arith.index_cast %add3A_903 : i32 to index
        %swap3A_964 = arith.constant 48 : index
        %swap3A_965 = tpu.vector_load %arg12[%swap3A_963, %swap3A_964] {strides = array<i32>} : memref<80x64xf32, #tpu.memory_space<vmem>>, vector<16xf32>,
        tpu.vector_store %arg12[%swap3A_963, %swap3A_964], %mul3A_962 {strides = array<i32>} : memref<80x64xf32, #tpu.memory_space<vmem>>, vector<16xf32>,
        %mul3A_966 = arith.mulf %broadcast_in_dim3A_909, %sub3A_961 : vector<16xf32>
        %swap3A_967 = arith.index_cast %add3A_903 : i32 to index
        %swap3A_968 = arith.constant 48 : index
        %swap3A_969 = tpu.vector_load %arg14[%swap3A_967, %swap3A_968] {strides = array<i32>} : memref<80x64xf32, #tpu.memory_space<vmem>>, vector<16xf32>,
        tpu.vector_store %arg14[%swap3A_967, %swap3A_968], %mul3A_966 {strides = array<i32>} : memref<80x64xf32, #tpu.memory_space<vmem>>, vector<16xf32>,
        %mul3A_970 = arith.constant 16 : i32
        %mul3A_971 = arith.muli %scan3A_396, %mul3A_970 : i32
        %add3A_972 = arith.constant 8 : i32
        %add3A_973 = arith.addi %mul3A_971, %add3A_972 : i32
        %slice3A_974 = vector.extract_strided_slice %mul3A_408 {offsets = [8], sizes = [1], strides = [1]} : vector<16xf32> to vector<1xf32>
        %squeeze3A_975 = vector.extract %slice3A_974[0] : f32 from vector<1xf32>
        %broadcast_in_dim3A_976 = vector.broadcast %squeeze3A_975 : f32 to vector<16xf32>
        %slice3A_977 = vector.extract_strided_slice %mul3A_412 {offsets = [8], sizes = [1], strides = [1]} : vector<16xf32> to vector<1xf32>
        %squeeze3A_978 = vector.extract %slice3A_977[0] : f32 from vector<1xf32>
        %broadcast_in_dim3A_979 = vector.broadcast %squeeze3A_978 : f32 to vector<16xf32>
        %get3A_980 = arith.index_cast %add3A_973 : i32 to index
        %get3A_981 = arith.constant 0 : index
        %get3A_982 = tpu.vector_load %arg14[%get3A_980, %get3A_981] {strides = array<i32>} : memref<80x64xf32, #tpu.memory_space<vmem>>, vector<16xf32>,
        %get3A_983 = arith.index_cast %add3A_973 : i32 to index
        %get3A_984 = arith.constant 0 : index
        %get3A_985 = tpu.vector_load %arg12[%get3A_983, %get3A_984] {strides = array<i32>} : memref<80x64xf32, #tpu.memory_space<vmem>>, vector<16xf32>,
        %sub3A_986 = arith.subf %get3A_982, %get3A_985 : vector<16xf32>
        %mul3A_987 = arith.mulf %broadcast_in_dim3A_976, %sub3A_986 : vector<16xf32>
        %swap3A_988 = arith.index_cast %add3A_973 : i32 to index
        %swap3A_989 = arith.constant 0 : index
        %swap3A_990 = tpu.vector_load %arg12[%swap3A_988, %swap3A_989] {strides = array<i32>} : memref<80x64xf32, #tpu.memory_space<vmem>>, vector<16xf32>,
        tpu.vector_store %arg12[%swap3A_988, %swap3A_989], %mul3A_987 {strides = array<i32>} : memref<80x64xf32, #tpu.memory_space<vmem>>, vector<16xf32>,
        %mul3A_991 = arith.mulf %broadcast_in_dim3A_979, %sub3A_986 : vector<16xf32>
        %swap3A_992 = arith.index_cast %add3A_973 : i32 to index
        %swap3A_993 = arith.constant 0 : index
        %swap3A_994 = tpu.vector_load %arg14[%swap3A_992, %swap3A_993] {strides = array<i32>} : memref<80x64xf32, #tpu.memory_space<vmem>>, vector<16xf32>,
        tpu.vector_store %arg14[%swap3A_992, %swap3A_993], %mul3A_991 {strides = array<i32>} : memref<80x64xf32, #tpu.memory_space<vmem>>, vector<16xf32>,
        %get3A_995 = arith.index_cast %add3A_973 : i32 to index
        %get3A_996 = arith.constant 16 : index
        %get3A_997 = tpu.vector_load %arg14[%get3A_995, %get3A_996] {strides = array<i32>} : memref<80x64xf32, #tpu.memory_space<vmem>>, vector<16xf32>,
        %get3A_998 = arith.index_cast %add3A_973 : i32 to index
        %get3A_999 = arith.constant 16 : index
        %get3A_1000 = tpu.vector_load %arg12[%get3A_998, %get3A_999] {strides = array<i32>} : memref<80x64xf32, #tpu.memory_space<vmem>>, vector<16xf32>,
        %sub3A_1001 = arith.subf %get3A_997, %get3A_1000 : vector<16xf32>
        %mul3A_1002 = arith.mulf %broadcast_in_dim3A_976, %sub3A_1001 : vector<16xf32>
        %swap3A_1003 = arith.index_cast %add3A_973 : i32 to index
        %swap3A_1004 = arith.constant 16 : index
        %swap3A_1005 = tpu.vector_load %arg12[%swap3A_1003, %swap3A_1004] {strides = array<i32>} : memref<80x64xf32, #tpu.memory_space<vmem>>, vector<16xf32>,
        tpu.vector_store %arg12[%swap3A_1003, %swap3A_1004], %mul3A_1002 {strides = array<i32>} : memref<80x64xf32, #tpu.memory_space<vmem>>, vector<16xf32>,
        %mul3A_1006 = arith.mulf %broadcast_in_dim3A_979, %sub3A_1001 : vector<16xf32>
        %swap3A_1007 = arith.index_cast %add3A_973 : i32 to index
        %swap3A_1008 = arith.constant 16 : index
        %swap3A_1009 = tpu.vector_load %arg14[%swap3A_1007, %swap3A_1008] {strides = array<i32>} : memref<80x64xf32, #tpu.memory_space<vmem>>, vector<16xf32>,
        tpu.vector_store %arg14[%swap3A_1007, %swap3A_1008], %mul3A_1006 {strides = array<i32>} : memref<80x64xf32, #tpu.memory_space<vmem>>, vector<16xf32>,
        %get3A_1010 = arith.index_cast %add3A_973 : i32 to index
        %get3A_1011 = arith.constant 32 : index
        %get3A_1012 = tpu.vector_load %arg14[%get3A_1010, %get3A_1011] {strides = array<i32>} : memref<80x64xf32, #tpu.memory_space<vmem>>, vector<16xf32>,
        %get3A_1013 = arith.index_cast %add3A_973 : i32 to index
        %get3A_1014 = arith.constant 32 : index
        %get3A_1015 = tpu.vector_load %arg12[%get3A_1013, %get3A_1014] {strides = array<i32>} : memref<80x64xf32, #tpu.memory_space<vmem>>, vector<16xf32>,
        %sub3A_1016 = arith.subf %get3A_1012, %get3A_1015 : vector<16xf32>
        %mul3A_1017 = arith.mulf %broadcast_in_dim3A_976, %sub3A_1016 : vector<16xf32>
        %swap3A_1018 = arith.index_cast %add3A_973 : i32 to index
        %swap3A_1019 = arith.constant 32 : index
        %swap3A_1020 = tpu.vector_load %arg12[%swap3A_1018, %swap3A_1019] {strides = array<i32>} : memref<80x64xf32, #tpu.memory_space<vmem>>, vector<16xf32>,
        tpu.vector_store %arg12[%swap3A_1018, %swap3A_1019], %mul3A_1017 {strides = array<i32>} : memref<80x64xf32, #tpu.memory_space<vmem>>, vector<16xf32>,
        %mul3A_1021 = arith.mulf %broadcast_in_dim3A_979, %sub3A_1016 : vector<16xf32>
        %swap3A_1022 = arith.index_cast %add3A_973 : i32 to index
        %swap3A_1023 = arith.constant 32 : index
        %swap3A_1024 = tpu.vector_load %arg14[%swap3A_1022, %swap3A_1023] {strides = array<i32>} : memref<80x64xf32, #tpu.memory_space<vmem>>, vector<16xf32>,
        tpu.vector_store %arg14[%swap3A_1022, %swap3A_1023], %mul3A_1021 {strides = array<i32>} : memref<80x64xf32, #tpu.memory_space<vmem>>, vector<16xf32>,
        %get3A_1025 = arith.index_cast %add3A_973 : i32 to index
        %get3A_1026 = arith.constant 48 : index
        %get3A_1027 = tpu.vector_load %arg14[%get3A_1025, %get3A_1026] {strides = array<i32>} : memref<80x64xf32, #tpu.memory_space<vmem>>, vector<16xf32>,
        %get3A_1028 = arith.index_cast %add3A_973 : i32 to index
        %get3A_1029 = arith.constant 48 : index
        %get3A_1030 = tpu.vector_load %arg12[%get3A_1028, %get3A_1029] {strides = array<i32>} : memref<80x64xf32, #tpu.memory_space<vmem>>, vector<16xf32>,
        %sub3A_1031 = arith.subf %get3A_1027, %get3A_1030 : vector<16xf32>
        %mul3A_1032 = arith.mulf %broadcast_in_dim3A_976, %sub3A_1031 : vector<16xf32>
        %swap3A_1033 = arith.index_cast %add3A_973 : i32 to index
        %swap3A_1034 = arith.constant 48 : index
        %swap3A_1035 = tpu.vector_load %arg12[%swap3A_1033, %swap3A_1034] {strides = array<i32>} : memref<80x64xf32, #tpu.memory_space<vmem>>, vector<16xf32>,
        tpu.vector_store %arg12[%swap3A_1033, %swap3A_1034], %mul3A_1032 {strides = array<i32>} : memref<80x64xf32, #tpu.memory_space<vmem>>, vector<16xf32>,
        %mul3A_1036 = arith.mulf %broadcast_in_dim3A_979, %sub3A_1031 : vector<16xf32>
        %swap3A_1037 = arith.index_cast %add3A_973 : i32 to index
        %swap3A_1038 = arith.constant 48 : index
        %swap3A_1039 = tpu.vector_load %arg14[%swap3A_1037, %swap3A_1038] {strides = array<i32>} : memref<80x64xf32, #tpu.memory_space<vmem>>, vector<16xf32>,
        tpu.vector_store %arg14[%swap3A_1037, %swap3A_1038], %mul3A_1036 {strides = array<i32>} : memref<80x64xf32, #tpu.memory_space<vmem>>, vector<16xf32>,
        %mul3A_1040 = arith.constant 16 : i32
        %mul3A_1041 = arith.muli %scan3A_396, %mul3A_1040 : i32
        %add3A_1042 = arith.constant 9 : i32
        %add3A_1043 = arith.addi %mul3A_1041, %add3A_1042 : i32
        %slice3A_1044 = vector.extract_strided_slice %mul3A_408 {offsets = [9], sizes = [1], strides = [1]} : vector<16xf32> to vector<1xf32>
        %squeeze3A_1045 = vector.extract %slice3A_1044[0] : f32 from vector<1xf32>
        %broadcast_in_dim3A_1046 = vector.broadcast %squeeze3A_1045 : f32 to vector<16xf32>
        %slice3A_1047 = vector.extract_strided_slice %mul3A_412 {offsets = [9], sizes = [1], strides = [1]} : vector<16xf32> to vector<1xf32>
        %squeeze3A_1048 = vector.extract %slice3A_1047[0] : f32 from vector<1xf32>
        %broadcast_in_dim3A_1049 = vector.broadcast %squeeze3A_1048 : f32 to vector<16xf32>
        %get3A_1050 = arith.index_cast %add3A_1043 : i32 to index
        %get3A_1051 = arith.constant 0 : index
        %get3A_1052 = tpu.vector_load %arg14[%get3A_1050, %get3A_1051] {strides = array<i32>} : memref<80x64xf32, #tpu.memory_space<vmem>>, vector<16xf32>,
        %get3A_1053 = arith.index_cast %add3A_1043 : i32 to index
        %get3A_1054 = arith.constant 0 : index
        %get3A_1055 = tpu.vector_load %arg12[%get3A_1053, %get3A_1054] {strides = array<i32>} : memref<80x64xf32, #tpu.memory_space<vmem>>, vector<16xf32>,
        %sub3A_1056 = arith.subf %get3A_1052, %get3A_1055 : vector<16xf32>
        %mul3A_1057 = arith.mulf %broadcast_in_dim3A_1046, %sub3A_1056 : vector<16xf32>
        %swap3A_1058 = arith.index_cast %add3A_1043 : i32 to index
        %swap3A_1059 = arith.constant 0 : index
        %swap3A_1060 = tpu.vector_load %arg12[%swap3A_1058, %swap3A_1059] {strides = array<i32>} : memref<80x64xf32, #tpu.memory_space<vmem>>, vector<16xf32>,
        tpu.vector_store %arg12[%swap3A_1058, %swap3A_1059], %mul3A_1057 {strides = array<i32>} : memref<80x64xf32, #tpu.memory_space<vmem>>, vector<16xf32>,
        %mul3A_1061 = arith.mulf %broadcast_in_dim3A_1049, %sub3A_1056 : vector<16xf32>
        %swap3A_1062 = arith.index_cast %add3A_1043 : i32 to index
        %swap3A_1063 = arith.constant 0 : index
        %swap3A_1064 = tpu.vector_load %arg14[%swap3A_1062, %swap3A_1063] {strides = array<i32>} : memref<80x64xf32, #tpu.memory_space<vmem>>, vector<16xf32>,
        tpu.vector_store %arg14[%swap3A_1062, %swap3A_1063], %mul3A_1061 {strides = array<i32>} : memref<80x64xf32, #tpu.memory_space<vmem>>, vector<16xf32>,
        %get3A_1065 = arith.index_cast %add3A_1043 : i32 to index
        %get3A_1066 = arith.constant 16 : index
        %get3A_1067 = tpu.vector_load %arg14[%get3A_1065, %get3A_1066] {strides = array<i32>} : memref<80x64xf32, #tpu.memory_space<vmem>>, vector<16xf32>,
        %get3A_1068 = arith.index_cast %add3A_1043 : i32 to index
        %get3A_1069 = arith.constant 16 : index
        %get3A_1070 = tpu.vector_load %arg12[%get3A_1068, %get3A_1069] {strides = array<i32>} : memref<80x64xf32, #tpu.memory_space<vmem>>, vector<16xf32>,
        %sub3A_1071 = arith.subf %get3A_1067, %get3A_1070 : vector<16xf32>
        %mul3A_1072 = arith.mulf %broadcast_in_dim3A_1046, %sub3A_1071 : vector<16xf32>
        %swap3A_1073 = arith.index_cast %add3A_1043 : i32 to index
        %swap3A_1074 = arith.constant 16 : index
        %swap3A_1075 = tpu.vector_load %arg12[%swap3A_1073, %swap3A_1074] {strides = array<i32>} : memref<80x64xf32, #tpu.memory_space<vmem>>, vector<16xf32>,
        tpu.vector_store %arg12[%swap3A_1073, %swap3A_1074], %mul3A_1072 {strides = array<i32>} : memref<80x64xf32, #tpu.memory_space<vmem>>, vector<16xf32>,
        %mul3A_1076 = arith.mulf %broadcast_in_dim3A_1049, %sub3A_1071 : vector<16xf32>
        %swap3A_1077 = arith.index_cast %add3A_1043 : i32 to index
        %swap3A_1078 = arith.constant 16 : index
        %swap3A_1079 = tpu.vector_load %arg14[%swap3A_1077, %swap3A_1078] {strides = array<i32>} : memref<80x64xf32, #tpu.memory_space<vmem>>, vector<16xf32>,
        tpu.vector_store %arg14[%swap3A_1077, %swap3A_1078], %mul3A_1076 {strides = array<i32>} : memref<80x64xf32, #tpu.memory_space<vmem>>, vector<16xf32>,
        %get3A_1080 = arith.index_cast %add3A_1043 : i32 to index
        %get3A_1081 = arith.constant 32 : index
        %get3A_1082 = tpu.vector_load %arg14[%get3A_1080, %get3A_1081] {strides = array<i32>} : memref<80x64xf32, #tpu.memory_space<vmem>>, vector<16xf32>,
        %get3A_1083 = arith.index_cast %add3A_1043 : i32 to index
        %get3A_1084 = arith.constant 32 : index
        %get3A_1085 = tpu.vector_load %arg12[%get3A_1083, %get3A_1084] {strides = array<i32>} : memref<80x64xf32, #tpu.memory_space<vmem>>, vector<16xf32>,
        %sub3A_1086 = arith.subf %get3A_1082, %get3A_1085 : vector<16xf32>
        %mul3A_1087 = arith.mulf %broadcast_in_dim3A_1046, %sub3A_1086 : vector<16xf32>
        %swap3A_1088 = arith.index_cast %add3A_1043 : i32 to index
        %swap3A_1089 = arith.constant 32 : index
        %swap3A_1090 = tpu.vector_load %arg12[%swap3A_1088, %swap3A_1089] {strides = array<i32>} : memref<80x64xf32, #tpu.memory_space<vmem>>, vector<16xf32>,
        tpu.vector_store %arg12[%swap3A_1088, %swap3A_1089], %mul3A_1087 {strides = array<i32>} : memref<80x64xf32, #tpu.memory_space<vmem>>, vector<16xf32>,
        %mul3A_1091 = arith.mulf %broadcast_in_dim3A_1049, %sub3A_1086 : vector<16xf32>
        %swap3A_1092 = arith.index_cast %add3A_1043 : i32 to index
        %swap3A_1093 = arith.constant 32 : index
        %swap3A_1094 = tpu.vector_load %arg14[%swap3A_1092, %swap3A_1093] {strides = array<i32>} : memref<80x64xf32, #tpu.memory_space<vmem>>, vector<16xf32>,
        tpu.vector_store %arg14[%swap3A_1092, %swap3A_1093], %mul3A_1091 {strides = array<i32>} : memref<80x64xf32, #tpu.memory_space<vmem>>, vector<16xf32>,
        %get3A_1095 = arith.index_cast %add3A_1043 : i32 to index
        %get3A_1096 = arith.constant 48 : index
        %get3A_1097 = tpu.vector_load %arg14[%get3A_1095, %get3A_1096] {strides = array<i32>} : memref<80x64xf32, #tpu.memory_space<vmem>>, vector<16xf32>,
        %get3A_1098 = arith.index_cast %add3A_1043 : i32 to index
        %get3A_1099 = arith.constant 48 : index
        %get3A_1100 = tpu.vector_load %arg12[%get3A_1098, %get3A_1099] {strides = array<i32>} : memref<80x64xf32, #tpu.memory_space<vmem>>, vector<16xf32>,
        %sub3A_1101 = arith.subf %get3A_1097, %get3A_1100 : vector<16xf32>
        %mul3A_1102 = arith.mulf %broadcast_in_dim3A_1046, %sub3A_1101 : vector<16xf32>
        %swap3A_1103 = arith.index_cast %add3A_1043 : i32 to index
        %swap3A_1104 = arith.constant 48 : index
        %swap3A_1105 = tpu.vector_load %arg12[%swap3A_1103, %swap3A_1104] {strides = array<i32>} : memref<80x64xf32, #tpu.memory_space<vmem>>, vector<16xf32>,
        tpu.vector_store %arg12[%swap3A_1103, %swap3A_1104], %mul3A_1102 {strides = array<i32>} : memref<80x64xf32, #tpu.memory_space<vmem>>, vector<16xf32>,
        %mul3A_1106 = arith.mulf %broadcast_in_dim3A_1049, %sub3A_1101 : vector<16xf32>
        %swap3A_1107 = arith.index_cast %add3A_1043 : i32 to index
        %swap3A_1108 = arith.constant 48 : index
        %swap3A_1109 = tpu.vector_load %arg14[%swap3A_1107, %swap3A_1108] {strides = array<i32>} : memref<80x64xf32, #tpu.memory_space<vmem>>, vector<16xf32>,
        tpu.vector_store %arg14[%swap3A_1107, %swap3A_1108], %mul3A_1106 {strides = array<i32>} : memref<80x64xf32, #tpu.memory_space<vmem>>, vector<16xf32>,
        %mul3A_1110 = arith.constant 16 : i32
        %mul3A_1111 = arith.muli %scan3A_396, %mul3A_1110 : i32
        %add3A_1112 = arith.constant 10 : i32
        %add3A_1113 = arith.addi %mul3A_1111, %add3A_1112 : i32
        %slice3A_1114 = vector.extract_strided_slice %mul3A_408 {offsets = [10], sizes = [1], strides = [1]} : vector<16xf32> to vector<1xf32>
        %squeeze3A_1115 = vector.extract %slice3A_1114[0] : f32 from vector<1xf32>
        %broadcast_in_dim3A_1116 = vector.broadcast %squeeze3A_1115 : f32 to vector<16xf32>
        %slice3A_1117 = vector.extract_strided_slice %mul3A_412 {offsets = [10], sizes = [1], strides = [1]} : vector<16xf32> to vector<1xf32>
        %squeeze3A_1118 = vector.extract %slice3A_1117[0] : f32 from vector<1xf32>
        %broadcast_in_dim3A_1119 = vector.broadcast %squeeze3A_1118 : f32 to vector<16xf32>
        %get3A_1120 = arith.index_cast %add3A_1113 : i32 to index
        %get3A_1121 = arith.constant 0 : index
        %get3A_1122 = tpu.vector_load %arg14[%get3A_1120, %get3A_1121] {strides = array<i32>} : memref<80x64xf32, #tpu.memory_space<vmem>>, vector<16xf32>,
        %get3A_1123 = arith.index_cast %add3A_1113 : i32 to index
        %get3A_1124 = arith.constant 0 : index
        %get3A_1125 = tpu.vector_load %arg12[%get3A_1123, %get3A_1124] {strides = array<i32>} : memref<80x64xf32, #tpu.memory_space<vmem>>, vector<16xf32>,
        %sub3A_1126 = arith.subf %get3A_1122, %get3A_1125 : vector<16xf32>
        %mul3A_1127 = arith.mulf %broadcast_in_dim3A_1116, %sub3A_1126 : vector<16xf32>
        %swap3A_1128 = arith.index_cast %add3A_1113 : i32 to index
        %swap3A_1129 = arith.constant 0 : index
        %swap3A_1130 = tpu.vector_load %arg12[%swap3A_1128, %swap3A_1129] {strides = array<i32>} : memref<80x64xf32, #tpu.memory_space<vmem>>, vector<16xf32>,
        tpu.vector_store %arg12[%swap3A_1128, %swap3A_1129], %mul3A_1127 {strides = array<i32>} : memref<80x64xf32, #tpu.memory_space<vmem>>, vector<16xf32>,
        %mul3A_1131 = arith.mulf %broadcast_in_dim3A_1119, %sub3A_1126 : vector<16xf32>
        %swap3A_1132 = arith.index_cast %add3A_1113 : i32 to index
        %swap3A_1133 = arith.constant 0 : index
        %swap3A_1134 = tpu.vector_load %arg14[%swap3A_1132, %swap3A_1133] {strides = array<i32>} : memref<80x64xf32, #tpu.memory_space<vmem>>, vector<16xf32>,
        tpu.vector_store %arg14[%swap3A_1132, %swap3A_1133], %mul3A_1131 {strides = array<i32>} : memref<80x64xf32, #tpu.memory_space<vmem>>, vector<16xf32>,
        %get3A_1135 = arith.index_cast %add3A_1113 : i32 to index
        %get3A_1136 = arith.constant 16 : index
        %get3A_1137 = tpu.vector_load %arg14[%get3A_1135, %get3A_1136] {strides = array<i32>} : memref<80x64xf32, #tpu.memory_space<vmem>>, vector<16xf32>,
        %get3A_1138 = arith.index_cast %add3A_1113 : i32 to index
        %get3A_1139 = arith.constant 16 : index
        %get3A_1140 = tpu.vector_load %arg12[%get3A_1138, %get3A_1139] {strides = array<i32>} : memref<80x64xf32, #tpu.memory_space<vmem>>, vector<16xf32>,
        %sub3A_1141 = arith.subf %get3A_1137, %get3A_1140 : vector<16xf32>
        %mul3A_1142 = arith.mulf %broadcast_in_dim3A_1116, %sub3A_1141 : vector<16xf32>
        %swap3A_1143 = arith.index_cast %add3A_1113 : i32 to index
        %swap3A_1144 = arith.constant 16 : index
        %swap3A_1145 = tpu.vector_load %arg12[%swap3A_1143, %swap3A_1144] {strides = array<i32>} : memref<80x64xf32, #tpu.memory_space<vmem>>, vector<16xf32>,
        tpu.vector_store %arg12[%swap3A_1143, %swap3A_1144], %mul3A_1142 {strides = array<i32>} : memref<80x64xf32, #tpu.memory_space<vmem>>, vector<16xf32>,
        %mul3A_1146 = arith.mulf %broadcast_in_dim3A_1119, %sub3A_1141 : vector<16xf32>
        %swap3A_1147 = arith.index_cast %add3A_1113 : i32 to index
        %swap3A_1148 = arith.constant 16 : index
        %swap3A_1149 = tpu.vector_load %arg14[%swap3A_1147, %swap3A_1148] {strides = array<i32>} : memref<80x64xf32, #tpu.memory_space<vmem>>, vector<16xf32>,
        tpu.vector_store %arg14[%swap3A_1147, %swap3A_1148], %mul3A_1146 {strides = array<i32>} : memref<80x64xf32, #tpu.memory_space<vmem>>, vector<16xf32>,
        %get3A_1150 = arith.index_cast %add3A_1113 : i32 to index
        %get3A_1151 = arith.constant 32 : index
        %get3A_1152 = tpu.vector_load %arg14[%get3A_1150, %get3A_1151] {strides = array<i32>} : memref<80x64xf32, #tpu.memory_space<vmem>>, vector<16xf32>,
        %get3A_1153 = arith.index_cast %add3A_1113 : i32 to index
        %get3A_1154 = arith.constant 32 : index
        %get3A_1155 = tpu.vector_load %arg12[%get3A_1153, %get3A_1154] {strides = array<i32>} : memref<80x64xf32, #tpu.memory_space<vmem>>, vector<16xf32>,
        %sub3A_1156 = arith.subf %get3A_1152, %get3A_1155 : vector<16xf32>
        %mul3A_1157 = arith.mulf %broadcast_in_dim3A_1116, %sub3A_1156 : vector<16xf32>
        %swap3A_1158 = arith.index_cast %add3A_1113 : i32 to index
        %swap3A_1159 = arith.constant 32 : index
        %swap3A_1160 = tpu.vector_load %arg12[%swap3A_1158, %swap3A_1159] {strides = array<i32>} : memref<80x64xf32, #tpu.memory_space<vmem>>, vector<16xf32>,
        tpu.vector_store %arg12[%swap3A_1158, %swap3A_1159], %mul3A_1157 {strides = array<i32>} : memref<80x64xf32, #tpu.memory_space<vmem>>, vector<16xf32>,
        %mul3A_1161 = arith.mulf %broadcast_in_dim3A_1119, %sub3A_1156 : vector<16xf32>
        %swap3A_1162 = arith.index_cast %add3A_1113 : i32 to index
        %swap3A_1163 = arith.constant 32 : index
        %swap3A_1164 = tpu.vector_load %arg14[%swap3A_1162, %swap3A_1163] {strides = array<i32>} : memref<80x64xf32, #tpu.memory_space<vmem>>, vector<16xf32>,
        tpu.vector_store %arg14[%swap3A_1162, %swap3A_1163], %mul3A_1161 {strides = array<i32>} : memref<80x64xf32, #tpu.memory_space<vmem>>, vector<16xf32>,
        %get3A_1165 = arith.index_cast %add3A_1113 : i32 to index
        %get3A_1166 = arith.constant 48 : index
        %get3A_1167 = tpu.vector_load %arg14[%get3A_1165, %get3A_1166] {strides = array<i32>} : memref<80x64xf32, #tpu.memory_space<vmem>>, vector<16xf32>,
        %get3A_1168 = arith.index_cast %add3A_1113 : i32 to index
        %get3A_1169 = arith.constant 48 : index
        %get3A_1170 = tpu.vector_load %arg12[%get3A_1168, %get3A_1169] {strides = array<i32>} : memref<80x64xf32, #tpu.memory_space<vmem>>, vector<16xf32>,
        %sub3A_1171 = arith.subf %get3A_1167, %get3A_1170 : vector<16xf32>
        %mul3A_1172 = arith.mulf %broadcast_in_dim3A_1116, %sub3A_1171 : vector<16xf32>
        %swap3A_1173 = arith.index_cast %add3A_1113 : i32 to index
        %swap3A_1174 = arith.constant 48 : index
        %swap3A_1175 = tpu.vector_load %arg12[%swap3A_1173, %swap3A_1174] {strides = array<i32>} : memref<80x64xf32, #tpu.memory_space<vmem>>, vector<16xf32>,
        tpu.vector_store %arg12[%swap3A_1173, %swap3A_1174], %mul3A_1172 {strides = array<i32>} : memref<80x64xf32, #tpu.memory_space<vmem>>, vector<16xf32>,
        %mul3A_1176 = arith.mulf %broadcast_in_dim3A_1119, %sub3A_1171 : vector<16xf32>
        %swap3A_1177 = arith.index_cast %add3A_1113 : i32 to index
        %swap3A_1178 = arith.constant 48 : index
        %swap3A_1179 = tpu.vector_load %arg14[%swap3A_1177, %swap3A_1178] {strides = array<i32>} : memref<80x64xf32, #tpu.memory_space<vmem>>, vector<16xf32>,
        tpu.vector_store %arg14[%swap3A_1177, %swap3A_1178], %mul3A_1176 {strides = array<i32>} : memref<80x64xf32, #tpu.memory_space<vmem>>, vector<16xf32>,
        %mul3A_1180 = arith.constant 16 : i32
        %mul3A_1181 = arith.muli %scan3A_396, %mul3A_1180 : i32
        %add3A_1182 = arith.constant 11 : i32
        %add3A_1183 = arith.addi %mul3A_1181, %add3A_1182 : i32
        %slice3A_1184 = vector.extract_strided_slice %mul3A_408 {offsets = [11], sizes = [1], strides = [1]} : vector<16xf32> to vector<1xf32>
        %squeeze3A_1185 = vector.extract %slice3A_1184[0] : f32 from vector<1xf32>
        %broadcast_in_dim3A_1186 = vector.broadcast %squeeze3A_1185 : f32 to vector<16xf32>
        %slice3A_1187 = vector.extract_strided_slice %mul3A_412 {offsets = [11], sizes = [1], strides = [1]} : vector<16xf32> to vector<1xf32>
        %squeeze3A_1188 = vector.extract %slice3A_1187[0] : f32 from vector<1xf32>
        %broadcast_in_dim3A_1189 = vector.broadcast %squeeze3A_1188 : f32 to vector<16xf32>
        %get3A_1190 = arith.index_cast %add3A_1183 : i32 to index
        %get3A_1191 = arith.constant 0 : index
        %get3A_1192 = tpu.vector_load %arg14[%get3A_1190, %get3A_1191] {strides = array<i32>} : memref<80x64xf32, #tpu.memory_space<vmem>>, vector<16xf32>,
        %get3A_1193 = arith.index_cast %add3A_1183 : i32 to index
        %get3A_1194 = arith.constant 0 : index
        %get3A_1195 = tpu.vector_load %arg12[%get3A_1193, %get3A_1194] {strides = array<i32>} : memref<80x64xf32, #tpu.memory_space<vmem>>, vector<16xf32>,
        %sub3A_1196 = arith.subf %get3A_1192, %get3A_1195 : vector<16xf32>
        %mul3A_1197 = arith.mulf %broadcast_in_dim3A_1186, %sub3A_1196 : vector<16xf32>
        %swap3A_1198 = arith.index_cast %add3A_1183 : i32 to index
        %swap3A_1199 = arith.constant 0 : index
        %swap3A_1200 = tpu.vector_load %arg12[%swap3A_1198, %swap3A_1199] {strides = array<i32>} : memref<80x64xf32, #tpu.memory_space<vmem>>, vector<16xf32>,
        tpu.vector_store %arg12[%swap3A_1198, %swap3A_1199], %mul3A_1197 {strides = array<i32>} : memref<80x64xf32, #tpu.memory_space<vmem>>, vector<16xf32>,
        %mul3A_1201 = arith.mulf %broadcast_in_dim3A_1189, %sub3A_1196 : vector<16xf32>
        %swap3A_1202 = arith.index_cast %add3A_1183 : i32 to index
        %swap3A_1203 = arith.constant 0 : index
        %swap3A_1204 = tpu.vector_load %arg14[%swap3A_1202, %swap3A_1203] {strides = array<i32>} : memref<80x64xf32, #tpu.memory_space<vmem>>, vector<16xf32>,
        tpu.vector_store %arg14[%swap3A_1202, %swap3A_1203], %mul3A_1201 {strides = array<i32>} : memref<80x64xf32, #tpu.memory_space<vmem>>, vector<16xf32>,
        %get3A_1205 = arith.index_cast %add3A_1183 : i32 to index
        %get3A_1206 = arith.constant 16 : index
        %get3A_1207 = tpu.vector_load %arg14[%get3A_1205, %get3A_1206] {strides = array<i32>} : memref<80x64xf32, #tpu.memory_space<vmem>>, vector<16xf32>,
        %get3A_1208 = arith.index_cast %add3A_1183 : i32 to index
        %get3A_1209 = arith.constant 16 : index
        %get3A_1210 = tpu.vector_load %arg12[%get3A_1208, %get3A_1209] {strides = array<i32>} : memref<80x64xf32, #tpu.memory_space<vmem>>, vector<16xf32>,
        %sub3A_1211 = arith.subf %get3A_1207, %get3A_1210 : vector<16xf32>
        %mul3A_1212 = arith.mulf %broadcast_in_dim3A_1186, %sub3A_1211 : vector<16xf32>
        %swap3A_1213 = arith.index_cast %add3A_1183 : i32 to index
        %swap3A_1214 = arith.constant 16 : index
        %swap3A_1215 = tpu.vector_load %arg12[%swap3A_1213, %swap3A_1214] {strides = array<i32>} : memref<80x64xf32, #tpu.memory_space<vmem>>, vector<16xf32>,
        tpu.vector_store %arg12[%swap3A_1213, %swap3A_1214], %mul3A_1212 {strides = array<i32>} : memref<80x64xf32, #tpu.memory_space<vmem>>, vector<16xf32>,
        %mul3A_1216 = arith.mulf %broadcast_in_dim3A_1189, %sub3A_1211 : vector<16xf32>
        %swap3A_1217 = arith.index_cast %add3A_1183 : i32 to index
        %swap3A_1218 = arith.constant 16 : index
        %swap3A_1219 = tpu.vector_load %arg14[%swap3A_1217, %swap3A_1218] {strides = array<i32>} : memref<80x64xf32, #tpu.memory_space<vmem>>, vector<16xf32>,
        tpu.vector_store %arg14[%swap3A_1217, %swap3A_1218], %mul3A_1216 {strides = array<i32>} : memref<80x64xf32, #tpu.memory_space<vmem>>, vector<16xf32>,
        %get3A_1220 = arith.index_cast %add3A_1183 : i32 to index
        %get3A_1221 = arith.constant 32 : index
        %get3A_1222 = tpu.vector_load %arg14[%get3A_1220, %get3A_1221] {strides = array<i32>} : memref<80x64xf32, #tpu.memory_space<vmem>>, vector<16xf32>,
        %get3A_1223 = arith.index_cast %add3A_1183 : i32 to index
        %get3A_1224 = arith.constant 32 : index
        %get3A_1225 = tpu.vector_load %arg12[%get3A_1223, %get3A_1224] {strides = array<i32>} : memref<80x64xf32, #tpu.memory_space<vmem>>, vector<16xf32>,
        %sub3A_1226 = arith.subf %get3A_1222, %get3A_1225 : vector<16xf32>
        %mul3A_1227 = arith.mulf %broadcast_in_dim3A_1186, %sub3A_1226 : vector<16xf32>
        %swap3A_1228 = arith.index_cast %add3A_1183 : i32 to index
        %swap3A_1229 = arith.constant 32 : index
        %swap3A_1230 = tpu.vector_load %arg12[%swap3A_1228, %swap3A_1229] {strides = array<i32>} : memref<80x64xf32, #tpu.memory_space<vmem>>, vector<16xf32>,
        tpu.vector_store %arg12[%swap3A_1228, %swap3A_1229], %mul3A_1227 {strides = array<i32>} : memref<80x64xf32, #tpu.memory_space<vmem>>, vector<16xf32>,
        %mul3A_1231 = arith.mulf %broadcast_in_dim3A_1189, %sub3A_1226 : vector<16xf32>
        %swap3A_1232 = arith.index_cast %add3A_1183 : i32 to index
        %swap3A_1233 = arith.constant 32 : index
        %swap3A_1234 = tpu.vector_load %arg14[%swap3A_1232, %swap3A_1233] {strides = array<i32>} : memref<80x64xf32, #tpu.memory_space<vmem>>, vector<16xf32>,
        tpu.vector_store %arg14[%swap3A_1232, %swap3A_1233], %mul3A_1231 {strides = array<i32>} : memref<80x64xf32, #tpu.memory_space<vmem>>, vector<16xf32>,
        %get3A_1235 = arith.index_cast %add3A_1183 : i32 to index
        %get3A_1236 = arith.constant 48 : index
        %get3A_1237 = tpu.vector_load %arg14[%get3A_1235, %get3A_1236] {strides = array<i32>} : memref<80x64xf32, #tpu.memory_space<vmem>>, vector<16xf32>,
        %get3A_1238 = arith.index_cast %add3A_1183 : i32 to index
        %get3A_1239 = arith.constant 48 : index
        %get3A_1240 = tpu.vector_load %arg12[%get3A_1238, %get3A_1239] {strides = array<i32>} : memref<80x64xf32, #tpu.memory_space<vmem>>, vector<16xf32>,
        %sub3A_1241 = arith.subf %get3A_1237, %get3A_1240 : vector<16xf32>
        %mul3A_1242 = arith.mulf %broadcast_in_dim3A_1186, %sub3A_1241 : vector<16xf32>
        %swap3A_1243 = arith.index_cast %add3A_1183 : i32 to index
        %swap3A_1244 = arith.constant 48 : index
        %swap3A_1245 = tpu.vector_load %arg12[%swap3A_1243, %swap3A_1244] {strides = array<i32>} : memref<80x64xf32, #tpu.memory_space<vmem>>, vector<16xf32>,
        tpu.vector_store %arg12[%swap3A_1243, %swap3A_1244], %mul3A_1242 {strides = array<i32>} : memref<80x64xf32, #tpu.memory_space<vmem>>, vector<16xf32>,
        %mul3A_1246 = arith.mulf %broadcast_in_dim3A_1189, %sub3A_1241 : vector<16xf32>
        %swap3A_1247 = arith.index_cast %add3A_1183 : i32 to index
        %swap3A_1248 = arith.constant 48 : index
        %swap3A_1249 = tpu.vector_load %arg14[%swap3A_1247, %swap3A_1248] {strides = array<i32>} : memref<80x64xf32, #tpu.memory_space<vmem>>, vector<16xf32>,
        tpu.vector_store %arg14[%swap3A_1247, %swap3A_1248], %mul3A_1246 {strides = array<i32>} : memref<80x64xf32, #tpu.memory_space<vmem>>, vector<16xf32>,
        %mul3A_1250 = arith.constant 16 : i32
        %mul3A_1251 = arith.muli %scan3A_396, %mul3A_1250 : i32
        %add3A_1252 = arith.constant 12 : i32
        %add3A_1253 = arith.addi %mul3A_1251, %add3A_1252 : i32
        %slice3A_1254 = vector.extract_strided_slice %mul3A_408 {offsets = [12], sizes = [1], strides = [1]} : vector<16xf32> to vector<1xf32>
        %squeeze3A_1255 = vector.extract %slice3A_1254[0] : f32 from vector<1xf32>
        %broadcast_in_dim3A_1256 = vector.broadcast %squeeze3A_1255 : f32 to vector<16xf32>
        %slice3A_1257 = vector.extract_strided_slice %mul3A_412 {offsets = [12], sizes = [1], strides = [1]} : vector<16xf32> to vector<1xf32>
        %squeeze3A_1258 = vector.extract %slice3A_1257[0] : f32 from vector<1xf32>
        %broadcast_in_dim3A_1259 = vector.broadcast %squeeze3A_1258 : f32 to vector<16xf32>
        %get3A_1260 = arith.index_cast %add3A_1253 : i32 to index
        %get3A_1261 = arith.constant 0 : index
        %get3A_1262 = tpu.vector_load %arg14[%get3A_1260, %get3A_1261] {strides = array<i32>} : memref<80x64xf32, #tpu.memory_space<vmem>>, vector<16xf32>,
        %get3A_1263 = arith.index_cast %add3A_1253 : i32 to index
        %get3A_1264 = arith.constant 0 : index
        %get3A_1265 = tpu.vector_load %arg12[%get3A_1263, %get3A_1264] {strides = array<i32>} : memref<80x64xf32, #tpu.memory_space<vmem>>, vector<16xf32>,
        %sub3A_1266 = arith.subf %get3A_1262, %get3A_1265 : vector<16xf32>
        %mul3A_1267 = arith.mulf %broadcast_in_dim3A_1256, %sub3A_1266 : vector<16xf32>
        %swap3A_1268 = arith.index_cast %add3A_1253 : i32 to index
        %swap3A_1269 = arith.constant 0 : index
        %swap3A_1270 = tpu.vector_load %arg12[%swap3A_1268, %swap3A_1269] {strides = array<i32>} : memref<80x64xf32, #tpu.memory_space<vmem>>, vector<16xf32>,
        tpu.vector_store %arg12[%swap3A_1268, %swap3A_1269], %mul3A_1267 {strides = array<i32>} : memref<80x64xf32, #tpu.memory_space<vmem>>, vector<16xf32>,
        %mul3A_1271 = arith.mulf %broadcast_in_dim3A_1259, %sub3A_1266 : vector<16xf32>
        %swap3A_1272 = arith.index_cast %add3A_1253 : i32 to index
        %swap3A_1273 = arith.constant 0 : index
        %swap3A_1274 = tpu.vector_load %arg14[%swap3A_1272, %swap3A_1273] {strides = array<i32>} : memref<80x64xf32, #tpu.memory_space<vmem>>, vector<16xf32>,
        tpu.vector_store %arg14[%swap3A_1272, %swap3A_1273], %mul3A_1271 {strides = array<i32>} : memref<80x64xf32, #tpu.memory_space<vmem>>, vector<16xf32>,
        %get3A_1275 = arith.index_cast %add3A_1253 : i32 to index
        %get3A_1276 = arith.constant 16 : index
        %get3A_1277 = tpu.vector_load %arg14[%get3A_1275, %get3A_1276] {strides = array<i32>} : memref<80x64xf32, #tpu.memory_space<vmem>>, vector<16xf32>,
        %get3A_1278 = arith.index_cast %add3A_1253 : i32 to index
        %get3A_1279 = arith.constant 16 : index
        %get3A_1280 = tpu.vector_load %arg12[%get3A_1278, %get3A_1279] {strides = array<i32>} : memref<80x64xf32, #tpu.memory_space<vmem>>, vector<16xf32>,
        %sub3A_1281 = arith.subf %get3A_1277, %get3A_1280 : vector<16xf32>
        %mul3A_1282 = arith.mulf %broadcast_in_dim3A_1256, %sub3A_1281 : vector<16xf32>
        %swap3A_1283 = arith.index_cast %add3A_1253 : i32 to index
        %swap3A_1284 = arith.constant 16 : index
        %swap3A_1285 = tpu.vector_load %arg12[%swap3A_1283, %swap3A_1284] {strides = array<i32>} : memref<80x64xf32, #tpu.memory_space<vmem>>, vector<16xf32>,
        tpu.vector_store %arg12[%swap3A_1283, %swap3A_1284], %mul3A_1282 {strides = array<i32>} : memref<80x64xf32, #tpu.memory_space<vmem>>, vector<16xf32>,
        %mul3A_1286 = arith.mulf %broadcast_in_dim3A_1259, %sub3A_1281 : vector<16xf32>
        %swap3A_1287 = arith.index_cast %add3A_1253 : i32 to index
        %swap3A_1288 = arith.constant 16 : index
        %swap3A_1289 = tpu.vector_load %arg14[%swap3A_1287, %swap3A_1288] {strides = array<i32>} : memref<80x64xf32, #tpu.memory_space<vmem>>, vector<16xf32>,
        tpu.vector_store %arg14[%swap3A_1287, %swap3A_1288], %mul3A_1286 {strides = array<i32>} : memref<80x64xf32, #tpu.memory_space<vmem>>, vector<16xf32>,
        %get3A_1290 = arith.index_cast %add3A_1253 : i32 to index
        %get3A_1291 = arith.constant 32 : index
        %get3A_1292 = tpu.vector_load %arg14[%get3A_1290, %get3A_1291] {strides = array<i32>} : memref<80x64xf32, #tpu.memory_space<vmem>>, vector<16xf32>,
        %get3A_1293 = arith.index_cast %add3A_1253 : i32 to index
        %get3A_1294 = arith.constant 32 : index
        %get3A_1295 = tpu.vector_load %arg12[%get3A_1293, %get3A_1294] {strides = array<i32>} : memref<80x64xf32, #tpu.memory_space<vmem>>, vector<16xf32>,
        %sub3A_1296 = arith.subf %get3A_1292, %get3A_1295 : vector<16xf32>
        %mul3A_1297 = arith.mulf %broadcast_in_dim3A_1256, %sub3A_1296 : vector<16xf32>
        %swap3A_1298 = arith.index_cast %add3A_1253 : i32 to index
        %swap3A_1299 = arith.constant 32 : index
        %swap3A_1300 = tpu.vector_load %arg12[%swap3A_1298, %swap3A_1299] {strides = array<i32>} : memref<80x64xf32, #tpu.memory_space<vmem>>, vector<16xf32>,
        tpu.vector_store %arg12[%swap3A_1298, %swap3A_1299], %mul3A_1297 {strides = array<i32>} : memref<80x64xf32, #tpu.memory_space<vmem>>, vector<16xf32>,
        %mul3A_1301 = arith.mulf %broadcast_in_dim3A_1259, %sub3A_1296 : vector<16xf32>
        %swap3A_1302 = arith.index_cast %add3A_1253 : i32 to index
        %swap3A_1303 = arith.constant 32 : index
        %swap3A_1304 = tpu.vector_load %arg14[%swap3A_1302, %swap3A_1303] {strides = array<i32>} : memref<80x64xf32, #tpu.memory_space<vmem>>, vector<16xf32>,
        tpu.vector_store %arg14[%swap3A_1302, %swap3A_1303], %mul3A_1301 {strides = array<i32>} : memref<80x64xf32, #tpu.memory_space<vmem>>, vector<16xf32>,
        %get3A_1305 = arith.index_cast %add3A_1253 : i32 to index
        %get3A_1306 = arith.constant 48 : index
        %get3A_1307 = tpu.vector_load %arg14[%get3A_1305, %get3A_1306] {strides = array<i32>} : memref<80x64xf32, #tpu.memory_space<vmem>>, vector<16xf32>,
        %get3A_1308 = arith.index_cast %add3A_1253 : i32 to index
        %get3A_1309 = arith.constant 48 : index
        %get3A_1310 = tpu.vector_load %arg12[%get3A_1308, %get3A_1309] {strides = array<i32>} : memref<80x64xf32, #tpu.memory_space<vmem>>, vector<16xf32>,
        %sub3A_1311 = arith.subf %get3A_1307, %get3A_1310 : vector<16xf32>
        %mul3A_1312 = arith.mulf %broadcast_in_dim3A_1256, %sub3A_1311 : vector<16xf32>
        %swap3A_1313 = arith.index_cast %add3A_1253 : i32 to index
        %swap3A_1314 = arith.constant 48 : index
        %swap3A_1315 = tpu.vector_load %arg12[%swap3A_1313, %swap3A_1314] {strides = array<i32>} : memref<80x64xf32, #tpu.memory_space<vmem>>, vector<16xf32>,
        tpu.vector_store %arg12[%swap3A_1313, %swap3A_1314], %mul3A_1312 {strides = array<i32>} : memref<80x64xf32, #tpu.memory_space<vmem>>, vector<16xf32>,
        %mul3A_1316 = arith.mulf %broadcast_in_dim3A_1259, %sub3A_1311 : vector<16xf32>
        %swap3A_1317 = arith.index_cast %add3A_1253 : i32 to index
        %swap3A_1318 = arith.constant 48 : index
        %swap3A_1319 = tpu.vector_load %arg14[%swap3A_1317, %swap3A_1318] {strides = array<i32>} : memref<80x64xf32, #tpu.memory_space<vmem>>, vector<16xf32>,
        tpu.vector_store %arg14[%swap3A_1317, %swap3A_1318], %mul3A_1316 {strides = array<i32>} : memref<80x64xf32, #tpu.memory_space<vmem>>, vector<16xf32>,
        %mul3A_1320 = arith.constant 16 : i32
        %mul3A_1321 = arith.muli %scan3A_396, %mul3A_1320 : i32
        %add3A_1322 = arith.constant 13 : i32
        %add3A_1323 = arith.addi %mul3A_1321, %add3A_1322 : i32
        %slice3A_1324 = vector.extract_strided_slice %mul3A_408 {offsets = [13], sizes = [1], strides = [1]} : vector<16xf32> to vector<1xf32>
        %squeeze3A_1325 = vector.extract %slice3A_1324[0] : f32 from vector<1xf32>
        %broadcast_in_dim3A_1326 = vector.broadcast %squeeze3A_1325 : f32 to vector<16xf32>
        %slice3A_1327 = vector.extract_strided_slice %mul3A_412 {offsets = [13], sizes = [1], strides = [1]} : vector<16xf32> to vector<1xf32>
        %squeeze3A_1328 = vector.extract %slice3A_1327[0] : f32 from vector<1xf32>
        %broadcast_in_dim3A_1329 = vector.broadcast %squeeze3A_1328 : f32 to vector<16xf32>
        %get3A_1330 = arith.index_cast %add3A_1323 : i32 to index
        %get3A_1331 = arith.constant 0 : index
        %get3A_1332 = tpu.vector_load %arg14[%get3A_1330, %get3A_1331] {strides = array<i32>} : memref<80x64xf32, #tpu.memory_space<vmem>>, vector<16xf32>,
        %get3A_1333 = arith.index_cast %add3A_1323 : i32 to index
        %get3A_1334 = arith.constant 0 : index
        %get3A_1335 = tpu.vector_load %arg12[%get3A_1333, %get3A_1334] {strides = array<i32>} : memref<80x64xf32, #tpu.memory_space<vmem>>, vector<16xf32>,
        %sub3A_1336 = arith.subf %get3A_1332, %get3A_1335 : vector<16xf32>
        %mul3A_1337 = arith.mulf %broadcast_in_dim3A_1326, %sub3A_1336 : vector<16xf32>
        %swap3A_1338 = arith.index_cast %add3A_1323 : i32 to index
        %swap3A_1339 = arith.constant 0 : index
        %swap3A_1340 = tpu.vector_load %arg12[%swap3A_1338, %swap3A_1339] {strides = array<i32>} : memref<80x64xf32, #tpu.memory_space<vmem>>, vector<16xf32>,
        tpu.vector_store %arg12[%swap3A_1338, %swap3A_1339], %mul3A_1337 {strides = array<i32>} : memref<80x64xf32, #tpu.memory_space<vmem>>, vector<16xf32>,
        %mul3A_1341 = arith.mulf %broadcast_in_dim3A_1329, %sub3A_1336 : vector<16xf32>
        %swap3A_1342 = arith.index_cast %add3A_1323 : i32 to index
        %swap3A_1343 = arith.constant 0 : index
        %swap3A_1344 = tpu.vector_load %arg14[%swap3A_1342, %swap3A_1343] {strides = array<i32>} : memref<80x64xf32, #tpu.memory_space<vmem>>, vector<16xf32>,
        tpu.vector_store %arg14[%swap3A_1342, %swap3A_1343], %mul3A_1341 {strides = array<i32>} : memref<80x64xf32, #tpu.memory_space<vmem>>, vector<16xf32>,
        %get3A_1345 = arith.index_cast %add3A_1323 : i32 to index
        %get3A_1346 = arith.constant 16 : index
        %get3A_1347 = tpu.vector_load %arg14[%get3A_1345, %get3A_1346] {strides = array<i32>} : memref<80x64xf32, #tpu.memory_space<vmem>>, vector<16xf32>,
        %get3A_1348 = arith.index_cast %add3A_1323 : i32 to index
        %get3A_1349 = arith.constant 16 : index
        %get3A_1350 = tpu.vector_load %arg12[%get3A_1348, %get3A_1349] {strides = array<i32>} : memref<80x64xf32, #tpu.memory_space<vmem>>, vector<16xf32>,
        %sub3A_1351 = arith.subf %get3A_1347, %get3A_1350 : vector<16xf32>
        %mul3A_1352 = arith.mulf %broadcast_in_dim3A_1326, %sub3A_1351 : vector<16xf32>
        %swap3A_1353 = arith.index_cast %add3A_1323 : i32 to index
        %swap3A_1354 = arith.constant 16 : index
        %swap3A_1355 = tpu.vector_load %arg12[%swap3A_1353, %swap3A_1354] {strides = array<i32>} : memref<80x64xf32, #tpu.memory_space<vmem>>, vector<16xf32>,
        tpu.vector_store %arg12[%swap3A_1353, %swap3A_1354], %mul3A_1352 {strides = array<i32>} : memref<80x64xf32, #tpu.memory_space<vmem>>, vector<16xf32>,
        %mul3A_1356 = arith.mulf %broadcast_in_dim3A_1329, %sub3A_1351 : vector<16xf32>
        %swap3A_1357 = arith.index_cast %add3A_1323 : i32 to index
        %swap3A_1358 = arith.constant 16 : index
        %swap3A_1359 = tpu.vector_load %arg14[%swap3A_1357, %swap3A_1358] {strides = array<i32>} : memref<80x64xf32, #tpu.memory_space<vmem>>, vector<16xf32>,
        tpu.vector_store %arg14[%swap3A_1357, %swap3A_1358], %mul3A_1356 {strides = array<i32>} : memref<80x64xf32, #tpu.memory_space<vmem>>, vector<16xf32>,
        %get3A_1360 = arith.index_cast %add3A_1323 : i32 to index
        %get3A_1361 = arith.constant 32 : index
        %get3A_1362 = tpu.vector_load %arg14[%get3A_1360, %get3A_1361] {strides = array<i32>} : memref<80x64xf32, #tpu.memory_space<vmem>>, vector<16xf32>,
        %get3A_1363 = arith.index_cast %add3A_1323 : i32 to index
        %get3A_1364 = arith.constant 32 : index
        %get3A_1365 = tpu.vector_load %arg12[%get3A_1363, %get3A_1364] {strides = array<i32>} : memref<80x64xf32, #tpu.memory_space<vmem>>, vector<16xf32>,
        %sub3A_1366 = arith.subf %get3A_1362, %get3A_1365 : vector<16xf32>
        %mul3A_1367 = arith.mulf %broadcast_in_dim3A_1326, %sub3A_1366 : vector<16xf32>
        %swap3A_1368 = arith.index_cast %add3A_1323 : i32 to index
        %swap3A_1369 = arith.constant 32 : index
        %swap3A_1370 = tpu.vector_load %arg12[%swap3A_1368, %swap3A_1369] {strides = array<i32>} : memref<80x64xf32, #tpu.memory_space<vmem>>, vector<16xf32>,
        tpu.vector_store %arg12[%swap3A_1368, %swap3A_1369], %mul3A_1367 {strides = array<i32>} : memref<80x64xf32, #tpu.memory_space<vmem>>, vector<16xf32>,
        %mul3A_1371 = arith.mulf %broadcast_in_dim3A_1329, %sub3A_1366 : vector<16xf32>
        %swap3A_1372 = arith.index_cast %add3A_1323 : i32 to index
        %swap3A_1373 = arith.constant 32 : index
        %swap3A_1374 = tpu.vector_load %arg14[%swap3A_1372, %swap3A_1373] {strides = array<i32>} : memref<80x64xf32, #tpu.memory_space<vmem>>, vector<16xf32>,
        tpu.vector_store %arg14[%swap3A_1372, %swap3A_1373], %mul3A_1371 {strides = array<i32>} : memref<80x64xf32, #tpu.memory_space<vmem>>, vector<16xf32>,
        %get3A_1375 = arith.index_cast %add3A_1323 : i32 to index
        %get3A_1376 = arith.constant 48 : index
        %get3A_1377 = tpu.vector_load %arg14[%get3A_1375, %get3A_1376] {strides = array<i32>} : memref<80x64xf32, #tpu.memory_space<vmem>>, vector<16xf32>,
        %get3A_1378 = arith.index_cast %add3A_1323 : i32 to index
        %get3A_1379 = arith.constant 48 : index
        %get3A_1380 = tpu.vector_load %arg12[%get3A_1378, %get3A_1379] {strides = array<i32>} : memref<80x64xf32, #tpu.memory_space<vmem>>, vector<16xf32>,
        %sub3A_1381 = arith.subf %get3A_1377, %get3A_1380 : vector<16xf32>
        %mul3A_1382 = arith.mulf %broadcast_in_dim3A_1326, %sub3A_1381 : vector<16xf32>
        %swap3A_1383 = arith.index_cast %add3A_1323 : i32 to index
        %swap3A_1384 = arith.constant 48 : index
        %swap3A_1385 = tpu.vector_load %arg12[%swap3A_1383, %swap3A_1384] {strides = array<i32>} : memref<80x64xf32, #tpu.memory_space<vmem>>, vector<16xf32>,
        tpu.vector_store %arg12[%swap3A_1383, %swap3A_1384], %mul3A_1382 {strides = array<i32>} : memref<80x64xf32, #tpu.memory_space<vmem>>, vector<16xf32>,
        %mul3A_1386 = arith.mulf %broadcast_in_dim3A_1329, %sub3A_1381 : vector<16xf32>
        %swap3A_1387 = arith.index_cast %add3A_1323 : i32 to index
        %swap3A_1388 = arith.constant 48 : index
        %swap3A_1389 = tpu.vector_load %arg14[%swap3A_1387, %swap3A_1388] {strides = array<i32>} : memref<80x64xf32, #tpu.memory_space<vmem>>, vector<16xf32>,
        tpu.vector_store %arg14[%swap3A_1387, %swap3A_1388], %mul3A_1386 {strides = array<i32>} : memref<80x64xf32, #tpu.memory_space<vmem>>, vector<16xf32>,
        %mul3A_1390 = arith.constant 16 : i32
        %mul3A_1391 = arith.muli %scan3A_396, %mul3A_1390 : i32
        %add3A_1392 = arith.constant 14 : i32
        %add3A_1393 = arith.addi %mul3A_1391, %add3A_1392 : i32
        %slice3A_1394 = vector.extract_strided_slice %mul3A_408 {offsets = [14], sizes = [1], strides = [1]} : vector<16xf32> to vector<1xf32>
        %squeeze3A_1395 = vector.extract %slice3A_1394[0] : f32 from vector<1xf32>
        %broadcast_in_dim3A_1396 = vector.broadcast %squeeze3A_1395 : f32 to vector<16xf32>
        %slice3A_1397 = vector.extract_strided_slice %mul3A_412 {offsets = [14], sizes = [1], strides = [1]} : vector<16xf32> to vector<1xf32>
        %squeeze3A_1398 = vector.extract %slice3A_1397[0] : f32 from vector<1xf32>
        %broadcast_in_dim3A_1399 = vector.broadcast %squeeze3A_1398 : f32 to vector<16xf32>
        %get3A_1400 = arith.index_cast %add3A_1393 : i32 to index
        %get3A_1401 = arith.constant 0 : index
        %get3A_1402 = tpu.vector_load %arg14[%get3A_1400, %get3A_1401] {strides = array<i32>} : memref<80x64xf32, #tpu.memory_space<vmem>>, vector<16xf32>,
        %get3A_1403 = arith.index_cast %add3A_1393 : i32 to index
        %get3A_1404 = arith.constant 0 : index
        %get3A_1405 = tpu.vector_load %arg12[%get3A_1403, %get3A_1404] {strides = array<i32>} : memref<80x64xf32, #tpu.memory_space<vmem>>, vector<16xf32>,
        %sub3A_1406 = arith.subf %get3A_1402, %get3A_1405 : vector<16xf32>
        %mul3A_1407 = arith.mulf %broadcast_in_dim3A_1396, %sub3A_1406 : vector<16xf32>
        %swap3A_1408 = arith.index_cast %add3A_1393 : i32 to index
        %swap3A_1409 = arith.constant 0 : index
        %swap3A_1410 = tpu.vector_load %arg12[%swap3A_1408, %swap3A_1409] {strides = array<i32>} : memref<80x64xf32, #tpu.memory_space<vmem>>, vector<16xf32>,
        tpu.vector_store %arg12[%swap3A_1408, %swap3A_1409], %mul3A_1407 {strides = array<i32>} : memref<80x64xf32, #tpu.memory_space<vmem>>, vector<16xf32>,
        %mul3A_1411 = arith.mulf %broadcast_in_dim3A_1399, %sub3A_1406 : vector<16xf32>
        %swap3A_1412 = arith.index_cast %add3A_1393 : i32 to index
        %swap3A_1413 = arith.constant 0 : index
        %swap3A_1414 = tpu.vector_load %arg14[%swap3A_1412, %swap3A_1413] {strides = array<i32>} : memref<80x64xf32, #tpu.memory_space<vmem>>, vector<16xf32>,
        tpu.vector_store %arg14[%swap3A_1412, %swap3A_1413], %mul3A_1411 {strides = array<i32>} : memref<80x64xf32, #tpu.memory_space<vmem>>, vector<16xf32>,
        %get3A_1415 = arith.index_cast %add3A_1393 : i32 to index
        %get3A_1416 = arith.constant 16 : index
        %get3A_1417 = tpu.vector_load %arg14[%get3A_1415, %get3A_1416] {strides = array<i32>} : memref<80x64xf32, #tpu.memory_space<vmem>>, vector<16xf32>,
        %get3A_1418 = arith.index_cast %add3A_1393 : i32 to index
        %get3A_1419 = arith.constant 16 : index
        %get3A_1420 = tpu.vector_load %arg12[%get3A_1418, %get3A_1419] {strides = array<i32>} : memref<80x64xf32, #tpu.memory_space<vmem>>, vector<16xf32>,
        %sub3A_1421 = arith.subf %get3A_1417, %get3A_1420 : vector<16xf32>
        %mul3A_1422 = arith.mulf %broadcast_in_dim3A_1396, %sub3A_1421 : vector<16xf32>
        %swap3A_1423 = arith.index_cast %add3A_1393 : i32 to index
        %swap3A_1424 = arith.constant 16 : index
        %swap3A_1425 = tpu.vector_load %arg12[%swap3A_1423, %swap3A_1424] {strides = array<i32>} : memref<80x64xf32, #tpu.memory_space<vmem>>, vector<16xf32>,
        tpu.vector_store %arg12[%swap3A_1423, %swap3A_1424], %mul3A_1422 {strides = array<i32>} : memref<80x64xf32, #tpu.memory_space<vmem>>, vector<16xf32>,
        %mul3A_1426 = arith.mulf %broadcast_in_dim3A_1399, %sub3A_1421 : vector<16xf32>
        %swap3A_1427 = arith.index_cast %add3A_1393 : i32 to index
        %swap3A_1428 = arith.constant 16 : index
        %swap3A_1429 = tpu.vector_load %arg14[%swap3A_1427, %swap3A_1428] {strides = array<i32>} : memref<80x64xf32, #tpu.memory_space<vmem>>, vector<16xf32>,
        tpu.vector_store %arg14[%swap3A_1427, %swap3A_1428], %mul3A_1426 {strides = array<i32>} : memref<80x64xf32, #tpu.memory_space<vmem>>, vector<16xf32>,
        %get3A_1430 = arith.index_cast %add3A_1393 : i32 to index
        %get3A_1431 = arith.constant 32 : index
        %get3A_1432 = tpu.vector_load %arg14[%get3A_1430, %get3A_1431] {strides = array<i32>} : memref<80x64xf32, #tpu.memory_space<vmem>>, vector<16xf32>,
        %get3A_1433 = arith.index_cast %add3A_1393 : i32 to index
        %get3A_1434 = arith.constant 32 : index
        %get3A_1435 = tpu.vector_load %arg12[%get3A_1433, %get3A_1434] {strides = array<i32>} : memref<80x64xf32, #tpu.memory_space<vmem>>, vector<16xf32>,
        %sub3A_1436 = arith.subf %get3A_1432, %get3A_1435 : vector<16xf32>
        %mul3A_1437 = arith.mulf %broadcast_in_dim3A_1396, %sub3A_1436 : vector<16xf32>
        %swap3A_1438 = arith.index_cast %add3A_1393 : i32 to index
        %swap3A_1439 = arith.constant 32 : index
        %swap3A_1440 = tpu.vector_load %arg12[%swap3A_1438, %swap3A_1439] {strides = array<i32>} : memref<80x64xf32, #tpu.memory_space<vmem>>, vector<16xf32>,
        tpu.vector_store %arg12[%swap3A_1438, %swap3A_1439], %mul3A_1437 {strides = array<i32>} : memref<80x64xf32, #tpu.memory_space<vmem>>, vector<16xf32>,
        %mul3A_1441 = arith.mulf %broadcast_in_dim3A_1399, %sub3A_1436 : vector<16xf32>
        %swap3A_1442 = arith.index_cast %add3A_1393 : i32 to index
        %swap3A_1443 = arith.constant 32 : index
        %swap3A_1444 = tpu.vector_load %arg14[%swap3A_1442, %swap3A_1443] {strides = array<i32>} : memref<80x64xf32, #tpu.memory_space<vmem>>, vector<16xf32>,
        tpu.vector_store %arg14[%swap3A_1442, %swap3A_1443], %mul3A_1441 {strides = array<i32>} : memref<80x64xf32, #tpu.memory_space<vmem>>, vector<16xf32>,
        %get3A_1445 = arith.index_cast %add3A_1393 : i32 to index
        %get3A_1446 = arith.constant 48 : index
        %get3A_1447 = tpu.vector_load %arg14[%get3A_1445, %get3A_1446] {strides = array<i32>} : memref<80x64xf32, #tpu.memory_space<vmem>>, vector<16xf32>,
        %get3A_1448 = arith.index_cast %add3A_1393 : i32 to index
        %get3A_1449 = arith.constant 48 : index
        %get3A_1450 = tpu.vector_load %arg12[%get3A_1448, %get3A_1449] {strides = array<i32>} : memref<80x64xf32, #tpu.memory_space<vmem>>, vector<16xf32>,
        %sub3A_1451 = arith.subf %get3A_1447, %get3A_1450 : vector<16xf32>
        %mul3A_1452 = arith.mulf %broadcast_in_dim3A_1396, %sub3A_1451 : vector<16xf32>
        %swap3A_1453 = arith.index_cast %add3A_1393 : i32 to index
        %swap3A_1454 = arith.constant 48 : index
        %swap3A_1455 = tpu.vector_load %arg12[%swap3A_1453, %swap3A_1454] {strides = array<i32>} : memref<80x64xf32, #tpu.memory_space<vmem>>, vector<16xf32>,
        tpu.vector_store %arg12[%swap3A_1453, %swap3A_1454], %mul3A_1452 {strides = array<i32>} : memref<80x64xf32, #tpu.memory_space<vmem>>, vector<16xf32>,
        %mul3A_1456 = arith.mulf %broadcast_in_dim3A_1399, %sub3A_1451 : vector<16xf32>
        %swap3A_1457 = arith.index_cast %add3A_1393 : i32 to index
        %swap3A_1458 = arith.constant 48 : index
        %swap3A_1459 = tpu.vector_load %arg14[%swap3A_1457, %swap3A_1458] {strides = array<i32>} : memref<80x64xf32, #tpu.memory_space<vmem>>, vector<16xf32>,
        tpu.vector_store %arg14[%swap3A_1457, %swap3A_1458], %mul3A_1456 {strides = array<i32>} : memref<80x64xf32, #tpu.memory_space<vmem>>, vector<16xf32>,
        %mul3A_1460 = arith.constant 16 : i32
        %mul3A_1461 = arith.muli %scan3A_396, %mul3A_1460 : i32
        %add3A_1462 = arith.constant 15 : i32
        %add3A_1463 = arith.addi %mul3A_1461, %add3A_1462 : i32
        %slice3A_1464 = vector.extract_strided_slice %mul3A_408 {offsets = [15], sizes = [1], strides = [1]} : vector<16xf32> to vector<1xf32>
        %squeeze3A_1465 = vector.extract %slice3A_1464[0] : f32 from vector<1xf32>
        %broadcast_in_dim3A_1466 = vector.broadcast %squeeze3A_1465 : f32 to vector<16xf32>
        %slice3A_1467 = vector.extract_strided_slice %mul3A_412 {offsets = [15], sizes = [1], strides = [1]} : vector<16xf32> to vector<1xf32>
        %squeeze3A_1468 = vector.extract %slice3A_1467[0] : f32 from vector<1xf32>
        %broadcast_in_dim3A_1469 = vector.broadcast %squeeze3A_1468 : f32 to vector<16xf32>
        %get3A_1470 = arith.index_cast %add3A_1463 : i32 to index
        %get3A_1471 = arith.constant 0 : index
        %get3A_1472 = tpu.vector_load %arg14[%get3A_1470, %get3A_1471] {strides = array<i32>} : memref<80x64xf32, #tpu.memory_space<vmem>>, vector<16xf32>,
        %get3A_1473 = arith.index_cast %add3A_1463 : i32 to index
        %get3A_1474 = arith.constant 0 : index
        %get3A_1475 = tpu.vector_load %arg12[%get3A_1473, %get3A_1474] {strides = array<i32>} : memref<80x64xf32, #tpu.memory_space<vmem>>, vector<16xf32>,
        %sub3A_1476 = arith.subf %get3A_1472, %get3A_1475 : vector<16xf32>
        %mul3A_1477 = arith.mulf %broadcast_in_dim3A_1466, %sub3A_1476 : vector<16xf32>
        %swap3A_1478 = arith.index_cast %add3A_1463 : i32 to index
        %swap3A_1479 = arith.constant 0 : index
        %swap3A_1480 = tpu.vector_load %arg12[%swap3A_1478, %swap3A_1479] {strides = array<i32>} : memref<80x64xf32, #tpu.memory_space<vmem>>, vector<16xf32>,
        tpu.vector_store %arg12[%swap3A_1478, %swap3A_1479], %mul3A_1477 {strides = array<i32>} : memref<80x64xf32, #tpu.memory_space<vmem>>, vector<16xf32>,
        %mul3A_1481 = arith.mulf %broadcast_in_dim3A_1469, %sub3A_1476 : vector<16xf32>
        %swap3A_1482 = arith.index_cast %add3A_1463 : i32 to index
        %swap3A_1483 = arith.constant 0 : index
        %swap3A_1484 = tpu.vector_load %arg14[%swap3A_1482, %swap3A_1483] {strides = array<i32>} : memref<80x64xf32, #tpu.memory_space<vmem>>, vector<16xf32>,
        tpu.vector_store %arg14[%swap3A_1482, %swap3A_1483], %mul3A_1481 {strides = array<i32>} : memref<80x64xf32, #tpu.memory_space<vmem>>, vector<16xf32>,
        %get3A_1485 = arith.index_cast %add3A_1463 : i32 to index
        %get3A_1486 = arith.constant 16 : index
        %get3A_1487 = tpu.vector_load %arg14[%get3A_1485, %get3A_1486] {strides = array<i32>} : memref<80x64xf32, #tpu.memory_space<vmem>>, vector<16xf32>,
        %get3A_1488 = arith.index_cast %add3A_1463 : i32 to index
        %get3A_1489 = arith.constant 16 : index
        %get3A_1490 = tpu.vector_load %arg12[%get3A_1488, %get3A_1489] {strides = array<i32>} : memref<80x64xf32, #tpu.memory_space<vmem>>, vector<16xf32>,
        %sub3A_1491 = arith.subf %get3A_1487, %get3A_1490 : vector<16xf32>
        %mul3A_1492 = arith.mulf %broadcast_in_dim3A_1466, %sub3A_1491 : vector<16xf32>
        %swap3A_1493 = arith.index_cast %add3A_1463 : i32 to index
        %swap3A_1494 = arith.constant 16 : index
        %swap3A_1495 = tpu.vector_load %arg12[%swap3A_1493, %swap3A_1494] {strides = array<i32>} : memref<80x64xf32, #tpu.memory_space<vmem>>, vector<16xf32>,
        tpu.vector_store %arg12[%swap3A_1493, %swap3A_1494], %mul3A_1492 {strides = array<i32>} : memref<80x64xf32, #tpu.memory_space<vmem>>, vector<16xf32>,
        %mul3A_1496 = arith.mulf %broadcast_in_dim3A_1469, %sub3A_1491 : vector<16xf32>
        %swap3A_1497 = arith.index_cast %add3A_1463 : i32 to index
        %swap3A_1498 = arith.constant 16 : index
        %swap3A_1499 = tpu.vector_load %arg14[%swap3A_1497, %swap3A_1498] {strides = array<i32>} : memref<80x64xf32, #tpu.memory_space<vmem>>, vector<16xf32>,
        tpu.vector_store %arg14[%swap3A_1497, %swap3A_1498], %mul3A_1496 {strides = array<i32>} : memref<80x64xf32, #tpu.memory_space<vmem>>, vector<16xf32>,
        %get3A_1500 = arith.index_cast %add3A_1463 : i32 to index
        %get3A_1501 = arith.constant 32 : index
        %get3A_1502 = tpu.vector_load %arg14[%get3A_1500, %get3A_1501] {strides = array<i32>} : memref<80x64xf32, #tpu.memory_space<vmem>>, vector<16xf32>,
        %get3A_1503 = arith.index_cast %add3A_1463 : i32 to index
        %get3A_1504 = arith.constant 32 : index
        %get3A_1505 = tpu.vector_load %arg12[%get3A_1503, %get3A_1504] {strides = array<i32>} : memref<80x64xf32, #tpu.memory_space<vmem>>, vector<16xf32>,
        %sub3A_1506 = arith.subf %get3A_1502, %get3A_1505 : vector<16xf32>
        %mul3A_1507 = arith.mulf %broadcast_in_dim3A_1466, %sub3A_1506 : vector<16xf32>
        %swap3A_1508 = arith.index_cast %add3A_1463 : i32 to index
        %swap3A_1509 = arith.constant 32 : index
        %swap3A_1510 = tpu.vector_load %arg12[%swap3A_1508, %swap3A_1509] {strides = array<i32>} : memref<80x64xf32, #tpu.memory_space<vmem>>, vector<16xf32>,
        tpu.vector_store %arg12[%swap3A_1508, %swap3A_1509], %mul3A_1507 {strides = array<i32>} : memref<80x64xf32, #tpu.memory_space<vmem>>, vector<16xf32>,
        %mul3A_1511 = arith.mulf %broadcast_in_dim3A_1469, %sub3A_1506 : vector<16xf32>
        %swap3A_1512 = arith.index_cast %add3A_1463 : i32 to index
        %swap3A_1513 = arith.constant 32 : index
        %swap3A_1514 = tpu.vector_load %arg14[%swap3A_1512, %swap3A_1513] {strides = array<i32>} : memref<80x64xf32, #tpu.memory_space<vmem>>, vector<16xf32>,
        tpu.vector_store %arg14[%swap3A_1512, %swap3A_1513], %mul3A_1511 {strides = array<i32>} : memref<80x64xf32, #tpu.memory_space<vmem>>, vector<16xf32>,
        %get3A_1515 = arith.index_cast %add3A_1463 : i32 to index
        %get3A_1516 = arith.constant 48 : index
        %get3A_1517 = tpu.vector_load %arg14[%get3A_1515, %get3A_1516] {strides = array<i32>} : memref<80x64xf32, #tpu.memory_space<vmem>>, vector<16xf32>,
        %get3A_1518 = arith.index_cast %add3A_1463 : i32 to index
        %get3A_1519 = arith.constant 48 : index
        %get3A_1520 = tpu.vector_load %arg12[%get3A_1518, %get3A_1519] {strides = array<i32>} : memref<80x64xf32, #tpu.memory_space<vmem>>, vector<16xf32>,
        %sub3A_1521 = arith.subf %get3A_1517, %get3A_1520 : vector<16xf32>
        %mul3A_1522 = arith.mulf %broadcast_in_dim3A_1466, %sub3A_1521 : vector<16xf32>
        %swap3A_1523 = arith.index_cast %add3A_1463 : i32 to index
        %swap3A_1524 = arith.constant 48 : index
        %swap3A_1525 = tpu.vector_load %arg12[%swap3A_1523, %swap3A_1524] {strides = array<i32>} : memref<80x64xf32, #tpu.memory_space<vmem>>, vector<16xf32>,
        tpu.vector_store %arg12[%swap3A_1523, %swap3A_1524], %mul3A_1522 {strides = array<i32>} : memref<80x64xf32, #tpu.memory_space<vmem>>, vector<16xf32>,
        %mul3A_1526 = arith.mulf %broadcast_in_dim3A_1469, %sub3A_1521 : vector<16xf32>
        %swap3A_1527 = arith.index_cast %add3A_1463 : i32 to index
        %swap3A_1528 = arith.constant 48 : index
        %swap3A_1529 = tpu.vector_load %arg14[%swap3A_1527, %swap3A_1528] {strides = array<i32>} : memref<80x64xf32, #tpu.memory_space<vmem>>, vector<16xf32>,
        tpu.vector_store %arg14[%swap3A_1527, %swap3A_1528], %mul3A_1526 {strides = array<i32>} : memref<80x64xf32, #tpu.memory_space<vmem>>, vector<16xf32>,
        %scan3A_1530 = arith.constant 0 : i32
        scf.yield %scan3A_1530 : i32
      }
      %scan3A_380 = arith.constant 5 : i32
      %dma_start3A_381 = arith.constant 0 : i32
      %dma_start3A_382 = arith.constant 0 : i32
      %dma_start3A_383 = tpu.memref_slice %arg9[%dma_start3A_381, %sub3A_294, %dma_start3A_382] : memref<2x5x80xi32, #tpu.memory_space<vmem>> -> memref<1x1x80xi32, #tpu.memory_space<vmem>>
      %dma_start3A_384 = tpu.memref_squeeze %dma_start3A_383 : memref<1x1x80xi32, #tpu.memory_space<vmem>> -> memref<80xi32, #tpu.memory_space<vmem>>
      %dma_start3A_385 = arith.constant 0 : i32
      %dma_start3A_386 = arith.constant 0 : i32
      %dma_start3A_387 = tpu.memref_slice %arg24[%dma_start3A_385, %dma_start3A_386] : memref<10000x64xf32, #tpu.memory_space<vmem_shared>> -> memref<10000x64xf32, #tpu.memory_space<vmem_shared>>
      tpu.enqueue_indirect_dma source(%arg12 : memref<80x64xf32, #tpu.memory_space<vmem>>) target(%dma_start3A_387 : memref<10000x64xf32, #tpu.memory_space<vmem_shared>>) offsets(%dma_start3A_384 : memref<80xi32, #tpu.memory_space<vmem>>) semaphore(%arg30 : memref<!tpu.dma_semaphore, #tpu.memory_space<semaphore_mem>>) {add = true}
      %dma_start3A_388 = arith.constant 1 : i32
      %dma_start3A_389 = arith.constant 0 : i32
      %dma_start3A_390 = tpu.memref_slice %arg9[%dma_start3A_388, %sub3A_294, %dma_start3A_389] : memref<2x5x80xi32, #tpu.memory_space<vmem>> -> memref<1x1x80xi32, #tpu.memory_space<vmem>>
      %dma_start3A_391 = tpu.memref_squeeze %dma_start3A_390 : memref<1x1x80xi32, #tpu.memory_space<vmem>> -> memref<80xi32, #tpu.memory_space<vmem>>
      %dma_start3A_392 = arith.constant 0 : i32
      %dma_start3A_393 = arith.constant 0 : i32
      %dma_start3A_394 = tpu.memref_slice %arg24[%dma_start3A_392, %dma_start3A_393] : memref<10000x64xf32, #tpu.memory_space<vmem_shared>> -> memref<10000x64xf32, #tpu.memory_space<vmem_shared>>
      tpu.enqueue_indirect_dma source(%arg14 : memref<80x64xf32, #tpu.memory_space<vmem>>) target(%dma_start3A_394 : memref<10000x64xf32, #tpu.memory_space<vmem_shared>>) offsets(%dma_start3A_391 : memref<80xi32, #tpu.memory_space<vmem>>) semaphore(%arg30 : memref<!tpu.dma_semaphore, #tpu.memory_space<semaphore_mem>>) {add = true}
      %scan3A_395 = arith.constant 0 : i32
      scf.yield %scan3A_395 : i32
    }
    %scan3A_132 = arith.constant 125 : i32
    %dma_wait3A_133 = arith.constant 0 : i32
    %dma_wait3A_134 = arith.constant 4 : i32
    %dma_wait3A_135 = arith.constant 0 : i32
    %dma_wait3A_136 = tpu.memref_slice %arg9[%dma_wait3A_133, %dma_wait3A_134, %dma_wait3A_135] : memref<2x5x80xi32, #tpu.memory_space<vmem>> -> memref<1x1x80xi32, #tpu.memory_space<vmem>>
    %dma_wait3A_137 = tpu.memref_squeeze %dma_wait3A_136 : memref<1x1x80xi32, #tpu.memory_space<vmem>> -> memref<80xi32, #tpu.memory_space<vmem>>
    %dma_wait3A_138 = arith.constant 0 : i32
    %dma_wait3A_139 = arith.constant 0 : i32
    %dma_wait3A_140 = tpu.memref_slice %arg24[%dma_wait3A_138, %dma_wait3A_139] : memref<10000x64xf32, #tpu.memory_space<vmem_shared>> -> memref<10000x64xf32, #tpu.memory_space<vmem_shared>>
    tpu.wait_indirect_dma semaphore(%arg30 : memref<!tpu.dma_semaphore, #tpu.memory_space<semaphore_mem>>) src(%arg12 : memref<80x64xf32, #tpu.memory_space<vmem>>) dst(%dma_wait3A_140 : memref<10000x64xf32, #tpu.memory_space<vmem_shared>>)
    %dma_wait3A_141 = arith.constant 1 : i32
    %dma_wait3A_142 = arith.constant 4 : i32
    %dma_wait3A_143 = arith.constant 0 : i32
    %dma_wait3A_144 = tpu.memref_slice %arg9[%dma_wait3A_141, %dma_wait3A_142, %dma_wait3A_143] : memref<2x5x80xi32, #tpu.memory_space<vmem>> -> memref<1x1x80xi32, #tpu.memory_space<vmem>>
    %dma_wait3A_145 = tpu.memref_squeeze %dma_wait3A_144 : memref<1x1x80xi32, #tpu.memory_space<vmem>> -> memref<80xi32, #tpu.memory_space<vmem>>
    %dma_wait3A_146 = arith.constant 0 : i32
    %dma_wait3A_147 = arith.constant 0 : i32
    %dma_wait3A_148 = tpu.memref_slice %arg24[%dma_wait3A_146, %dma_wait3A_147] : memref<10000x64xf32, #tpu.memory_space<vmem_shared>> -> memref<10000x64xf32, #tpu.memory_space<vmem_shared>>
    tpu.wait_indirect_dma semaphore(%arg30 : memref<!tpu.dma_semaphore, #tpu.memory_space<semaphore_mem>>) src(%arg14 : memref<80x64xf32, #tpu.memory_space<vmem>>) dst(%dma_wait3A_148 : memref<10000x64xf32, #tpu.memory_space<vmem_shared>>)
    %barrier3A_149 = arith.constant 0 : index
    tpu.barrier barrier_id(%barrier3A_149)
    %scan3A_150 = arith.constant 0 : i32
    %scan3A_151 = arith.constant 0 : i32
    %scan3A_152 = arith.constant 25 : i32
    %scan3A_153 = arith.addi %scan3A_151, %scan3A_152 : i32
    %scan3A_154 = arith.constant 1 : i32
    %scan3A_155 = scf.for %scan3A_157 = %scan3A_151 to %scan3A_153 step %scan3A_154 iter_args(%scan3A_158 = %scan3A_150) -> (i32)  : i32 {
      %mul3A_159 = arith.constant 625 : i32
      %mul3A_160 = arith.muli %arg1, %mul3A_159 : i32
      %mul3A_161 = arith.constant 25 : i32
      %mul3A_162 = arith.muli %scan3A_157, %mul3A_161 : i32
      %add3A = arith.addi %mul3A_160, %mul3A_162 : i32
      %dma_start3A = arith.constant 0 : i32
      %dma_start3A_163 = tpu.memref_slice %arg24[%add3A, %dma_start3A] : memref<10000x64xf32, #tpu.memory_space<vmem_shared>> -> memref<25x64xf32, #tpu.memory_space<vmem_shared>>
      %dma_start3A_164 = arith.constant 0 : i32
      %dma_start3A_165 = tpu.memref_slice %arg24[%add3A, %dma_start3A_164] : memref<10000x64xf32, #tpu.memory_space<vmem_shared>> -> memref<25x64xf32, #tpu.memory_space<vmem_shared>>
      tpu.enqueue_dma source(%dma_start3A_165 : memref<25x64xf32, #tpu.memory_space<vmem_shared>>) target(%arg20 : memref<25x64xf32, #tpu.memory_space<vmem>>) target_semaphore(%arg27 : memref<!tpu.dma_semaphore, #tpu.memory_space<semaphore_mem>>)
      %dma_start3A_166 = arith.constant 0 : i32
      %dma_start3A_167 = tpu.memref_slice %arg23[%add3A, %dma_start3A_166] : memref<10000x64xf32, #tpu.memory_space<vmem_shared>> -> memref<25x64xf32, #tpu.memory_space<vmem_shared>>
      %dma_start3A_168 = arith.constant 0 : i32
      %dma_start3A_169 = tpu.memref_slice %arg23[%add3A, %dma_start3A_168] : memref<10000x64xf32, #tpu.memory_space<vmem_shared>> -> memref<25x64xf32, #tpu.memory_space<vmem_shared>>
      tpu.enqueue_dma source(%dma_start3A_169 : memref<25x64xf32, #tpu.memory_space<vmem_shared>>) target(%arg19 : memref<25x64xf32, #tpu.memory_space<vmem>>) target_semaphore(%arg28 : memref<!tpu.dma_semaphore, #tpu.memory_space<semaphore_mem>>)
      %mul3A_170 = arith.constant 64 : i32
      %mul3A_171 = arith.muli %arg0, %mul3A_170 : i32
      %dma_start3A_172 = tpu.memref_slice %arg3[%add3A, %mul3A_171] : memref<10000x128xf32, #tpu.memory_space<hbm>> -> memref<25x64xf32, #tpu.memory_space<hbm>>
      %dma_start3A_173 = tpu.memref_slice %arg3[%add3A, %mul3A_171] : memref<10000x128xf32, #tpu.memory_space<hbm>> -> memref<25x64xf32, #tpu.memory_space<hbm>>
      tpu.enqueue_dma source(%dma_start3A_173 : memref<25x64xf32, #tpu.memory_space<hbm>>) target(%arg21 : memref<25x64xf32, #tpu.memory_space<vmem>>) target_semaphore(%arg29 : memref<!tpu.dma_semaphore, #tpu.memory_space<semaphore_mem>>)
      %mul3A_174 = arith.constant 64 : i32
      %mul3A_175 = arith.muli %arg0, %mul3A_174 : i32
      %dma_start3A_176 = arith.constant 0 : i32
      %dma_start3A_177 = arith.constant 0 : i32
      %dma_start3A_178 = tpu.memref_slice %arg11[%dma_start3A_176, %dma_start3A_177] : memref<80x64xf32, #tpu.memory_space<vmem>> -> memref<25x64xf32, #tpu.memory_space<vmem>>
      %dma_start3A_179 = tpu.memref_slice %arg4[%add3A, %mul3A_175] : memref<10000x128xf32, #tpu.memory_space<hbm>> -> memref<25x64xf32, #tpu.memory_space<hbm>>
      %dma_start3A_180 = arith.constant 0 : i32
      %dma_start3A_181 = arith.constant 0 : i32
      %dma_start3A_182 = tpu.memref_slice %arg11[%dma_start3A_180, %dma_start3A_181] : memref<80x64xf32, #tpu.memory_space<vmem>> -> memref<25x64xf32, #tpu.memory_space<vmem>>
      %dma_start3A_183 = tpu.memref_slice %arg4[%add3A, %mul3A_175] : memref<10000x128xf32, #tpu.memory_space<hbm>> -> memref<25x64xf32, #tpu.memory_space<hbm>>
      tpu.enqueue_dma source(%dma_start3A_183 : memref<25x64xf32, #tpu.memory_space<hbm>>) target(%dma_start3A_182 : memref<25x64xf32, #tpu.memory_space<vmem>>) target_semaphore(%arg30 : memref<!tpu.dma_semaphore, #tpu.memory_space<semaphore_mem>>)
      %dma_wait3A_184 = arith.constant 0 : i32
      %dma_wait3A_185 = tpu.memref_slice %arg24[%add3A, %dma_wait3A_184] : memref<10000x64xf32, #tpu.memory_space<vmem_shared>> -> memref<25x64xf32, #tpu.memory_space<vmem_shared>>
      %dma_wait3A_186 = arith.constant 0 : i32
      %dma_wait3A_187 = tpu.memref_slice %arg24[%add3A, %dma_wait3A_186] : memref<10000x64xf32, #tpu.memory_space<vmem_shared>> -> memref<25x64xf32, #tpu.memory_space<vmem_shared>>
      tpu.wait_dma2 semaphore(%arg27 : memref<!tpu.dma_semaphore, #tpu.memory_space<semaphore_mem>>) src(%dma_wait3A_187 : memref<25x64xf32, #tpu.memory_space<vmem_shared>>) dst(%arg20 : memref<25x64xf32, #tpu.memory_space<vmem>>)
      %dma_wait3A_188 = arith.constant 0 : i32
      %dma_wait3A_189 = tpu.memref_slice %arg23[%add3A, %dma_wait3A_188] : memref<10000x64xf32, #tpu.memory_space<vmem_shared>> -> memref<25x64xf32, #tpu.memory_space<vmem_shared>>
      %dma_wait3A_190 = arith.constant 0 : i32
      %dma_wait3A_191 = tpu.memref_slice %arg23[%add3A, %dma_wait3A_190] : memref<10000x64xf32, #tpu.memory_space<vmem_shared>> -> memref<25x64xf32, #tpu.memory_space<vmem_shared>>
      tpu.wait_dma2 semaphore(%arg28 : memref<!tpu.dma_semaphore, #tpu.memory_space<semaphore_mem>>) src(%dma_wait3A_191 : memref<25x64xf32, #tpu.memory_space<vmem_shared>>) dst(%arg19 : memref<25x64xf32, #tpu.memory_space<vmem>>)
      %dma_wait3A_192 = tpu.memref_slice %arg3[%add3A, %mul3A_171] : memref<10000x128xf32, #tpu.memory_space<hbm>> -> memref<25x64xf32, #tpu.memory_space<hbm>>
      %dma_wait3A_193 = tpu.memref_slice %arg3[%add3A, %mul3A_171] : memref<10000x128xf32, #tpu.memory_space<hbm>> -> memref<25x64xf32, #tpu.memory_space<hbm>>
      tpu.wait_dma2 semaphore(%arg29 : memref<!tpu.dma_semaphore, #tpu.memory_space<semaphore_mem>>) src(%dma_wait3A_193 : memref<25x64xf32, #tpu.memory_space<hbm>>) dst(%arg21 : memref<25x64xf32, #tpu.memory_space<vmem>>)
      %dma_wait3A_194 = arith.constant 0 : i32
      %dma_wait3A_195 = arith.constant 0 : i32
      %dma_wait3A_196 = tpu.memref_slice %arg11[%dma_wait3A_194, %dma_wait3A_195] : memref<80x64xf32, #tpu.memory_space<vmem>> -> memref<25x64xf32, #tpu.memory_space<vmem>>
      %dma_wait3A_197 = tpu.memref_slice %arg4[%add3A, %mul3A_175] : memref<10000x128xf32, #tpu.memory_space<hbm>> -> memref<25x64xf32, #tpu.memory_space<hbm>>
      %dma_wait3A_198 = arith.constant 0 : i32
      %dma_wait3A_199 = arith.constant 0 : i32
      %dma_wait3A_200 = tpu.memref_slice %arg11[%dma_wait3A_198, %dma_wait3A_199] : memref<80x64xf32, #tpu.memory_space<vmem>> -> memref<25x64xf32, #tpu.memory_space<vmem>>
      %dma_wait3A_201 = tpu.memref_slice %arg4[%add3A, %mul3A_175] : memref<10000x128xf32, #tpu.memory_space<hbm>> -> memref<25x64xf32, #tpu.memory_space<hbm>>
      tpu.wait_dma2 semaphore(%arg30 : memref<!tpu.dma_semaphore, #tpu.memory_space<semaphore_mem>>) src(%dma_wait3A_201 : memref<25x64xf32, #tpu.memory_space<hbm>>) dst(%dma_wait3A_200 : memref<25x64xf32, #tpu.memory_space<vmem>>)
      %scan3A_202 = arith.constant 0 : i32
      %scan3A_203 = arith.constant 0 : i32
      %scan3A_204 = arith.constant 25 : i32
      %scan3A_205 = arith.addi %scan3A_203, %scan3A_204 : i32
      %scan3A_206 = arith.constant 1 : i32
      %scan3A_207 = scf.for %scan3A_212 = %scan3A_203 to %scan3A_205 step %scan3A_206 iter_args(%scan3A_213 = %scan3A_202) -> (i32)  : i32 {
        %get3A = arith.index_cast %scan3A_212 : i32 to index
        %get3A_214 = arith.constant 0 : index
        %get3A_215 = tpu.vector_load %arg19[%get3A, %get3A_214] {strides = array<i32>} : memref<25x64xf32, #tpu.memory_space<vmem>>, vector<16xf32>,
        %get3A_216 = arith.constant 0 : index
        %get3A_217 = tpu.vector_load %arg22[%get3A_216] {strides = array<i32>} : memref<64xf32, #tpu.memory_space<vmem>>, vector<16xf32>,
        %get3A_218 = arith.index_cast %scan3A_212 : i32 to index
        %get3A_219 = arith.constant 0 : index
        %get3A_220 = tpu.vector_load %arg20[%get3A_218, %get3A_219] {strides = array<i32>} : memref<25x64xf32, #tpu.memory_space<vmem>>, vector<16xf32>,
        %mul3A_221 = arith.mulf %get3A_217, %get3A_220 : vector<16xf32>
        %mul3A_222 = arith.constant 1.000000e-01 : f32
        %mul3A_223 = vector.broadcast %mul3A_222 : f32 to vector<16xf32>
        %mul3A_224 = arith.mulf %mul3A_223, %mul3A_221 : vector<16xf32>
        %sub3A = arith.subf %get3A_215, %mul3A_224 : vector<16xf32>
        %get3A_225 = arith.index_cast %scan3A_212 : i32 to index
        %get3A_226 = arith.constant 0 : index
        %get3A_227 = tpu.vector_load %arg21[%get3A_225, %get3A_226] {strides = array<i32>} : memref<25x64xf32, #tpu.memory_space<vmem>>, vector<16xf32>,
        %mul3A_228 = arith.constant 1.000000e-01 : f32
        %mul3A_229 = vector.broadcast %mul3A_228 : f32 to vector<16xf32>
        %mul3A_230 = arith.mulf %mul3A_229, %get3A_227 : vector<16xf32>
        %add3A_231 = arith.addf %sub3A, %mul3A_230 : vector<16xf32>
        %get3A_232 = arith.constant 0 : i32
        %get3A_233 = arith.constant 0 : i32
        %get3A_234 = tpu.memref_slice %arg11[%get3A_232, %get3A_233] : memref<80x64xf32, #tpu.memory_space<vmem>> -> memref<25x64xf32, #tpu.memory_space<vmem>>
        %get3A_235 = arith.index_cast %scan3A_212 : i32 to index
        %get3A_236 = arith.constant 0 : index
        %get3A_237 = tpu.vector_load %get3A_234[%get3A_235, %get3A_236] {strides = array<i32>} : memref<25x64xf32, #tpu.memory_space<vmem>>, vector<16xf32>,
        %mul3A_238 = arith.constant 1.000000e-01 : f32
        %mul3A_239 = vector.broadcast %mul3A_238 : f32 to vector<16xf32>
        %mul3A_240 = arith.mulf %mul3A_239, %get3A_237 : vector<16xf32>
        %add3A_241 = arith.addf %add3A_231, %mul3A_240 : vector<16xf32>
        %max3A = arith.constant 0.000000e+00 : f32
        %max3A_242 = vector.broadcast %max3A : f32 to vector<16xf32>
        %max3A_243 = arith.maximumf %add3A_241, %max3A_242 : vector<16xf32>
        %swap3A = arith.index_cast %scan3A_212 : i32 to index
        %swap3A_244 = arith.constant 0 : index
        %swap3A_245 = tpu.vector_load %arg20[%swap3A, %swap3A_244] {strides = array<i32>} : memref<25x64xf32, #tpu.memory_space<vmem>>, vector<16xf32>,
        tpu.vector_store %arg20[%swap3A, %swap3A_244], %max3A_243 {strides = array<i32>} : memref<25x64xf32, #tpu.memory_space<vmem>>, vector<16xf32>,
        %get3A_246 = arith.index_cast %scan3A_212 : i32 to index
        %get3A_247 = arith.constant 16 : index
        %get3A_248 = tpu.vector_load %arg19[%get3A_246, %get3A_247] {strides = array<i32>} : memref<25x64xf32, #tpu.memory_space<vmem>>, vector<16xf32>,
        %get3A_249 = arith.constant 16 : index
        %get3A_250 = tpu.vector_load %arg22[%get3A_249] {strides = array<i32>} : memref<64xf32, #tpu.memory_space<vmem>>, vector<16xf32>,
        %get3A_251 = arith.index_cast %scan3A_212 : i32 to index
        %get3A_252 = arith.constant 16 : index
        %get3A_253 = tpu.vector_load %arg20[%get3A_251, %get3A_252] {strides = array<i32>} : memref<25x64xf32, #tpu.memory_space<vmem>>, vector<16xf32>,
        %mul3A_254 = arith.mulf %get3A_250, %get3A_253 : vector<16xf32>
        %mul3A_255 = arith.constant 1.000000e-01 : f32
        %mul3A_256 = vector.broadcast %mul3A_255 : f32 to vector<16xf32>
        %mul3A_257 = arith.mulf %mul3A_256, %mul3A_254 : vector<16xf32>
        %sub3A_258 = arith.subf %get3A_248, %mul3A_257 : vector<16xf32>
        %get3A_259 = arith.index_cast %scan3A_212 : i32 to index
        %get3A_260 = arith.constant 16 : index
        %get3A_261 = tpu.vector_load %arg21[%get3A_259, %get3A_260] {strides = array<i32>} : memref<25x64xf32, #tpu.memory_space<vmem>>, vector<16xf32>,
        %mul3A_262 = arith.constant 1.000000e-01 : f32
        %mul3A_263 = vector.broadcast %mul3A_262 : f32 to vector<16xf32>
        %mul3A_264 = arith.mulf %mul3A_263, %get3A_261 : vector<16xf32>
        %add3A_265 = arith.addf %sub3A_258, %mul3A_264 : vector<16xf32>
        %get3A_266 = arith.constant 0 : i32
        %get3A_267 = arith.constant 0 : i32
        %get3A_268 = tpu.memref_slice %arg11[%get3A_266, %get3A_267] : memref<80x64xf32, #tpu.memory_space<vmem>> -> memref<25x64xf32, #tpu.memory_space<vmem>>
        %get3A_269 = arith.index_cast %scan3A_212 : i32 to index
        %get3A_270 = arith.constant 16 : index
        %get3A_271 = tpu.vector_load %get3A_268[%get3A_269, %get3A_270] {strides = array<i32>} : memref<25x64xf32, #tpu.memory_space<vmem>>, vector<16xf32>,
        %mul3A_272 = arith.constant 1.000000e-01 : f32
        %mul3A_273 = vector.broadcast %mul3A_272 : f32 to vector<16xf32>
        %mul3A_274 = arith.mulf %mul3A_273, %get3A_271 : vector<16xf32>
        %add3A_275 = arith.addf %add3A_265, %mul3A_274 : vector<16xf32>
        %max3A_276 = arith.constant 0.000000e+00 : f32
        %max3A_277 = vector.broadcast %max3A_276 : f32 to vector<16xf32>
        %max3A_278 = arith.maximumf %add3A_275, %max3A_277 : vector<16xf32>
        %swap3A_279 = arith.index_cast %scan3A_212 : i32 to index
        %swap3A_280 = arith.constant 16 : index
        %swap3A_281 = tpu.vector_load %arg20[%swap3A_279, %swap3A_280] {strides = array<i32>} : memref<25x64xf32, #tpu.memory_space<vmem>>, vector<16xf32>,
        tpu.vector_store %arg20[%swap3A_279, %swap3A_280], %max3A_278 {strides = array<i32>} : memref<25x64xf32, #tpu.memory_space<vmem>>, vector<16xf32>,
        %get3A_282 = arith.index_cast %scan3A_212 : i32 to index
        %get3A_283 = arith.constant 32 : index
        %get3A_284 = tpu.vector_load %arg19[%get3A_282, %get3A_283] {strides = array<i32>} : memref<25x64xf32, #tpu.memory_space<vmem>>, vector<16xf32>,
        %get3A_285 = arith.constant 32 : index
        %get3A_286 = tpu.vector_load %arg22[%get3A_285] {strides = array<i32>} : memref<64xf32, #tpu.memory_space<vmem>>, vector<16xf32>,
        %get3A_287 = arith.index_cast %scan3A_212 : i32 to index
        %get3A_288 = arith.constant 32 : index
        %get3A_289 = tpu.vector_load %arg20[%get3A_287, %get3A_288] {strides = array<i32>} : memref<25x64xf32, #tpu.memory_space<vmem>>, vector<16xf32>,
        %mul3A_290 = arith.mulf %get3A_286, %get3A_289 : vector<16xf32>
        %mul3A_291 = arith.constant 1.000000e-01 : f32
        %mul3A_292 = vector.broadcast %mul3A_291 : f32 to vector<16xf32>
        %mul3A_293 = arith.mulf %mul3A_292, %mul3A_290 : vector<16xf32>
        %sub3A_294 = arith.subf %get3A_284, %mul3A_293 : vector<16xf32>
        %get3A_295 = arith.index_cast %scan3A_212 : i32 to index
        %get3A_296 = arith.constant 32 : index
        %get3A_297 = tpu.vector_load %arg21[%get3A_295, %get3A_296] {strides = array<i32>} : memref<25x64xf32, #tpu.memory_space<vmem>>, vector<16xf32>,
        %mul3A_298 = arith.constant 1.000000e-01 : f32
        %mul3A_299 = vector.broadcast %mul3A_298 : f32 to vector<16xf32>
        %mul3A_300 = arith.mulf %mul3A_299, %get3A_297 : vector<16xf32>
        %add3A_301 = arith.addf %sub3A_294, %mul3A_300 : vector<16xf32>
        %get3A_302 = arith.constant 0 : i32
        %get3A_303 = arith.constant 0 : i32
        %get3A_304 = tpu.memref_slice %arg11[%get3A_302, %get3A_303] : memref<80x64xf32, #tpu.memory_space<vmem>> -> memref<25x64xf32, #tpu.memory_space<vmem>>
        %get3A_305 = arith.index_cast %scan3A_212 : i32 to index
        %get3A_306 = arith.constant 32 : index
        %get3A_307 = tpu.vector_load %get3A_304[%get3A_305, %get3A_306] {strides = array<i32>} : memref<25x64xf32, #tpu.memory_space<vmem>>, vector<16xf32>,
        %mul3A_308 = arith.constant 1.000000e-01 : f32
        %mul3A_309 = vector.broadcast %mul3A_308 : f32 to vector<16xf32>
        %mul3A_310 = arith.mulf %mul3A_309, %get3A_307 : vector<16xf32>
        %add3A_311 = arith.addf %add3A_301, %mul3A_310 : vector<16xf32>
        %max3A_312 = arith.constant 0.000000e+00 : f32
        %max3A_313 = vector.broadcast %max3A_312 : f32 to vector<16xf32>
        %max3A_314 = arith.maximumf %add3A_311, %max3A_313 : vector<16xf32>
        %swap3A_315 = arith.index_cast %scan3A_212 : i32 to index
        %swap3A_316 = arith.constant 32 : index
        %swap3A_317 = tpu.vector_load %arg20[%swap3A_315, %swap3A_316] {strides = array<i32>} : memref<25x64xf32, #tpu.memory_space<vmem>>, vector<16xf32>,
        tpu.vector_store %arg20[%swap3A_315, %swap3A_316], %max3A_314 {strides = array<i32>} : memref<25x64xf32, #tpu.memory_space<vmem>>, vector<16xf32>,
        %get3A_318 = arith.index_cast %scan3A_212 : i32 to index
        %get3A_319 = arith.constant 48 : index
        %get3A_320 = tpu.vector_load %arg19[%get3A_318, %get3A_319] {strides = array<i32>} : memref<25x64xf32, #tpu.memory_space<vmem>>, vector<16xf32>,
        %get3A_321 = arith.constant 48 : index
        %get3A_322 = tpu.vector_load %arg22[%get3A_321] {strides = array<i32>} : memref<64xf32, #tpu.memory_space<vmem>>, vector<16xf32>,
        %get3A_323 = arith.index_cast %scan3A_212 : i32 to index
        %get3A_324 = arith.constant 48 : index
        %get3A_325 = tpu.vector_load %arg20[%get3A_323, %get3A_324] {strides = array<i32>} : memref<25x64xf32, #tpu.memory_space<vmem>>, vector<16xf32>,
        %mul3A_326 = arith.mulf %get3A_322, %get3A_325 : vector<16xf32>
        %mul3A_327 = arith.constant 1.000000e-01 : f32
        %mul3A_328 = vector.broadcast %mul3A_327 : f32 to vector<16xf32>
        %mul3A_329 = arith.mulf %mul3A_328, %mul3A_326 : vector<16xf32>
        %sub3A_330 = arith.subf %get3A_320, %mul3A_329 : vector<16xf32>
        %get3A_331 = arith.index_cast %scan3A_212 : i32 to index
        %get3A_332 = arith.constant 48 : index
        %get3A_333 = tpu.vector_load %arg21[%get3A_331, %get3A_332] {strides = array<i32>} : memref<25x64xf32, #tpu.memory_space<vmem>>, vector<16xf32>,
        %mul3A_334 = arith.constant 1.000000e-01 : f32
        %mul3A_335 = vector.broadcast %mul3A_334 : f32 to vector<16xf32>
        %mul3A_336 = arith.mulf %mul3A_335, %get3A_333 : vector<16xf32>
        %add3A_337 = arith.addf %sub3A_330, %mul3A_336 : vector<16xf32>
        %get3A_338 = arith.constant 0 : i32
        %get3A_339 = arith.constant 0 : i32
        %get3A_340 = tpu.memref_slice %arg11[%get3A_338, %get3A_339] : memref<80x64xf32, #tpu.memory_space<vmem>> -> memref<25x64xf32, #tpu.memory_space<vmem>>
        %get3A_341 = arith.index_cast %scan3A_212 : i32 to index
        %get3A_342 = arith.constant 48 : index
        %get3A_343 = tpu.vector_load %get3A_340[%get3A_341, %get3A_342] {strides = array<i32>} : memref<25x64xf32, #tpu.memory_space<vmem>>, vector<16xf32>,
        %mul3A_344 = arith.constant 1.000000e-01 : f32
        %mul3A_345 = vector.broadcast %mul3A_344 : f32 to vector<16xf32>
        %mul3A_346 = arith.mulf %mul3A_345, %get3A_343 : vector<16xf32>
        %add3A_347 = arith.addf %add3A_337, %mul3A_346 : vector<16xf32>
        %max3A_348 = arith.constant 0.000000e+00 : f32
        %max3A_349 = vector.broadcast %max3A_348 : f32 to vector<16xf32>
        %max3A_350 = arith.maximumf %add3A_347, %max3A_349 : vector<16xf32>
        %swap3A_351 = arith.index_cast %scan3A_212 : i32 to index
        %swap3A_352 = arith.constant 48 : index
        %swap3A_353 = tpu.vector_load %arg20[%swap3A_351, %swap3A_352] {strides = array<i32>} : memref<25x64xf32, #tpu.memory_space<vmem>>, vector<16xf32>,
        tpu.vector_store %arg20[%swap3A_351, %swap3A_352], %max3A_350 {strides = array<i32>} : memref<25x64xf32, #tpu.memory_space<vmem>>, vector<16xf32>,
        %scan3A_354 = arith.constant 0 : i32
        scf.yield %scan3A_354 : i32
      }
      %scan3A_208 = arith.constant 25 : i32
      %mul3A_209 = arith.constant 64 : i32
      %mul3A_210 = arith.muli %arg0, %mul3A_209 : i32
      "tpu.region"() ({
        %run_scoped3A = tpu.sem_alloc : memref<!tpu.dma_semaphore, #tpu.memory_space<semaphore_mem>>
        %dma_start3A_212 = tpu.memref_slice %arg8[%add3A, %mul3A_210] : memref<10000x128xf32, #tpu.memory_space<hbm>> -> memref<25x64xf32, #tpu.memory_space<hbm>>
        %dma_start3A_213 = tpu.memref_slice %arg8[%add3A, %mul3A_210] : memref<10000x128xf32, #tpu.memory_space<hbm>> -> memref<25x64xf32, #tpu.memory_space<hbm>>
        tpu.enqueue_dma source(%arg20 : memref<25x64xf32, #tpu.memory_space<vmem>>) target(%dma_start3A_213 : memref<25x64xf32, #tpu.memory_space<hbm>>) target_semaphore(%run_scoped3A : memref<!tpu.dma_semaphore, #tpu.memory_space<semaphore_mem>>)
        %dma_wait3A_214 = tpu.memref_slice %arg8[%add3A, %mul3A_210] : memref<10000x128xf32, #tpu.memory_space<hbm>> -> memref<25x64xf32, #tpu.memory_space<hbm>>
        %dma_wait3A_215 = tpu.memref_slice %arg8[%add3A, %mul3A_210] : memref<10000x128xf32, #tpu.memory_space<hbm>> -> memref<25x64xf32, #tpu.memory_space<hbm>>
        tpu.wait_dma2 semaphore(%run_scoped3A : memref<!tpu.dma_semaphore, #tpu.memory_space<semaphore_mem>>) src(%arg20 : memref<25x64xf32, #tpu.memory_space<vmem>>) dst(%dma_wait3A_215 : memref<25x64xf32, #tpu.memory_space<hbm>>)
        tpu.yield
      }) : () -> ()
      %scan3A_211 = arith.constant 0 : i32
      scf.yield %scan3A_211 : i32
    }
    %scan3A_156 = arith.constant 25 : i32
    return
  }
}

</mosaic_0001>

<sc_bundles>
// kernel: kernel.3.cloned.1.call-start
scs
__scs_entry_jumppad:
0x0: {  	(pc) =	sbr.rel $0x88, $3  }
0x1: {  	(tag) =	ssettag $0x0;
	lr =	simm.s32 $0x1  }
0x2: {  	[smem:$0x3F9B] =	sst lr;
	_ =	strace $0xD0000000  }
0x3: {  	_ = 	snop  }
0x4: {  	_ = 	snop  }
0x5: {  	_ = 	snop  }
0x6: {  	_ = 	snop  }
0x7: {  	_ = 	snop  }
__scs_overlays_trampoline_lowered:
0x8: {  	[smem:$0x3FAA] =	sst s0  }
0x9: {  	[smem:$0x3FAB] =	sst s1  }
0xa: {  	[smem:$0x3FAC] =	sst s2  }
0xb: {  	[smem:$0x3FAD] =	sst s3  }
0xc: {  	[smem:$0x3FAE] =	sst s4  }
0xd: {  	[smem:$0x3FAF] =	sst s5  }
0xe: {  	[smem:$0x3FB0] =	sst s6  }
0xf: {  	[smem:$0x3FB1] =	sst s7  }
0x10: {  	[smem:$0x3FB2] =	sst s8  }
0x11: {  	[smem:$0x3FB3] =	sst s9;
	s0 =	simm.s32 @!p0 $0x0  }
0x12: {  	s1 =	sld [smem:$0x3F99];
	s0 =	simm.s32 @p0 $0x1  }
0x13: {  	[smem:$0x3FB4] =	sst s0;
	s0 =	simm.s32 @!p1 $0x0  }
0x14: {  	s2 =	sld [smem:$0x3F98];
	s0 =	simm.s32 @p1 $0x1  }
0x15: {  	[smem:$0x3FB5] =	sst s0;
	s0 =	simm.s32 @!p2 $0x0  }
0x16: {  	s3 =	sld [smem:$0x3FDB];
	s0 =	simm.s32 @p2 $0x1  }
0x17: {  	s4 =	simm.s32 $0x1BF5;
	[smem:$0x3FB7] =	sst s0  }
0x18: {  	s0 =	sld [smem:$0x3F9A];
	_ =	swait.ge [sflag:s4], $0x0  }
0x19: {  	s7 =	sld [smem:$0x3F9B]  }
0x1a: {  	s8 =	sadd.s32 $0xFFFFE003, lr  }
0x1b: {  	s9 =	sadd.s32 $0xFFFFFEF7, lr;
	s5 =	simm.s32 $0xFFFFFFFF;
	p2 =	slt.u32 s8, $0xFFFFF086  }
0x1c: {  	p1 =	slt.u32 s9, $0xF7A;
	s5 =	simm.s32 @!p2 $0x0  }
0x1d: {  	s5 =	simm.s32 @p1 $0x1;
	p0 =	seq.s32 s7, s2  }
0x1e: {  	s7 =	smul.u32 @!p0 $0xF7A, s2;
	p2 =	seq.s32 @!p0 s5, $0x0  }
0x1f: {  	s9 =	smul.u32 $0xF7A, s1;
	s8 =	simm.s32 @!p0 $0x1BF5;
	p2 =	por !p2, p0  }
0x20: {  	[sflag:s8] =	ssyncset.s32 @!p0 $0xFFFFF086;
	s6 =	sadd.s32 @!p0 s3, s7;
	s7 =	simm.s32 @!p0 $0x108  }
0x21: {  	s3 =	sadd.s32 s3, s9;
	s6 =	sadd.s32 @!p0 $0x88, s6;
	s7 =	simm.s32 @p2 $0x1082  }
0x22: {  	[simem:s7], [sflag:s8] =	dma.local @!p0 [hbm:s6], $0xF7A  }
0x23: {  	s9 =	sor.u32 $0xD0000000, s2;
	s6 =	simm.s32 $0x108;
	_ =	swait.ge @!p0 [sflag:s8], $0x0  }
0x24: {  	s3 =	sadd.s32 $0x88, s3;
	s6 =	simm.s32 @!p1 $0x1082;
	[sflag:s4] =	ssyncset.s32 $0xFFFFF086  }
0x25: {  	[simem:s6], [sflag:s4] =	dma.local [hbm:s3], $0xF7A  }
0x26: {  	[smem:$0x3F9B] =	sst s1;
	(tag) =	ssettag s2;
	_ =	strace s9  }
0x27: {  	s1 =	sld [smem:$0x3FAB]  }
0x28: {  	s2 =	sld [smem:$0x3FAC]  }
0x29: {  	s4 =	sld [smem:$0x3FAE]  }
0x2a: {  	p0 =	seq.s32 s5, $0x0;
	s5 =	sld [smem:$0x3FAF]  }
0x2b: {  	s6 =	sld [smem:$0x3FB0]  }
0x2c: {  	s7 =	sld [smem:$0x3FB1]  }
0x2d: {  	s3 =	simm.s32 $0x108;
	s8 =	sld [smem:$0x3FB2]  }
0x2e: {  	s3 =	simm.s32 @!p0 $0x1082;
	s9 =	sld [smem:$0x3FB3]  }
0x2f: {  	lr =	sadd.s32 s0, s3;
	s0 =	sld [smem:$0x3FAA]  }
0x30: {  	s3 =	sld [smem:$0x3FAD]  }
0x31: {  	[smem:$0x3FB6] =	sst s10  }
0x32: {  	s10 =	sld [smem:$0x3FB4];
	_ =	sdelay $0x3  }
0x33: {  	p0 =	seq.s32 s10, $0x1;
	s10 =	sld [smem:$0x3FB6];
	_ =	sdelay $0x3  }
0x34: {  	[smem:$0x3FB6] =	sst s10  }
0x35: {  	s10 =	sld [smem:$0x3FB5];
	_ =	sdelay $0x3  }
0x36: {  	p1 =	seq.s32 s10, $0x1;
	s10 =	sld [smem:$0x3FB6];
	_ =	sdelay $0x3  }
0x37: {  	[smem:$0x3FB6] =	sst s10  }
0x38: {  	s10 =	sld [smem:$0x3FB7]  }
0x39: {  	_ = 	snop;
	(pc) =	sbr.ind lr, $3  }
0x3a: {  	_ = 	snop  }
0x3b: {  	_ = 	snop  }
0x3c: {  	p2 =	seq.s32 s10, $0x1;
	s10 =	sld [smem:$0x3FB6]  }
0x3d: {  	_ =	shalt  }
0x3e: {  	_ =	shalt  }
0x3f: {  	_ =	shalt  }
0x40: {  	_ =	shalt  }
0x41: {  	_ =	shalt  }
0x42: {  	_ =	shalt  }
0x43: {  	_ =	shalt  }
0x44: {  	_ =	shalt  }
0x45: {  	_ =	shalt  }
0x46: {  	_ =	shalt  }
0x47: {  	_ =	shalt  }
0x48: {  	_ =	shalt  }
0x49: {  	_ =	shalt  }
0x4a: {  	_ =	shalt  }
0x4b: {  	_ =	shalt  }
0x4c: {  	_ =	shalt  }
0x4d: {  	_ =	shalt  }
0x4e: {  	_ =	shalt  }
0x4f: {  	_ =	shalt  }
0x50: {  	_ =	shalt  }
0x51: {  	_ =	shalt  }
0x52: {  	_ =	shalt  }
0x53: {  	_ =	shalt  }
0x54: {  	_ =	shalt  }
0x55: {  	_ =	shalt  }
0x56: {  	_ =	shalt  }
0x57: {  	_ =	shalt  }
0x58: {  	_ =	shalt  }
0x59: {  	_ =	shalt  }
0x5a: {  	_ =	shalt  }
0x5b: {  	_ =	shalt  }
0x5c: {  	_ =	shalt  }
0x5d: {  	_ =	shalt  }
0x5e: {  	_ =	shalt  }
0x5f: {  	_ =	shalt  }
0x60: {  	_ =	shalt  }
0x61: {  	_ =	shalt  }
0x62: {  	_ =	shalt  }
0x63: {  	_ =	shalt  }
0x64: {  	_ =	shalt  }
0x65: {  	_ =	shalt  }
0x66: {  	_ =	shalt  }
0x67: {  	_ =	shalt  }
0x68: {  	_ =	shalt  }
0x69: {  	_ =	shalt  }
0x6a: {  	_ =	shalt  }
0x6b: {  	_ =	shalt  }
0x6c: {  	_ =	shalt  }
0x6d: {  	_ =	shalt  }
0x6e: {  	_ =	shalt  }
0x6f: {  	_ =	shalt  }
0x70: {  	_ =	shalt  }
0x71: {  	_ =	shalt  }
0x72: {  	_ =	shalt  }
0x73: {  	_ =	shalt  }
0x74: {  	_ =	shalt  }
0x75: {  	_ =	shalt  }
0x76: {  	_ =	shalt  }
0x77: {  	_ =	shalt  }
0x78: {  	_ =	shalt  }
0x79: {  	_ =	shalt  }
0x7a: {  	_ =	shalt  }
0x7b: {  	_ =	shalt  }
0x7c: {  	_ =	shalt  }
0x7d: {  	_ =	shalt  }
0x7e: {  	_ =	shalt  }
0x7f: {  	_ =	shalt  }
0x80: {  	_ =	shalt  }
0x81: {  	_ =	shalt  }
0x82: {  	_ =	shalt  }
0x83: {  	_ =	shalt  }
0x84: {  	_ =	shalt  }
0x85: {  	_ =	shalt  }
0x86: {  	_ =	shalt  }
0x87: {  	_ =	shalt  }
.Lfunc_end0:
.L_simem_size_0:
called_computation_lowered:
.L_overlay_start_0:
0x88: {  	s2 =	sld [smem:$0x3FD9]  }
0x89: {  	s3 =	sld [smem:$0x3FFE];
	_ =	sdelay $0x1  }
0x8a: {  	s1 =	srdreg.scid  }
0x8b: {  	s0 =	sand.u32 $0x1, s1  }
0x8c: {  	s17 =	sshll.u32 s0, $0xA;
	s2 =	sadd.s32 s3, s2  }
0x8d: {  	s2 =	sadd.s32 s2, s17  }
0x8e: {  	[smem:$0x3FC2] =	sst s2  }
0x8f: {  	_ = 	snop  }
0x90: {  	s2 =	sld [smem:$0x3FC9]  }
0x91: {  	s18 =	sld [smem:$0x3FC8]  }
0x92: {  	s4 =	sld [smem:$0x3FC7]  }
0x93: {  	s5 =	sld [smem:$0x3FC5]  }
0x94: {  	s6 =	sld [smem:$0x3FC4]  }
0x95: {  	s7 =	sld [smem:$0x3FD0];
	(tm) =	ssettm $0x1  }
0x96: {  	s8 =	sld [smem:$0x3FFB];
	_ =	sdelay $0x3  }
0x97: {  	_ =	strace s8  }
0x98: {  	s8 =	sld [smem:$0x3FFC];
	_ =	sdelay $0x3  }
0x99: {  	_ =	strace s8  }
0x9a: {  	s8 =	sld [smem:$0x3FFD];
	_ =	sdelay $0x3  }
0x9b: {  	_ =	strace s8  }
0x9c: {  	_ =	strace $0x8FFFFFFF  }
0x9d: {  	s19 =	sld [smem:$0x3FDB];
	_ =	sdelay $0x1  }
0x9e: {  	s9 =	simm.s32 $_scs_section_size  }
0x9f: {  	s10 =	simm.s32 $_size__tile_overlayer_lowered;
	s11 =	simm.s32 $_tile_overlayer_lowered  }
0xa0: {  	s22 =	simm.s32 $0x1BFF;
	s21 =	sshll.u32 s11, $0x1;
	s8 =	sadd.s32 s9, s19  }
0xa1: {  	s12 =	simm.s32 $0x0;
	s20 =	sshll.u32 s10, $0x1;
	s10 =	sadd.s32 s21, s8  }
0xa2: {  	[timem:s12], [sflag:s22] =	dma.local [hbm:s10], s20  }
0xa3: {  	_ =	swait.ge [sflag:s22], s20  }
0xa4: {  	s9 =	ssub.s32 $0x0, s20;
	[sflag:s22] =	ssyncset.done $0x0  }
0xa5: {  	[sflag:s22] =	ssyncadd.s32 s9;
	_ =	sdelay $0x1  }
0xa6: {  	s23 =	simm.s32 $0x1B8B  }
0xa7: {  	_ =	swait.ge [sflag:s23], $0x1  }
0xa8: {  	[sflag:s23] =	ssyncset.done $0x0  }
0xa9: {  	s25 =	simm.s32 $0x1B8E;
	s24 =	sld [smem:$0x3FFE];
	[sflag:s23] =	ssyncadd.s32 $0xFFFFFFFF  }
0xaa: {  	s26 =	simm.s32 $execute0_lowered;
	[smem:$0x3FD2] =	sst s25  }
0xab: {  	s10 =	sshll.u32 s26, $0x1;
	_ =	strace $0x80000046;
	[dreg:$0x1] =	wrdreg $0xFFFFFFFF  }
0xac: {  	s28 =	simm.s32 $_size_execute0_lowered;
	s8 =	sadd.s32 s8, s10;
	[dreg:$0x0] =	wrdreg $0x0  }
0xad: {  	s10 =	sshll.u32 s28, $0x1;
	[dreg:$0x2] =	wrdreg s8  }
0xae: {  	[dreg:$0x3] =	wrdreg s10  }
0xaf: {  	[dreg:$0x4] =	wrdreg $0xC0  }
0xb0: {  	_ =	task [dreg:s12], $0x5FFFF  }
0xb1: {  	[dreg:$0x1] =	wrdreg $0xFFFFFFFF  }
0xb2: {  	[dreg:$0x0] =	wrdreg $0x60  }
0xb3: {  	[dreg:$0x2] =	wrdreg s2  }
0xb4: {  	[dreg:$0x3] =	wrdreg s18  }
0xb5: {  	[dreg:$0x4] =	wrdreg s4  }
0xb6: {  	[dreg:$0x5] =	wrdreg s24  }
0xb7: {  	[dreg:$0x6] =	wrdreg s5  }
0xb8: {  	[dreg:$0x7] =	wrdreg s6  }
0xb9: {  	[dreg:$0x8] =	wrdreg s7  }
0xba: {  	[dreg:$0x9] =	wrdreg $0x1AD500  }
0xbb: {  	[dreg:$0xa] =	wrdreg $0x1D4600  }
0xbc: {  	[dreg:$0xb] =	wrdreg $0x74D00  }
0xbd: {  	[dreg:$0xc] =	wrdreg $0x111100  }
0xbe: {  	[dreg:$0xd] =	wrdreg $0x9  }
0xbf: {  	_ =	task.clear_ibuf [dreg:s12], $0xEFFFF;
	_ =	strace $0x90000046  }
0xc0: {  	s29 =	simm.s32 $0x9;
	_ =	strace $0x80000048  }
0xc1: {  	_ =	swait.ge [sflag:s29], $0x1  }
0xc2: {  	[sflag:s29] =	ssyncadd.s32 $0xFFFFFFFF  }
0xc3: {  	_ =	strace $0x90000048  }
0xc4: {  	_ =	sfence  }
0xc5: {  	s30 =	sld [smem:$0x0];
	_ =	sdelay $0x2  }
0xc6: {  	s31 =	sshll.u32 s1, $0xD;
	s1 =	sshrl.u32 s1, $0x2  }
0xc7: {  	s3 =	sand.u32 $0x4000, s31;
	s1 =	sadd.s32 s1, s30  }
0xc8: {  	s0 =	sor.u32 s3, s0;
	s1 =	sshll.u32 s1, $0x11  }
0xc9: {  	s0 =	sor.u32 s1, s0  }
0xca: {  	s0 =	sadd.s32 $0x8F2B, s0  }
0xcb: {  	[sflag:s0] =	ssyncadd.remote.s32 $0x1  }
0xcc: {  	_ =	sfence.sel $0xFFFF  }
0xcd: {  	[dreg:$0x0] =	wrdreg $0xFFFFFFFF;
	(pc) =	sbr.abs _section_cstart, $3  }
0xce: {  	[dreg:$0x1] =	wrdreg $0xFFFFFFFF  }
0xcf: {  	_ =	task.clear_ibuf [dreg:s12], $0x2FFFF;
	_ =	strace $0x9FFFFFFF  }
0xd0: {  	(tm) =	ssettm $0x7FFFFFFF  }
0xd1: {  	_ =	shalt  }
tec
execute0_lowered:
.L_overlay_start_1:
0x0: {  	(tag) =	ssettag $0x1  }
0x1: {  	s0 =	rddreg [dreg:$0x3]  }
0x2: {  	s1 =	rddreg [dreg:$0x5]  }
0x3: {  	s6 =	rddreg [dreg:$0x7]  }
0x4: {  	s7 =	rddreg [dreg:$0x8]  }
0x5: {  	s9 =	rddreg [dreg:$0xa];
	s3 =	simm.s32 $0x0;
	s2 =	srdreg.scid  }
0x6: {  	s5 =	stileid.u32;
	s22 =	simm.s32 $0x5;
	s23 =	simm.s32 $0x5EB0  }
0x7: {  	s28 =	simm.s32 $0x54B0;
	s17 =	simm.s32 $0x59B0;
	s10 =	smul.u32 $0x32, s5  }
0x8: {  	[smem:$0x7FF] =	sst s3;
	s2 =	sand.u32 $0x1, s2;
	s4 =	smul.u32 $0x9C40, s5  }
0x9: {  	s12 =	sadd.s32 $0x400, s0;
	s13 =	smul.u32 $0x271, s5;
	_ =	strace $0x80000047  }
0xa: {  	s25 =	ssub.s32 $0x2, s2;
	s29 =	sshll.u32 s2, $0x3;
	s2 =	sshll.u32 s2, $0x6  }
0xb: {  	s26 =	sshrl.u32 s25, $0x1;
	[dreg:$0xf] =	wrdreg s2;
	s1 =	sadd.s32 s1, s29  }
0xc: {  	s30 =	sor.u32 $0x1, s10;
	s31 =	sshrl.u32 s4, $0x2;
	[dreg:$0xc] =	wrdreg s1  }
0xd: {  	s2 =	simm.s32 $0x3;
	s0 =	ssub.s32 s25, s26;
	[dreg:$0xd] =	wrdreg s30  }
0xe: {  	v0 =	vimm.f32 $1.000000000e+00;
	v2 =	vlaneseq.u32;
	s19 =	sadd.s32 s31, s6;
	s20 =	sadd.s32 s31, s7;
	s0 =	smax.u32 s0, $0x1  }
0xf: {  	v1 =	vimm.f32 $0.0e+00;
	vm0 =	vmmov $0xff;
	v2 =	vmul.u32 $0x10, v2;
	s26 =	simm.s32 $0x50;
	[dreg:$0xe] =	wrdreg s0;
	s0 =	simm.s32 $0x0  }
.LBB2_1:
0x10: {  	[dreg:$0x10] =	wrdreg s0  }
0x11: {  	s1 =	rddreg [dreg:$0xc];
	s3 =	simm.s32 $0x7490;
	s31 =	simm.s32 $0x0  }
0x12: {  	[tilespmem:s3], [sflag:$0x5] =	stream.linear.gather [hbm4b:s1+s31], $0x40, $0x38;
	[tilespmem:$0x1FB70] =	vst v63  }
0x13: {  	_ =	swait.ge [sflag:s22], $0x40  }
0x14: {  	[sflag:s22] =	ssyncset.done $0x0  }
0x15: {  	s4 =	simm.s32 $0x0;
	s3 =	simm.s32 $0x40;
	[sflag:s22] =	ssyncadd.s32 $0xFFFFFFC0  }
.LBB2_2:
0x16: {  	p0 =	sne.s32 s3, $0x13C0;
	[tilespmem:s4+$0x54B0] =	vst v0;
	s4 =	smov.u32 s3;
	s3 =	sadd.s32 $0x40, s3  }
.Ltmp0:
0x17: {  	(pc) =	sbr.rel @p0 .LBB2_2-.Ltmp0, $2  }
0x18: {  	_ =	sdelay $0x2  }
0x19: {  	s4 =	sshra.s32 s4, $0x2  }
0x1a: {  	[tilespmem:s4+$0x54B0] =	vst v0  }
0x1b: {  	[tilespmem:$0x5EB0] =	vst v1  }
0x1c: {  	[tilespmem:$0x5EC0] =	vst v1  }
0x1d: {  	[tilespmem:$0x5ED0] =	vst v1  }
0x1e: {  	[tilespmem:$0x5EE0] =	vst v1  }
0x1f: {  	[tilespmem:$0x5EF0] =	vst v1  }
0x20: {  	[tilespmem:$0x5F00] =	vst v1  }
0x21: {  	[tilespmem:$0x5F10] =	vst v1  }
0x22: {  	[tilespmem:$0x5F20] =	vst v1  }
0x23: {  	[tilespmem:$0x5F30] =	vst v1  }
0x24: {  	[tilespmem:$0x5F40] =	vst v1  }
0x25: {  	[tilespmem:$0x5F50] =	vst v1  }
0x26: {  	[tilespmem:$0x5F60] =	vst v1  }
0x27: {  	[tilespmem:$0x5F70] =	vst v1  }
0x28: {  	[tilespmem:$0x5F80] =	vst v1  }
0x29: {  	[tilespmem:$0x5F90] =	vst v1  }
0x2a: {  	[tilespmem:$0x5FA0] =	vst v1  }
0x2b: {  	[tilespmem:$0x5FB0] =	vst v1  }
0x2c: {  	[tilespmem:$0x5FC0] =	vst v1  }
0x2d: {  	[tilespmem:$0x5FD0] =	vst v1  }
0x2e: {  	[tilespmem:$0x5FE0] =	vst v1  }
0x2f: {  	[tilespmem:$0x5FF0] =	vst v1  }
0x30: {  	[tilespmem:$0x6000] =	vst v1  }
0x31: {  	[tilespmem:$0x6010] =	vst v1  }
0x32: {  	[tilespmem:$0x6020] =	vst v1  }
0x33: {  	s3 =	sadd.s32 $0x0, s19;
	[tilespmem:$0x6030] =	vst v1  }
0x34: {  	[spmem:s3] =	stream.linear.scatter [tilespmem:s23], [sflag:$0x5], $0x190, $0x38;
	[tilespmem:$0x1FB70] =	vst v63  }
0x35: {  	_ =	swait.ge [sflag:s22], $0x190  }
0x36: {  	[sflag:s22] =	ssyncset.done $0x0  }
0x37: {  	s31 =	sadd.s32 $0x0, s20;
	[sflag:s22] =	ssyncadd.s32 $0xFFFFFE70  }
0x38: {  	[spmem:s31] =	stream.linear.scatter [tilespmem:s23], [sflag:$0x5], $0x190, $0x38;
	[tilespmem:$0x1FB70] =	vst v63  }
0x39: {  	s8 =	smov.u32 s12;
	s4 =	simm.s32 $0x0;
	_ =	swait.ge [sflag:s22], $0x190  }
0x3a: {  	s11 =	simm.s32 $0x190;
	s3 =	simm.s32 $0xC80;
	[sflag:s22] =	ssyncset.done $0x0  }
.LBB2_4:
0x3b: {  	s15 =	sadd.s32 s11, s19  }
0x3c: {  	[sflag:s22] =	ssyncadd.s32 $0xFFFFFE70;
	s21 =	smov.u32 s3;
	s25 =	sadd.s32 $0x640, s3  }
0x3d: {  	[spmem:s15] =	stream.linear.scatter [tilespmem:s23], [sflag:$0x5], $0x190, $0x38;
	[tilespmem:$0x1FB70] =	vst v63  }
0x3e: {  	p0 =	sne.s32 s3, $0x9600;
	_ =	swait.ge [sflag:s22], $0x190  }
.Ltmp1:
0x3f: {  	[sflag:s22] =	ssyncset.done $0x0;
	(pc) =	sbr.rel @p0 .LBB2_4-.Ltmp1, $4  }
0x40: {  	s3 =	sadd.s32 s11, s20;
	[sflag:s22] =	ssyncadd.s32 $0xFFFFFE70  }
0x41: {  	[spmem:s3] =	stream.linear.scatter [tilespmem:s23], [sflag:$0x5], $0x190, $0x38;
	[tilespmem:$0x1FB70] =	vst v63  }
0x42: {  	_ =	swait.ge [sflag:s22], $0x190  }
0x43: {  	s11 =	sshra.s32 s21, $0x2;
	s3 =	smov.u32 s25;
	[sflag:s22] =	ssyncset.done $0x0  }
0x44: {  	s3 =	sadd.s32 s11, s19;
	[sflag:s22] =	ssyncadd.s32 $0xFFFFFE70  }
0x45: {  	[spmem:s3] =	stream.linear.scatter [tilespmem:s23], [sflag:$0x5], $0x190, $0x38;
	[tilespmem:$0x1FB70] =	vst v63  }
0x46: {  	_ =	swait.ge [sflag:s22], $0x190  }
0x47: {  	[sflag:s22] =	ssyncset.done $0x0  }
0x48: {  	s31 =	sadd.s32 s11, s20;
	[sflag:s22] =	ssyncadd.s32 $0xFFFFFE70  }
0x49: {  	[spmem:s31] =	stream.linear.scatter [tilespmem:s23], [sflag:$0x5], $0x190, $0x38;
	[tilespmem:$0x1FB70] =	vst v63  }
0x4a: {  	_ =	swait.ge [sflag:s22], $0x190  }
0x4b: {  	s12 =	smov.u32 s13;
	s16 =	smov.u32 s9;
	[sflag:s22] =	ssyncset.done $0x0  }
0x4c: {  	s24 =	smov.u32 s10;
	s3 =	simm.s32 $0x100;
	[sflag:s22] =	ssyncadd.s32 $0xFFFFFE70  }
.LBB2_6:
0x4d: {  	p0 =	sne.s32 s3, $0x1800;
	[tilespmem:s4+$0x6840] =	vst v1;
	s11 =	smov.u32 s3;
	s3 =	sadd.s32 $0x100, s3  }
.Ltmp2:
0x4e: {  	[tilespmem:s4+$0x6830] =	vst v1;
	(pc) =	sbr.rel @p0 .LBB2_6-.Ltmp2, $3  }
0x4f: {  	[tilespmem:s4+$0x6810] =	vst v1  }
0x50: {  	[tilespmem:s4+$0x6820] =	vst v1;
	_ =	sdelay $0x1  }
0x51: {  	s4 =	sshra.s32 s11, $0x2  }
0x52: {  	[tilespmem:s4+$0x6840] =	vst v1  }
0x53: {  	[tilespmem:s4+$0x6830] =	vst v1  }
0x54: {  	[tilespmem:s4+$0x6810] =	vst v1  }
0x55: {  	[tilespmem:s4+$0x6820] =	vst v1;
	s4 =	simm.s32 $0x0;
	s11 =	simm.s32 $0x0;
	s25 =	simm.s32 $0x4E200  }
0x56: {  	s5 =	simm.s32 $0x1E0;
	s31 =	simm.s32 $0xA0;
	s10 =	simm.s32 $0x230  }
0x57: {  	s18 =	simm.s32 $0xF0;
	s0 =	simm.s32 $0x280;
	s13 =	simm.s32 $0x140  }
0x58: {  	s9 =	simm.s32 $0x190;
	s14 =	smov.u32 s8;
	[bflag:$0x0] =	sbarrier.arrive $0xFFFF  }
0x59: {  	s30 =	simm.s32 $0x2D0;
	s29 =	simm.s32 $0x61D0;
	s6 =	rddreg [dreg:$0x7]  }
.LBB2_8:
0x5a: {  	p0 =	seq.s32 s11, $0x0  }
0x5b: {  	s3 =	simm.s32 @!p0 $0x3  }
0x5c: {  	_ =	swait.ge @!p0 [sflag:s3], $0x500  }
0x5d: {  	[sflag:s3] =	ssyncset.done @!p0 $0x0  }
0x5e: {  	[sflag:s3] =	ssyncadd.s32 @!p0 $0xFFFFFB00  }
0x5f: {  	_ =	swait.ge @!p0 [sflag:s3], $0x500  }
0x60: {  	[sflag:s3] =	ssyncset.done @!p0 $0x0  }
0x61: {  	[sflag:s3] =	ssyncadd.s32 @!p0 $0xFFFFFB00  }
0x62: {  	_ =	swait.ge @!p0 [sflag:s3], $0x500  }
0x63: {  	[sflag:s3] =	ssyncset.done @!p0 $0x0  }
0x64: {  	[sflag:s3] =	ssyncadd.s32 @!p0 $0xFFFFFB00  }
0x65: {  	_ =	swait.ge @!p0 [sflag:s3], $0x500  }
0x66: {  	[sflag:s3] =	ssyncset.done @!p0 $0x0  }
0x67: {  	[sflag:s3] =	ssyncadd.s32 @!p0 $0xFFFFFB00  }
0x68: {  	_ =	swait.ge @!p0 [sflag:s3], $0x500  }
0x69: {  	[sflag:s3] =	ssyncset.done @!p0 $0x0  }
0x6a: {  	[sflag:s3] =	ssyncadd.s32 @!p0 $0xFFFFFB00  }
0x6b: {  	_ =	swait.ge @!p0 [sflag:s3], $0x500  }
0x6c: {  	[sflag:s3] =	ssyncset.done @!p0 $0x0  }
0x6d: {  	[sflag:s3] =	ssyncadd.s32 @!p0 $0xFFFFFB00  }
0x6e: {  	_ =	swait.ge @!p0 [sflag:s3], $0x500  }
0x6f: {  	[sflag:s3] =	ssyncset.done @!p0 $0x0  }
0x70: {  	[sflag:s3] =	ssyncadd.s32 @!p0 $0xFFFFFB00  }
0x71: {  	_ =	swait.ge @!p0 [sflag:s3], $0x500  }
0x72: {  	[sflag:s3] =	ssyncset.done @!p0 $0x0  }
0x73: {  	[sflag:s3] =	ssyncadd.s32 @!p0 $0xFFFFFB00  }
0x74: {  	_ =	swait.ge @!p0 [sflag:s3], $0x500  }
0x75: {  	s15 =	sshll.u32 s11, $0x1;
	[sflag:s3] =	ssyncset.done @!p0 $0x0  }
0x76: {  	s21 =	sadd.s32 s24, s15;
	[sflag:s3] =	ssyncadd.s32 @!p0 $0xFFFFFB00  }
0x77: {  	s21 =	smul.u32 $0x32, s21;
	_ =	swait.ge @!p0 [sflag:s3], $0x500  }
0x78: {  	[sflag:s3] =	ssyncset.done @!p0 $0x0  }
0x79: {  	s14 =	sadd.s32 s14, s21;
	[sflag:s3] =	ssyncadd.s32 @!p0 $0xFFFFFB00  }
0x7a: {  	[tilespmem:s4], [sflag:$0x5] =	stream.strided.gather [hbm4b:s14+s9], $0x320, s25, s9, $0x38;
	[tilespmem:$0x1FB70] =	vst v63  }
0x7b: {  	_ =	swait.ge [sflag:s22], $0x320  }
0x7c: {  	[sflag:s22] =	ssyncset.done $0x0  }
0x7d: {  	[sflag:s22] =	ssyncadd.s32 $0xFFFFFCE0  }
0x7e: {  	[spmem:s6] =	stream.indirect.scatter.add.f32 [tilespmem:s28], [sflag:$0x3], $0x10, s4, s26, $0xb8;
	[tilespmem:$0x1FB70] =	vst v63  }
0x7f: {  	_ = 	snop  }
0x80: {  	[spmem:s7] =	stream.indirect.scatter.add.f32 [tilespmem:s28], [sflag:$0x3], $0x10, s9, s26, $0xb8;
	[tilespmem:$0x1FB70] =	vst v63  }
0x81: {  	_ = 	snop  }
0x82: {  	[spmem:s6] =	stream.indirect.scatter.add.f32 [tilespmem:s28], [sflag:$0x3], $0x10, s26, s26, $0xb8;
	[tilespmem:$0x1FB70] =	vst v63  }
0x83: {  	_ = 	snop  }
0x84: {  	[spmem:s7] =	stream.indirect.scatter.add.f32 [tilespmem:s28], [sflag:$0x3], $0x10, s5, s26, $0xb8;
	[tilespmem:$0x1FB70] =	vst v63  }
0x85: {  	_ = 	snop  }
0x86: {  	[spmem:s6] =	stream.indirect.scatter.add.f32 [tilespmem:s28], [sflag:$0x3], $0x10, s31, s26, $0xb8;
	[tilespmem:$0x1FB70] =	vst v63  }
0x87: {  	s21 =	smul.u32 $0x19, s11  }
0x88: {  	[spmem:s7] =	stream.indirect.scatter.add.f32 [tilespmem:s28], [sflag:$0x3], $0x10, s10, s26, $0xb8;
	[tilespmem:$0x1FB70] =	vst v63  }
0x89: {  	s21 =	sadd.s32 s12, s21  }
0x8a: {  	[spmem:s6] =	stream.indirect.scatter.add.f32 [tilespmem:s28], [sflag:$0x3], $0x10, s18, s26, $0xb8;
	[tilespmem:$0x1FB70] =	vst v63  }
0x8b: {  	s3 =	sshll.u32 s21, $0x7;
	s1 =	rddreg [dreg:$0xf]  }
0x8c: {  	[spmem:s7] =	stream.indirect.scatter.add.f32 [tilespmem:s28], [sflag:$0x3], $0x10, s0, s26, $0xb8;
	[tilespmem:$0x1FB70] =	vst v63  }
0x8d: {  	s3 =	sor.u32 s1, s3  }
0x8e: {  	[spmem:s6] =	stream.indirect.scatter.add.f32 [tilespmem:s28], [sflag:$0x3], $0x10, s13, s26, $0xb8;
	[tilespmem:$0x1FB70] =	vst v63  }
0x8f: {  	s3 =	sshrl.u32 s3, $0x3;
	s25 =	rddreg [dreg:$0x0]  }
0x90: {  	[spmem:s7] =	stream.indirect.scatter.add.f32 [tilespmem:s28], [sflag:$0x3], $0x10, s30, s26, $0xb8;
	[tilespmem:$0x1FB70] =	vst v63  }
0x91: {  	s3 =	sadd.s32 s25, s3;
	s31 =	simm.s32 $0x80;
	s30 =	simm.s32 $0x40  }
0x92: {  	[tilespmem:s29], [sflag:$0x5] =	stream.strided.gather [hbm4b:s3+s30], $0x640, s31, s30, $0x38;
	[tilespmem:$0x1FB70] =	vst v63  }
0x93: {  	_ =	swait.ge [sflag:s22], $0x640  }
0x94: {  	[sflag:s22] =	ssyncset.done $0x0  }
0x95: {  	s25 =	simm.s32 $0x0;
	[sflag:s22] =	ssyncadd.s32 $0xFFFFF9C0  }
0x96: {  	v5 =	vld [tilespmem:s25+$0x61D0]  }
0x97: {  	v4 =	vld [tilespmem:s25+$0x61E0]  }
0x98: {  	s5 =	simm.s32 $0x61D0;
	s0 =	simm.s32 $0x190;
	s3 =	simm.s32 $0x100;
	v3 =	vld [tilespmem:s25+$0x61F0]  }
.LBB2_9:
0x99: {  	p0 =	sne.s32 s3, $0x1800;
	v6 =	vld [tilespmem:s25+$0x6200];
	_ =	sdelay $0x1  }
.Ltmp3:
0x9a: {  	v5 =	vmax.f32 v5, $0.0e+00;
	(pc) =	sbr.rel @p0 .LBB2_9-.Ltmp3, $4  }
0x9b: {  	s1 =	sshra.s32 s3, $0x2;
	[tilespmem:s25+$0x61D0] =	vst v5;
	v4 =	vmax.f32 v4, $0.0e+00  }
0x9c: {  	v5 =	vld [tilespmem:s1+$0x61D0];
	[tilespmem:s25+$0x61E0] =	vst v4;
	v3 =	vmax.f32 v3, $0.0e+00  }
0x9d: {  	v4 =	vld [tilespmem:s1+$0x61E0];
	[tilespmem:s25+$0x61F0] =	vst v3;
	v6 =	vmax.f32 v6, $0.0e+00  }
0x9e: {  	s3 =	sadd.s32 $0x100, s3;
	v3 =	vld [tilespmem:s1+$0x61F0];
	[tilespmem:s25+$0x6200] =	vst v6;
	s25 =	smov.u32 s1  }
0x9f: {  	v6 =	vld [tilespmem:s25+$0x6200];
	_ =	sdelay $0x1  }
0xa0: {  	v5 =	vmax.f32 v5, $0.0e+00  }
0xa1: {  	[tilespmem:s25+$0x61D0] =	vst v5;
	v4 =	vmax.f32 v4, $0.0e+00  }
0xa2: {  	[tilespmem:s25+$0x61E0] =	vst v4;
	v3 =	vmax.f32 v3, $0.0e+00  }
0xa3: {  	s1 =	sshll.u32 s21, $0x6;
	s3 =	rddreg [dreg:$0x9];
	[tilespmem:s25+$0x61F0] =	vst v3;
	v3 =	vmax.f32 v6, $0.0e+00  }
0xa4: {  	s3 =	sadd.s32 s1, s3;
	[tilespmem:s25+$0x6200] =	vst v3  }
0xa5: {  	[spmem:s3] =	stream.linear.scatter [tilespmem:s5], [sflag:$0x5], $0x640, $0x38;
	[tilespmem:$0x1FB70] =	vst v63  }
0xa6: {  	_ =	swait.ge [sflag:s22], $0x640  }
0xa7: {  	[sflag:s22] =	ssyncset.done $0x0  }
0xa8: {  	[sflag:s22] =	ssyncadd.s32 $0xFFFFF9C0  }
0xa9: {  	_ =	swait.ge [sflag:s2], $0x500  }
0xaa: {  	[sflag:s2] =	ssyncset.done $0x0  }
0xab: {  	[sflag:s2] =	ssyncadd.s32 $0xFFFFFB00  }
0xac: {  	_ =	swait.ge [sflag:s2], $0x500  }
0xad: {  	[sflag:s2] =	ssyncset.done $0x0  }
0xae: {  	[sflag:s2] =	ssyncadd.s32 $0xFFFFFB00  }
0xaf: {  	_ =	swait.ge [sflag:s2], $0x500  }
0xb0: {  	[sflag:s2] =	ssyncset.done $0x0  }
0xb1: {  	[sflag:s2] =	ssyncadd.s32 $0xFFFFFB00  }
0xb2: {  	_ =	swait.ge [sflag:s2], $0x500  }
0xb3: {  	[sflag:s2] =	ssyncset.done $0x0  }
0xb4: {  	[sflag:s2] =	ssyncadd.s32 $0xFFFFFB00  }
0xb5: {  	_ =	swait.ge [sflag:s2], $0x500  }
0xb6: {  	[sflag:s2] =	ssyncset.done $0x0  }
0xb7: {  	[sflag:s2] =	ssyncadd.s32 $0xFFFFFB00  }
0xb8: {  	_ =	swait.ge [sflag:s2], $0x500  }
0xb9: {  	[sflag:s2] =	ssyncset.done $0x0  }
0xba: {  	[sflag:s2] =	ssyncadd.s32 $0xFFFFFB00  }
0xbb: {  	_ =	swait.ge [sflag:s2], $0x500  }
0xbc: {  	[sflag:s2] =	ssyncset.done $0x0  }
0xbd: {  	[sflag:s2] =	ssyncadd.s32 $0xFFFFFB00  }
0xbe: {  	_ =	swait.ge [sflag:s2], $0x500  }
0xbf: {  	[sflag:s2] =	ssyncset.done $0x0  }
0xc0: {  	[sflag:s2] =	ssyncadd.s32 $0xFFFFFB00  }
0xc1: {  	_ =	swait.ge [sflag:s2], $0x500  }
0xc2: {  	[sflag:s2] =	ssyncset.done $0x0;
	s14 =	rddreg [dreg:$0xd]  }
0xc3: {  	[sflag:s2] =	ssyncadd.s32 $0xFFFFFB00;
	s3 =	sadd.s32 s15, s14  }
0xc4: {  	_ =	swait.ge [sflag:s2], $0x500;
	s3 =	smul.u32 $0x32, s3  }
0xc5: {  	s18 =	simm.s32 $0x0;
	[sflag:s2] =	ssyncset.done $0x0  }
0xc6: {  	s25 =	simm.s32 $0x4E200;
	[sflag:s2] =	ssyncadd.s32 $0xFFFFFB00;
	s3 =	sadd.s32 s8, s3  }
0xc7: {  	[tilespmem:s18], [sflag:$0x5] =	stream.strided.gather [hbm4b:s3+s0], $0x320, s25, s0, $0x38;
	[tilespmem:$0x1FB70] =	vst v63  }
0xc8: {  	_ =	swait.ge [sflag:s22], $0x320  }
0xc9: {  	[sflag:s22] =	ssyncset.done $0x0  }
0xca: {  	[sflag:s22] =	ssyncadd.s32 $0xFFFFFCE0  }
0xcb: {  	s6 =	rddreg [dreg:$0x7]  }
0xcc: {  	[spmem:s6] =	stream.indirect.scatter.add.f32 [tilespmem:s28], [sflag:$0x3], $0x10, s18, s26, $0xb8;
	[tilespmem:$0x1FB70] =	vst v63  }
0xcd: {  	s9 =	simm.s32 $0x190  }
0xce: {  	[spmem:s7] =	stream.indirect.scatter.add.f32 [tilespmem:s28], [sflag:$0x3], $0x10, s9, s26, $0xb8;
	[tilespmem:$0x1FB70] =	vst v63  }
0xcf: {  	_ = 	snop  }
0xd0: {  	[spmem:s6] =	stream.indirect.scatter.add.f32 [tilespmem:s28], [sflag:$0x3], $0x10, s26, s26, $0xb8;
	[tilespmem:$0x1FB70] =	vst v63  }
0xd1: {  	s5 =	simm.s32 $0x1E0  }
0xd2: {  	[spmem:s7] =	stream.indirect.scatter.add.f32 [tilespmem:s28], [sflag:$0x3], $0x10, s5, s26, $0xb8;
	[tilespmem:$0x1FB70] =	vst v63  }
0xd3: {  	s31 =	simm.s32 $0xA0  }
0xd4: {  	[spmem:s6] =	stream.indirect.scatter.add.f32 [tilespmem:s28], [sflag:$0x3], $0x10, s31, s26, $0xb8;
	[tilespmem:$0x1FB70] =	vst v63  }
0xd5: {  	s10 =	simm.s32 $0x230  }
0xd6: {  	[spmem:s7] =	stream.indirect.scatter.add.f32 [tilespmem:s28], [sflag:$0x3], $0x10, s10, s26, $0xb8;
	[tilespmem:$0x1FB70] =	vst v63  }
0xd7: {  	s18 =	simm.s32 $0xF0  }
0xd8: {  	[spmem:s6] =	stream.indirect.scatter.add.f32 [tilespmem:s28], [sflag:$0x3], $0x10, s18, s26, $0xb8;
	[tilespmem:$0x1FB70] =	vst v63  }
0xd9: {  	s0 =	simm.s32 $0x280  }
0xda: {  	[spmem:s7] =	stream.indirect.scatter.add.f32 [tilespmem:s28], [sflag:$0x3], $0x10, s0, s26, $0xb8;
	[tilespmem:$0x1FB70] =	vst v63  }
0xdb: {  	s13 =	simm.s32 $0x140;
	s11 =	sadd.s32 $0x1, s11  }
0xdc: {  	[spmem:s6] =	stream.indirect.scatter.add.f32 [tilespmem:s28], [sflag:$0x3], $0x10, s13, s26, $0xb8;
	[tilespmem:$0x1FB70] =	vst v63  }
0xdd: {  	s30 =	simm.s32 $0x2D0;
	p0 =	sne.s32 s11, $0x19  }
0xde: {  	[spmem:s7] =	stream.indirect.scatter.add.f32 [tilespmem:s28], [sflag:$0x3], $0x10, s30, s26, $0xb8;
	[tilespmem:$0x1FB70] =	vst v63  }
.Ltmp4:
0xdf: {  	s21 =	simm.s32 $0x6810;
	s1 =	sadd.s32 s1, s16;
	(pc) =	sbr.rel @p0 .LBB2_8-.Ltmp4, $4  }
0xe0: {  	[spmem:s1] =	stream.linear.scatter [tilespmem:s21], [sflag:$0x5], $0x640, $0x38;
	[tilespmem:$0x1FB70] =	vst v63  }
0xe1: {  	_ =	swait.ge [sflag:s22], $0x640  }
0xe2: {  	[sflag:s22] =	ssyncset.done $0x0  }
0xe3: {  	s29 =	simm.s32 $0x61D0;
	s14 =	smov.u32 s8;
	[sflag:s22] =	ssyncadd.s32 $0xFFFFF9C0  }
0xe4: {  	_ =	swait.ge [sflag:s2], $0x500  }
0xe5: {  	[sflag:s2] =	ssyncset.done $0x0  }
0xe6: {  	[sflag:s2] =	ssyncadd.s32 $0xFFFFFB00  }
0xe7: {  	_ =	swait.ge [sflag:s2], $0x500  }
0xe8: {  	[sflag:s2] =	ssyncset.done $0x0  }
0xe9: {  	[sflag:s2] =	ssyncadd.s32 $0xFFFFFB00  }
0xea: {  	_ =	swait.ge [sflag:s2], $0x500  }
0xeb: {  	[sflag:s2] =	ssyncset.done $0x0  }
0xec: {  	[sflag:s2] =	ssyncadd.s32 $0xFFFFFB00  }
0xed: {  	_ =	swait.ge [sflag:s2], $0x500  }
0xee: {  	[sflag:s2] =	ssyncset.done $0x0  }
0xef: {  	[sflag:s2] =	ssyncadd.s32 $0xFFFFFB00  }
0xf0: {  	_ =	swait.ge [sflag:s2], $0x500  }
0xf1: {  	[sflag:s2] =	ssyncset.done $0x0  }
0xf2: {  	[sflag:s2] =	ssyncadd.s32 $0xFFFFFB00  }
0xf3: {  	_ =	swait.ge [sflag:s2], $0x500  }
0xf4: {  	[sflag:s2] =	ssyncset.done $0x0  }
0xf5: {  	[sflag:s2] =	ssyncadd.s32 $0xFFFFFB00  }
0xf6: {  	_ =	swait.ge [sflag:s2], $0x500  }
0xf7: {  	[sflag:s2] =	ssyncset.done $0x0  }
0xf8: {  	[sflag:s2] =	ssyncadd.s32 $0xFFFFFB00  }
0xf9: {  	_ =	swait.ge [sflag:s2], $0x500  }
0xfa: {  	[sflag:s2] =	ssyncset.done $0x0  }
0xfb: {  	[sflag:s2] =	ssyncadd.s32 $0xFFFFFB00  }
0xfc: {  	_ =	swait.ge [sflag:s2], $0x500  }
0xfd: {  	s4 =	simm.s32 $0x0;
	s10 =	smov.u32 s24;
	[sflag:s2] =	ssyncset.done $0x0  }
0xfe: {  	s9 =	smov.u32 s16;
	s13 =	smov.u32 s12;
	[sflag:s2] =	ssyncadd.s32 $0xFFFFFB00  }
0xff: {  	s12 =	smov.u32 s14;
	s14 =	simm.s32 $0x40;
	_ =	swait.ge [sflag:s2], $0x500  }
0x100: {  	s16 =	simm.s32 $0x80;
	s18 =	simm.s32 $0x61D0;
	[sflag:s2] =	ssyncset.done $0x0  }
0x101: {  	s0 =	simm.s32 $0x6040;
	s24 =	simm.s32 $0x320;
	[sflag:s2] =	ssyncadd.s32 $0xFFFFFB00  }
0x102: {  	s29 =	simm.s32 $0x4B0;
	s30 =	simm.s32 $0x2CB0;
	[bflag:$0x0] =	sbarrier.arrive $0xFFFF  }
0x103: {  	s31 =	simm.s32 $0x18B0;
	s5 =	simm.s32 $0x1;
	s8 =	rddreg [dreg:$0x9]  }
.LBB2_12:
0x104: {  	s1 =	smul.u32 $0x19, s4;
	_ =	sdelay $0x1  }
0x105: {  	s1 =	sadd.s32 s13, s1  }
0x106: {  	s1 =	sshll.u32 s1, $0x4  }
0x107: {  	s11 =	sadd.s32 s1, s7  }
0x108: {  	[tilespmem:s23], [sflag:$0x5] =	stream.linear.gather [spmem:s11], $0x190, $0x38;
	[tilespmem:$0x1FB70] =	vst v63  }
0x109: {  	_ =	swait.ge [sflag:s22], $0x190  }
0x10a: {  	[sflag:s22] =	ssyncset.done $0x0  }
0x10b: {  	s1 =	sadd.s32 s1, s6;
	[sflag:s22] =	ssyncadd.s32 $0xFFFFFE70  }
0x10c: {  	[tilespmem:s0], [sflag:$0x5] =	stream.linear.gather [spmem:s1], $0x190, $0x38;
	[tilespmem:$0x1FB70] =	vst v63  }
0x10d: {  	_ =	swait.ge [sflag:s22], $0x190  }
0x10e: {  	[sflag:s22] =	ssyncset.done $0x0  }
0x10f: {  	s15 =	simm.s32 $0x0;
	[sflag:s22] =	ssyncadd.s32 $0xFFFFFE70  }
0x110: {  	v3 =	vld [tilespmem:s15+$0x6040]  }
0x111: {  	v4 =	vld [tilespmem:s15+$0x5EB0];
	_ =	sdelay $0x3  }
0x112: {  	v3 =	vmax.f32 v3, $1.000000000e+00  }
0x113: {  	v4 =	vmax.f32 v4, $1.000000000e+00;
	(erf) = vrcp.f32 v3  }
0x114: {  	(erf) = vrcp.f32 v4;
	_ =	sdelay $0x7  }
0x115: {  	v3 =	vpop (erf)  }
0x116: {  	v3 =	vxor.u32 $0x80000000, v3;
	v4 =	vpop (erf)  }
0x117: {  	s3 =	simm.s32 $0x10;
	s21 =	simm.s32 $0x80;
	v3 =	vsel vm0, v4, v3  }
.LBB2_13:
0x118: {  	p0 =	sne.s32 s21, $0x600;
	v4 =	vld [tilespmem:s3+$0x6040];
	[tilespmem:s15+$0x5EB0] =	vst v3;
	s15 =	smov.u32 s3  }
0x119: {  	v3 =	vld [tilespmem:s15+$0x5EB0];
	_ =	sdelay $0x3  }
0x11a: {  	v4 =	vmax.f32 v4, $1.000000000e+00  }
0x11b: {  	v3 =	vmax.f32 v3, $1.000000000e+00;
	(erf) = vrcp.f32 v4  }
0x11c: {  	(erf) = vrcp.f32 v3;
	_ =	sdelay $0x5  }
.Ltmp5:
0x11d: {  	(pc) =	sbr.rel @p0 .LBB2_13-.Ltmp5, $4  }
0x11e: {  	_ = 	snop  }
0x11f: {  	v3 =	vpop (erf)  }
0x120: {  	v3 =	vxor.u32 $0x80000000, v3;
	v4 =	vpop (erf)  }
0x121: {  	s3 =	sshra.s32 s21, $0x2;
	s21 =	sadd.s32 $0x40, s21;
	v3 =	vsel vm0, v4, v3  }
0x122: {  	v4 =	vld [tilespmem:s3+$0x6040];
	[tilespmem:s15+$0x5EB0] =	vst v3  }
0x123: {  	v3 =	vld [tilespmem:s3+$0x5EB0];
	_ =	sdelay $0x3  }
0x124: {  	v4 =	vmax.f32 v4, $1.000000000e+00  }
0x125: {  	v3 =	vmax.f32 v3, $1.000000000e+00;
	(erf) = vrcp.f32 v4  }
0x126: {  	(erf) = vrcp.f32 v3;
	_ =	sdelay $0x7  }
0x127: {  	v3 =	vpop (erf)  }
0x128: {  	s4 =	sadd.s32 $0x1, s4;
	v3 =	vxor.u32 $0x80000000, v3;
	v63 =	vpop (erf)  }
0x129: {  	p0 =	sne.s32 s4, $0x19;
	v3 =	vsel vm0, v63, v3  }
.Ltmp6:
0x12a: {  	[tilespmem:s3+$0x5EB0] =	vst v3;
	(pc) =	sbr.rel @p0 .LBB2_12-.Ltmp6, $4  }
0x12b: {  	[spmem:s11] =	stream.linear.scatter [tilespmem:s23], [sflag:$0x5], $0x190, $0x38;
	[tilespmem:$0x1FB70] =	vst v63  }
0x12c: {  	_ =	swait.ge [sflag:s22], $0x190  }
0x12d: {  	[sflag:s22] =	ssyncset.done $0x0  }
0x12e: {  	[sflag:s22] =	ssyncadd.s32 $0xFFFFFE70  }
0x12f: {  	[bflag:$0x0] =	sbarrier.arrive $0xFFFF  }
0x130: {  	s4 =	simm.s32 $0x0;
	s6 =	simm.s32 $0x6810;
	s0 =	simm.s32 $0x40B0  }
.LBB2_16:
0x131: {  	s1 =	smul.u32 $0x19A, s4;
	_ =	sdelay $0x1  }
0x132: {  	s1 =	sshrl.u32 s1, $0xA  }
0x133: {  	s3 =	sand.u32 $0x3F, s1  }
0x134: {  	s1 =	smul.u32 $0xFFFFFFFB, s3  }
0x135: {  	p0 =	seq.s32 s4, $0x0;
	s11 =	sshll.u32 s4, $0x1  }
0x136: {  	s21 =	simm.s32 @!p0 $0x4;
	s15 =	sadd.s32 s11, s1  }
0x137: {  	_ =	swait.ge @!p0 [sflag:s21], $0x1400;
	p1 =	sne.s32 s15, $0x0  }
.Ltmp7:
0x138: {  	[sflag:s21] =	ssyncset.done @!p0 $0x0;
	(pc) =	sbr.rel @!p1 .LBB2_17-.Ltmp7, $4  }
0x139: {  	[sflag:s21] =	ssyncadd.s32 @!p0 $0xFFFFEC00  }
0x13a: {  	_ =	swait.ge @!p0 [sflag:s21], $0x1400  }
0x13b: {  	[sflag:s21] =	ssyncset.done @!p0 $0x0  }
0x13c: {  	[sflag:s21] =	ssyncadd.s32 @!p0 $0xFFFFEC00  }
0x13d: {  	p0 =	slt.s32 s15, $0x4  }
.Ltmp8:
0x13e: {  	_ = 	snop;
	(pc) =	sbr.rel @p0 .LBB2_18-.Ltmp8, $2  }
0x13f: {  	_ =	sdelay $0x2  }
0x140: {  	s11 =	sor.u32 $0x1, s11  }
.Ltmp9:
0x141: {  	(pc) =	sbr.rel .LBB2_21-.Ltmp9, $2  }
0x142: {  	_ =	sdelay $0x2  }
0x143: {  	s3 =	smul.u32 $0x140, s15  }
.LBB2_17:
0x144: {  	s1 =	sadd.s32 s3, s10  }
0x145: {  	s1 =	smul.u32 $0x32, s1;
	_ =	sdelay $0x1  }
0x146: {  	s5 =	simm.s32 $0x0;
	s0 =	simm.s32 $0x190;
	s21 =	sadd.s32 s12, s1  }
0x147: {  	[tilespmem:s5], [sflag:$0x5] =	stream.strided.gather [hbm4b:s21+s0], $0x320, s25, s0, $0x38;
	[tilespmem:$0x1FB70] =	vst v63  }
0x148: {  	_ =	swait.ge [sflag:s22], $0x320  }
0x149: {  	[sflag:s22] =	ssyncset.done $0x0  }
0x14a: {  	[sflag:s22] =	ssyncadd.s32 $0xFFFFFCE0  }
0x14b: {  	s25 =	rddreg [dreg:$0x4]  }
0x14c: {  	s1 =	sadd.s32 s25, s1  }
0x14d: {  	[tilespmem:s24], [sflag:$0x5] =	stream.linear.gather [hbm4b:s1+s5], $0x190, $0x38;
	[tilespmem:$0x1FB70] =	vst v63  }
0x14e: {  	_ =	swait.ge [sflag:s22], $0x190  }
0x14f: {  	[sflag:s22] =	ssyncset.done $0x0  }
0x150: {  	[sflag:s22] =	ssyncadd.s32 $0xFFFFFE70  }
0x151: {  	[tilespmem:s29], [sflag:$0x1] =	stream.indirect.gather [spmem:s8], $0x40, s5, s26, $0xb8;
	[tilespmem:$0x1FB70] =	vst v63  }
0x152: {  	_ = 	snop  }
0x153: {  	[tilespmem:s30], [sflag:$0x1] =	stream.indirect.gather [spmem:s8], $0x40, s0, s26, $0xb8;
	[tilespmem:$0x1FB70] =	vst v63  }
0x154: {  	_ = 	snop  }
0x155: {  	[tilespmem:s28], [sflag:$0x1] =	stream.indirect.gather [spmem:s7], $0x10, s5, s26, $0xb8;
	[tilespmem:$0x1FB70] =	vst v63  }
0x156: {  	s11 =	sor.u32 $0x1, s11;
	s0 =	simm.s32 $0x40B0;
	s5 =	simm.s32 $0x1  }
.LBB2_18:
0x157: {  	s3 =	smul.u32 $0x140, s15;
	_ =	sdelay $0x1  }
0x158: {  	s1 =	sshra.s32 s3, $0x2  }
0x159: {  	s25 =	sadd.s32 $0x50, s1  }
0x15a: {  	[tilespmem:s31], [sflag:$0x2] =	stream.indirect.gather [spmem:s8], $0x40, s25, s26, $0xb8;
	[tilespmem:$0x1FB70] =	vst v63  }
0x15b: {  	s1 =	sadd.s32 $0x1E0, s1  }
0x15c: {  	[tilespmem:s0], [sflag:$0x2] =	stream.indirect.gather [spmem:s8], $0x40, s1, s26, $0xb8;
	[tilespmem:$0x1FB70] =	vst v63  }
0x15d: {  	_ = 	snop  }
0x15e: {  	[tilespmem:s17], [sflag:$0x2] =	stream.indirect.gather [spmem:s7], $0x10, s25, s26, $0xb8;
	[tilespmem:$0x1FB70] =	vst v63  }
.LBB2_21:
0x15f: {  	_ =	swait.ge [sflag:s5], $0x1400  }
0x160: {  	[sflag:s5] =	ssyncset.done $0x0  }
0x161: {  	[sflag:s5] =	ssyncadd.s32 $0xFFFFEC00  }
0x162: {  	s21 =	sshra.s32 s3, $0x2;
	_ =	swait.ge [sflag:s5], $0x1400  }
0x163: {  	s1 =	sadd.s32 $0x320, s21;
	[sflag:s5] =	ssyncset.done $0x0  }
0x164: {  	v3 =	vmov s1;
	[sflag:s5] =	ssyncadd.s32 $0xFFFFEC00  }
0x165: {  	_ =	swait.ge [sflag:s5], $0x500  }
0x166: {  	[sflag:s5] =	ssyncset.done $0x0  }
0x167: {  	s15 =	simm.s32 $0x0;
	[sflag:s5] =	ssyncadd.s32 $0xFFFFFB00  }
.LBB2_22:
0x168: {  	s1 =	sshll.u32 s15, $0x4  }
0x169: {  	s25 =	sshll.u32 s15, $0xA;
	v4 =	vmov s1;
	v6 =	vld.idx.msk [tilespmem:v3+s1+$0x0 ss:$0x1], $0xffff  }
0x16a: {  	v8 =	vld [tilespmem:s25+$0x2CB0];
	v4 =	vshll.u32 v4, $0x4  }
0x16b: {  	v9 =	vld [tilespmem:s25+$0x4B0];
	v4 =	vor.u32 v2, v4  }
0x16c: {  	v10 =	vld [tilespmem:s25+$0x2CC0]  }
0x16d: {  	v11 =	vld [tilespmem:s25+$0x4C0]  }
0x16e: {  	v12 =	vld [tilespmem:s25+$0x2CD0]  }
0x16f: {  	v58 =	vld [tilespmem:s25+$0x4D0];
	v5 =	vor.u32 $0x8, v4  }
0x170: {  	v4 =	vld.idx.msk [tilespmem:v4+s28+$0x0], $0xffff  }
0x171: {  	v60 =	vld [tilespmem:s25+$0x2CE0]  }
0x172: {  	v14 =	vld [tilespmem:s25+$0x4E0]  }
0x173: {  	v61 =	vld [tilespmem:s25+$0x2CF0]  }
0x174: {  	v7 =	vld.idx.msk [tilespmem:v5+s28+$0x0], $0xffff  }
0x175: {  	v16 =	vld [tilespmem:s25+$0x4F0];
	v5 =	vmul.f32 v4, v6  }
0x176: {  	v44 =	vld [tilespmem:s25+$0x2D60]  }
0x177: {  	v47 =	vld [tilespmem:s25+$0x560];
	v8 =	vsub.f32 v8, v9;
	v59 =	vbroadcast v5, $0x0  }
0x178: {  	v10 =	vsub.f32 v10, v11  }
0x179: {  	v4 =	vmul.f32 v7, v6;
	v6 =	vsub.f32 v12, v58;
	v15 =	vmul.f32 v8, v59  }
0x17a: {  	v9 =	vsub.f32 v60, v14;
	v62 =	vmul.f32 v10, v59  }
0x17b: {  	v11 =	vsub.f32 v61, v16;
	v25 =	vbroadcast v5, $0x1;
	v22 =	vmul.f32 v6, v59;
	[tilespmem:s25+$0x4B0] =	vst v15  }
0x17c: {  	v12 =	vsub.f32 v44, v47;
	v43 =	vbroadcast v5, $0x2;
	v7 =	vmul.f32 v9, v59;
	[tilespmem:s25+$0x4C0] =	vst v62  }
0x17d: {  	v63 =	vld [tilespmem:s25+$0x2D00];
	v13 =	vbroadcast v4, $0x0;
	v30 =	vmul.f32 v11, v25;
	[tilespmem:s25+$0x4D0] =	vst v22  }
0x17e: {  	v21 =	vld [tilespmem:s25+$0x500];
	v60 =	vmul.f32 v12, v43;
	[tilespmem:s25+$0x4E0] =	vst v7  }
0x17f: {  	v26 =	vld [tilespmem:s25+$0x2D20];
	v8 =	vmul.f32 v8, v13;
	[tilespmem:s25+$0x4F0] =	vst v30  }
0x180: {  	v29 =	vld [tilespmem:s25+$0x520];
	v20 =	vmul.f32 v10, v13;
	[tilespmem:s25+$0x560] =	vst v60  }
0x181: {  	v31 =	vld [tilespmem:s25+$0x2D30];
	v28 =	vbroadcast v4, $0x1;
	v6 =	vmul.f32 v6, v13;
	[tilespmem:s25+$0x2CB0] =	vst v8  }
0x182: {  	v33 =	vld [tilespmem:s25+$0x530];
	v46 =	vbroadcast v4, $0x2;
	v27 =	vmul.f32 v9, v13;
	[tilespmem:s25+$0x2CC0] =	vst v20  }
0x183: {  	v23 =	vld [tilespmem:s25+$0x2D10];
	v10 =	vsub.f32 v63, v21;
	v32 =	vmul.f32 v11, v28;
	[tilespmem:s25+$0x2CD0] =	vst v6  }
0x184: {  	v24 =	vld [tilespmem:s25+$0x510];
	v63 =	vmul.f32 v12, v46;
	[tilespmem:s25+$0x2CE0] =	vst v27  }
0x185: {  	v35 =	vld [tilespmem:s25+$0x2D40];
	v13 =	vsub.f32 v26, v29;
	v34 =	vmul.f32 v10, v25;
	[tilespmem:s25+$0x2CF0] =	vst v32  }
0x186: {  	v37 =	vld [tilespmem:s25+$0x540];
	v36 =	vmul.f32 v10, v28;
	[tilespmem:s25+$0x2D60] =	vst v63  }
0x187: {  	v49 =	vld [tilespmem:s25+$0x2D70];
	v11 =	vsub.f32 v31, v33;
	v42 =	vmul.f32 v13, v25;
	[tilespmem:s25+$0x500] =	vst v34  }
0x188: {  	v51 =	vld [tilespmem:s25+$0x570];
	v45 =	vmul.f32 v13, v28;
	[tilespmem:s25+$0x2D00] =	vst v36  }
0x189: {  	v39 =	vld [tilespmem:s25+$0x2D50];
	v8 =	vsub.f32 v23, v24;
	v48 =	vmul.f32 v11, v43;
	[tilespmem:s25+$0x520] =	vst v42  }
0x18a: {  	v41 =	vld [tilespmem:s25+$0x550];
	v50 =	vmul.f32 v11, v46;
	[tilespmem:s25+$0x2D20] =	vst v45  }
0x18b: {  	v53 =	vld [tilespmem:s25+$0x2D80];
	v10 =	vsub.f32 v35, v37;
	v38 =	vmul.f32 v8, v25;
	[tilespmem:s25+$0x530] =	vst v48  }
0x18c: {  	v55 =	vld [tilespmem:s25+$0x580];
	v40 =	vmul.f32 v8, v28;
	[tilespmem:s25+$0x2D30] =	vst v50  }
0x18d: {  	v57 =	vld [tilespmem:s25+$0x2D90];
	v61 =	vbroadcast v5, $0x3;
	v11 =	vsub.f32 v49, v51;
	v52 =	vmul.f32 v10, v43;
	[tilespmem:s25+$0x510] =	vst v38  }
0x18e: {  	v59 =	vld [tilespmem:s25+$0x590];
	v20 =	vbroadcast v4, $0x3;
	v54 =	vmul.f32 v10, v46;
	[tilespmem:s25+$0x2D10] =	vst v40  }
0x18f: {  	v21 =	vld [tilespmem:s25+$0x5A0];
	v8 =	vsub.f32 v39, v41;
	v22 =	vmul.f32 v11, v61;
	[tilespmem:s25+$0x540] =	vst v52  }
0x190: {  	v62 =	vld [tilespmem:s25+$0x2DA0];
	v24 =	vmul.f32 v11, v20;
	[tilespmem:s25+$0x2D40] =	vst v54  }
0x191: {  	v29 =	vld [tilespmem:s25+$0x5C0];
	v10 =	vsub.f32 v53, v55;
	v56 =	vmul.f32 v8, v43;
	[tilespmem:s25+$0x570] =	vst v22  }
0x192: {  	v27 =	vld [tilespmem:s25+$0x2DC0];
	v58 =	vmul.f32 v8, v46;
	[tilespmem:s25+$0x2D70] =	vst v24  }
0x193: {  	v31 =	vld [tilespmem:s25+$0x2DD0];
	v26 =	vmul.f32 v10, v61;
	v8 =	vsub.f32 v57, v59;
	[tilespmem:s25+$0x550] =	vst v56  }
0x194: {  	v33 =	vld [tilespmem:s25+$0x5D0];
	v28 =	vmul.f32 v10, v20;
	[tilespmem:s25+$0x2D50] =	vst v58  }
0x195: {  	v23 =	vld [tilespmem:s25+$0x2DB0];
	v12 =	vsub.f32 v62, v21;
	[tilespmem:s25+$0x580] =	vst v26;
	v30 =	vmul.f32 v8, v61  }
0x196: {  	v25 =	vld [tilespmem:s25+$0x5B0];
	[tilespmem:s25+$0x2D80] =	vst v28;
	v32 =	vmul.f32 v8, v20  }
0x197: {  	v35 =	vbroadcast v5, $0x4;
	v36 =	vld [tilespmem:s25+$0x2DE0];
	v10 =	vsub.f32 v27, v29;
	v34 =	vmul.f32 v12, v61;
	[tilespmem:s25+$0x590] =	vst v30  }
0x198: {  	v39 =	vld [tilespmem:s25+$0x5E0];
	v38 =	vbroadcast v4, $0x4;
	v37 =	vmul.f32 v12, v20;
	[tilespmem:s25+$0x2D90] =	vst v32  }
0x199: {  	v47 =	vld [tilespmem:s25+$0x600];
	v8 =	vsub.f32 v31, v33;
	v44 =	vmul.f32 v10, v35;
	[tilespmem:s25+$0x5A0] =	vst v34  }
0x19a: {  	v45 =	vld [tilespmem:s25+$0x2E00];
	v46 =	vmul.f32 v10, v38;
	[tilespmem:s25+$0x2DA0] =	vst v37  }
0x19b: {  	v49 =	vld [tilespmem:s25+$0x2E10];
	v11 =	vsub.f32 v23, v25;
	v48 =	vmul.f32 v8, v35;
	[tilespmem:s25+$0x5C0] =	vst v44  }
0x19c: {  	v51 =	vld [tilespmem:s25+$0x610];
	v50 =	vmul.f32 v8, v38;
	[tilespmem:s25+$0x2DC0] =	vst v46  }
0x19d: {  	v41 =	vld [tilespmem:s25+$0x2DF0];
	v12 =	vsub.f32 v36, v39;
	v40 =	vmul.f32 v11, v35;
	[tilespmem:s25+$0x5D0] =	vst v48  }
0x19e: {  	v43 =	vld [tilespmem:s25+$0x5F0];
	v42 =	vmul.f32 v11, v38;
	[tilespmem:s25+$0x2DD0] =	vst v50  }
0x19f: {  	v53 =	vbroadcast v5, $0x5;
	v54 =	vld [tilespmem:s25+$0x2E20];
	v10 =	vsub.f32 v45, v47;
	v52 =	vmul.f32 v12, v35;
	[tilespmem:s25+$0x5B0] =	vst v40  }
0x1a0: {  	v57 =	vld [tilespmem:s25+$0x620];
	v56 =	vbroadcast v4, $0x5;
	v55 =	vmul.f32 v12, v38;
	[tilespmem:s25+$0x2DB0] =	vst v42  }
0x1a1: {  	v18 =	vld [tilespmem:s25+$0x640];
	v8 =	vsub.f32 v49, v51;
	v62 =	vmul.f32 v10, v53;
	[tilespmem:s25+$0x5E0] =	vst v52  }
0x1a2: {  	v63 =	vld [tilespmem:s25+$0x2E40];
	v17 =	vmul.f32 v10, v56;
	[tilespmem:s25+$0x2DE0] =	vst v55  }
0x1a3: {  	v59 =	vld [tilespmem:s25+$0x2E30];
	v11 =	vsub.f32 v41, v43;
	v19 =	vmul.f32 v8, v53;
	[tilespmem:s25+$0x600] =	vst v62  }
0x1a4: {  	v61 =	vld [tilespmem:s25+$0x630];
	v21 =	vmul.f32 v8, v56;
	[tilespmem:s25+$0x2E00] =	vst v17  }
0x1a5: {  	v22 =	vld [tilespmem:s25+$0x650];
	v12 =	vsub.f32 v54, v57;
	v58 =	vmul.f32 v11, v53;
	[tilespmem:s25+$0x610] =	vst v19  }
0x1a6: {  	v20 =	vld [tilespmem:s25+$0x2E50];
	v60 =	vmul.f32 v11, v56;
	[tilespmem:s25+$0x2E10] =	vst v21  }
0x1a7: {  	v24 =	vbroadcast v5, $0x6;
	v28 =	vld [tilespmem:s25+$0x660];
	v10 =	vsub.f32 v63, v18;
	v23 =	vmul.f32 v12, v53;
	[tilespmem:s25+$0x5F0] =	vst v58  }
0x1a8: {  	v27 =	vbroadcast v4, $0x6;
	v25 =	vld [tilespmem:s25+$0x2E60];
	v26 =	vmul.f32 v12, v56;
	[tilespmem:s25+$0x2DF0] =	vst v60  }
0x1a9: {  	v30 =	vld [tilespmem:s25+$0x2E70];
	v11 =	vsub.f32 v59, v61;
	v33 =	vmul.f32 v10, v24;
	[tilespmem:s25+$0x620] =	vst v23  }
0x1aa: {  	v32 =	vld [tilespmem:s25+$0x670];
	v35 =	vmul.f32 v10, v27;
	[tilespmem:s25+$0x2E20] =	vst v26  }
0x1ab: {  	v36 =	vld [tilespmem:s25+$0x680];
	v8 =	vsub.f32 v20, v22;
	v29 =	vmul.f32 v11, v24;
	[tilespmem:s25+$0x640] =	vst v33  }
0x1ac: {  	v34 =	vld [tilespmem:s25+$0x2E80];
	v31 =	vmul.f32 v11, v27;
	[tilespmem:s25+$0x2E40] =	vst v35  }
0x1ad: {  	v43 =	vld [tilespmem:s25+$0x2EA0];
	v12 =	vsub.f32 v25, v28;
	v37 =	vmul.f32 v8, v24;
	[tilespmem:s25+$0x630] =	vst v29  }
0x1ae: {  	v46 =	vld [tilespmem:s25+$0x6A0];
	v39 =	vmul.f32 v8, v27;
	[tilespmem:s25+$0x2E30] =	vst v31  }
0x1af: {  	v48 =	vld [tilespmem:s25+$0x2EB0];
	v42 =	vbroadcast v5, $0x7;
	v11 =	vsub.f32 v30, v32;
	v41 =	vmul.f32 v12, v24;
	[tilespmem:s25+$0x650] =	vst v37  }
0x1b0: {  	v45 =	vbroadcast v4, $0x7;
	v50 =	vld [tilespmem:s25+$0x6B0];
	v44 =	vmul.f32 v12, v27;
	[tilespmem:s25+$0x2E50] =	vst v39  }
0x1b1: {  	v38 =	vld [tilespmem:s25+$0x2E90];
	v10 =	vsub.f32 v34, v36;
	v47 =	vmul.f32 v11, v42;
	[tilespmem:s25+$0x660] =	vst v41  }
0x1b2: {  	v40 =	vld [tilespmem:s25+$0x690];
	v49 =	vmul.f32 v11, v45;
	[tilespmem:s25+$0x2E60] =	vst v44  }
0x1b3: {  	v54 =	vld [tilespmem:s25+$0x6C0];
	v12 =	vsub.f32 v43, v46;
	v51 =	vmul.f32 v10, v42;
	[tilespmem:s25+$0x670] =	vst v47  }
0x1b4: {  	v52 =	vld [tilespmem:s25+$0x2EC0];
	v53 =	vmul.f32 v10, v45;
	[tilespmem:s25+$0x2E70] =	vst v49  }
0x1b5: {  	v61 =	vld [tilespmem:s25+$0x2EE0];
	v60 =	vbroadcast v5, $0x8;
	v11 =	vsub.f32 v48, v50;
	v59 =	vmul.f32 v12, v42;
	[tilespmem:s25+$0x680] =	vst v51  }
0x1b6: {  	v63 =	vbroadcast v4, $0x8;
	v20 =	vld [tilespmem:s25+$0x6E0];
	v62 =	vmul.f32 v12, v45;
	[tilespmem:s25+$0x2E80] =	vst v53  }
0x1b7: {  	v56 =	vld [tilespmem:s25+$0x2ED0];
	v8 =	vsub.f32 v38, v40;
	v21 =	vmul.f32 v11, v60;
	[tilespmem:s25+$0x6A0] =	vst v59  }
0x1b8: {  	v58 =	vld [tilespmem:s25+$0x6D0];
	v23 =	vmul.f32 v11, v63;
	[tilespmem:s25+$0x2EA0] =	vst v62  }
0x1b9: {  	v28 =	vld [tilespmem:s25+$0x700];
	v10 =	vsub.f32 v52, v54;
	v55 =	vmul.f32 v8, v42;
	[tilespmem:s25+$0x6B0] =	vst v21  }
0x1ba: {  	v26 =	vld [tilespmem:s25+$0x2F00];
	v57 =	vmul.f32 v8, v45;
	[tilespmem:s25+$0x2EB0] =	vst v23  }
0x1bb: {  	v22 =	vld [tilespmem:s25+$0x2EF0];
	v12 =	vsub.f32 v61, v20;
	v25 =	vmul.f32 v10, v60;
	[tilespmem:s25+$0x690] =	vst v55  }
0x1bc: {  	v24 =	vld [tilespmem:s25+$0x6F0];
	v27 =	vmul.f32 v10, v63;
	[tilespmem:s25+$0x2E90] =	vst v57  }
0x1bd: {  	v30 =	vld [tilespmem:s25+$0x2F10];
	v8 =	vsub.f32 v56, v58;
	v33 =	vmul.f32 v12, v60;
	[tilespmem:s25+$0x6C0] =	vst v25  }
0x1be: {  	v32 =	vld [tilespmem:s25+$0x710];
	v36 =	vmul.f32 v12, v63;
	[tilespmem:s25+$0x2EC0] =	vst v27  }
0x1bf: {  	v34 =	vbroadcast v5, $0x9;
	v35 =	vld [tilespmem:s25+$0x2F20];
	v10 =	vsub.f32 v26, v28;
	v29 =	vmul.f32 v8, v60;
	[tilespmem:s25+$0x6E0] =	vst v33  }
0x1c0: {  	v37 =	vbroadcast v4, $0x9;
	v38 =	vld [tilespmem:s25+$0x720];
	v31 =	vmul.f32 v8, v63;
	[tilespmem:s25+$0x2EE0] =	vst v36  }
0x1c1: {  	v46 =	vld [tilespmem:s25+$0x740];
	v11 =	vsub.f32 v22, v24;
	v43 =	vmul.f32 v10, v34;
	[tilespmem:s25+$0x6D0] =	vst v29  }
0x1c2: {  	v44 =	vld [tilespmem:s25+$0x2F40];
	v45 =	vmul.f32 v10, v37;
	[tilespmem:s25+$0x2ED0] =	vst v31  }
0x1c3: {  	v48 =	vld [tilespmem:s25+$0x2F50];
	v8 =	vsub.f32 v30, v32;
	v39 =	vmul.f32 v11, v34;
	[tilespmem:s25+$0x700] =	vst v43  }
0x1c4: {  	v50 =	vld [tilespmem:s25+$0x750];
	v41 =	vmul.f32 v11, v37;
	[tilespmem:s25+$0x2F00] =	vst v45  }
0x1c5: {  	v40 =	vld [tilespmem:s25+$0x2F30];
	v12 =	vsub.f32 v35, v38;
	v47 =	vmul.f32 v8, v34;
	[tilespmem:s25+$0x6F0] =	vst v39  }
0x1c6: {  	v42 =	vld [tilespmem:s25+$0x730];
	v49 =	vmul.f32 v8, v37;
	[tilespmem:s25+$0x2EF0] =	vst v41  }
0x1c7: {  	v52 =	vbroadcast v5, $0xA;
	v53 =	vld [tilespmem:s25+$0x2F60];
	v10 =	vsub.f32 v44, v46;
	v51 =	vmul.f32 v12, v34;
	[tilespmem:s25+$0x710] =	vst v47  }
0x1c8: {  	v56 =	vld [tilespmem:s25+$0x760];
	v55 =	vbroadcast v4, $0xA;
	v54 =	vmul.f32 v12, v37;
	[tilespmem:s25+$0x2F10] =	vst v49  }
0x1c9: {  	v20 =	vld [tilespmem:s25+$0x780];
	v8 =	vsub.f32 v48, v50;
	v61 =	vmul.f32 v10, v52;
	[tilespmem:s25+$0x720] =	vst v51  }
0x1ca: {  	v62 =	vld [tilespmem:s25+$0x2F80];
	v63 =	vmul.f32 v10, v55;
	[tilespmem:s25+$0x2F20] =	vst v54  }
0x1cb: {  	v22 =	vld [tilespmem:s25+$0x2F90];
	v11 =	vsub.f32 v40, v42;
	v21 =	vmul.f32 v8, v52;
	[tilespmem:s25+$0x740] =	vst v61  }
0x1cc: {  	v24 =	vld [tilespmem:s25+$0x790];
	v23 =	vmul.f32 v8, v55;
	[tilespmem:s25+$0x2F40] =	vst v63  }
0x1cd: {  	v58 =	vld [tilespmem:s25+$0x2F70];
	v12 =	vsub.f32 v53, v56;
	v57 =	vmul.f32 v11, v52;
	[tilespmem:s25+$0x750] =	vst v21  }
0x1ce: {  	v60 =	vld [tilespmem:s25+$0x770];
	v59 =	vmul.f32 v11, v55;
	[tilespmem:s25+$0x2F50] =	vst v23  }
0x1cf: {  	v26 =	vbroadcast v5, $0xB;
	v27 =	vld [tilespmem:s25+$0x2FA0];
	v10 =	vsub.f32 v62, v20;
	v25 =	vmul.f32 v12, v52;
	[tilespmem:s25+$0x730] =	vst v57  }
0x1d0: {  	v30 =	vld [tilespmem:s25+$0x7A0];
	v29 =	vbroadcast v4, $0xB;
	v28 =	vmul.f32 v12, v55;
	[tilespmem:s25+$0x2F30] =	vst v59  }
0x1d1: {  	v36 =	vld [tilespmem:s25+$0x2FC0];
	v8 =	vsub.f32 v22, v24;
	v35 =	vmul.f32 v10, v26;
	[tilespmem:s25+$0x760] =	vst v25  }
0x1d2: {  	v38 =	vld [tilespmem:s25+$0x7C0];
	v37 =	vmul.f32 v10, v29;
	[tilespmem:s25+$0x2F60] =	vst v28  }
0x1d3: {  	v45 =	vld [tilespmem:s25+$0x2FE0];
	v11 =	vsub.f32 v58, v60;
	v39 =	vmul.f32 v8, v26;
	[tilespmem:s25+$0x780] =	vst v35  }
0x1d4: {  	v48 =	vld [tilespmem:s25+$0x7E0];
	v41 =	vmul.f32 v8, v29;
	[tilespmem:s25+$0x2F80] =	vst v37  }
0x1d5: {  	v32 =	vld [tilespmem:s25+$0x2FB0];
	v12 =	vsub.f32 v27, v30;
	v31 =	vmul.f32 v11, v26;
	[tilespmem:s25+$0x790] =	vst v39  }
0x1d6: {  	v34 =	vld [tilespmem:s25+$0x7B0];
	v33 =	vmul.f32 v11, v29;
	[tilespmem:s25+$0x2F90] =	vst v41  }
0x1d7: {  	v44 =	vbroadcast v5, $0xC;
	v40 =	vld [tilespmem:s25+$0x2FD0];
	v10 =	vsub.f32 v36, v38;
	v43 =	vmul.f32 v12, v26;
	[tilespmem:s25+$0x770] =	vst v31  }
0x1d8: {  	v42 =	vld [tilespmem:s25+$0x7D0];
	v47 =	vbroadcast v4, $0xC;
	v46 =	vmul.f32 v12, v29;
	[tilespmem:s25+$0x2F70] =	vst v33  }
0x1d9: {  	v50 =	vld [tilespmem:s25+$0x2FF0];
	v12 =	vsub.f32 v45, v48;
	v53 =	vmul.f32 v10, v44;
	[tilespmem:s25+$0x7A0] =	vst v43  }
0x1da: {  	v52 =	vld [tilespmem:s25+$0x7F0];
	v55 =	vmul.f32 v10, v47;
	[tilespmem:s25+$0x2FA0] =	vst v46  }
0x1db: {  	v56 =	vld [tilespmem:s25+$0x800];
	v11 =	vsub.f32 v32, v34;
	v61 =	vmul.f32 v12, v44;
	[tilespmem:s25+$0x7C0] =	vst v53  }
0x1dc: {  	v54 =	vld [tilespmem:s25+$0x3000];
	v19 =	vmul.f32 v12, v47;
	[tilespmem:s25+$0x2FC0] =	vst v55  }
0x1dd: {  	v58 =	vld [tilespmem:s25+$0x3010];
	v8 =	vsub.f32 v40, v42;
	v49 =	vmul.f32 v11, v44;
	[tilespmem:s25+$0x7E0] =	vst v61  }
0x1de: {  	v60 =	vld [tilespmem:s25+$0x810];
	v51 =	vmul.f32 v11, v47;
	[tilespmem:s25+$0x2FE0] =	vst v19  }
0x1df: {  	v62 =	vbroadcast v5, $0xD;
	v63 =	vld [tilespmem:s25+$0x3020];
	v57 =	vmul.f32 v8, v44;
	v11 =	vsub.f32 v50, v52;
	[tilespmem:s25+$0x7B0] =	vst v49  }
0x1e0: {  	v20 =	vbroadcast v4, $0xD;
	v21 =	vld [tilespmem:s25+$0x820];
	v59 =	vmul.f32 v8, v47;
	[tilespmem:s25+$0x2FB0] =	vst v51  }
0x1e1: {  	v23 =	vld [tilespmem:s25+$0x3030];
	v10 =	vsub.f32 v54, v56;
	[tilespmem:s25+$0x7D0] =	vst v57;
	v22 =	vmul.f32 v11, v62  }
0x1e2: {  	v25 =	vld [tilespmem:s25+$0x830];
	[tilespmem:s25+$0x2FD0] =	vst v59;
	v24 =	vmul.f32 v11, v20  }
0x1e3: {  	v27 =	vld [tilespmem:s25+$0x3040];
	v8 =	vsub.f32 v58, v60;
	v26 =	vmul.f32 v10, v62;
	[tilespmem:s25+$0x7F0] =	vst v22  }
0x1e4: {  	v29 =	vld [tilespmem:s25+$0x840];
	v28 =	vmul.f32 v10, v20;
	[tilespmem:s25+$0x2FF0] =	vst v24  }
0x1e5: {  	v36 =	vld [tilespmem:s25+$0x3060];
	v12 =	vsub.f32 v63, v21;
	v30 =	vmul.f32 v8, v62;
	[tilespmem:s25+$0x800] =	vst v26  }
0x1e6: {  	v39 =	vld [tilespmem:s25+$0x860];
	v32 =	vmul.f32 v8, v20;
	[tilespmem:s25+$0x3000] =	vst v28  }
0x1e7: {  	v35 =	vbroadcast v5, $0xE;
	v31 =	vld [tilespmem:s25+$0x3050];
	v11 =	vsub.f32 v23, v25;
	v34 =	vmul.f32 v12, v62;
	[tilespmem:s25+$0x810] =	vst v30  }
0x1e8: {  	v38 =	vbroadcast v4, $0xE;
	v33 =	vld [tilespmem:s25+$0x850];
	v37 =	vmul.f32 v12, v20;
	[tilespmem:s25+$0x3010] =	vst v32  }
0x1e9: {  	v41 =	vld [tilespmem:s25+$0x3070];
	v10 =	vsub.f32 v27, v29;
	v40 =	vmul.f32 v11, v35;
	[tilespmem:s25+$0x820] =	vst v34  }
0x1ea: {  	v43 =	vld [tilespmem:s25+$0x870];
	v42 =	vmul.f32 v11, v38;
	[tilespmem:s25+$0x3020] =	vst v37  }
0x1eb: {  	v45 =	vld [tilespmem:s25+$0x3080];
	v12 =	vsub.f32 v36, v39;
	v44 =	vmul.f32 v10, v35;
	[tilespmem:s25+$0x830] =	vst v40  }
0x1ec: {  	v47 =	vld [tilespmem:s25+$0x880];
	v46 =	vmul.f32 v10, v38;
	[tilespmem:s25+$0x3030] =	vst v42  }
0x1ed: {  	v49 =	vld [tilespmem:s25+$0x3090];
	v8 =	vsub.f32 v31, v33;
	v52 =	vmul.f32 v12, v35;
	[tilespmem:s25+$0x840] =	vst v44  }
0x1ee: {  	v51 =	vld [tilespmem:s25+$0x890];
	v54 =	vmul.f32 v12, v38;
	[tilespmem:s25+$0x3040] =	vst v46  }
0x1ef: {  	v5 =	vbroadcast v5, $0xF;
	v53 =	vld [tilespmem:s25+$0x30A0];
	v11 =	vsub.f32 v41, v43;
	v48 =	vmul.f32 v8, v35;
	[tilespmem:s25+$0x860] =	vst v52  }
0x1f0: {  	v4 =	vbroadcast v4, $0xF;
	v55 =	vld [tilespmem:s25+$0x8A0];
	v50 =	vmul.f32 v8, v38;
	[tilespmem:s25+$0x3060] =	vst v54  }
0x1f1: {  	v56 =	vsub.f32 v45, v47;
	v57 =	vmul.f32 v11, v5;
	[tilespmem:s25+$0x850] =	vst v48  }
0x1f2: {  	v58 =	vmul.f32 v11, v4;
	[tilespmem:s25+$0x3050] =	vst v50  }
0x1f3: {  	v8 =	vsub.f32 v49, v51;
	v59 =	vmul.f32 v56, v5;
	[tilespmem:s25+$0x870] =	vst v57  }
0x1f4: {  	v60 =	vmul.f32 v56, v4;
	[tilespmem:s25+$0x3070] =	vst v58  }
0x1f5: {  	p0 =	sne.s32 s15, $0x4;
	v61 =	vsub.f32 v53, v55;
	[tilespmem:s25+$0x880] =	vst v59;
	v62 =	vmul.f32 v8, v5  }
.Ltmp10:
0x1f6: {  	[tilespmem:s25+$0x3080] =	vst v60;
	v63 =	vmul.f32 v8, v4;
	(pc) =	sbr.rel @p0 .LBB2_22-.Ltmp10, $4  }
0x1f7: {  	v5 =	vmul.f32 v61, v5;
	[tilespmem:s25+$0x890] =	vst v62  }
0x1f8: {  	v4 =	vmul.f32 v61, v4;
	[tilespmem:s25+$0x3090] =	vst v63  }
0x1f9: {  	[tilespmem:s25+$0x8A0] =	vst v5  }
0x1fa: {  	s15 =	sadd.s32 $0x1, s15;
	[tilespmem:s25+$0x30A0] =	vst v4  }
0x1fb: {  	s1 =	smulhi.u32 $0x66666667, s11  }
0x1fc: {  	[spmem:s9] =	stream.indirect.scatter.add.f32 [tilespmem:s29], [sflag:$0x3], $0x40, s21, s26, $0xb8;
	[tilespmem:$0x1FB70] =	vst v63  }
0x1fd: {  	s1 =	sshrl.u32 s1, $0x1  }
0x1fe: {  	s3 =	sadd.s32 $0x190, s21;
	s15 =	smul.u32 $0xFFFFFFFB, s1  }
0x1ff: {  	[spmem:s9] =	stream.indirect.scatter.add.f32 [tilespmem:s30], [sflag:$0x3], $0x40, s3, s26, $0xb8;
	[tilespmem:$0x1FB70] =	vst v63  }
0x200: {  	_ =	swait.ge [sflag:s2], $0x1400;
	s3 =	sadd.s32 s11, s15  }
0x201: {  	[sflag:s2] =	ssyncset.done $0x0;
	p0 =	sne.s32 s3, $0x0  }
0x202: {  	[sflag:s2] =	ssyncadd.s32 $0xFFFFEC00;
	s1 =	sadd.s32 @!p0 s10, s1  }
0x203: {  	_ =	swait.ge [sflag:s2], $0x1400;
	s1 =	smul.u32 @!p0 $0x32, s1  }
0x204: {  	[sflag:s2] =	ssyncset.done $0x0;
	s15 =	simm.s32 @!p0 $0x190;
	s21 =	simm.s32 @!p0 $0x4E200  }
0x205: {  	s25 =	simm.s32 @!p0 $0x0;
	[sflag:s2] =	ssyncadd.s32 $0xFFFFEC00;
	s11 =	sadd.s32 @!p0 s12, s1  }
0x206: {  	[tilespmem:s25], [sflag:$0x5] =	stream.strided.gather @!p0 [hbm4b:s11+s15], $0x320, s21, s15, $0x38;
	[tilespmem:$0x1FB70] =	vst v63  }
0x207: {  	s11 =	simm.s32 @!p0 $0x5  }
0x208: {  	_ =	swait.ge @!p0 [sflag:s11], $0x320  }
0x209: {  	[sflag:s11] =	ssyncset.done @!p0 $0x0  }
0x20a: {  	[sflag:s11] =	ssyncadd.s32 @!p0 $0xFFFFFCE0  }
0x20b: {  	s21 =	rddreg [dreg:$0x4]  }
0x20c: {  	s1 =	sadd.s32 @!p0 s21, s1;
	s21 =	simm.s32 @!p0 $0x320  }
0x20d: {  	[tilespmem:s21], [sflag:$0x5] =	stream.linear.gather @!p0 [hbm4b:s1+s25], $0x190, $0x38;
	[tilespmem:$0x1FB70] =	vst v63  }
0x20e: {  	_ =	swait.ge @!p0 [sflag:s11], $0x190  }
0x20f: {  	[sflag:s11] =	ssyncset.done @!p0 $0x0  }
0x210: {  	s1 =	simm.s32 @!p0 $0x50;
	[sflag:s11] =	ssyncadd.s32 @!p0 $0xFFFFFE70;
	s11 =	simm.s32 @!p0 $0x18B0  }
0x211: {  	[tilespmem:s11], [sflag:$0x2] =	stream.indirect.gather @!p0 [spmem:s8], $0x40, s25, s1, $0xb8;
	[tilespmem:$0x1FB70] =	vst v63  }
0x212: {  	s11 =	simm.s32 @!p0 $0x40B0  }
0x213: {  	[tilespmem:s11], [sflag:$0x2] =	stream.indirect.gather @!p0 [spmem:s8], $0x40, s15, s1, $0xb8;
	[tilespmem:$0x1FB70] =	vst v63  }
0x214: {  	s11 =	simm.s32 @!p0 $0x59B0  }
0x215: {  	[tilespmem:s11], [sflag:$0x2] =	stream.indirect.gather @!p0 [spmem:s7], $0x10, s25, s1, $0xb8;
	[tilespmem:$0x1FB70] =	vst v63  }
0x216: {  	p0 =	seq.s32 s4, $0x7C  }
0x217: {  	s1 =	smul.u32 $0x140, s3;
	p1 =	sgt.s32 @!p0 s3, $0x3  }
0x218: {  	p0 =	por p1, p0  }
0x219: {  	s3 =	sshra.s32 @!p0 s1, $0x2  }
0x21a: {  	s15 =	simm.s32 @!p0 $0x50;
	s21 =	simm.s32 @!p0 $0x4B0;
	s11 =	sadd.s32 @!p0 $0x50, s3  }
0x21b: {  	[tilespmem:s21], [sflag:$0x1] =	stream.indirect.gather @!p0 [spmem:s8], $0x40, s11, s15, $0xb8;
	[tilespmem:$0x1FB70] =	vst v63  }
0x21c: {  	s3 =	sadd.s32 @!p0 $0x1E0, s3;
	s21 =	simm.s32 @!p0 $0x2CB0  }
0x21d: {  	[tilespmem:s21], [sflag:$0x1] =	stream.indirect.gather @!p0 [spmem:s8], $0x40, s3, s15, $0xb8;
	[tilespmem:$0x1FB70] =	vst v63  }
0x21e: {  	s25 =	simm.s32 $0x2;
	s3 =	simm.s32 @!p0 $0x54B0  }
0x21f: {  	[tilespmem:s3], [sflag:$0x1] =	stream.indirect.gather @!p0 [spmem:s7], $0x10, s11, s15, $0xb8;
	[tilespmem:$0x1FB70] =	vst v63  }
0x220: {  	_ =	swait.ge [sflag:s25], $0x1400  }
0x221: {  	[sflag:s25] =	ssyncset.done $0x0  }
0x222: {  	[sflag:s25] =	ssyncadd.s32 $0xFFFFEC00  }
0x223: {  	s11 =	sshra.s32 s1, $0x2;
	_ =	swait.ge [sflag:s25], $0x1400  }
0x224: {  	s1 =	sadd.s32 $0x320, s11;
	[sflag:s25] =	ssyncset.done $0x0  }
0x225: {  	v3 =	vmov s1;
	[sflag:s25] =	ssyncadd.s32 $0xFFFFEC00  }
0x226: {  	_ =	swait.ge [sflag:s25], $0x500  }
0x227: {  	[sflag:s25] =	ssyncset.done $0x0  }
0x228: {  	s15 =	simm.s32 $0x0;
	[sflag:s25] =	ssyncadd.s32 $0xFFFFFB00  }
.LBB2_24:
0x229: {  	s1 =	sshll.u32 s15, $0x4  }
0x22a: {  	s21 =	sshll.u32 s15, $0xA;
	v4 =	vmov s1;
	v6 =	vld.idx.msk [tilespmem:v3+s1+$0x0 ss:$0x1], $0xffff  }
0x22b: {  	v8 =	vld [tilespmem:s21+$0x40B0];
	v4 =	vshll.u32 v4, $0x4  }
0x22c: {  	v9 =	vld [tilespmem:s21+$0x18B0];
	v4 =	vor.u32 v2, v4  }
0x22d: {  	v10 =	vld [tilespmem:s21+$0x40C0]  }
0x22e: {  	v11 =	vld [tilespmem:s21+$0x18C0]  }
0x22f: {  	v12 =	vld [tilespmem:s21+$0x40D0]  }
0x230: {  	v58 =	vld [tilespmem:s21+$0x18D0];
	v5 =	vor.u32 $0x8, v4  }
0x231: {  	v4 =	vld.idx.msk [tilespmem:v4+s17+$0x0], $0xffff  }
0x232: {  	v60 =	vld [tilespmem:s21+$0x40E0]  }
0x233: {  	v14 =	vld [tilespmem:s21+$0x18E0]  }
0x234: {  	v61 =	vld [tilespmem:s21+$0x40F0]  }
0x235: {  	v7 =	vld.idx.msk [tilespmem:v5+s17+$0x0], $0xffff  }
0x236: {  	v16 =	vld [tilespmem:s21+$0x18F0];
	v5 =	vmul.f32 v4, v6  }
0x237: {  	v44 =	vld [tilespmem:s21+$0x4160]  }
0x238: {  	v47 =	vld [tilespmem:s21+$0x1960];
	v8 =	vsub.f32 v8, v9;
	v59 =	vbroadcast v5, $0x0  }
0x239: {  	v10 =	vsub.f32 v10, v11  }
0x23a: {  	v4 =	vmul.f32 v7, v6;
	v6 =	vsub.f32 v12, v58;
	v15 =	vmul.f32 v8, v59  }
0x23b: {  	v9 =	vsub.f32 v60, v14;
	v62 =	vmul.f32 v10, v59  }
0x23c: {  	v11 =	vsub.f32 v61, v16;
	v25 =	vbroadcast v5, $0x1;
	v22 =	vmul.f32 v6, v59;
	[tilespmem:s21+$0x18B0] =	vst v15  }
0x23d: {  	v12 =	vsub.f32 v44, v47;
	v43 =	vbroadcast v5, $0x2;
	v7 =	vmul.f32 v9, v59;
	[tilespmem:s21+$0x18C0] =	vst v62  }
0x23e: {  	v63 =	vld [tilespmem:s21+$0x4100];
	v13 =	vbroadcast v4, $0x0;
	v30 =	vmul.f32 v11, v25;
	[tilespmem:s21+$0x18D0] =	vst v22  }
0x23f: {  	v21 =	vld [tilespmem:s21+$0x1900];
	v60 =	vmul.f32 v12, v43;
	[tilespmem:s21+$0x18E0] =	vst v7  }
0x240: {  	v26 =	vld [tilespmem:s21+$0x4120];
	v8 =	vmul.f32 v8, v13;
	[tilespmem:s21+$0x18F0] =	vst v30  }
0x241: {  	v29 =	vld [tilespmem:s21+$0x1920];
	v20 =	vmul.f32 v10, v13;
	[tilespmem:s21+$0x1960] =	vst v60  }
0x242: {  	v31 =	vld [tilespmem:s21+$0x4130];
	v28 =	vbroadcast v4, $0x1;
	v6 =	vmul.f32 v6, v13;
	[tilespmem:s21+$0x40B0] =	vst v8  }
0x243: {  	v33 =	vld [tilespmem:s21+$0x1930];
	v46 =	vbroadcast v4, $0x2;
	v27 =	vmul.f32 v9, v13;
	[tilespmem:s21+$0x40C0] =	vst v20  }
0x244: {  	v23 =	vld [tilespmem:s21+$0x4110];
	v10 =	vsub.f32 v63, v21;
	v32 =	vmul.f32 v11, v28;
	[tilespmem:s21+$0x40D0] =	vst v6  }
0x245: {  	v24 =	vld [tilespmem:s21+$0x1910];
	v63 =	vmul.f32 v12, v46;
	[tilespmem:s21+$0x40E0] =	vst v27  }
0x246: {  	v35 =	vld [tilespmem:s21+$0x4140];
	v13 =	vsub.f32 v26, v29;
	v34 =	vmul.f32 v10, v25;
	[tilespmem:s21+$0x40F0] =	vst v32  }
0x247: {  	v37 =	vld [tilespmem:s21+$0x1940];
	v36 =	vmul.f32 v10, v28;
	[tilespmem:s21+$0x4160] =	vst v63  }
0x248: {  	v49 =	vld [tilespmem:s21+$0x4170];
	v11 =	vsub.f32 v31, v33;
	v42 =	vmul.f32 v13, v25;
	[tilespmem:s21+$0x1900] =	vst v34  }
0x249: {  	v51 =	vld [tilespmem:s21+$0x1970];
	v45 =	vmul.f32 v13, v28;
	[tilespmem:s21+$0x4100] =	vst v36  }
0x24a: {  	v39 =	vld [tilespmem:s21+$0x4150];
	v8 =	vsub.f32 v23, v24;
	v48 =	vmul.f32 v11, v43;
	[tilespmem:s21+$0x1920] =	vst v42  }
0x24b: {  	v41 =	vld [tilespmem:s21+$0x1950];
	v50 =	vmul.f32 v11, v46;
	[tilespmem:s21+$0x4120] =	vst v45  }
0x24c: {  	v53 =	vld [tilespmem:s21+$0x4180];
	v10 =	vsub.f32 v35, v37;
	v38 =	vmul.f32 v8, v25;
	[tilespmem:s21+$0x1930] =	vst v48  }
0x24d: {  	v55 =	vld [tilespmem:s21+$0x1980];
	v40 =	vmul.f32 v8, v28;
	[tilespmem:s21+$0x4130] =	vst v50  }
0x24e: {  	v57 =	vld [tilespmem:s21+$0x4190];
	v61 =	vbroadcast v5, $0x3;
	v11 =	vsub.f32 v49, v51;
	v52 =	vmul.f32 v10, v43;
	[tilespmem:s21+$0x1910] =	vst v38  }
0x24f: {  	v59 =	vld [tilespmem:s21+$0x1990];
	v20 =	vbroadcast v4, $0x3;
	v54 =	vmul.f32 v10, v46;
	[tilespmem:s21+$0x4110] =	vst v40  }
0x250: {  	v21 =	vld [tilespmem:s21+$0x19A0];
	v8 =	vsub.f32 v39, v41;
	v22 =	vmul.f32 v11, v61;
	[tilespmem:s21+$0x1940] =	vst v52  }
0x251: {  	v62 =	vld [tilespmem:s21+$0x41A0];
	v24 =	vmul.f32 v11, v20;
	[tilespmem:s21+$0x4140] =	vst v54  }
0x252: {  	v29 =	vld [tilespmem:s21+$0x19C0];
	v10 =	vsub.f32 v53, v55;
	v56 =	vmul.f32 v8, v43;
	[tilespmem:s21+$0x1970] =	vst v22  }
0x253: {  	v27 =	vld [tilespmem:s21+$0x41C0];
	v58 =	vmul.f32 v8, v46;
	[tilespmem:s21+$0x4170] =	vst v24  }
0x254: {  	v31 =	vld [tilespmem:s21+$0x41D0];
	v26 =	vmul.f32 v10, v61;
	v8 =	vsub.f32 v57, v59;
	[tilespmem:s21+$0x1950] =	vst v56  }
0x255: {  	v33 =	vld [tilespmem:s21+$0x19D0];
	v28 =	vmul.f32 v10, v20;
	[tilespmem:s21+$0x4150] =	vst v58  }
0x256: {  	v23 =	vld [tilespmem:s21+$0x41B0];
	v12 =	vsub.f32 v62, v21;
	[tilespmem:s21+$0x1980] =	vst v26;
	v30 =	vmul.f32 v8, v61  }
0x257: {  	v25 =	vld [tilespmem:s21+$0x19B0];
	[tilespmem:s21+$0x4180] =	vst v28;
	v32 =	vmul.f32 v8, v20  }
0x258: {  	v35 =	vbroadcast v5, $0x4;
	v36 =	vld [tilespmem:s21+$0x41E0];
	v10 =	vsub.f32 v27, v29;
	v34 =	vmul.f32 v12, v61;
	[tilespmem:s21+$0x1990] =	vst v30  }
0x259: {  	v39 =	vld [tilespmem:s21+$0x19E0];
	v38 =	vbroadcast v4, $0x4;
	v37 =	vmul.f32 v12, v20;
	[tilespmem:s21+$0x4190] =	vst v32  }
0x25a: {  	v47 =	vld [tilespmem:s21+$0x1A00];
	v8 =	vsub.f32 v31, v33;
	v44 =	vmul.f32 v10, v35;
	[tilespmem:s21+$0x19A0] =	vst v34  }
0x25b: {  	v45 =	vld [tilespmem:s21+$0x4200];
	v46 =	vmul.f32 v10, v38;
	[tilespmem:s21+$0x41A0] =	vst v37  }
0x25c: {  	v49 =	vld [tilespmem:s21+$0x4210];
	v11 =	vsub.f32 v23, v25;
	v48 =	vmul.f32 v8, v35;
	[tilespmem:s21+$0x19C0] =	vst v44  }
0x25d: {  	v51 =	vld [tilespmem:s21+$0x1A10];
	v50 =	vmul.f32 v8, v38;
	[tilespmem:s21+$0x41C0] =	vst v46  }
0x25e: {  	v41 =	vld [tilespmem:s21+$0x41F0];
	v12 =	vsub.f32 v36, v39;
	v40 =	vmul.f32 v11, v35;
	[tilespmem:s21+$0x19D0] =	vst v48  }
0x25f: {  	v43 =	vld [tilespmem:s21+$0x19F0];
	v42 =	vmul.f32 v11, v38;
	[tilespmem:s21+$0x41D0] =	vst v50  }
0x260: {  	v53 =	vbroadcast v5, $0x5;
	v54 =	vld [tilespmem:s21+$0x4220];
	v10 =	vsub.f32 v45, v47;
	v52 =	vmul.f32 v12, v35;
	[tilespmem:s21+$0x19B0] =	vst v40  }
0x261: {  	v57 =	vld [tilespmem:s21+$0x1A20];
	v56 =	vbroadcast v4, $0x5;
	v55 =	vmul.f32 v12, v38;
	[tilespmem:s21+$0x41B0] =	vst v42  }
0x262: {  	v18 =	vld [tilespmem:s21+$0x1A40];
	v8 =	vsub.f32 v49, v51;
	v62 =	vmul.f32 v10, v53;
	[tilespmem:s21+$0x19E0] =	vst v52  }
0x263: {  	v63 =	vld [tilespmem:s21+$0x4240];
	v17 =	vmul.f32 v10, v56;
	[tilespmem:s21+$0x41E0] =	vst v55  }
0x264: {  	v59 =	vld [tilespmem:s21+$0x4230];
	v11 =	vsub.f32 v41, v43;
	v19 =	vmul.f32 v8, v53;
	[tilespmem:s21+$0x1A00] =	vst v62  }
0x265: {  	v61 =	vld [tilespmem:s21+$0x1A30];
	v21 =	vmul.f32 v8, v56;
	[tilespmem:s21+$0x4200] =	vst v17  }
0x266: {  	v22 =	vld [tilespmem:s21+$0x1A50];
	v12 =	vsub.f32 v54, v57;
	v58 =	vmul.f32 v11, v53;
	[tilespmem:s21+$0x1A10] =	vst v19  }
0x267: {  	v20 =	vld [tilespmem:s21+$0x4250];
	v60 =	vmul.f32 v11, v56;
	[tilespmem:s21+$0x4210] =	vst v21  }
0x268: {  	v24 =	vbroadcast v5, $0x6;
	v28 =	vld [tilespmem:s21+$0x1A60];
	v10 =	vsub.f32 v63, v18;
	v23 =	vmul.f32 v12, v53;
	[tilespmem:s21+$0x19F0] =	vst v58  }
0x269: {  	v27 =	vbroadcast v4, $0x6;
	v25 =	vld [tilespmem:s21+$0x4260];
	v26 =	vmul.f32 v12, v56;
	[tilespmem:s21+$0x41F0] =	vst v60  }
0x26a: {  	v30 =	vld [tilespmem:s21+$0x4270];
	v11 =	vsub.f32 v59, v61;
	v33 =	vmul.f32 v10, v24;
	[tilespmem:s21+$0x1A20] =	vst v23  }
0x26b: {  	v32 =	vld [tilespmem:s21+$0x1A70];
	v35 =	vmul.f32 v10, v27;
	[tilespmem:s21+$0x4220] =	vst v26  }
0x26c: {  	v36 =	vld [tilespmem:s21+$0x1A80];
	v8 =	vsub.f32 v20, v22;
	v29 =	vmul.f32 v11, v24;
	[tilespmem:s21+$0x1A40] =	vst v33  }
0x26d: {  	v34 =	vld [tilespmem:s21+$0x4280];
	v31 =	vmul.f32 v11, v27;
	[tilespmem:s21+$0x4240] =	vst v35  }
0x26e: {  	v43 =	vld [tilespmem:s21+$0x42A0];
	v12 =	vsub.f32 v25, v28;
	v37 =	vmul.f32 v8, v24;
	[tilespmem:s21+$0x1A30] =	vst v29  }
0x26f: {  	v46 =	vld [tilespmem:s21+$0x1AA0];
	v39 =	vmul.f32 v8, v27;
	[tilespmem:s21+$0x4230] =	vst v31  }
0x270: {  	v48 =	vld [tilespmem:s21+$0x42B0];
	v42 =	vbroadcast v5, $0x7;
	v11 =	vsub.f32 v30, v32;
	v41 =	vmul.f32 v12, v24;
	[tilespmem:s21+$0x1A50] =	vst v37  }
0x271: {  	v45 =	vbroadcast v4, $0x7;
	v50 =	vld [tilespmem:s21+$0x1AB0];
	v44 =	vmul.f32 v12, v27;
	[tilespmem:s21+$0x4250] =	vst v39  }
0x272: {  	v38 =	vld [tilespmem:s21+$0x4290];
	v10 =	vsub.f32 v34, v36;
	v47 =	vmul.f32 v11, v42;
	[tilespmem:s21+$0x1A60] =	vst v41  }
0x273: {  	v40 =	vld [tilespmem:s21+$0x1A90];
	v49 =	vmul.f32 v11, v45;
	[tilespmem:s21+$0x4260] =	vst v44  }
0x274: {  	v54 =	vld [tilespmem:s21+$0x1AC0];
	v12 =	vsub.f32 v43, v46;
	v51 =	vmul.f32 v10, v42;
	[tilespmem:s21+$0x1A70] =	vst v47  }
0x275: {  	v52 =	vld [tilespmem:s21+$0x42C0];
	v53 =	vmul.f32 v10, v45;
	[tilespmem:s21+$0x4270] =	vst v49  }
0x276: {  	v61 =	vld [tilespmem:s21+$0x42E0];
	v60 =	vbroadcast v5, $0x8;
	v11 =	vsub.f32 v48, v50;
	v59 =	vmul.f32 v12, v42;
	[tilespmem:s21+$0x1A80] =	vst v51  }
0x277: {  	v63 =	vbroadcast v4, $0x8;
	v20 =	vld [tilespmem:s21+$0x1AE0];
	v62 =	vmul.f32 v12, v45;
	[tilespmem:s21+$0x4280] =	vst v53  }
0x278: {  	v56 =	vld [tilespmem:s21+$0x42D0];
	v8 =	vsub.f32 v38, v40;
	v21 =	vmul.f32 v11, v60;
	[tilespmem:s21+$0x1AA0] =	vst v59  }
0x279: {  	v58 =	vld [tilespmem:s21+$0x1AD0];
	v23 =	vmul.f32 v11, v63;
	[tilespmem:s21+$0x42A0] =	vst v62  }
0x27a: {  	v28 =	vld [tilespmem:s21+$0x1B00];
	v10 =	vsub.f32 v52, v54;
	v55 =	vmul.f32 v8, v42;
	[tilespmem:s21+$0x1AB0] =	vst v21  }
0x27b: {  	v26 =	vld [tilespmem:s21+$0x4300];
	v57 =	vmul.f32 v8, v45;
	[tilespmem:s21+$0x42B0] =	vst v23  }
0x27c: {  	v22 =	vld [tilespmem:s21+$0x42F0];
	v12 =	vsub.f32 v61, v20;
	v25 =	vmul.f32 v10, v60;
	[tilespmem:s21+$0x1A90] =	vst v55  }
0x27d: {  	v24 =	vld [tilespmem:s21+$0x1AF0];
	v27 =	vmul.f32 v10, v63;
	[tilespmem:s21+$0x4290] =	vst v57  }
0x27e: {  	v30 =	vld [tilespmem:s21+$0x4310];
	v8 =	vsub.f32 v56, v58;
	v33 =	vmul.f32 v12, v60;
	[tilespmem:s21+$0x1AC0] =	vst v25  }
0x27f: {  	v32 =	vld [tilespmem:s21+$0x1B10];
	v36 =	vmul.f32 v12, v63;
	[tilespmem:s21+$0x42C0] =	vst v27  }
0x280: {  	v34 =	vbroadcast v5, $0x9;
	v35 =	vld [tilespmem:s21+$0x4320];
	v10 =	vsub.f32 v26, v28;
	v29 =	vmul.f32 v8, v60;
	[tilespmem:s21+$0x1AE0] =	vst v33  }
0x281: {  	v37 =	vbroadcast v4, $0x9;
	v38 =	vld [tilespmem:s21+$0x1B20];
	v31 =	vmul.f32 v8, v63;
	[tilespmem:s21+$0x42E0] =	vst v36  }
0x282: {  	v46 =	vld [tilespmem:s21+$0x1B40];
	v11 =	vsub.f32 v22, v24;
	v43 =	vmul.f32 v10, v34;
	[tilespmem:s21+$0x1AD0] =	vst v29  }
0x283: {  	v44 =	vld [tilespmem:s21+$0x4340];
	v45 =	vmul.f32 v10, v37;
	[tilespmem:s21+$0x42D0] =	vst v31  }
0x284: {  	v48 =	vld [tilespmem:s21+$0x4350];
	v8 =	vsub.f32 v30, v32;
	v39 =	vmul.f32 v11, v34;
	[tilespmem:s21+$0x1B00] =	vst v43  }
0x285: {  	v50 =	vld [tilespmem:s21+$0x1B50];
	v41 =	vmul.f32 v11, v37;
	[tilespmem:s21+$0x4300] =	vst v45  }
0x286: {  	v40 =	vld [tilespmem:s21+$0x4330];
	v12 =	vsub.f32 v35, v38;
	v47 =	vmul.f32 v8, v34;
	[tilespmem:s21+$0x1AF0] =	vst v39  }
0x287: {  	v42 =	vld [tilespmem:s21+$0x1B30];
	v49 =	vmul.f32 v8, v37;
	[tilespmem:s21+$0x42F0] =	vst v41  }
0x288: {  	v52 =	vbroadcast v5, $0xA;
	v53 =	vld [tilespmem:s21+$0x4360];
	v10 =	vsub.f32 v44, v46;
	v51 =	vmul.f32 v12, v34;
	[tilespmem:s21+$0x1B10] =	vst v47  }
0x289: {  	v56 =	vld [tilespmem:s21+$0x1B60];
	v55 =	vbroadcast v4, $0xA;
	v54 =	vmul.f32 v12, v37;
	[tilespmem:s21+$0x4310] =	vst v49  }
0x28a: {  	v20 =	vld [tilespmem:s21+$0x1B80];
	v8 =	vsub.f32 v48, v50;
	v61 =	vmul.f32 v10, v52;
	[tilespmem:s21+$0x1B20] =	vst v51  }
0x28b: {  	v62 =	vld [tilespmem:s21+$0x4380];
	v63 =	vmul.f32 v10, v55;
	[tilespmem:s21+$0x4320] =	vst v54  }
0x28c: {  	v22 =	vld [tilespmem:s21+$0x4390];
	v11 =	vsub.f32 v40, v42;
	v21 =	vmul.f32 v8, v52;
	[tilespmem:s21+$0x1B40] =	vst v61  }
0x28d: {  	v24 =	vld [tilespmem:s21+$0x1B90];
	v23 =	vmul.f32 v8, v55;
	[tilespmem:s21+$0x4340] =	vst v63  }
0x28e: {  	v58 =	vld [tilespmem:s21+$0x4370];
	v12 =	vsub.f32 v53, v56;
	v57 =	vmul.f32 v11, v52;
	[tilespmem:s21+$0x1B50] =	vst v21  }
0x28f: {  	v60 =	vld [tilespmem:s21+$0x1B70];
	v59 =	vmul.f32 v11, v55;
	[tilespmem:s21+$0x4350] =	vst v23  }
0x290: {  	v26 =	vbroadcast v5, $0xB;
	v27 =	vld [tilespmem:s21+$0x43A0];
	v10 =	vsub.f32 v62, v20;
	v25 =	vmul.f32 v12, v52;
	[tilespmem:s21+$0x1B30] =	vst v57  }
0x291: {  	v30 =	vld [tilespmem:s21+$0x1BA0];
	v29 =	vbroadcast v4, $0xB;
	v28 =	vmul.f32 v12, v55;
	[tilespmem:s21+$0x4330] =	vst v59  }
0x292: {  	v36 =	vld [tilespmem:s21+$0x43C0];
	v8 =	vsub.f32 v22, v24;
	v35 =	vmul.f32 v10, v26;
	[tilespmem:s21+$0x1B60] =	vst v25  }
0x293: {  	v38 =	vld [tilespmem:s21+$0x1BC0];
	v37 =	vmul.f32 v10, v29;
	[tilespmem:s21+$0x4360] =	vst v28  }
0x294: {  	v45 =	vld [tilespmem:s21+$0x43E0];
	v11 =	vsub.f32 v58, v60;
	v39 =	vmul.f32 v8, v26;
	[tilespmem:s21+$0x1B80] =	vst v35  }
0x295: {  	v48 =	vld [tilespmem:s21+$0x1BE0];
	v41 =	vmul.f32 v8, v29;
	[tilespmem:s21+$0x4380] =	vst v37  }
0x296: {  	v32 =	vld [tilespmem:s21+$0x43B0];
	v12 =	vsub.f32 v27, v30;
	v31 =	vmul.f32 v11, v26;
	[tilespmem:s21+$0x1B90] =	vst v39  }
0x297: {  	v34 =	vld [tilespmem:s21+$0x1BB0];
	v33 =	vmul.f32 v11, v29;
	[tilespmem:s21+$0x4390] =	vst v41  }
0x298: {  	v44 =	vbroadcast v5, $0xC;
	v40 =	vld [tilespmem:s21+$0x43D0];
	v10 =	vsub.f32 v36, v38;
	v43 =	vmul.f32 v12, v26;
	[tilespmem:s21+$0x1B70] =	vst v31  }
0x299: {  	v42 =	vld [tilespmem:s21+$0x1BD0];
	v47 =	vbroadcast v4, $0xC;
	v46 =	vmul.f32 v12, v29;
	[tilespmem:s21+$0x4370] =	vst v33  }
0x29a: {  	v50 =	vld [tilespmem:s21+$0x43F0];
	v12 =	vsub.f32 v45, v48;
	v53 =	vmul.f32 v10, v44;
	[tilespmem:s21+$0x1BA0] =	vst v43  }
0x29b: {  	v52 =	vld [tilespmem:s21+$0x1BF0];
	v55 =	vmul.f32 v10, v47;
	[tilespmem:s21+$0x43A0] =	vst v46  }
0x29c: {  	v56 =	vld [tilespmem:s21+$0x1C00];
	v11 =	vsub.f32 v32, v34;
	v61 =	vmul.f32 v12, v44;
	[tilespmem:s21+$0x1BC0] =	vst v53  }
0x29d: {  	v54 =	vld [tilespmem:s21+$0x4400];
	v19 =	vmul.f32 v12, v47;
	[tilespmem:s21+$0x43C0] =	vst v55  }
0x29e: {  	v58 =	vld [tilespmem:s21+$0x4410];
	v8 =	vsub.f32 v40, v42;
	v49 =	vmul.f32 v11, v44;
	[tilespmem:s21+$0x1BE0] =	vst v61  }
0x29f: {  	v60 =	vld [tilespmem:s21+$0x1C10];
	v51 =	vmul.f32 v11, v47;
	[tilespmem:s21+$0x43E0] =	vst v19  }
0x2a0: {  	v62 =	vbroadcast v5, $0xD;
	v63 =	vld [tilespmem:s21+$0x4420];
	v57 =	vmul.f32 v8, v44;
	v11 =	vsub.f32 v50, v52;
	[tilespmem:s21+$0x1BB0] =	vst v49  }
0x2a1: {  	v20 =	vbroadcast v4, $0xD;
	v21 =	vld [tilespmem:s21+$0x1C20];
	v59 =	vmul.f32 v8, v47;
	[tilespmem:s21+$0x43B0] =	vst v51  }
0x2a2: {  	v23 =	vld [tilespmem:s21+$0x4430];
	v10 =	vsub.f32 v54, v56;
	[tilespmem:s21+$0x1BD0] =	vst v57;
	v22 =	vmul.f32 v11, v62  }
0x2a3: {  	v25 =	vld [tilespmem:s21+$0x1C30];
	[tilespmem:s21+$0x43D0] =	vst v59;
	v24 =	vmul.f32 v11, v20  }
0x2a4: {  	v27 =	vld [tilespmem:s21+$0x4440];
	v8 =	vsub.f32 v58, v60;
	v26 =	vmul.f32 v10, v62;
	[tilespmem:s21+$0x1BF0] =	vst v22  }
0x2a5: {  	v29 =	vld [tilespmem:s21+$0x1C40];
	v28 =	vmul.f32 v10, v20;
	[tilespmem:s21+$0x43F0] =	vst v24  }
0x2a6: {  	v36 =	vld [tilespmem:s21+$0x4460];
	v12 =	vsub.f32 v63, v21;
	v30 =	vmul.f32 v8, v62;
	[tilespmem:s21+$0x1C00] =	vst v26  }
0x2a7: {  	v39 =	vld [tilespmem:s21+$0x1C60];
	v32 =	vmul.f32 v8, v20;
	[tilespmem:s21+$0x4400] =	vst v28  }
0x2a8: {  	v35 =	vbroadcast v5, $0xE;
	v31 =	vld [tilespmem:s21+$0x4450];
	v11 =	vsub.f32 v23, v25;
	v34 =	vmul.f32 v12, v62;
	[tilespmem:s21+$0x1C10] =	vst v30  }
0x2a9: {  	v38 =	vbroadcast v4, $0xE;
	v33 =	vld [tilespmem:s21+$0x1C50];
	v37 =	vmul.f32 v12, v20;
	[tilespmem:s21+$0x4410] =	vst v32  }
0x2aa: {  	v41 =	vld [tilespmem:s21+$0x4470];
	v10 =	vsub.f32 v27, v29;
	v40 =	vmul.f32 v11, v35;
	[tilespmem:s21+$0x1C20] =	vst v34  }
0x2ab: {  	v43 =	vld [tilespmem:s21+$0x1C70];
	v42 =	vmul.f32 v11, v38;
	[tilespmem:s21+$0x4420] =	vst v37  }
0x2ac: {  	v45 =	vld [tilespmem:s21+$0x4480];
	v12 =	vsub.f32 v36, v39;
	v44 =	vmul.f32 v10, v35;
	[tilespmem:s21+$0x1C30] =	vst v40  }
0x2ad: {  	v47 =	vld [tilespmem:s21+$0x1C80];
	v46 =	vmul.f32 v10, v38;
	[tilespmem:s21+$0x4430] =	vst v42  }
0x2ae: {  	v49 =	vld [tilespmem:s21+$0x4490];
	v8 =	vsub.f32 v31, v33;
	v52 =	vmul.f32 v12, v35;
	[tilespmem:s21+$0x1C40] =	vst v44  }
0x2af: {  	v51 =	vld [tilespmem:s21+$0x1C90];
	v54 =	vmul.f32 v12, v38;
	[tilespmem:s21+$0x4440] =	vst v46  }
0x2b0: {  	v5 =	vbroadcast v5, $0xF;
	v53 =	vld [tilespmem:s21+$0x44A0];
	v11 =	vsub.f32 v41, v43;
	v48 =	vmul.f32 v8, v35;
	[tilespmem:s21+$0x1C60] =	vst v52  }
0x2b1: {  	v4 =	vbroadcast v4, $0xF;
	v55 =	vld [tilespmem:s21+$0x1CA0];
	v50 =	vmul.f32 v8, v38;
	[tilespmem:s21+$0x4460] =	vst v54  }
0x2b2: {  	v56 =	vsub.f32 v45, v47;
	v57 =	vmul.f32 v11, v5;
	[tilespmem:s21+$0x1C50] =	vst v48  }
0x2b3: {  	v58 =	vmul.f32 v11, v4;
	[tilespmem:s21+$0x4450] =	vst v50  }
0x2b4: {  	v8 =	vsub.f32 v49, v51;
	v59 =	vmul.f32 v56, v5;
	[tilespmem:s21+$0x1C70] =	vst v57  }
0x2b5: {  	v60 =	vmul.f32 v56, v4;
	[tilespmem:s21+$0x4470] =	vst v58  }
0x2b6: {  	p0 =	sne.s32 s15, $0x4;
	v61 =	vsub.f32 v53, v55;
	[tilespmem:s21+$0x1C80] =	vst v59;
	v62 =	vmul.f32 v8, v5  }
.Ltmp11:
0x2b7: {  	[tilespmem:s21+$0x4480] =	vst v60;
	v63 =	vmul.f32 v8, v4;
	(pc) =	sbr.rel @p0 .LBB2_24-.Ltmp11, $4  }
0x2b8: {  	v5 =	vmul.f32 v61, v5;
	[tilespmem:s21+$0x1C90] =	vst v62  }
0x2b9: {  	v4 =	vmul.f32 v61, v4;
	[tilespmem:s21+$0x4490] =	vst v63  }
0x2ba: {  	[tilespmem:s21+$0x1CA0] =	vst v5  }
0x2bb: {  	s15 =	sadd.s32 $0x1, s15;
	[tilespmem:s21+$0x44A0] =	vst v4  }
0x2bc: {  	s4 =	sadd.s32 $0x1, s4  }
0x2bd: {  	p0 =	sne.s32 s4, $0x7D  }
.Ltmp12:
0x2be: {  	_ = 	snop;
	(pc) =	sbr.rel @p0 .LBB2_16-.Ltmp12, $4  }
0x2bf: {  	_ = 	snop  }
0x2c0: {  	[spmem:s9] =	stream.indirect.scatter.add.f32 [tilespmem:s31], [sflag:$0x4], $0x40, s11, s26, $0xb8;
	[tilespmem:$0x1FB70] =	vst v63  }
0x2c1: {  	s1 =	sadd.s32 $0x190, s11;
	s25 =	simm.s32 $0x4E200  }
0x2c2: {  	[spmem:s9] =	stream.indirect.scatter.add.f32 [tilespmem:s0], [sflag:$0x4], $0x40, s1, s26, $0xb8;
	[tilespmem:$0x1FB70] =	vst v63  }
0x2c3: {  	s24 =	simm.s32 $0x4  }
0x2c4: {  	_ =	swait.ge [sflag:s24], $0x1400  }
0x2c5: {  	[sflag:s24] =	ssyncset.done $0x0  }
0x2c6: {  	[sflag:s24] =	ssyncadd.s32 $0xFFFFEC00  }
0x2c7: {  	_ =	swait.ge [sflag:s24], $0x1400  }
0x2c8: {  	[sflag:s24] =	ssyncset.done $0x0  }
0x2c9: {  	[sflag:s24] =	ssyncadd.s32 $0xFFFFEC00  }
0x2ca: {  	s4 =	simm.s32 $0x0;
	s25 =	simm.s32 $0x6E50;
	[bflag:$0x0] =	sbarrier.arrive $0xFFFF  }
.LBB2_27:
0x2cb: {  	s1 =	smul.u32 $0x19, s4;
	_ =	sdelay $0x1  }
0x2cc: {  	s1 =	sadd.s32 s13, s1  }
0x2cd: {  	s21 =	rddreg [dreg:$0xf];
	s3 =	sshll.u32 s1, $0x6;
	s1 =	sshll.u32 s1, $0x7  }
0x2ce: {  	s11 =	sadd.s32 s3, s9;
	s1 =	sor.u32 s21, s1  }
0x2cf: {  	[tilespmem:s6], [sflag:$0x1] =	stream.linear.gather [spmem:s11], $0x640, $0x38;
	[tilespmem:$0x1FB70] =	vst v63  }
0x2d0: {  	s30 =	rddreg [dreg:$0x1];
	s3 =	sadd.s32 s3, s8;
	s11 =	sshrl.u32 s1, $0x3  }
0x2d1: {  	[tilespmem:s18], [sflag:$0x2] =	stream.linear.gather [spmem:s3], $0x640, $0x38;
	[tilespmem:$0x1FB70] =	vst v63  }
0x2d2: {  	s31 =	rddreg [dreg:$0x2];
	s1 =	sadd.s32 s30, s11  }
0x2d3: {  	[tilespmem:s25], [sflag:$0x3] =	stream.strided.gather [hbm4b:s1+s14], $0x640, s16, s14, $0x38;
	[tilespmem:$0x1FB70] =	vst v63  }
0x2d4: {  	s1 =	sadd.s32 s31, s11  }
0x2d5: {  	[tilespmem:s29], [sflag:$0x4] =	stream.strided.gather [hbm4b:s1+s14], $0x640, s16, s14, $0x38;
	[tilespmem:$0x1FB70] =	vst v63  }
0x2d6: {  	_ =	swait.ge [sflag:s5], $0x640  }
0x2d7: {  	[sflag:s5] =	ssyncset.done $0x0  }
0x2d8: {  	s0 =	simm.s32 $0x2;
	[sflag:s5] =	ssyncadd.s32 $0xFFFFF9C0  }
0x2d9: {  	_ =	swait.ge [sflag:s0], $0x640  }
0x2da: {  	[sflag:s0] =	ssyncset.done $0x0  }
0x2db: {  	[sflag:s0] =	ssyncadd.s32 $0xFFFFF9C0  }
0x2dc: {  	_ =	swait.ge [sflag:s2], $0x640  }
0x2dd: {  	[sflag:s2] =	ssyncset.done $0x0  }
0x2de: {  	[sflag:s2] =	ssyncadd.s32 $0xFFFFF9C0  }
0x2df: {  	_ =	swait.ge [sflag:s24], $0x640  }
0x2e0: {  	[sflag:s24] =	ssyncset.done $0x0  }
0x2e1: {  	s15 =	simm.s32 $0x0;
	[sflag:s24] =	ssyncadd.s32 $0xFFFFF9C0  }
0x2e2: {  	s21 =	simm.s32 $0x100;
	v3 =	vld [tilespmem:s15+$0x6810]  }
.LBB2_28:
0x2e3: {  	p0 =	sne.s32 s21, $0x1800;
	v4 =	vld [tilespmem:$0x7490];
	_ =	sdelay $0x2  }
0x2e4: {  	v5 =	vld [tilespmem:s15+$0x61D0]  }
0x2e5: {  	v6 =	vld [tilespmem:s15+$0x6E50]  }
0x2e6: {  	v3 =	vmul.f32 v3, v4  }
0x2e7: {  	v4 =	vld [tilespmem:s15+$0x4B0]  }
0x2e8: {  	v3 =	vmul.f32 $1.000000010e-01, v3;
	_ =	sdelay $0x1  }
0x2e9: {  	v3 =	vsub.f32 v5, v3;
	v5 =	vmul.f32 $1.000000010e-01, v6;
	_ =	sdelay $0x1  }
0x2ea: {  	v3 =	vadd.f32 v3, v5;
	v4 =	vmul.f32 $1.000000010e-01, v4;
	_ =	sdelay $0x1  }
0x2eb: {  	v3 =	vadd.f32 v3, v4;
	_ =	sdelay $0x1  }
0x2ec: {  	v3 =	vmax.f32 v3, $0.0e+00  }
0x2ed: {  	[tilespmem:s15+$0x6810] =	vst v3;
	v3 =	vld [tilespmem:s15+$0x6820]  }
0x2ee: {  	v4 =	vld [tilespmem:$0x74A0];
	_ =	sdelay $0x2  }
0x2ef: {  	v5 =	vld [tilespmem:s15+$0x61E0]  }
0x2f0: {  	v6 =	vld [tilespmem:s15+$0x6E60]  }
0x2f1: {  	v3 =	vmul.f32 v3, v4  }
0x2f2: {  	v4 =	vld [tilespmem:s15+$0x4C0]  }
0x2f3: {  	v3 =	vmul.f32 $1.000000010e-01, v3;
	_ =	sdelay $0x1  }
0x2f4: {  	v3 =	vsub.f32 v5, v3;
	v5 =	vmul.f32 $1.000000010e-01, v6;
	_ =	sdelay $0x1  }
0x2f5: {  	v3 =	vadd.f32 v3, v5;
	v4 =	vmul.f32 $1.000000010e-01, v4;
	_ =	sdelay $0x1  }
0x2f6: {  	v3 =	vadd.f32 v3, v4;
	_ =	sdelay $0x1  }
0x2f7: {  	v3 =	vmax.f32 v3, $0.0e+00  }
0x2f8: {  	[tilespmem:s15+$0x6820] =	vst v3;
	v3 =	vld [tilespmem:s15+$0x6830]  }
0x2f9: {  	v4 =	vld [tilespmem:$0x74B0];
	_ =	sdelay $0x2  }
0x2fa: {  	v5 =	vld [tilespmem:s15+$0x61F0]  }
0x2fb: {  	v6 =	vld [tilespmem:s15+$0x6E70]  }
0x2fc: {  	v3 =	vmul.f32 v3, v4  }
0x2fd: {  	v4 =	vld [tilespmem:s15+$0x4D0]  }
0x2fe: {  	v3 =	vmul.f32 $1.000000010e-01, v3;
	_ =	sdelay $0x1  }
0x2ff: {  	v3 =	vsub.f32 v5, v3;
	v5 =	vmul.f32 $1.000000010e-01, v6;
	_ =	sdelay $0x1  }
0x300: {  	v3 =	vadd.f32 v3, v5;
	v4 =	vmul.f32 $1.000000010e-01, v4;
	_ =	sdelay $0x1  }
0x301: {  	v3 =	vadd.f32 v3, v4;
	_ =	sdelay $0x1  }
0x302: {  	v3 =	vmax.f32 v3, $0.0e+00  }
0x303: {  	[tilespmem:s15+$0x6830] =	vst v3;
	v3 =	vld [tilespmem:s15+$0x6840]  }
0x304: {  	v4 =	vld [tilespmem:$0x74C0];
	_ =	sdelay $0x2  }
0x305: {  	v5 =	vld [tilespmem:s15+$0x6200]  }
0x306: {  	v6 =	vld [tilespmem:s15+$0x6E80]  }
0x307: {  	v3 =	vmul.f32 v3, v4  }
0x308: {  	v4 =	vld [tilespmem:s15+$0x4E0]  }
0x309: {  	v3 =	vmul.f32 $1.000000010e-01, v3;
	_ =	sdelay $0x1  }
0x30a: {  	v3 =	vsub.f32 v5, v3;
	v5 =	vmul.f32 $1.000000010e-01, v6;
	_ =	sdelay $0x1  }
0x30b: {  	v3 =	vadd.f32 v3, v5;
	v4 =	vmul.f32 $1.000000010e-01, v4  }
.Ltmp13:
0x30c: {  	(pc) =	sbr.rel @p0 .LBB2_28-.Ltmp13, $3  }
0x30d: {  	v3 =	vadd.f32 v3, v4;
	_ =	sdelay $0x1  }
0x30e: {  	s1 =	sshra.s32 s21, $0x2;
	v4 =	vmax.f32 v3, $0.0e+00  }
0x30f: {  	s21 =	sadd.s32 $0x100, s21;
	v3 =	vld [tilespmem:s1+$0x6810];
	[tilespmem:s15+$0x6840] =	vst v4;
	s15 =	smov.u32 s1  }
0x310: {  	v4 =	vld [tilespmem:$0x7490];
	_ =	sdelay $0x2  }
0x311: {  	v5 =	vld [tilespmem:s15+$0x61D0]  }
0x312: {  	v6 =	vld [tilespmem:s15+$0x6E50]  }
0x313: {  	v3 =	vmul.f32 v3, v4  }
0x314: {  	v47 =	vld [tilespmem:s15+$0x4B0]  }
0x315: {  	v3 =	vmul.f32 $1.000000010e-01, v3;
	_ =	sdelay $0x1  }
0x316: {  	v48 =	vmul.f32 $1.000000010e-01, v6;
	v3 =	vsub.f32 v5, v3;
	_ =	sdelay $0x1  }
0x317: {  	v4 =	vmul.f32 $1.000000010e-01, v47;
	v3 =	vadd.f32 v3, v48;
	_ =	sdelay $0x1  }
0x318: {  	v3 =	vadd.f32 v3, v4;
	_ =	sdelay $0x1  }
0x319: {  	v3 =	vmax.f32 v3, $0.0e+00  }
0x31a: {  	[tilespmem:s15+$0x6810] =	vst v3;
	v3 =	vld [tilespmem:s15+$0x6820]  }
0x31b: {  	v49 =	vld [tilespmem:$0x74A0];
	_ =	sdelay $0x2  }
0x31c: {  	v50 =	vld [tilespmem:s15+$0x61E0]  }
0x31d: {  	v51 =	vld [tilespmem:s15+$0x6E60]  }
0x31e: {  	v3 =	vmul.f32 v3, v49  }
0x31f: {  	v52 =	vld [tilespmem:s15+$0x4C0]  }
0x320: {  	v3 =	vmul.f32 $1.000000010e-01, v3;
	_ =	sdelay $0x1  }
0x321: {  	v53 =	vmul.f32 $1.000000010e-01, v51;
	v3 =	vsub.f32 v50, v3;
	_ =	sdelay $0x1  }
0x322: {  	v4 =	vmul.f32 $1.000000010e-01, v52;
	v3 =	vadd.f32 v3, v53;
	_ =	sdelay $0x1  }
0x323: {  	v3 =	vadd.f32 v3, v4;
	_ =	sdelay $0x1  }
0x324: {  	v3 =	vmax.f32 v3, $0.0e+00  }
0x325: {  	[tilespmem:s15+$0x6820] =	vst v3;
	v3 =	vld [tilespmem:s15+$0x6830]  }
0x326: {  	v54 =	vld [tilespmem:$0x74B0];
	_ =	sdelay $0x2  }
0x327: {  	v55 =	vld [tilespmem:s15+$0x61F0]  }
0x328: {  	v56 =	vld [tilespmem:s15+$0x6E70]  }
0x329: {  	v3 =	vmul.f32 v3, v54  }
0x32a: {  	v57 =	vld [tilespmem:s15+$0x4D0]  }
0x32b: {  	v3 =	vmul.f32 $1.000000010e-01, v3;
	_ =	sdelay $0x1  }
0x32c: {  	v58 =	vmul.f32 $1.000000010e-01, v56;
	v3 =	vsub.f32 v55, v3;
	_ =	sdelay $0x1  }
0x32d: {  	v4 =	vmul.f32 $1.000000010e-01, v57;
	v3 =	vadd.f32 v3, v58;
	_ =	sdelay $0x1  }
0x32e: {  	v3 =	vadd.f32 v3, v4;
	_ =	sdelay $0x1  }
0x32f: {  	v3 =	vmax.f32 v3, $0.0e+00  }
0x330: {  	[tilespmem:s15+$0x6830] =	vst v3;
	v3 =	vld [tilespmem:s15+$0x6840]  }
0x331: {  	v59 =	vld [tilespmem:$0x74C0];
	_ =	sdelay $0x2  }
0x332: {  	v60 =	vld [tilespmem:s15+$0x6200]  }
0x333: {  	v61 =	vld [tilespmem:s15+$0x6E80]  }
0x334: {  	v3 =	vmul.f32 v3, v59  }
0x335: {  	v62 =	vld [tilespmem:s15+$0x4E0]  }
0x336: {  	v3 =	vmul.f32 $1.000000010e-01, v3;
	_ =	sdelay $0x1  }
0x337: {  	v63 =	vmul.f32 $1.000000010e-01, v61;
	v3 =	vsub.f32 v60, v3;
	_ =	sdelay $0x1  }
0x338: {  	v4 =	vmul.f32 $1.000000010e-01, v62;
	v3 =	vadd.f32 v3, v63;
	_ =	sdelay $0x1  }
0x339: {  	v3 =	vadd.f32 v3, v4  }
0x33a: {  	s4 =	sadd.s32 $0x1, s4  }
0x33b: {  	s1 =	rddreg [dreg:$0x6];
	p0 =	sne.s32 s4, $0x19;
	v3 =	vmax.f32 v3, $0.0e+00  }
.Ltmp14:
0x33c: {  	s1 =	sadd.s32 s1, s11;
	[tilespmem:s15+$0x6840] =	vst v3;
	(pc) =	sbr.rel @p0 .LBB2_27-.Ltmp14, $4  }
0x33d: {  	[hbm4b:s1+s14] =	stream.strided.scatter [tilespmem:s6], [sflag:$0x5], $0x640, s16, s14, $0x38;
	[tilespmem:$0x1FB70] =	vst v63  }
0x33e: {  	_ =	swait.ge [sflag:s22], $0x640  }
0x33f: {  	[sflag:s22] =	ssyncset.done $0x0  }
0x340: {  	[sflag:s22] =	ssyncadd.s32 $0xFFFFF9C0  }
0x341: {  	s0 =	rddreg [dreg:$0x10]  }
0x342: {  	s1 =	rddreg [dreg:$0xe];
	s0 =	sadd.s32 $0x1, s0  }
0x343: {  	p0 =	sne.s32 s0, s1  }
.Ltmp15:
0x344: {  	_ = 	snop;
	(pc) =	sbr.rel @p0 .LBB2_1-.Ltmp15, $1  }
0x345: {  	_ =	sdelay $0x3  }
0x346: {  	_ =	sfence.sel $0x180000  }
0x347: {  	[bflag:$0x0] =	sbarrier.arrive $0xFFFF  }
0x348: {  	_ =	strace $0x90000047  }
0x349: {  	s0 =	stileid.u32;
	[bflag:$0x2] =	sbarrier.arrive $0xFFFF  }
0x34a: {  	p0 =	sne.s32 s0, $0x0;
	s0 =	rddreg [dreg:$0xb]  }
0x34b: {  	s0 =	sadd.s32 @!p0 $0x100000, s0  }
0x34c: {  	[sflag:s0] =	ssyncadd.tile.s32 @!p0 $0x1;
	_ =	shalt  }
.Lfunc_end2:
_tile_overlayer_lowered:
.L_overlay_start_2:
0x34d: {  	(tag) =	ssettag $0x2  }
0x34e: {  	s0 =	rddreg [dreg:$0x0];
	s2 =	stileid.u32  }
0x34f: {  	s1 =	rddreg [dreg:$0x1];
	p0 =	sne.s32 s2, $0x0  }
0x350: {  	s3 =	rddreg [dreg:$0x2];
	[bflag:$0x3] =	sbarrier.arrive $0xFFFF;
	s2 =	simm.s32 @!p0 $0x1C05  }
0x351: {  	[timem:s3], [sflag:s2] =	dma.local @!p0 [hbm:s0], s1  }
0x352: {  	s0 =	simm.s32 @!p0 $0x5  }
0x353: {  	_ =	swait.ge @!p0 [sflag:s0], s1  }
0x354: {  	s1 =	ssub.s32 @!p0 $0x0, s1;
	[sflag:s0] =	ssyncset.done @!p0 $0x0  }
0x355: {  	[sflag:s0] =	ssyncadd.s32 @!p0 s1  }
0x356: {  	[bflag:$0x3] =	sbarrier.arrive $0xFFFF  }
0x357: {  	_ =	shalt  }

</sc_bundles>
